<compile_context>
chip_gen: v7x
topology: tpu7x:2x2x1
jax: 0.10.2.dev20260603
libtpu: 0.0.44.dev20260713+nightly
codegen_flags: <defaults>
</compile_context>

<pallas_src>
import jax
import jax.numpy as jnp
from jax import lax
from jax.experimental import pallas as pl
from jax.experimental.pallas import tpu as pltpu
from jax.experimental.pallas import tpu_sc as plsc

B = 16384
D = 128
L = 16
NC = 2
NS = 16
NW = NC * NS
BPW = B // NW
CHUNK_ROWS = 128
CHUNK_B = CHUNK_ROWS // 2
NCHUNK = BPW // CHUNK_B
GROUPS = CHUNK_B // L


NBUF = 4


def _body(idx_hbm, table_hbm, w_hbm, b_hbm, out_hbm,
          idx_v, rows_a, rows_b, rows_c, rows_d, w_v, b_v, out_v,
          sem0, sem1, sem2, sem3, sem_out):
    wid = lax.axis_index("s") * NC + lax.axis_index("c")
    base = wid * BPW

    d_idx = pltpu.async_copy(
        idx_hbm.at[pl.ds(wid * NCHUNK, NCHUNK)], idx_v, sem0)
    d_w = pltpu.async_copy(w_hbm, w_v, sem1)
    d_b = pltpu.async_copy(b_hbm, b_v, sem2)
    d_idx.wait()
    d_w.wait()
    d_b.wait()

    bufs = (rows_a, rows_b, rows_c, rows_d)
    sems = (sem0, sem1, sem2, sem3)

    def start(c):
        return pltpu.async_copy(
            table_hbm.at[idx_v.at[c]], bufs[c % NBUF], sems[c % NBUF])

    iota = lax.iota(jnp.int32, L)
    lane0 = iota == 0
    bvec = b_v[...]
    zero = jnp.zeros((L,), jnp.float32)

    w_regs = [w_v[pl.ds(k * L, L)] for k in range(2 * D // L)]
    KPR = D // L

    descs = [None] * NBUF
    out_descs = []
    for c in range(NBUF - 1):
        descs[c] = start(c)
    for c in range(NCHUNK):
        nxt = c + NBUF - 1
        if nxt < NCHUNK:
            descs[nxt % NBUF] = start(nxt)
        descs[c % NBUF].wait()
        buf = bufs[c % NBUF]

        def jbody(j, buf=buf, c=c):
            r0 = j * 2
            r1 = r0 + 1
            accs = [bvec, zero, zero, zero]
            for k in range(KPR):
                accs[k % 4] = accs[k % 4] + buf[r0, pl.ds(k * L, L)] * w_regs[k]
            for k in range(KPR):
                accs[k % 4] = (accs[k % 4]
                               + buf[r1, pl.ds(k * L, L)] * w_regs[KPR + k])
            s = jnp.sum((accs[0] + accs[1]) + (accs[2] + accs[3]))
            sv = jnp.full((L,), s, jnp.float32)
            res = 1.0 / (1.0 + jnp.exp(-sv))
            pos = jnp.full((L,), j + c * CHUNK_B, jnp.int32)
            plsc.store_scatter(out_v, [pos], res, mask=lane0)

        plsc.parallel_loop(0, CHUNK_B, 1, unroll=4)(jbody)

        out_descs.append(pltpu.async_copy(
            out_v.at[pl.ds(c * CHUNK_B, CHUNK_B)],
            out_hbm.at[pl.ds(base + c * CHUNK_B, CHUNK_B)], sem_out))

    for d in out_descs:
        d.wait()


_sc_call = pl.kernel(
    _body,
    out_type=jax.ShapeDtypeStruct((B,), jnp.float32),
    mesh=plsc.VectorSubcoreMesh(core_axis_name="c", subcore_axis_name="s"),
    scratch_types=[
        pltpu.VMEM((NCHUNK, CHUNK_ROWS), jnp.int32),
        pltpu.VMEM((CHUNK_ROWS, D), jnp.float32),
        pltpu.VMEM((CHUNK_ROWS, D), jnp.float32),
        pltpu.VMEM((CHUNK_ROWS, D), jnp.float32),
        pltpu.VMEM((CHUNK_ROWS, D), jnp.float32),
        pltpu.VMEM((2 * D,), jnp.float32),
        pltpu.VMEM((L,), jnp.float32),
        pltpu.VMEM((BPW,), jnp.float32),
        pltpu.SemaphoreType.DMA,
        pltpu.SemaphoreType.DMA,
        pltpu.SemaphoreType.DMA,
        pltpu.SemaphoreType.DMA,
        pltpu.SemaphoreType.DMA,
    ],
    compiler_params=pltpu.CompilerParams(needs_layout_passes=False),
)


@jax.jit
def kernel(x, emb_table, W, b):
    idx = x.astype(jnp.int32).reshape(NW * NCHUNK, CHUNK_ROWS)
    w = W.reshape(2 * D).astype(jnp.float32)
    b16 = jnp.zeros((L,), jnp.float32).at[0].set(b.reshape(())[()])
    out = _sc_call(idx, emb_table, w, b16)
    return out.reshape(B, 1)

# --- scband reference (transcript-rebuilt; emitter-appended) ---
"""Pipeline reference for scband-net-59270548685129 (READ-ONLY COPY).

The authoritative reference and input builder live on the scoring server;
editing this copy changes nothing except your own understanding.
"""

import jax, jax.numpy as jnp
import numpy as np

N_DICT = 1000000
EMB = 128
BATCH = 16384

def setup_inputs(seed: int = 0) -> dict:
    key = jax.random.key(seed)
    k1, k2, k3 = jax.random.split(key, 3)
    x = jax.random.randint(k1, (BATCH, 2), 0, N_DICT, dtype=jnp.int64)
    emb_table = jax.random.normal(k2, (N_DICT, EMB), dtype=jnp.float32) * 0.02
    W = jax.random.normal(k3, (1, 2 * EMB), dtype=jnp.float32) * (1.0 / np.sqrt(2 * EMB))
    b = jnp.zeros((1,), dtype=jnp.float32)
    return {"x": x, "emb_table": emb_table, "W": W, "b": b}

def reference(x, emb_table, W, b):
    # emb = self.embedding(x) -> gather rows from table
    emb = jnp.take(emb_table, x, axis=0)          # [B, 2, EMB]
    emb = emb.reshape(-1, 2 * EMB)                # [B, 2*EMB]
    out = emb @ W.T + b                           # [B, 1]
    out = jax.nn.sigmoid(out)
    return out

if __name__ == "__main__":
    import jax
    _d = setup_inputs()
    print(jax.jit(kernel)(*tuple(_d.values())))

</pallas_src>

<mosaic_0001>
#map = affine_map<(d0, d1) -> (0, 0)>
#map1 = affine_map<(d0, d1) -> (0)>
module attributes {stable_mosaic.version = 14 : i64} {
  func.func @_body(%arg0: i32, %arg1: i32, %arg2: memref<256x128xi32, #tpu.memory_space<hbm>>, %arg3: memref<1000000x128xf32, #tpu.memory_space<hbm>>, %arg4: memref<256xf32, #tpu.memory_space<hbm>>, %arg5: memref<16xf32, #tpu.memory_space<hbm>>, %arg6: memref<16384xf32, #tpu.memory_space<hbm>>, %arg7: memref<8x128xi32, #tpu.memory_space<vmem>>, %arg8: memref<128x128xf32, #tpu.memory_space<vmem>>, %arg9: memref<128x128xf32, #tpu.memory_space<vmem>>, %arg10: memref<128x128xf32, #tpu.memory_space<vmem>>, %arg11: memref<128x128xf32, #tpu.memory_space<vmem>>, %arg12: memref<256xf32, #tpu.memory_space<vmem>>, %arg13: memref<16xf32, #tpu.memory_space<vmem>>, %arg14: memref<512xf32, #tpu.memory_space<vmem>>, %arg15: memref<!tpu.dma_semaphore, #tpu.memory_space<semaphore_mem>>, %arg16: memref<!tpu.dma_semaphore, #tpu.memory_space<semaphore_mem>>, %arg17: memref<!tpu.dma_semaphore, #tpu.memory_space<semaphore_mem>>, %arg18: memref<!tpu.dma_semaphore, #tpu.memory_space<semaphore_mem>>, %arg19: memref<!tpu.dma_semaphore, #tpu.memory_space<semaphore_mem>>) attributes {dimension_semantics = [#tpu.dimension_semantics<core_parallel>, #tpu.dimension_semantics<subcore_parallel>], iteration_bounds = array<i64: 2, 16>, scalar_prefetch = 0 : i64, scratch_operands = 13 : i64, tpu.core_type = #tpu.core_type<sc_vector_subcore>, window_params = [{transform_indices = #map}, {transform_indices = #map}, {transform_indices = #map1}, {transform_indices = #map1}, {transform_indices = #map1}]} {
    %mul3A = arith.constant 2 : i32
    %mul3A_0 = arith.muli %arg1, %mul3A : i32
    %add3A = arith.addi %mul3A_0, %arg0 : i32
    %mul3A_1 = arith.constant 512 : i32
    %mul3A_2 = arith.muli %add3A, %mul3A_1 : i32
    %mul3A_3 = arith.constant 8 : i32
    %mul3A_4 = arith.muli %add3A, %mul3A_3 : i32
    %dma_start3A = arith.constant 0 : i32
    %dma_start3A_5 = tpu.memref_slice %arg2[%mul3A_4, %dma_start3A] : memref<256x128xi32, #tpu.memory_space<hbm>> -> memref<8x128xi32, #tpu.memory_space<hbm>>
    %dma_start3A_6 = arith.constant 0 : i32
    %dma_start3A_7 = tpu.memref_slice %arg2[%mul3A_4, %dma_start3A_6] : memref<256x128xi32, #tpu.memory_space<hbm>> -> memref<8x128xi32, #tpu.memory_space<hbm>>
    tpu.enqueue_dma source(%dma_start3A_7 : memref<8x128xi32, #tpu.memory_space<hbm>>) target(%arg7 : memref<8x128xi32, #tpu.memory_space<vmem>>) target_semaphore(%arg15 : memref<!tpu.dma_semaphore, #tpu.memory_space<semaphore_mem>>)
    tpu.enqueue_dma source(%arg4 : memref<256xf32, #tpu.memory_space<hbm>>) target(%arg12 : memref<256xf32, #tpu.memory_space<vmem>>) target_semaphore(%arg16 : memref<!tpu.dma_semaphore, #tpu.memory_space<semaphore_mem>>)
    tpu.enqueue_dma source(%arg5 : memref<16xf32, #tpu.memory_space<hbm>>) target(%arg13 : memref<16xf32, #tpu.memory_space<vmem>>) target_semaphore(%arg17 : memref<!tpu.dma_semaphore, #tpu.memory_space<semaphore_mem>>)
    %dma_wait3A = arith.constant 0 : i32
    %dma_wait3A_8 = tpu.memref_slice %arg2[%mul3A_4, %dma_wait3A] : memref<256x128xi32, #tpu.memory_space<hbm>> -> memref<8x128xi32, #tpu.memory_space<hbm>>
    %dma_wait3A_9 = arith.constant 0 : i32
    %dma_wait3A_10 = tpu.memref_slice %arg2[%mul3A_4, %dma_wait3A_9] : memref<256x128xi32, #tpu.memory_space<hbm>> -> memref<8x128xi32, #tpu.memory_space<hbm>>
    tpu.wait_dma2 semaphore(%arg15 : memref<!tpu.dma_semaphore, #tpu.memory_space<semaphore_mem>>) src(%dma_wait3A_10 : memref<8x128xi32, #tpu.memory_space<hbm>>) dst(%arg7 : memref<8x128xi32, #tpu.memory_space<vmem>>)
    tpu.wait_dma2 semaphore(%arg16 : memref<!tpu.dma_semaphore, #tpu.memory_space<semaphore_mem>>) src(%arg4 : memref<256xf32, #tpu.memory_space<hbm>>) dst(%arg12 : memref<256xf32, #tpu.memory_space<vmem>>)
    tpu.wait_dma2 semaphore(%arg17 : memref<!tpu.dma_semaphore, #tpu.memory_space<semaphore_mem>>) src(%arg5 : memref<16xf32, #tpu.memory_space<hbm>>) dst(%arg13 : memref<16xf32, #tpu.memory_space<vmem>>)
    %iota3A = tpu.iota {dimensions = array<i32: 0>} : vector<16xi32>
    %eq3A = arith.constant 0 : i32
    %eq3A_11 = vector.broadcast %eq3A : i32 to vector<16xi32>
    %eq3A_12 = arith.cmpi eq, %iota3A, %eq3A_11 : vector<16xi32>
    %get3A = arith.constant 0 : index
    %get3A_13 = tpu.vector_load %arg13[%get3A] {strides = array<i32>} : memref<16xf32, #tpu.memory_space<vmem>>, vector<16xf32>,
    %broadcast_in_dim3A = arith.constant 0.000000e+00 : f32
    %broadcast_in_dim3A_14 = vector.broadcast %broadcast_in_dim3A : f32 to vector<16xf32>
    %get3A_15 = arith.constant 0 : index
    %get3A_16 = tpu.vector_load %arg12[%get3A_15] {strides = array<i32>} : memref<256xf32, #tpu.memory_space<vmem>>, vector<16xf32>,
    %get3A_17 = arith.constant 16 : index
    %get3A_18 = tpu.vector_load %arg12[%get3A_17] {strides = array<i32>} : memref<256xf32, #tpu.memory_space<vmem>>, vector<16xf32>,
    %get3A_19 = arith.constant 32 : index
    %get3A_20 = tpu.vector_load %arg12[%get3A_19] {strides = array<i32>} : memref<256xf32, #tpu.memory_space<vmem>>, vector<16xf32>,
    %get3A_21 = arith.constant 48 : index
    %get3A_22 = tpu.vector_load %arg12[%get3A_21] {strides = array<i32>} : memref<256xf32, #tpu.memory_space<vmem>>, vector<16xf32>,
    %get3A_23 = arith.constant 64 : index
    %get3A_24 = tpu.vector_load %arg12[%get3A_23] {strides = array<i32>} : memref<256xf32, #tpu.memory_space<vmem>>, vector<16xf32>,
    %get3A_25 = arith.constant 80 : index
    %get3A_26 = tpu.vector_load %arg12[%get3A_25] {strides = array<i32>} : memref<256xf32, #tpu.memory_space<vmem>>, vector<16xf32>,
    %get3A_27 = arith.constant 96 : index
    %get3A_28 = tpu.vector_load %arg12[%get3A_27] {strides = array<i32>} : memref<256xf32, #tpu.memory_space<vmem>>, vector<16xf32>,
    %get3A_29 = arith.constant 112 : index
    %get3A_30 = tpu.vector_load %arg12[%get3A_29] {strides = array<i32>} : memref<256xf32, #tpu.memory_space<vmem>>, vector<16xf32>,
    %get3A_31 = arith.constant 128 : index
    %get3A_32 = tpu.vector_load %arg12[%get3A_31] {strides = array<i32>} : memref<256xf32, #tpu.memory_space<vmem>>, vector<16xf32>,
    %get3A_33 = arith.constant 144 : index
    %get3A_34 = tpu.vector_load %arg12[%get3A_33] {strides = array<i32>} : memref<256xf32, #tpu.memory_space<vmem>>, vector<16xf32>,
    %get3A_35 = arith.constant 160 : index
    %get3A_36 = tpu.vector_load %arg12[%get3A_35] {strides = array<i32>} : memref<256xf32, #tpu.memory_space<vmem>>, vector<16xf32>,
    %get3A_37 = arith.constant 176 : index
    %get3A_38 = tpu.vector_load %arg12[%get3A_37] {strides = array<i32>} : memref<256xf32, #tpu.memory_space<vmem>>, vector<16xf32>,
    %get3A_39 = arith.constant 192 : index
    %get3A_40 = tpu.vector_load %arg12[%get3A_39] {strides = array<i32>} : memref<256xf32, #tpu.memory_space<vmem>>, vector<16xf32>,
    %get3A_41 = arith.constant 208 : index
    %get3A_42 = tpu.vector_load %arg12[%get3A_41] {strides = array<i32>} : memref<256xf32, #tpu.memory_space<vmem>>, vector<16xf32>,
    %get3A_43 = arith.constant 224 : index
    %get3A_44 = tpu.vector_load %arg12[%get3A_43] {strides = array<i32>} : memref<256xf32, #tpu.memory_space<vmem>>, vector<16xf32>,
    %get3A_45 = arith.constant 240 : index
    %get3A_46 = tpu.vector_load %arg12[%get3A_45] {strides = array<i32>} : memref<256xf32, #tpu.memory_space<vmem>>, vector<16xf32>,
    %dma_start3A_47 = arith.constant 0 : i32
    %dma_start3A_48 = arith.constant 0 : i32
    %dma_start3A_49 = tpu.memref_slice %arg7[%dma_start3A_47, %dma_start3A_48] : memref<8x128xi32, #tpu.memory_space<vmem>> -> memref<1x128xi32, #tpu.memory_space<vmem>>
    %dma_start3A_50 = tpu.memref_squeeze %dma_start3A_49 : memref<1x128xi32, #tpu.memory_space<vmem>> -> memref<128xi32, #tpu.memory_space<vmem>>
    %dma_start3A_51 = arith.constant 0 : i32
    %dma_start3A_52 = arith.constant 0 : i32
    %dma_start3A_53 = tpu.memref_slice %arg3[%dma_start3A_51, %dma_start3A_52] : memref<1000000x128xf32, #tpu.memory_space<hbm>> -> memref<1000000x128xf32, #tpu.memory_space<hbm>>
    tpu.enqueue_indirect_dma source(%dma_start3A_53 : memref<1000000x128xf32, #tpu.memory_space<hbm>>) target(%arg8 : memref<128x128xf32, #tpu.memory_space<vmem>>) offsets(%dma_start3A_50 : memref<128xi32, #tpu.memory_space<vmem>>) semaphore(%arg15 : memref<!tpu.dma_semaphore, #tpu.memory_space<semaphore_mem>>)
    %dma_start3A_54 = arith.constant 1 : i32
    %dma_start3A_55 = arith.constant 0 : i32
    %dma_start3A_56 = tpu.memref_slice %arg7[%dma_start3A_54, %dma_start3A_55] : memref<8x128xi32, #tpu.memory_space<vmem>> -> memref<1x128xi32, #tpu.memory_space<vmem>>
    %dma_start3A_57 = tpu.memref_squeeze %dma_start3A_56 : memref<1x128xi32, #tpu.memory_space<vmem>> -> memref<128xi32, #tpu.memory_space<vmem>>
    %dma_start3A_58 = arith.constant 0 : i32
    %dma_start3A_59 = arith.constant 0 : i32
    %dma_start3A_60 = tpu.memref_slice %arg3[%dma_start3A_58, %dma_start3A_59] : memref<1000000x128xf32, #tpu.memory_space<hbm>> -> memref<1000000x128xf32, #tpu.memory_space<hbm>>
    tpu.enqueue_indirect_dma source(%dma_start3A_60 : memref<1000000x128xf32, #tpu.memory_space<hbm>>) target(%arg9 : memref<128x128xf32, #tpu.memory_space<vmem>>) offsets(%dma_start3A_57 : memref<128xi32, #tpu.memory_space<vmem>>) semaphore(%arg16 : memref<!tpu.dma_semaphore, #tpu.memory_space<semaphore_mem>>)
    %dma_start3A_61 = arith.constant 2 : i32
    %dma_start3A_62 = arith.constant 0 : i32
    %dma_start3A_63 = tpu.memref_slice %arg7[%dma_start3A_61, %dma_start3A_62] : memref<8x128xi32, #tpu.memory_space<vmem>> -> memref<1x128xi32, #tpu.memory_space<vmem>>
    %dma_start3A_64 = tpu.memref_squeeze %dma_start3A_63 : memref<1x128xi32, #tpu.memory_space<vmem>> -> memref<128xi32, #tpu.memory_space<vmem>>
    %dma_start3A_65 = arith.constant 0 : i32
    %dma_start3A_66 = arith.constant 0 : i32
    %dma_start3A_67 = tpu.memref_slice %arg3[%dma_start3A_65, %dma_start3A_66] : memref<1000000x128xf32, #tpu.memory_space<hbm>> -> memref<1000000x128xf32, #tpu.memory_space<hbm>>
    tpu.enqueue_indirect_dma source(%dma_start3A_67 : memref<1000000x128xf32, #tpu.memory_space<hbm>>) target(%arg10 : memref<128x128xf32, #tpu.memory_space<vmem>>) offsets(%dma_start3A_64 : memref<128xi32, #tpu.memory_space<vmem>>) semaphore(%arg17 : memref<!tpu.dma_semaphore, #tpu.memory_space<semaphore_mem>>)
    %dma_start3A_68 = arith.constant 3 : i32
    %dma_start3A_69 = arith.constant 0 : i32
    %dma_start3A_70 = tpu.memref_slice %arg7[%dma_start3A_68, %dma_start3A_69] : memref<8x128xi32, #tpu.memory_space<vmem>> -> memref<1x128xi32, #tpu.memory_space<vmem>>
    %dma_start3A_71 = tpu.memref_squeeze %dma_start3A_70 : memref<1x128xi32, #tpu.memory_space<vmem>> -> memref<128xi32, #tpu.memory_space<vmem>>
    %dma_start3A_72 = arith.constant 0 : i32
    %dma_start3A_73 = arith.constant 0 : i32
    %dma_start3A_74 = tpu.memref_slice %arg3[%dma_start3A_72, %dma_start3A_73] : memref<1000000x128xf32, #tpu.memory_space<hbm>> -> memref<1000000x128xf32, #tpu.memory_space<hbm>>
    tpu.enqueue_indirect_dma source(%dma_start3A_74 : memref<1000000x128xf32, #tpu.memory_space<hbm>>) target(%arg11 : memref<128x128xf32, #tpu.memory_space<vmem>>) offsets(%dma_start3A_71 : memref<128xi32, #tpu.memory_space<vmem>>) semaphore(%arg18 : memref<!tpu.dma_semaphore, #tpu.memory_space<semaphore_mem>>)
    %dma_wait3A_75 = arith.constant 0 : i32
    %dma_wait3A_76 = arith.constant 0 : i32
    %dma_wait3A_77 = tpu.memref_slice %arg7[%dma_wait3A_75, %dma_wait3A_76] : memref<8x128xi32, #tpu.memory_space<vmem>> -> memref<1x128xi32, #tpu.memory_space<vmem>>
    %dma_wait3A_78 = tpu.memref_squeeze %dma_wait3A_77 : memref<1x128xi32, #tpu.memory_space<vmem>> -> memref<128xi32, #tpu.memory_space<vmem>>
    %dma_wait3A_79 = arith.constant 0 : i32
    %dma_wait3A_80 = arith.constant 0 : i32
    %dma_wait3A_81 = tpu.memref_slice %arg3[%dma_wait3A_79, %dma_wait3A_80] : memref<1000000x128xf32, #tpu.memory_space<hbm>> -> memref<1000000x128xf32, #tpu.memory_space<hbm>>
    tpu.wait_indirect_dma semaphore(%arg15 : memref<!tpu.dma_semaphore, #tpu.memory_space<semaphore_mem>>) src(%dma_wait3A_81 : memref<1000000x128xf32, #tpu.memory_space<hbm>>) dst(%arg8 : memref<128x128xf32, #tpu.memory_space<vmem>>)
    %parallel_loop3A = arith.constant 0 : i32
    %parallel_loop3A_82 = arith.constant 64 : i32
    %parallel_loop3A_83 = arith.constant 1 : i32
    scf.for %parallel_loop3A_294 = %parallel_loop3A to %parallel_loop3A_82 step %parallel_loop3A_83  : i32 {
      %parallel_loop3A_295 = arith.constant 2 : i32
      %parallel_loop3A_296 = arith.muli %parallel_loop3A_294, %parallel_loop3A_295 : i32
      %parallel_loop3A_297 = arith.constant 1 : i32
      %parallel_loop3A_298 = arith.addi %parallel_loop3A_296, %parallel_loop3A_297 : i32
      %parallel_loop3A_299 = arith.index_cast %parallel_loop3A_296 : i32 to index
      %parallel_loop3A_300 = arith.constant 0 : index
      %parallel_loop3A_301 = tpu.vector_load %arg8[%parallel_loop3A_299, %parallel_loop3A_300] {strides = array<i32>} : memref<128x128xf32, #tpu.memory_space<vmem>>, vector<16xf32>,
      %parallel_loop3A_302 = arith.mulf %parallel_loop3A_301, %get3A_16 : vector<16xf32>
      %parallel_loop3A_303 = arith.addf %get3A_13, %parallel_loop3A_302 : vector<16xf32>
      %parallel_loop3A_304 = arith.index_cast %parallel_loop3A_296 : i32 to index
      %parallel_loop3A_305 = arith.constant 16 : index
      %parallel_loop3A_306 = tpu.vector_load %arg8[%parallel_loop3A_304, %parallel_loop3A_305] {strides = array<i32>} : memref<128x128xf32, #tpu.memory_space<vmem>>, vector<16xf32>,
      %parallel_loop3A_307 = arith.mulf %parallel_loop3A_306, %get3A_18 : vector<16xf32>
      %parallel_loop3A_308 = arith.addf %broadcast_in_dim3A_14, %parallel_loop3A_307 : vector<16xf32>
      %parallel_loop3A_309 = arith.index_cast %parallel_loop3A_296 : i32 to index
      %parallel_loop3A_310 = arith.constant 32 : index
      %parallel_loop3A_311 = tpu.vector_load %arg8[%parallel_loop3A_309, %parallel_loop3A_310] {strides = array<i32>} : memref<128x128xf32, #tpu.memory_space<vmem>>, vector<16xf32>,
      %parallel_loop3A_312 = arith.mulf %parallel_loop3A_311, %get3A_20 : vector<16xf32>
      %parallel_loop3A_313 = arith.addf %broadcast_in_dim3A_14, %parallel_loop3A_312 : vector<16xf32>
      %parallel_loop3A_314 = arith.index_cast %parallel_loop3A_296 : i32 to index
      %parallel_loop3A_315 = arith.constant 48 : index
      %parallel_loop3A_316 = tpu.vector_load %arg8[%parallel_loop3A_314, %parallel_loop3A_315] {strides = array<i32>} : memref<128x128xf32, #tpu.memory_space<vmem>>, vector<16xf32>,
      %parallel_loop3A_317 = arith.mulf %parallel_loop3A_316, %get3A_22 : vector<16xf32>
      %parallel_loop3A_318 = arith.addf %broadcast_in_dim3A_14, %parallel_loop3A_317 : vector<16xf32>
      %parallel_loop3A_319 = arith.index_cast %parallel_loop3A_296 : i32 to index
      %parallel_loop3A_320 = arith.constant 64 : index
      %parallel_loop3A_321 = tpu.vector_load %arg8[%parallel_loop3A_319, %parallel_loop3A_320] {strides = array<i32>} : memref<128x128xf32, #tpu.memory_space<vmem>>, vector<16xf32>,
      %parallel_loop3A_322 = arith.mulf %parallel_loop3A_321, %get3A_24 : vector<16xf32>
      %parallel_loop3A_323 = arith.addf %parallel_loop3A_303, %parallel_loop3A_322 : vector<16xf32>
      %parallel_loop3A_324 = arith.index_cast %parallel_loop3A_296 : i32 to index
      %parallel_loop3A_325 = arith.constant 80 : index
      %parallel_loop3A_326 = tpu.vector_load %arg8[%parallel_loop3A_324, %parallel_loop3A_325] {strides = array<i32>} : memref<128x128xf32, #tpu.memory_space<vmem>>, vector<16xf32>,
      %parallel_loop3A_327 = arith.mulf %parallel_loop3A_326, %get3A_26 : vector<16xf32>
      %parallel_loop3A_328 = arith.addf %parallel_loop3A_308, %parallel_loop3A_327 : vector<16xf32>
      %parallel_loop3A_329 = arith.index_cast %parallel_loop3A_296 : i32 to index
      %parallel_loop3A_330 = arith.constant 96 : index
      %parallel_loop3A_331 = tpu.vector_load %arg8[%parallel_loop3A_329, %parallel_loop3A_330] {strides = array<i32>} : memref<128x128xf32, #tpu.memory_space<vmem>>, vector<16xf32>,
      %parallel_loop3A_332 = arith.mulf %parallel_loop3A_331, %get3A_28 : vector<16xf32>
      %parallel_loop3A_333 = arith.addf %parallel_loop3A_313, %parallel_loop3A_332 : vector<16xf32>
      %parallel_loop3A_334 = arith.index_cast %parallel_loop3A_296 : i32 to index
      %parallel_loop3A_335 = arith.constant 112 : index
      %parallel_loop3A_336 = tpu.vector_load %arg8[%parallel_loop3A_334, %parallel_loop3A_335] {strides = array<i32>} : memref<128x128xf32, #tpu.memory_space<vmem>>, vector<16xf32>,
      %parallel_loop3A_337 = arith.mulf %parallel_loop3A_336, %get3A_30 : vector<16xf32>
      %parallel_loop3A_338 = arith.addf %parallel_loop3A_318, %parallel_loop3A_337 : vector<16xf32>
      %parallel_loop3A_339 = arith.index_cast %parallel_loop3A_298 : i32 to index
      %parallel_loop3A_340 = arith.constant 0 : index
      %parallel_loop3A_341 = tpu.vector_load %arg8[%parallel_loop3A_339, %parallel_loop3A_340] {strides = array<i32>} : memref<128x128xf32, #tpu.memory_space<vmem>>, vector<16xf32>,
      %parallel_loop3A_342 = arith.mulf %parallel_loop3A_341, %get3A_32 : vector<16xf32>
      %parallel_loop3A_343 = arith.addf %parallel_loop3A_323, %parallel_loop3A_342 : vector<16xf32>
      %parallel_loop3A_344 = arith.index_cast %parallel_loop3A_298 : i32 to index
      %parallel_loop3A_345 = arith.constant 16 : index
      %parallel_loop3A_346 = tpu.vector_load %arg8[%parallel_loop3A_344, %parallel_loop3A_345] {strides = array<i32>} : memref<128x128xf32, #tpu.memory_space<vmem>>, vector<16xf32>,
      %parallel_loop3A_347 = arith.mulf %parallel_loop3A_346, %get3A_34 : vector<16xf32>
      %parallel_loop3A_348 = arith.addf %parallel_loop3A_328, %parallel_loop3A_347 : vector<16xf32>
      %parallel_loop3A_349 = arith.index_cast %parallel_loop3A_298 : i32 to index
      %parallel_loop3A_350 = arith.constant 32 : index
      %parallel_loop3A_351 = tpu.vector_load %arg8[%parallel_loop3A_349, %parallel_loop3A_350] {strides = array<i32>} : memref<128x128xf32, #tpu.memory_space<vmem>>, vector<16xf32>,
      %parallel_loop3A_352 = arith.mulf %parallel_loop3A_351, %get3A_36 : vector<16xf32>
      %parallel_loop3A_353 = arith.addf %parallel_loop3A_333, %parallel_loop3A_352 : vector<16xf32>
      %parallel_loop3A_354 = arith.index_cast %parallel_loop3A_298 : i32 to index
      %parallel_loop3A_355 = arith.constant 48 : index
      %parallel_loop3A_356 = tpu.vector_load %arg8[%parallel_loop3A_354, %parallel_loop3A_355] {strides = array<i32>} : memref<128x128xf32, #tpu.memory_space<vmem>>, vector<16xf32>,
      %parallel_loop3A_357 = arith.mulf %parallel_loop3A_356, %get3A_38 : vector<16xf32>
      %parallel_loop3A_358 = arith.addf %parallel_loop3A_338, %parallel_loop3A_357 : vector<16xf32>
      %parallel_loop3A_359 = arith.index_cast %parallel_loop3A_298 : i32 to index
      %parallel_loop3A_360 = arith.constant 64 : index
      %parallel_loop3A_361 = tpu.vector_load %arg8[%parallel_loop3A_359, %parallel_loop3A_360] {strides = array<i32>} : memref<128x128xf32, #tpu.memory_space<vmem>>, vector<16xf32>,
      %parallel_loop3A_362 = arith.mulf %parallel_loop3A_361, %get3A_40 : vector<16xf32>
      %parallel_loop3A_363 = arith.addf %parallel_loop3A_343, %parallel_loop3A_362 : vector<16xf32>
      %parallel_loop3A_364 = arith.index_cast %parallel_loop3A_298 : i32 to index
      %parallel_loop3A_365 = arith.constant 80 : index
      %parallel_loop3A_366 = tpu.vector_load %arg8[%parallel_loop3A_364, %parallel_loop3A_365] {strides = array<i32>} : memref<128x128xf32, #tpu.memory_space<vmem>>, vector<16xf32>,
      %parallel_loop3A_367 = arith.mulf %parallel_loop3A_366, %get3A_42 : vector<16xf32>
      %parallel_loop3A_368 = arith.addf %parallel_loop3A_348, %parallel_loop3A_367 : vector<16xf32>
      %parallel_loop3A_369 = arith.index_cast %parallel_loop3A_298 : i32 to index
      %parallel_loop3A_370 = arith.constant 96 : index
      %parallel_loop3A_371 = tpu.vector_load %arg8[%parallel_loop3A_369, %parallel_loop3A_370] {strides = array<i32>} : memref<128x128xf32, #tpu.memory_space<vmem>>, vector<16xf32>,
      %parallel_loop3A_372 = arith.mulf %parallel_loop3A_371, %get3A_44 : vector<16xf32>
      %parallel_loop3A_373 = arith.addf %parallel_loop3A_353, %parallel_loop3A_372 : vector<16xf32>
      %parallel_loop3A_374 = arith.index_cast %parallel_loop3A_298 : i32 to index
      %parallel_loop3A_375 = arith.constant 112 : index
      %parallel_loop3A_376 = tpu.vector_load %arg8[%parallel_loop3A_374, %parallel_loop3A_375] {strides = array<i32>} : memref<128x128xf32, #tpu.memory_space<vmem>>, vector<16xf32>,
      %parallel_loop3A_377 = arith.mulf %parallel_loop3A_376, %get3A_46 : vector<16xf32>
      %parallel_loop3A_378 = arith.addf %parallel_loop3A_358, %parallel_loop3A_377 : vector<16xf32>
      %parallel_loop3A_379 = arith.addf %parallel_loop3A_363, %parallel_loop3A_368 : vector<16xf32>
      %parallel_loop3A_380 = arith.addf %parallel_loop3A_373, %parallel_loop3A_378 : vector<16xf32>
      %parallel_loop3A_381 = arith.addf %parallel_loop3A_379, %parallel_loop3A_380 : vector<16xf32>
      %parallel_loop3A_382 = arith.constant true
      %parallel_loop3A_383 = vector.broadcast %parallel_loop3A_382 : i1 to vector<16xi1>
      %parallel_loop3A_384 = tpu.scan <sum>, %parallel_loop3A_381 masked %parallel_loop3A_383 : vector<16xf32>, vector<16xi1> -> vector<16xf32>
      %parallel_loop3A_385 = vector.extract %parallel_loop3A_384[15] : f32 from vector<16xf32>
      %parallel_loop3A_386 = vector.broadcast %parallel_loop3A_385 : f32 to vector<16xf32>
      %parallel_loop3A_387 = arith.constant 0.000000e+00 : f32
      %parallel_loop3A_388 = vector.broadcast %parallel_loop3A_387 : f32 to vector<16xf32>
      %parallel_loop3A_389 = arith.subf %parallel_loop3A_388, %parallel_loop3A_386 : vector<16xf32>
      %parallel_loop3A_390 = math.exp %parallel_loop3A_389 : vector<16xf32>
      %parallel_loop3A_391 = arith.constant 1.000000e+00 : f32
      %parallel_loop3A_392 = vector.broadcast %parallel_loop3A_391 : f32 to vector<16xf32>
      %parallel_loop3A_393 = arith.addf %parallel_loop3A_392, %parallel_loop3A_390 : vector<16xf32>
      %parallel_loop3A_394 = arith.constant 1.000000e+00 : f32
      %parallel_loop3A_395 = vector.broadcast %parallel_loop3A_394 : f32 to vector<16xf32>
      %parallel_loop3A_396 = arith.divf %parallel_loop3A_395, %parallel_loop3A_393 : vector<16xf32>
      %parallel_loop3A_397 = arith.constant 0 : i32
      %parallel_loop3A_398 = arith.addi %parallel_loop3A_294, %parallel_loop3A_397 : i32
      %parallel_loop3A_399 = vector.broadcast %parallel_loop3A_398 : i32 to vector<16xi32>
      tpu.vector_store_idx %arg14[%parallel_loop3A_399], %parallel_loop3A_396 masked %eq3A_12 : memref<512xf32, #tpu.memory_space<vmem>>[vector<16xi32>], vector<16xf32>, vector<16xi1>
    } {sc.loop_unroll_factor = 4 : i64, sc.parallel_access}
    %add3A_84 = arith.constant 0 : i32
    %add3A_85 = arith.addi %mul3A_2, %add3A_84 : i32
    %dma_start3A_86 = arith.constant 0 : i32
    %dma_start3A_87 = tpu.memref_slice %arg14[%dma_start3A_86] : memref<512xf32, #tpu.memory_space<vmem>> -> memref<64xf32, #tpu.memory_space<vmem>>
    %dma_start3A_88 = tpu.memref_slice %arg6[%add3A_85] : memref<16384xf32, #tpu.memory_space<hbm>> -> memref<64xf32, #tpu.memory_space<hbm>>
    %dma_start3A_89 = tpu.memref_slice %arg6[%add3A_85] : memref<16384xf32, #tpu.memory_space<hbm>> -> memref<64xf32, #tpu.memory_space<hbm>>
    %dma_start3A_90 = arith.constant 0 : i32
    %dma_start3A_91 = tpu.memref_slice %arg14[%dma_start3A_90] : memref<512xf32, #tpu.memory_space<vmem>> -> memref<64xf32, #tpu.memory_space<vmem>>
    tpu.enqueue_dma source(%dma_start3A_91 : memref<64xf32, #tpu.memory_space<vmem>>) target(%dma_start3A_89 : memref<64xf32, #tpu.memory_space<hbm>>) target_semaphore(%arg19 : memref<!tpu.dma_semaphore, #tpu.memory_space<semaphore_mem>>)
    %dma_start3A_92 = arith.constant 4 : i32
    %dma_start3A_93 = arith.constant 0 : i32
    %dma_start3A_94 = tpu.memref_slice %arg7[%dma_start3A_92, %dma_start3A_93] : memref<8x128xi32, #tpu.memory_space<vmem>> -> memref<1x128xi32, #tpu.memory_space<vmem>>
    %dma_start3A_95 = tpu.memref_squeeze %dma_start3A_94 : memref<1x128xi32, #tpu.memory_space<vmem>> -> memref<128xi32, #tpu.memory_space<vmem>>
    %dma_start3A_96 = arith.constant 0 : i32
    %dma_start3A_97 = arith.constant 0 : i32
    %dma_start3A_98 = tpu.memref_slice %arg3[%dma_start3A_96, %dma_start3A_97] : memref<1000000x128xf32, #tpu.memory_space<hbm>> -> memref<1000000x128xf32, #tpu.memory_space<hbm>>
    tpu.enqueue_indirect_dma source(%dma_start3A_98 : memref<1000000x128xf32, #tpu.memory_space<hbm>>) target(%arg8 : memref<128x128xf32, #tpu.memory_space<vmem>>) offsets(%dma_start3A_95 : memref<128xi32, #tpu.memory_space<vmem>>) semaphore(%arg15 : memref<!tpu.dma_semaphore, #tpu.memory_space<semaphore_mem>>)
    %dma_wait3A_99 = arith.constant 1 : i32
    %dma_wait3A_100 = arith.constant 0 : i32
    %dma_wait3A_101 = tpu.memref_slice %arg7[%dma_wait3A_99, %dma_wait3A_100] : memref<8x128xi32, #tpu.memory_space<vmem>> -> memref<1x128xi32, #tpu.memory_space<vmem>>
    %dma_wait3A_102 = tpu.memref_squeeze %dma_wait3A_101 : memref<1x128xi32, #tpu.memory_space<vmem>> -> memref<128xi32, #tpu.memory_space<vmem>>
    %dma_wait3A_103 = arith.constant 0 : i32
    %dma_wait3A_104 = arith.constant 0 : i32
    %dma_wait3A_105 = tpu.memref_slice %arg3[%dma_wait3A_103, %dma_wait3A_104] : memref<1000000x128xf32, #tpu.memory_space<hbm>> -> memref<1000000x128xf32, #tpu.memory_space<hbm>>
    tpu.wait_indirect_dma semaphore(%arg16 : memref<!tpu.dma_semaphore, #tpu.memory_space<semaphore_mem>>) src(%dma_wait3A_105 : memref<1000000x128xf32, #tpu.memory_space<hbm>>) dst(%arg9 : memref<128x128xf32, #tpu.memory_space<vmem>>)
    %parallel_loop3A_106 = arith.constant 0 : i32
    %parallel_loop3A_107 = arith.constant 64 : i32
    %parallel_loop3A_108 = arith.constant 1 : i32
    scf.for %parallel_loop3A_294 = %parallel_loop3A_106 to %parallel_loop3A_107 step %parallel_loop3A_108  : i32 {
      %parallel_loop3A_295 = arith.constant 2 : i32
      %parallel_loop3A_296 = arith.muli %parallel_loop3A_294, %parallel_loop3A_295 : i32
      %parallel_loop3A_297 = arith.constant 1 : i32
      %parallel_loop3A_298 = arith.addi %parallel_loop3A_296, %parallel_loop3A_297 : i32
      %parallel_loop3A_299 = arith.index_cast %parallel_loop3A_296 : i32 to index
      %parallel_loop3A_300 = arith.constant 0 : index
      %parallel_loop3A_301 = tpu.vector_load %arg9[%parallel_loop3A_299, %parallel_loop3A_300] {strides = array<i32>} : memref<128x128xf32, #tpu.memory_space<vmem>>, vector<16xf32>,
      %parallel_loop3A_302 = arith.mulf %parallel_loop3A_301, %get3A_16 : vector<16xf32>
      %parallel_loop3A_303 = arith.addf %get3A_13, %parallel_loop3A_302 : vector<16xf32>
      %parallel_loop3A_304 = arith.index_cast %parallel_loop3A_296 : i32 to index
      %parallel_loop3A_305 = arith.constant 16 : index
      %parallel_loop3A_306 = tpu.vector_load %arg9[%parallel_loop3A_304, %parallel_loop3A_305] {strides = array<i32>} : memref<128x128xf32, #tpu.memory_space<vmem>>, vector<16xf32>,
      %parallel_loop3A_307 = arith.mulf %parallel_loop3A_306, %get3A_18 : vector<16xf32>
      %parallel_loop3A_308 = arith.addf %broadcast_in_dim3A_14, %parallel_loop3A_307 : vector<16xf32>
      %parallel_loop3A_309 = arith.index_cast %parallel_loop3A_296 : i32 to index
      %parallel_loop3A_310 = arith.constant 32 : index
      %parallel_loop3A_311 = tpu.vector_load %arg9[%parallel_loop3A_309, %parallel_loop3A_310] {strides = array<i32>} : memref<128x128xf32, #tpu.memory_space<vmem>>, vector<16xf32>,
      %parallel_loop3A_312 = arith.mulf %parallel_loop3A_311, %get3A_20 : vector<16xf32>
      %parallel_loop3A_313 = arith.addf %broadcast_in_dim3A_14, %parallel_loop3A_312 : vector<16xf32>
      %parallel_loop3A_314 = arith.index_cast %parallel_loop3A_296 : i32 to index
      %parallel_loop3A_315 = arith.constant 48 : index
      %parallel_loop3A_316 = tpu.vector_load %arg9[%parallel_loop3A_314, %parallel_loop3A_315] {strides = array<i32>} : memref<128x128xf32, #tpu.memory_space<vmem>>, vector<16xf32>,
      %parallel_loop3A_317 = arith.mulf %parallel_loop3A_316, %get3A_22 : vector<16xf32>
      %parallel_loop3A_318 = arith.addf %broadcast_in_dim3A_14, %parallel_loop3A_317 : vector<16xf32>
      %parallel_loop3A_319 = arith.index_cast %parallel_loop3A_296 : i32 to index
      %parallel_loop3A_320 = arith.constant 64 : index
      %parallel_loop3A_321 = tpu.vector_load %arg9[%parallel_loop3A_319, %parallel_loop3A_320] {strides = array<i32>} : memref<128x128xf32, #tpu.memory_space<vmem>>, vector<16xf32>,
      %parallel_loop3A_322 = arith.mulf %parallel_loop3A_321, %get3A_24 : vector<16xf32>
      %parallel_loop3A_323 = arith.addf %parallel_loop3A_303, %parallel_loop3A_322 : vector<16xf32>
      %parallel_loop3A_324 = arith.index_cast %parallel_loop3A_296 : i32 to index
      %parallel_loop3A_325 = arith.constant 80 : index
      %parallel_loop3A_326 = tpu.vector_load %arg9[%parallel_loop3A_324, %parallel_loop3A_325] {strides = array<i32>} : memref<128x128xf32, #tpu.memory_space<vmem>>, vector<16xf32>,
      %parallel_loop3A_327 = arith.mulf %parallel_loop3A_326, %get3A_26 : vector<16xf32>
      %parallel_loop3A_328 = arith.addf %parallel_loop3A_308, %parallel_loop3A_327 : vector<16xf32>
      %parallel_loop3A_329 = arith.index_cast %parallel_loop3A_296 : i32 to index
      %parallel_loop3A_330 = arith.constant 96 : index
      %parallel_loop3A_331 = tpu.vector_load %arg9[%parallel_loop3A_329, %parallel_loop3A_330] {strides = array<i32>} : memref<128x128xf32, #tpu.memory_space<vmem>>, vector<16xf32>,
      %parallel_loop3A_332 = arith.mulf %parallel_loop3A_331, %get3A_28 : vector<16xf32>
      %parallel_loop3A_333 = arith.addf %parallel_loop3A_313, %parallel_loop3A_332 : vector<16xf32>
      %parallel_loop3A_334 = arith.index_cast %parallel_loop3A_296 : i32 to index
      %parallel_loop3A_335 = arith.constant 112 : index
      %parallel_loop3A_336 = tpu.vector_load %arg9[%parallel_loop3A_334, %parallel_loop3A_335] {strides = array<i32>} : memref<128x128xf32, #tpu.memory_space<vmem>>, vector<16xf32>,
      %parallel_loop3A_337 = arith.mulf %parallel_loop3A_336, %get3A_30 : vector<16xf32>
      %parallel_loop3A_338 = arith.addf %parallel_loop3A_318, %parallel_loop3A_337 : vector<16xf32>
      %parallel_loop3A_339 = arith.index_cast %parallel_loop3A_298 : i32 to index
      %parallel_loop3A_340 = arith.constant 0 : index
      %parallel_loop3A_341 = tpu.vector_load %arg9[%parallel_loop3A_339, %parallel_loop3A_340] {strides = array<i32>} : memref<128x128xf32, #tpu.memory_space<vmem>>, vector<16xf32>,
      %parallel_loop3A_342 = arith.mulf %parallel_loop3A_341, %get3A_32 : vector<16xf32>
      %parallel_loop3A_343 = arith.addf %parallel_loop3A_323, %parallel_loop3A_342 : vector<16xf32>
      %parallel_loop3A_344 = arith.index_cast %parallel_loop3A_298 : i32 to index
      %parallel_loop3A_345 = arith.constant 16 : index
      %parallel_loop3A_346 = tpu.vector_load %arg9[%parallel_loop3A_344, %parallel_loop3A_345] {strides = array<i32>} : memref<128x128xf32, #tpu.memory_space<vmem>>, vector<16xf32>,
      %parallel_loop3A_347 = arith.mulf %parallel_loop3A_346, %get3A_34 : vector<16xf32>
      %parallel_loop3A_348 = arith.addf %parallel_loop3A_328, %parallel_loop3A_347 : vector<16xf32>
      %parallel_loop3A_349 = arith.index_cast %parallel_loop3A_298 : i32 to index
      %parallel_loop3A_350 = arith.constant 32 : index
      %parallel_loop3A_351 = tpu.vector_load %arg9[%parallel_loop3A_349, %parallel_loop3A_350] {strides = array<i32>} : memref<128x128xf32, #tpu.memory_space<vmem>>, vector<16xf32>,
      %parallel_loop3A_352 = arith.mulf %parallel_loop3A_351, %get3A_36 : vector<16xf32>
      %parallel_loop3A_353 = arith.addf %parallel_loop3A_333, %parallel_loop3A_352 : vector<16xf32>
      %parallel_loop3A_354 = arith.index_cast %parallel_loop3A_298 : i32 to index
      %parallel_loop3A_355 = arith.constant 48 : index
      %parallel_loop3A_356 = tpu.vector_load %arg9[%parallel_loop3A_354, %parallel_loop3A_355] {strides = array<i32>} : memref<128x128xf32, #tpu.memory_space<vmem>>, vector<16xf32>,
      %parallel_loop3A_357 = arith.mulf %parallel_loop3A_356, %get3A_38 : vector<16xf32>
      %parallel_loop3A_358 = arith.addf %parallel_loop3A_338, %parallel_loop3A_357 : vector<16xf32>
      %parallel_loop3A_359 = arith.index_cast %parallel_loop3A_298 : i32 to index
      %parallel_loop3A_360 = arith.constant 64 : index
      %parallel_loop3A_361 = tpu.vector_load %arg9[%parallel_loop3A_359, %parallel_loop3A_360] {strides = array<i32>} : memref<128x128xf32, #tpu.memory_space<vmem>>, vector<16xf32>,
      %parallel_loop3A_362 = arith.mulf %parallel_loop3A_361, %get3A_40 : vector<16xf32>
      %parallel_loop3A_363 = arith.addf %parallel_loop3A_343, %parallel_loop3A_362 : vector<16xf32>
      %parallel_loop3A_364 = arith.index_cast %parallel_loop3A_298 : i32 to index
      %parallel_loop3A_365 = arith.constant 80 : index
      %parallel_loop3A_366 = tpu.vector_load %arg9[%parallel_loop3A_364, %parallel_loop3A_365] {strides = array<i32>} : memref<128x128xf32, #tpu.memory_space<vmem>>, vector<16xf32>,
      %parallel_loop3A_367 = arith.mulf %parallel_loop3A_366, %get3A_42 : vector<16xf32>
      %parallel_loop3A_368 = arith.addf %parallel_loop3A_348, %parallel_loop3A_367 : vector<16xf32>
      %parallel_loop3A_369 = arith.index_cast %parallel_loop3A_298 : i32 to index
      %parallel_loop3A_370 = arith.constant 96 : index
      %parallel_loop3A_371 = tpu.vector_load %arg9[%parallel_loop3A_369, %parallel_loop3A_370] {strides = array<i32>} : memref<128x128xf32, #tpu.memory_space<vmem>>, vector<16xf32>,
      %parallel_loop3A_372 = arith.mulf %parallel_loop3A_371, %get3A_44 : vector<16xf32>
      %parallel_loop3A_373 = arith.addf %parallel_loop3A_353, %parallel_loop3A_372 : vector<16xf32>
      %parallel_loop3A_374 = arith.index_cast %parallel_loop3A_298 : i32 to index
      %parallel_loop3A_375 = arith.constant 112 : index
      %parallel_loop3A_376 = tpu.vector_load %arg9[%parallel_loop3A_374, %parallel_loop3A_375] {strides = array<i32>} : memref<128x128xf32, #tpu.memory_space<vmem>>, vector<16xf32>,
      %parallel_loop3A_377 = arith.mulf %parallel_loop3A_376, %get3A_46 : vector<16xf32>
      %parallel_loop3A_378 = arith.addf %parallel_loop3A_358, %parallel_loop3A_377 : vector<16xf32>
      %parallel_loop3A_379 = arith.addf %parallel_loop3A_363, %parallel_loop3A_368 : vector<16xf32>
      %parallel_loop3A_380 = arith.addf %parallel_loop3A_373, %parallel_loop3A_378 : vector<16xf32>
      %parallel_loop3A_381 = arith.addf %parallel_loop3A_379, %parallel_loop3A_380 : vector<16xf32>
      %parallel_loop3A_382 = arith.constant true
      %parallel_loop3A_383 = vector.broadcast %parallel_loop3A_382 : i1 to vector<16xi1>
      %parallel_loop3A_384 = tpu.scan <sum>, %parallel_loop3A_381 masked %parallel_loop3A_383 : vector<16xf32>, vector<16xi1> -> vector<16xf32>
      %parallel_loop3A_385 = vector.extract %parallel_loop3A_384[15] : f32 from vector<16xf32>
      %parallel_loop3A_386 = vector.broadcast %parallel_loop3A_385 : f32 to vector<16xf32>
      %parallel_loop3A_387 = arith.constant 0.000000e+00 : f32
      %parallel_loop3A_388 = vector.broadcast %parallel_loop3A_387 : f32 to vector<16xf32>
      %parallel_loop3A_389 = arith.subf %parallel_loop3A_388, %parallel_loop3A_386 : vector<16xf32>
      %parallel_loop3A_390 = math.exp %parallel_loop3A_389 : vector<16xf32>
      %parallel_loop3A_391 = arith.constant 1.000000e+00 : f32
      %parallel_loop3A_392 = vector.broadcast %parallel_loop3A_391 : f32 to vector<16xf32>
      %parallel_loop3A_393 = arith.addf %parallel_loop3A_392, %parallel_loop3A_390 : vector<16xf32>
      %parallel_loop3A_394 = arith.constant 1.000000e+00 : f32
      %parallel_loop3A_395 = vector.broadcast %parallel_loop3A_394 : f32 to vector<16xf32>
      %parallel_loop3A_396 = arith.divf %parallel_loop3A_395, %parallel_loop3A_393 : vector<16xf32>
      %parallel_loop3A_397 = arith.constant 64 : i32
      %parallel_loop3A_398 = arith.addi %parallel_loop3A_294, %parallel_loop3A_397 : i32
      %parallel_loop3A_399 = vector.broadcast %parallel_loop3A_398 : i32 to vector<16xi32>
      tpu.vector_store_idx %arg14[%parallel_loop3A_399], %parallel_loop3A_396 masked %eq3A_12 : memref<512xf32, #tpu.memory_space<vmem>>[vector<16xi32>], vector<16xf32>, vector<16xi1>
    } {sc.loop_unroll_factor = 4 : i64, sc.parallel_access}
    %add3A_109 = arith.constant 64 : i32
    %add3A_110 = arith.addi %mul3A_2, %add3A_109 : i32
    %dma_start3A_111 = arith.constant 64 : i32
    %dma_start3A_112 = tpu.memref_slice %arg14[%dma_start3A_111] : memref<512xf32, #tpu.memory_space<vmem>> -> memref<64xf32, #tpu.memory_space<vmem>>
    %dma_start3A_113 = tpu.memref_slice %arg6[%add3A_110] : memref<16384xf32, #tpu.memory_space<hbm>> -> memref<64xf32, #tpu.memory_space<hbm>>
    %dma_start3A_114 = tpu.memref_slice %arg6[%add3A_110] : memref<16384xf32, #tpu.memory_space<hbm>> -> memref<64xf32, #tpu.memory_space<hbm>>
    %dma_start3A_115 = arith.constant 64 : i32
    %dma_start3A_116 = tpu.memref_slice %arg14[%dma_start3A_115] : memref<512xf32, #tpu.memory_space<vmem>> -> memref<64xf32, #tpu.memory_space<vmem>>
    tpu.enqueue_dma source(%dma_start3A_116 : memref<64xf32, #tpu.memory_space<vmem>>) target(%dma_start3A_114 : memref<64xf32, #tpu.memory_space<hbm>>) target_semaphore(%arg19 : memref<!tpu.dma_semaphore, #tpu.memory_space<semaphore_mem>>)
    %dma_start3A_117 = arith.constant 5 : i32
    %dma_start3A_118 = arith.constant 0 : i32
    %dma_start3A_119 = tpu.memref_slice %arg7[%dma_start3A_117, %dma_start3A_118] : memref<8x128xi32, #tpu.memory_space<vmem>> -> memref<1x128xi32, #tpu.memory_space<vmem>>
    %dma_start3A_120 = tpu.memref_squeeze %dma_start3A_119 : memref<1x128xi32, #tpu.memory_space<vmem>> -> memref<128xi32, #tpu.memory_space<vmem>>
    %dma_start3A_121 = arith.constant 0 : i32
    %dma_start3A_122 = arith.constant 0 : i32
    %dma_start3A_123 = tpu.memref_slice %arg3[%dma_start3A_121, %dma_start3A_122] : memref<1000000x128xf32, #tpu.memory_space<hbm>> -> memref<1000000x128xf32, #tpu.memory_space<hbm>>
    tpu.enqueue_indirect_dma source(%dma_start3A_123 : memref<1000000x128xf32, #tpu.memory_space<hbm>>) target(%arg9 : memref<128x128xf32, #tpu.memory_space<vmem>>) offsets(%dma_start3A_120 : memref<128xi32, #tpu.memory_space<vmem>>) semaphore(%arg16 : memref<!tpu.dma_semaphore, #tpu.memory_space<semaphore_mem>>)
    %dma_wait3A_124 = arith.constant 2 : i32
    %dma_wait3A_125 = arith.constant 0 : i32
    %dma_wait3A_126 = tpu.memref_slice %arg7[%dma_wait3A_124, %dma_wait3A_125] : memref<8x128xi32, #tpu.memory_space<vmem>> -> memref<1x128xi32, #tpu.memory_space<vmem>>
    %dma_wait3A_127 = tpu.memref_squeeze %dma_wait3A_126 : memref<1x128xi32, #tpu.memory_space<vmem>> -> memref<128xi32, #tpu.memory_space<vmem>>
    %dma_wait3A_128 = arith.constant 0 : i32
    %dma_wait3A_129 = arith.constant 0 : i32
    %dma_wait3A_130 = tpu.memref_slice %arg3[%dma_wait3A_128, %dma_wait3A_129] : memref<1000000x128xf32, #tpu.memory_space<hbm>> -> memref<1000000x128xf32, #tpu.memory_space<hbm>>
    tpu.wait_indirect_dma semaphore(%arg17 : memref<!tpu.dma_semaphore, #tpu.memory_space<semaphore_mem>>) src(%dma_wait3A_130 : memref<1000000x128xf32, #tpu.memory_space<hbm>>) dst(%arg10 : memref<128x128xf32, #tpu.memory_space<vmem>>)
    %parallel_loop3A_131 = arith.constant 0 : i32
    %parallel_loop3A_132 = arith.constant 64 : i32
    %parallel_loop3A_133 = arith.constant 1 : i32
    scf.for %parallel_loop3A_294 = %parallel_loop3A_131 to %parallel_loop3A_132 step %parallel_loop3A_133  : i32 {
      %parallel_loop3A_295 = arith.constant 2 : i32
      %parallel_loop3A_296 = arith.muli %parallel_loop3A_294, %parallel_loop3A_295 : i32
      %parallel_loop3A_297 = arith.constant 1 : i32
      %parallel_loop3A_298 = arith.addi %parallel_loop3A_296, %parallel_loop3A_297 : i32
      %parallel_loop3A_299 = arith.index_cast %parallel_loop3A_296 : i32 to index
      %parallel_loop3A_300 = arith.constant 0 : index
      %parallel_loop3A_301 = tpu.vector_load %arg10[%parallel_loop3A_299, %parallel_loop3A_300] {strides = array<i32>} : memref<128x128xf32, #tpu.memory_space<vmem>>, vector<16xf32>,
      %parallel_loop3A_302 = arith.mulf %parallel_loop3A_301, %get3A_16 : vector<16xf32>
      %parallel_loop3A_303 = arith.addf %get3A_13, %parallel_loop3A_302 : vector<16xf32>
      %parallel_loop3A_304 = arith.index_cast %parallel_loop3A_296 : i32 to index
      %parallel_loop3A_305 = arith.constant 16 : index
      %parallel_loop3A_306 = tpu.vector_load %arg10[%parallel_loop3A_304, %parallel_loop3A_305] {strides = array<i32>} : memref<128x128xf32, #tpu.memory_space<vmem>>, vector<16xf32>,
      %parallel_loop3A_307 = arith.mulf %parallel_loop3A_306, %get3A_18 : vector<16xf32>
      %parallel_loop3A_308 = arith.addf %broadcast_in_dim3A_14, %parallel_loop3A_307 : vector<16xf32>
      %parallel_loop3A_309 = arith.index_cast %parallel_loop3A_296 : i32 to index
      %parallel_loop3A_310 = arith.constant 32 : index
      %parallel_loop3A_311 = tpu.vector_load %arg10[%parallel_loop3A_309, %parallel_loop3A_310] {strides = array<i32>} : memref<128x128xf32, #tpu.memory_space<vmem>>, vector<16xf32>,
      %parallel_loop3A_312 = arith.mulf %parallel_loop3A_311, %get3A_20 : vector<16xf32>
      %parallel_loop3A_313 = arith.addf %broadcast_in_dim3A_14, %parallel_loop3A_312 : vector<16xf32>
      %parallel_loop3A_314 = arith.index_cast %parallel_loop3A_296 : i32 to index
      %parallel_loop3A_315 = arith.constant 48 : index
      %parallel_loop3A_316 = tpu.vector_load %arg10[%parallel_loop3A_314, %parallel_loop3A_315] {strides = array<i32>} : memref<128x128xf32, #tpu.memory_space<vmem>>, vector<16xf32>,
      %parallel_loop3A_317 = arith.mulf %parallel_loop3A_316, %get3A_22 : vector<16xf32>
      %parallel_loop3A_318 = arith.addf %broadcast_in_dim3A_14, %parallel_loop3A_317 : vector<16xf32>
      %parallel_loop3A_319 = arith.index_cast %parallel_loop3A_296 : i32 to index
      %parallel_loop3A_320 = arith.constant 64 : index
      %parallel_loop3A_321 = tpu.vector_load %arg10[%parallel_loop3A_319, %parallel_loop3A_320] {strides = array<i32>} : memref<128x128xf32, #tpu.memory_space<vmem>>, vector<16xf32>,
      %parallel_loop3A_322 = arith.mulf %parallel_loop3A_321, %get3A_24 : vector<16xf32>
      %parallel_loop3A_323 = arith.addf %parallel_loop3A_303, %parallel_loop3A_322 : vector<16xf32>
      %parallel_loop3A_324 = arith.index_cast %parallel_loop3A_296 : i32 to index
      %parallel_loop3A_325 = arith.constant 80 : index
      %parallel_loop3A_326 = tpu.vector_load %arg10[%parallel_loop3A_324, %parallel_loop3A_325] {strides = array<i32>} : memref<128x128xf32, #tpu.memory_space<vmem>>, vector<16xf32>,
      %parallel_loop3A_327 = arith.mulf %parallel_loop3A_326, %get3A_26 : vector<16xf32>
      %parallel_loop3A_328 = arith.addf %parallel_loop3A_308, %parallel_loop3A_327 : vector<16xf32>
      %parallel_loop3A_329 = arith.index_cast %parallel_loop3A_296 : i32 to index
      %parallel_loop3A_330 = arith.constant 96 : index
      %parallel_loop3A_331 = tpu.vector_load %arg10[%parallel_loop3A_329, %parallel_loop3A_330] {strides = array<i32>} : memref<128x128xf32, #tpu.memory_space<vmem>>, vector<16xf32>,
      %parallel_loop3A_332 = arith.mulf %parallel_loop3A_331, %get3A_28 : vector<16xf32>
      %parallel_loop3A_333 = arith.addf %parallel_loop3A_313, %parallel_loop3A_332 : vector<16xf32>
      %parallel_loop3A_334 = arith.index_cast %parallel_loop3A_296 : i32 to index
      %parallel_loop3A_335 = arith.constant 112 : index
      %parallel_loop3A_336 = tpu.vector_load %arg10[%parallel_loop3A_334, %parallel_loop3A_335] {strides = array<i32>} : memref<128x128xf32, #tpu.memory_space<vmem>>, vector<16xf32>,
      %parallel_loop3A_337 = arith.mulf %parallel_loop3A_336, %get3A_30 : vector<16xf32>
      %parallel_loop3A_338 = arith.addf %parallel_loop3A_318, %parallel_loop3A_337 : vector<16xf32>
      %parallel_loop3A_339 = arith.index_cast %parallel_loop3A_298 : i32 to index
      %parallel_loop3A_340 = arith.constant 0 : index
      %parallel_loop3A_341 = tpu.vector_load %arg10[%parallel_loop3A_339, %parallel_loop3A_340] {strides = array<i32>} : memref<128x128xf32, #tpu.memory_space<vmem>>, vector<16xf32>,
      %parallel_loop3A_342 = arith.mulf %parallel_loop3A_341, %get3A_32 : vector<16xf32>
      %parallel_loop3A_343 = arith.addf %parallel_loop3A_323, %parallel_loop3A_342 : vector<16xf32>
      %parallel_loop3A_344 = arith.index_cast %parallel_loop3A_298 : i32 to index
      %parallel_loop3A_345 = arith.constant 16 : index
      %parallel_loop3A_346 = tpu.vector_load %arg10[%parallel_loop3A_344, %parallel_loop3A_345] {strides = array<i32>} : memref<128x128xf32, #tpu.memory_space<vmem>>, vector<16xf32>,
      %parallel_loop3A_347 = arith.mulf %parallel_loop3A_346, %get3A_34 : vector<16xf32>
      %parallel_loop3A_348 = arith.addf %parallel_loop3A_328, %parallel_loop3A_347 : vector<16xf32>
      %parallel_loop3A_349 = arith.index_cast %parallel_loop3A_298 : i32 to index
      %parallel_loop3A_350 = arith.constant 32 : index
      %parallel_loop3A_351 = tpu.vector_load %arg10[%parallel_loop3A_349, %parallel_loop3A_350] {strides = array<i32>} : memref<128x128xf32, #tpu.memory_space<vmem>>, vector<16xf32>,
      %parallel_loop3A_352 = arith.mulf %parallel_loop3A_351, %get3A_36 : vector<16xf32>
      %parallel_loop3A_353 = arith.addf %parallel_loop3A_333, %parallel_loop3A_352 : vector<16xf32>
      %parallel_loop3A_354 = arith.index_cast %parallel_loop3A_298 : i32 to index
      %parallel_loop3A_355 = arith.constant 48 : index
      %parallel_loop3A_356 = tpu.vector_load %arg10[%parallel_loop3A_354, %parallel_loop3A_355] {strides = array<i32>} : memref<128x128xf32, #tpu.memory_space<vmem>>, vector<16xf32>,
      %parallel_loop3A_357 = arith.mulf %parallel_loop3A_356, %get3A_38 : vector<16xf32>
      %parallel_loop3A_358 = arith.addf %parallel_loop3A_338, %parallel_loop3A_357 : vector<16xf32>
      %parallel_loop3A_359 = arith.index_cast %parallel_loop3A_298 : i32 to index
      %parallel_loop3A_360 = arith.constant 64 : index
      %parallel_loop3A_361 = tpu.vector_load %arg10[%parallel_loop3A_359, %parallel_loop3A_360] {strides = array<i32>} : memref<128x128xf32, #tpu.memory_space<vmem>>, vector<16xf32>,
      %parallel_loop3A_362 = arith.mulf %parallel_loop3A_361, %get3A_40 : vector<16xf32>
      %parallel_loop3A_363 = arith.addf %parallel_loop3A_343, %parallel_loop3A_362 : vector<16xf32>
      %parallel_loop3A_364 = arith.index_cast %parallel_loop3A_298 : i32 to index
      %parallel_loop3A_365 = arith.constant 80 : index
      %parallel_loop3A_366 = tpu.vector_load %arg10[%parallel_loop3A_364, %parallel_loop3A_365] {strides = array<i32>} : memref<128x128xf32, #tpu.memory_space<vmem>>, vector<16xf32>,
      %parallel_loop3A_367 = arith.mulf %parallel_loop3A_366, %get3A_42 : vector<16xf32>
      %parallel_loop3A_368 = arith.addf %parallel_loop3A_348, %parallel_loop3A_367 : vector<16xf32>
      %parallel_loop3A_369 = arith.index_cast %parallel_loop3A_298 : i32 to index
      %parallel_loop3A_370 = arith.constant 96 : index
      %parallel_loop3A_371 = tpu.vector_load %arg10[%parallel_loop3A_369, %parallel_loop3A_370] {strides = array<i32>} : memref<128x128xf32, #tpu.memory_space<vmem>>, vector<16xf32>,
      %parallel_loop3A_372 = arith.mulf %parallel_loop3A_371, %get3A_44 : vector<16xf32>
      %parallel_loop3A_373 = arith.addf %parallel_loop3A_353, %parallel_loop3A_372 : vector<16xf32>
      %parallel_loop3A_374 = arith.index_cast %parallel_loop3A_298 : i32 to index
      %parallel_loop3A_375 = arith.constant 112 : index
      %parallel_loop3A_376 = tpu.vector_load %arg10[%parallel_loop3A_374, %parallel_loop3A_375] {strides = array<i32>} : memref<128x128xf32, #tpu.memory_space<vmem>>, vector<16xf32>,
      %parallel_loop3A_377 = arith.mulf %parallel_loop3A_376, %get3A_46 : vector<16xf32>
      %parallel_loop3A_378 = arith.addf %parallel_loop3A_358, %parallel_loop3A_377 : vector<16xf32>
      %parallel_loop3A_379 = arith.addf %parallel_loop3A_363, %parallel_loop3A_368 : vector<16xf32>
      %parallel_loop3A_380 = arith.addf %parallel_loop3A_373, %parallel_loop3A_378 : vector<16xf32>
      %parallel_loop3A_381 = arith.addf %parallel_loop3A_379, %parallel_loop3A_380 : vector<16xf32>
      %parallel_loop3A_382 = arith.constant true
      %parallel_loop3A_383 = vector.broadcast %parallel_loop3A_382 : i1 to vector<16xi1>
      %parallel_loop3A_384 = tpu.scan <sum>, %parallel_loop3A_381 masked %parallel_loop3A_383 : vector<16xf32>, vector<16xi1> -> vector<16xf32>
      %parallel_loop3A_385 = vector.extract %parallel_loop3A_384[15] : f32 from vector<16xf32>
      %parallel_loop3A_386 = vector.broadcast %parallel_loop3A_385 : f32 to vector<16xf32>
      %parallel_loop3A_387 = arith.constant 0.000000e+00 : f32
      %parallel_loop3A_388 = vector.broadcast %parallel_loop3A_387 : f32 to vector<16xf32>
      %parallel_loop3A_389 = arith.subf %parallel_loop3A_388, %parallel_loop3A_386 : vector<16xf32>
      %parallel_loop3A_390 = math.exp %parallel_loop3A_389 : vector<16xf32>
      %parallel_loop3A_391 = arith.constant 1.000000e+00 : f32
      %parallel_loop3A_392 = vector.broadcast %parallel_loop3A_391 : f32 to vector<16xf32>
      %parallel_loop3A_393 = arith.addf %parallel_loop3A_392, %parallel_loop3A_390 : vector<16xf32>
      %parallel_loop3A_394 = arith.constant 1.000000e+00 : f32
      %parallel_loop3A_395 = vector.broadcast %parallel_loop3A_394 : f32 to vector<16xf32>
      %parallel_loop3A_396 = arith.divf %parallel_loop3A_395, %parallel_loop3A_393 : vector<16xf32>
      %parallel_loop3A_397 = arith.constant 128 : i32
      %parallel_loop3A_398 = arith.addi %parallel_loop3A_294, %parallel_loop3A_397 : i32
      %parallel_loop3A_399 = vector.broadcast %parallel_loop3A_398 : i32 to vector<16xi32>
      tpu.vector_store_idx %arg14[%parallel_loop3A_399], %parallel_loop3A_396 masked %eq3A_12 : memref<512xf32, #tpu.memory_space<vmem>>[vector<16xi32>], vector<16xf32>, vector<16xi1>
    } {sc.loop_unroll_factor = 4 : i64, sc.parallel_access}
    %add3A_134 = arith.constant 128 : i32
    %add3A_135 = arith.addi %mul3A_2, %add3A_134 : i32
    %dma_start3A_136 = arith.constant 128 : i32
    %dma_start3A_137 = tpu.memref_slice %arg14[%dma_start3A_136] : memref<512xf32, #tpu.memory_space<vmem>> -> memref<64xf32, #tpu.memory_space<vmem>>
    %dma_start3A_138 = tpu.memref_slice %arg6[%add3A_135] : memref<16384xf32, #tpu.memory_space<hbm>> -> memref<64xf32, #tpu.memory_space<hbm>>
    %dma_start3A_139 = tpu.memref_slice %arg6[%add3A_135] : memref<16384xf32, #tpu.memory_space<hbm>> -> memref<64xf32, #tpu.memory_space<hbm>>
    %dma_start3A_140 = arith.constant 128 : i32
    %dma_start3A_141 = tpu.memref_slice %arg14[%dma_start3A_140] : memref<512xf32, #tpu.memory_space<vmem>> -> memref<64xf32, #tpu.memory_space<vmem>>
    tpu.enqueue_dma source(%dma_start3A_141 : memref<64xf32, #tpu.memory_space<vmem>>) target(%dma_start3A_139 : memref<64xf32, #tpu.memory_space<hbm>>) target_semaphore(%arg19 : memref<!tpu.dma_semaphore, #tpu.memory_space<semaphore_mem>>)
    %dma_start3A_142 = arith.constant 6 : i32
    %dma_start3A_143 = arith.constant 0 : i32
    %dma_start3A_144 = tpu.memref_slice %arg7[%dma_start3A_142, %dma_start3A_143] : memref<8x128xi32, #tpu.memory_space<vmem>> -> memref<1x128xi32, #tpu.memory_space<vmem>>
    %dma_start3A_145 = tpu.memref_squeeze %dma_start3A_144 : memref<1x128xi32, #tpu.memory_space<vmem>> -> memref<128xi32, #tpu.memory_space<vmem>>
    %dma_start3A_146 = arith.constant 0 : i32
    %dma_start3A_147 = arith.constant 0 : i32
    %dma_start3A_148 = tpu.memref_slice %arg3[%dma_start3A_146, %dma_start3A_147] : memref<1000000x128xf32, #tpu.memory_space<hbm>> -> memref<1000000x128xf32, #tpu.memory_space<hbm>>
    tpu.enqueue_indirect_dma source(%dma_start3A_148 : memref<1000000x128xf32, #tpu.memory_space<hbm>>) target(%arg10 : memref<128x128xf32, #tpu.memory_space<vmem>>) offsets(%dma_start3A_145 : memref<128xi32, #tpu.memory_space<vmem>>) semaphore(%arg17 : memref<!tpu.dma_semaphore, #tpu.memory_space<semaphore_mem>>)
    %dma_wait3A_149 = arith.constant 3 : i32
    %dma_wait3A_150 = arith.constant 0 : i32
    %dma_wait3A_151 = tpu.memref_slice %arg7[%dma_wait3A_149, %dma_wait3A_150] : memref<8x128xi32, #tpu.memory_space<vmem>> -> memref<1x128xi32, #tpu.memory_space<vmem>>
    %dma_wait3A_152 = tpu.memref_squeeze %dma_wait3A_151 : memref<1x128xi32, #tpu.memory_space<vmem>> -> memref<128xi32, #tpu.memory_space<vmem>>
    %dma_wait3A_153 = arith.constant 0 : i32
    %dma_wait3A_154 = arith.constant 0 : i32
    %dma_wait3A_155 = tpu.memref_slice %arg3[%dma_wait3A_153, %dma_wait3A_154] : memref<1000000x128xf32, #tpu.memory_space<hbm>> -> memref<1000000x128xf32, #tpu.memory_space<hbm>>
    tpu.wait_indirect_dma semaphore(%arg18 : memref<!tpu.dma_semaphore, #tpu.memory_space<semaphore_mem>>) src(%dma_wait3A_155 : memref<1000000x128xf32, #tpu.memory_space<hbm>>) dst(%arg11 : memref<128x128xf32, #tpu.memory_space<vmem>>)
    %parallel_loop3A_156 = arith.constant 0 : i32
    %parallel_loop3A_157 = arith.constant 64 : i32
    %parallel_loop3A_158 = arith.constant 1 : i32
    scf.for %parallel_loop3A_294 = %parallel_loop3A_156 to %parallel_loop3A_157 step %parallel_loop3A_158  : i32 {
      %parallel_loop3A_295 = arith.constant 2 : i32
      %parallel_loop3A_296 = arith.muli %parallel_loop3A_294, %parallel_loop3A_295 : i32
      %parallel_loop3A_297 = arith.constant 1 : i32
      %parallel_loop3A_298 = arith.addi %parallel_loop3A_296, %parallel_loop3A_297 : i32
      %parallel_loop3A_299 = arith.index_cast %parallel_loop3A_296 : i32 to index
      %parallel_loop3A_300 = arith.constant 0 : index
      %parallel_loop3A_301 = tpu.vector_load %arg11[%parallel_loop3A_299, %parallel_loop3A_300] {strides = array<i32>} : memref<128x128xf32, #tpu.memory_space<vmem>>, vector<16xf32>,
      %parallel_loop3A_302 = arith.mulf %parallel_loop3A_301, %get3A_16 : vector<16xf32>
      %parallel_loop3A_303 = arith.addf %get3A_13, %parallel_loop3A_302 : vector<16xf32>
      %parallel_loop3A_304 = arith.index_cast %parallel_loop3A_296 : i32 to index
      %parallel_loop3A_305 = arith.constant 16 : index
      %parallel_loop3A_306 = tpu.vector_load %arg11[%parallel_loop3A_304, %parallel_loop3A_305] {strides = array<i32>} : memref<128x128xf32, #tpu.memory_space<vmem>>, vector<16xf32>,
      %parallel_loop3A_307 = arith.mulf %parallel_loop3A_306, %get3A_18 : vector<16xf32>
      %parallel_loop3A_308 = arith.addf %broadcast_in_dim3A_14, %parallel_loop3A_307 : vector<16xf32>
      %parallel_loop3A_309 = arith.index_cast %parallel_loop3A_296 : i32 to index
      %parallel_loop3A_310 = arith.constant 32 : index
      %parallel_loop3A_311 = tpu.vector_load %arg11[%parallel_loop3A_309, %parallel_loop3A_310] {strides = array<i32>} : memref<128x128xf32, #tpu.memory_space<vmem>>, vector<16xf32>,
      %parallel_loop3A_312 = arith.mulf %parallel_loop3A_311, %get3A_20 : vector<16xf32>
      %parallel_loop3A_313 = arith.addf %broadcast_in_dim3A_14, %parallel_loop3A_312 : vector<16xf32>
      %parallel_loop3A_314 = arith.index_cast %parallel_loop3A_296 : i32 to index
      %parallel_loop3A_315 = arith.constant 48 : index
      %parallel_loop3A_316 = tpu.vector_load %arg11[%parallel_loop3A_314, %parallel_loop3A_315] {strides = array<i32>} : memref<128x128xf32, #tpu.memory_space<vmem>>, vector<16xf32>,
      %parallel_loop3A_317 = arith.mulf %parallel_loop3A_316, %get3A_22 : vector<16xf32>
      %parallel_loop3A_318 = arith.addf %broadcast_in_dim3A_14, %parallel_loop3A_317 : vector<16xf32>
      %parallel_loop3A_319 = arith.index_cast %parallel_loop3A_296 : i32 to index
      %parallel_loop3A_320 = arith.constant 64 : index
      %parallel_loop3A_321 = tpu.vector_load %arg11[%parallel_loop3A_319, %parallel_loop3A_320] {strides = array<i32>} : memref<128x128xf32, #tpu.memory_space<vmem>>, vector<16xf32>,
      %parallel_loop3A_322 = arith.mulf %parallel_loop3A_321, %get3A_24 : vector<16xf32>
      %parallel_loop3A_323 = arith.addf %parallel_loop3A_303, %parallel_loop3A_322 : vector<16xf32>
      %parallel_loop3A_324 = arith.index_cast %parallel_loop3A_296 : i32 to index
      %parallel_loop3A_325 = arith.constant 80 : index
      %parallel_loop3A_326 = tpu.vector_load %arg11[%parallel_loop3A_324, %parallel_loop3A_325] {strides = array<i32>} : memref<128x128xf32, #tpu.memory_space<vmem>>, vector<16xf32>,
      %parallel_loop3A_327 = arith.mulf %parallel_loop3A_326, %get3A_26 : vector<16xf32>
      %parallel_loop3A_328 = arith.addf %parallel_loop3A_308, %parallel_loop3A_327 : vector<16xf32>
      %parallel_loop3A_329 = arith.index_cast %parallel_loop3A_296 : i32 to index
      %parallel_loop3A_330 = arith.constant 96 : index
      %parallel_loop3A_331 = tpu.vector_load %arg11[%parallel_loop3A_329, %parallel_loop3A_330] {strides = array<i32>} : memref<128x128xf32, #tpu.memory_space<vmem>>, vector<16xf32>,
      %parallel_loop3A_332 = arith.mulf %parallel_loop3A_331, %get3A_28 : vector<16xf32>
      %parallel_loop3A_333 = arith.addf %parallel_loop3A_313, %parallel_loop3A_332 : vector<16xf32>
      %parallel_loop3A_334 = arith.index_cast %parallel_loop3A_296 : i32 to index
      %parallel_loop3A_335 = arith.constant 112 : index
      %parallel_loop3A_336 = tpu.vector_load %arg11[%parallel_loop3A_334, %parallel_loop3A_335] {strides = array<i32>} : memref<128x128xf32, #tpu.memory_space<vmem>>, vector<16xf32>,
      %parallel_loop3A_337 = arith.mulf %parallel_loop3A_336, %get3A_30 : vector<16xf32>
      %parallel_loop3A_338 = arith.addf %parallel_loop3A_318, %parallel_loop3A_337 : vector<16xf32>
      %parallel_loop3A_339 = arith.index_cast %parallel_loop3A_298 : i32 to index
      %parallel_loop3A_340 = arith.constant 0 : index
      %parallel_loop3A_341 = tpu.vector_load %arg11[%parallel_loop3A_339, %parallel_loop3A_340] {strides = array<i32>} : memref<128x128xf32, #tpu.memory_space<vmem>>, vector<16xf32>,
      %parallel_loop3A_342 = arith.mulf %parallel_loop3A_341, %get3A_32 : vector<16xf32>
      %parallel_loop3A_343 = arith.addf %parallel_loop3A_323, %parallel_loop3A_342 : vector<16xf32>
      %parallel_loop3A_344 = arith.index_cast %parallel_loop3A_298 : i32 to index
      %parallel_loop3A_345 = arith.constant 16 : index
      %parallel_loop3A_346 = tpu.vector_load %arg11[%parallel_loop3A_344, %parallel_loop3A_345] {strides = array<i32>} : memref<128x128xf32, #tpu.memory_space<vmem>>, vector<16xf32>,
      %parallel_loop3A_347 = arith.mulf %parallel_loop3A_346, %get3A_34 : vector<16xf32>
      %parallel_loop3A_348 = arith.addf %parallel_loop3A_328, %parallel_loop3A_347 : vector<16xf32>
      %parallel_loop3A_349 = arith.index_cast %parallel_loop3A_298 : i32 to index
      %parallel_loop3A_350 = arith.constant 32 : index
      %parallel_loop3A_351 = tpu.vector_load %arg11[%parallel_loop3A_349, %parallel_loop3A_350] {strides = array<i32>} : memref<128x128xf32, #tpu.memory_space<vmem>>, vector<16xf32>,
      %parallel_loop3A_352 = arith.mulf %parallel_loop3A_351, %get3A_36 : vector<16xf32>
      %parallel_loop3A_353 = arith.addf %parallel_loop3A_333, %parallel_loop3A_352 : vector<16xf32>
      %parallel_loop3A_354 = arith.index_cast %parallel_loop3A_298 : i32 to index
      %parallel_loop3A_355 = arith.constant 48 : index
      %parallel_loop3A_356 = tpu.vector_load %arg11[%parallel_loop3A_354, %parallel_loop3A_355] {strides = array<i32>} : memref<128x128xf32, #tpu.memory_space<vmem>>, vector<16xf32>,
      %parallel_loop3A_357 = arith.mulf %parallel_loop3A_356, %get3A_38 : vector<16xf32>
      %parallel_loop3A_358 = arith.addf %parallel_loop3A_338, %parallel_loop3A_357 : vector<16xf32>
      %parallel_loop3A_359 = arith.index_cast %parallel_loop3A_298 : i32 to index
      %parallel_loop3A_360 = arith.constant 64 : index
      %parallel_loop3A_361 = tpu.vector_load %arg11[%parallel_loop3A_359, %parallel_loop3A_360] {strides = array<i32>} : memref<128x128xf32, #tpu.memory_space<vmem>>, vector<16xf32>,
      %parallel_loop3A_362 = arith.mulf %parallel_loop3A_361, %get3A_40 : vector<16xf32>
      %parallel_loop3A_363 = arith.addf %parallel_loop3A_343, %parallel_loop3A_362 : vector<16xf32>
      %parallel_loop3A_364 = arith.index_cast %parallel_loop3A_298 : i32 to index
      %parallel_loop3A_365 = arith.constant 80 : index
      %parallel_loop3A_366 = tpu.vector_load %arg11[%parallel_loop3A_364, %parallel_loop3A_365] {strides = array<i32>} : memref<128x128xf32, #tpu.memory_space<vmem>>, vector<16xf32>,
      %parallel_loop3A_367 = arith.mulf %parallel_loop3A_366, %get3A_42 : vector<16xf32>
      %parallel_loop3A_368 = arith.addf %parallel_loop3A_348, %parallel_loop3A_367 : vector<16xf32>
      %parallel_loop3A_369 = arith.index_cast %parallel_loop3A_298 : i32 to index
      %parallel_loop3A_370 = arith.constant 96 : index
      %parallel_loop3A_371 = tpu.vector_load %arg11[%parallel_loop3A_369, %parallel_loop3A_370] {strides = array<i32>} : memref<128x128xf32, #tpu.memory_space<vmem>>, vector<16xf32>,
      %parallel_loop3A_372 = arith.mulf %parallel_loop3A_371, %get3A_44 : vector<16xf32>
      %parallel_loop3A_373 = arith.addf %parallel_loop3A_353, %parallel_loop3A_372 : vector<16xf32>
      %parallel_loop3A_374 = arith.index_cast %parallel_loop3A_298 : i32 to index
      %parallel_loop3A_375 = arith.constant 112 : index
      %parallel_loop3A_376 = tpu.vector_load %arg11[%parallel_loop3A_374, %parallel_loop3A_375] {strides = array<i32>} : memref<128x128xf32, #tpu.memory_space<vmem>>, vector<16xf32>,
      %parallel_loop3A_377 = arith.mulf %parallel_loop3A_376, %get3A_46 : vector<16xf32>
      %parallel_loop3A_378 = arith.addf %parallel_loop3A_358, %parallel_loop3A_377 : vector<16xf32>
      %parallel_loop3A_379 = arith.addf %parallel_loop3A_363, %parallel_loop3A_368 : vector<16xf32>
      %parallel_loop3A_380 = arith.addf %parallel_loop3A_373, %parallel_loop3A_378 : vector<16xf32>
      %parallel_loop3A_381 = arith.addf %parallel_loop3A_379, %parallel_loop3A_380 : vector<16xf32>
      %parallel_loop3A_382 = arith.constant true
      %parallel_loop3A_383 = vector.broadcast %parallel_loop3A_382 : i1 to vector<16xi1>
      %parallel_loop3A_384 = tpu.scan <sum>, %parallel_loop3A_381 masked %parallel_loop3A_383 : vector<16xf32>, vector<16xi1> -> vector<16xf32>
      %parallel_loop3A_385 = vector.extract %parallel_loop3A_384[15] : f32 from vector<16xf32>
      %parallel_loop3A_386 = vector.broadcast %parallel_loop3A_385 : f32 to vector<16xf32>
      %parallel_loop3A_387 = arith.constant 0.000000e+00 : f32
      %parallel_loop3A_388 = vector.broadcast %parallel_loop3A_387 : f32 to vector<16xf32>
      %parallel_loop3A_389 = arith.subf %parallel_loop3A_388, %parallel_loop3A_386 : vector<16xf32>
      %parallel_loop3A_390 = math.exp %parallel_loop3A_389 : vector<16xf32>
      %parallel_loop3A_391 = arith.constant 1.000000e+00 : f32
      %parallel_loop3A_392 = vector.broadcast %parallel_loop3A_391 : f32 to vector<16xf32>
      %parallel_loop3A_393 = arith.addf %parallel_loop3A_392, %parallel_loop3A_390 : vector<16xf32>
      %parallel_loop3A_394 = arith.constant 1.000000e+00 : f32
      %parallel_loop3A_395 = vector.broadcast %parallel_loop3A_394 : f32 to vector<16xf32>
      %parallel_loop3A_396 = arith.divf %parallel_loop3A_395, %parallel_loop3A_393 : vector<16xf32>
      %parallel_loop3A_397 = arith.constant 192 : i32
      %parallel_loop3A_398 = arith.addi %parallel_loop3A_294, %parallel_loop3A_397 : i32
      %parallel_loop3A_399 = vector.broadcast %parallel_loop3A_398 : i32 to vector<16xi32>
      tpu.vector_store_idx %arg14[%parallel_loop3A_399], %parallel_loop3A_396 masked %eq3A_12 : memref<512xf32, #tpu.memory_space<vmem>>[vector<16xi32>], vector<16xf32>, vector<16xi1>
    } {sc.loop_unroll_factor = 4 : i64, sc.parallel_access}
    %add3A_159 = arith.constant 192 : i32
    %add3A_160 = arith.addi %mul3A_2, %add3A_159 : i32
    %dma_start3A_161 = arith.constant 192 : i32
    %dma_start3A_162 = tpu.memref_slice %arg14[%dma_start3A_161] : memref<512xf32, #tpu.memory_space<vmem>> -> memref<64xf32, #tpu.memory_space<vmem>>
    %dma_start3A_163 = tpu.memref_slice %arg6[%add3A_160] : memref<16384xf32, #tpu.memory_space<hbm>> -> memref<64xf32, #tpu.memory_space<hbm>>
    %dma_start3A_164 = tpu.memref_slice %arg6[%add3A_160] : memref<16384xf32, #tpu.memory_space<hbm>> -> memref<64xf32, #tpu.memory_space<hbm>>
    %dma_start3A_165 = arith.constant 192 : i32
    %dma_start3A_166 = tpu.memref_slice %arg14[%dma_start3A_165] : memref<512xf32, #tpu.memory_space<vmem>> -> memref<64xf32, #tpu.memory_space<vmem>>
    tpu.enqueue_dma source(%dma_start3A_166 : memref<64xf32, #tpu.memory_space<vmem>>) target(%dma_start3A_164 : memref<64xf32, #tpu.memory_space<hbm>>) target_semaphore(%arg19 : memref<!tpu.dma_semaphore, #tpu.memory_space<semaphore_mem>>)
    %dma_start3A_167 = arith.constant 7 : i32
    %dma_start3A_168 = arith.constant 0 : i32
    %dma_start3A_169 = tpu.memref_slice %arg7[%dma_start3A_167, %dma_start3A_168] : memref<8x128xi32, #tpu.memory_space<vmem>> -> memref<1x128xi32, #tpu.memory_space<vmem>>
    %dma_start3A_170 = tpu.memref_squeeze %dma_start3A_169 : memref<1x128xi32, #tpu.memory_space<vmem>> -> memref<128xi32, #tpu.memory_space<vmem>>
    %dma_start3A_171 = arith.constant 0 : i32
    %dma_start3A_172 = arith.constant 0 : i32
    %dma_start3A_173 = tpu.memref_slice %arg3[%dma_start3A_171, %dma_start3A_172] : memref<1000000x128xf32, #tpu.memory_space<hbm>> -> memref<1000000x128xf32, #tpu.memory_space<hbm>>
    tpu.enqueue_indirect_dma source(%dma_start3A_173 : memref<1000000x128xf32, #tpu.memory_space<hbm>>) target(%arg11 : memref<128x128xf32, #tpu.memory_space<vmem>>) offsets(%dma_start3A_170 : memref<128xi32, #tpu.memory_space<vmem>>) semaphore(%arg18 : memref<!tpu.dma_semaphore, #tpu.memory_space<semaphore_mem>>)
    %dma_wait3A_174 = arith.constant 4 : i32
    %dma_wait3A_175 = arith.constant 0 : i32
    %dma_wait3A_176 = tpu.memref_slice %arg7[%dma_wait3A_174, %dma_wait3A_175] : memref<8x128xi32, #tpu.memory_space<vmem>> -> memref<1x128xi32, #tpu.memory_space<vmem>>
    %dma_wait3A_177 = tpu.memref_squeeze %dma_wait3A_176 : memref<1x128xi32, #tpu.memory_space<vmem>> -> memref<128xi32, #tpu.memory_space<vmem>>
    %dma_wait3A_178 = arith.constant 0 : i32
    %dma_wait3A_179 = arith.constant 0 : i32
    %dma_wait3A_180 = tpu.memref_slice %arg3[%dma_wait3A_178, %dma_wait3A_179] : memref<1000000x128xf32, #tpu.memory_space<hbm>> -> memref<1000000x128xf32, #tpu.memory_space<hbm>>
    tpu.wait_indirect_dma semaphore(%arg15 : memref<!tpu.dma_semaphore, #tpu.memory_space<semaphore_mem>>) src(%dma_wait3A_180 : memref<1000000x128xf32, #tpu.memory_space<hbm>>) dst(%arg8 : memref<128x128xf32, #tpu.memory_space<vmem>>)
    %parallel_loop3A_181 = arith.constant 0 : i32
    %parallel_loop3A_182 = arith.constant 64 : i32
    %parallel_loop3A_183 = arith.constant 1 : i32
    scf.for %parallel_loop3A_294 = %parallel_loop3A_181 to %parallel_loop3A_182 step %parallel_loop3A_183  : i32 {
      %parallel_loop3A_295 = arith.constant 2 : i32
      %parallel_loop3A_296 = arith.muli %parallel_loop3A_294, %parallel_loop3A_295 : i32
      %parallel_loop3A_297 = arith.constant 1 : i32
      %parallel_loop3A_298 = arith.addi %parallel_loop3A_296, %parallel_loop3A_297 : i32
      %parallel_loop3A_299 = arith.index_cast %parallel_loop3A_296 : i32 to index
      %parallel_loop3A_300 = arith.constant 0 : index
      %parallel_loop3A_301 = tpu.vector_load %arg8[%parallel_loop3A_299, %parallel_loop3A_300] {strides = array<i32>} : memref<128x128xf32, #tpu.memory_space<vmem>>, vector<16xf32>,
      %parallel_loop3A_302 = arith.mulf %parallel_loop3A_301, %get3A_16 : vector<16xf32>
      %parallel_loop3A_303 = arith.addf %get3A_13, %parallel_loop3A_302 : vector<16xf32>
      %parallel_loop3A_304 = arith.index_cast %parallel_loop3A_296 : i32 to index
      %parallel_loop3A_305 = arith.constant 16 : index
      %parallel_loop3A_306 = tpu.vector_load %arg8[%parallel_loop3A_304, %parallel_loop3A_305] {strides = array<i32>} : memref<128x128xf32, #tpu.memory_space<vmem>>, vector<16xf32>,
      %parallel_loop3A_307 = arith.mulf %parallel_loop3A_306, %get3A_18 : vector<16xf32>
      %parallel_loop3A_308 = arith.addf %broadcast_in_dim3A_14, %parallel_loop3A_307 : vector<16xf32>
      %parallel_loop3A_309 = arith.index_cast %parallel_loop3A_296 : i32 to index
      %parallel_loop3A_310 = arith.constant 32 : index
      %parallel_loop3A_311 = tpu.vector_load %arg8[%parallel_loop3A_309, %parallel_loop3A_310] {strides = array<i32>} : memref<128x128xf32, #tpu.memory_space<vmem>>, vector<16xf32>,
      %parallel_loop3A_312 = arith.mulf %parallel_loop3A_311, %get3A_20 : vector<16xf32>
      %parallel_loop3A_313 = arith.addf %broadcast_in_dim3A_14, %parallel_loop3A_312 : vector<16xf32>
      %parallel_loop3A_314 = arith.index_cast %parallel_loop3A_296 : i32 to index
      %parallel_loop3A_315 = arith.constant 48 : index
      %parallel_loop3A_316 = tpu.vector_load %arg8[%parallel_loop3A_314, %parallel_loop3A_315] {strides = array<i32>} : memref<128x128xf32, #tpu.memory_space<vmem>>, vector<16xf32>,
      %parallel_loop3A_317 = arith.mulf %parallel_loop3A_316, %get3A_22 : vector<16xf32>
      %parallel_loop3A_318 = arith.addf %broadcast_in_dim3A_14, %parallel_loop3A_317 : vector<16xf32>
      %parallel_loop3A_319 = arith.index_cast %parallel_loop3A_296 : i32 to index
      %parallel_loop3A_320 = arith.constant 64 : index
      %parallel_loop3A_321 = tpu.vector_load %arg8[%parallel_loop3A_319, %parallel_loop3A_320] {strides = array<i32>} : memref<128x128xf32, #tpu.memory_space<vmem>>, vector<16xf32>,
      %parallel_loop3A_322 = arith.mulf %parallel_loop3A_321, %get3A_24 : vector<16xf32>
      %parallel_loop3A_323 = arith.addf %parallel_loop3A_303, %parallel_loop3A_322 : vector<16xf32>
      %parallel_loop3A_324 = arith.index_cast %parallel_loop3A_296 : i32 to index
      %parallel_loop3A_325 = arith.constant 80 : index
      %parallel_loop3A_326 = tpu.vector_load %arg8[%parallel_loop3A_324, %parallel_loop3A_325] {strides = array<i32>} : memref<128x128xf32, #tpu.memory_space<vmem>>, vector<16xf32>,
      %parallel_loop3A_327 = arith.mulf %parallel_loop3A_326, %get3A_26 : vector<16xf32>
      %parallel_loop3A_328 = arith.addf %parallel_loop3A_308, %parallel_loop3A_327 : vector<16xf32>
      %parallel_loop3A_329 = arith.index_cast %parallel_loop3A_296 : i32 to index
      %parallel_loop3A_330 = arith.constant 96 : index
      %parallel_loop3A_331 = tpu.vector_load %arg8[%parallel_loop3A_329, %parallel_loop3A_330] {strides = array<i32>} : memref<128x128xf32, #tpu.memory_space<vmem>>, vector<16xf32>,
      %parallel_loop3A_332 = arith.mulf %parallel_loop3A_331, %get3A_28 : vector<16xf32>
      %parallel_loop3A_333 = arith.addf %parallel_loop3A_313, %parallel_loop3A_332 : vector<16xf32>
      %parallel_loop3A_334 = arith.index_cast %parallel_loop3A_296 : i32 to index
      %parallel_loop3A_335 = arith.constant 112 : index
      %parallel_loop3A_336 = tpu.vector_load %arg8[%parallel_loop3A_334, %parallel_loop3A_335] {strides = array<i32>} : memref<128x128xf32, #tpu.memory_space<vmem>>, vector<16xf32>,
      %parallel_loop3A_337 = arith.mulf %parallel_loop3A_336, %get3A_30 : vector<16xf32>
      %parallel_loop3A_338 = arith.addf %parallel_loop3A_318, %parallel_loop3A_337 : vector<16xf32>
      %parallel_loop3A_339 = arith.index_cast %parallel_loop3A_298 : i32 to index
      %parallel_loop3A_340 = arith.constant 0 : index
      %parallel_loop3A_341 = tpu.vector_load %arg8[%parallel_loop3A_339, %parallel_loop3A_340] {strides = array<i32>} : memref<128x128xf32, #tpu.memory_space<vmem>>, vector<16xf32>,
      %parallel_loop3A_342 = arith.mulf %parallel_loop3A_341, %get3A_32 : vector<16xf32>
      %parallel_loop3A_343 = arith.addf %parallel_loop3A_323, %parallel_loop3A_342 : vector<16xf32>
      %parallel_loop3A_344 = arith.index_cast %parallel_loop3A_298 : i32 to index
      %parallel_loop3A_345 = arith.constant 16 : index
      %parallel_loop3A_346 = tpu.vector_load %arg8[%parallel_loop3A_344, %parallel_loop3A_345] {strides = array<i32>} : memref<128x128xf32, #tpu.memory_space<vmem>>, vector<16xf32>,
      %parallel_loop3A_347 = arith.mulf %parallel_loop3A_346, %get3A_34 : vector<16xf32>
      %parallel_loop3A_348 = arith.addf %parallel_loop3A_328, %parallel_loop3A_347 : vector<16xf32>
      %parallel_loop3A_349 = arith.index_cast %parallel_loop3A_298 : i32 to index
      %parallel_loop3A_350 = arith.constant 32 : index
      %parallel_loop3A_351 = tpu.vector_load %arg8[%parallel_loop3A_349, %parallel_loop3A_350] {strides = array<i32>} : memref<128x128xf32, #tpu.memory_space<vmem>>, vector<16xf32>,
      %parallel_loop3A_352 = arith.mulf %parallel_loop3A_351, %get3A_36 : vector<16xf32>
      %parallel_loop3A_353 = arith.addf %parallel_loop3A_333, %parallel_loop3A_352 : vector<16xf32>
      %parallel_loop3A_354 = arith.index_cast %parallel_loop3A_298 : i32 to index
      %parallel_loop3A_355 = arith.constant 48 : index
      %parallel_loop3A_356 = tpu.vector_load %arg8[%parallel_loop3A_354, %parallel_loop3A_355] {strides = array<i32>} : memref<128x128xf32, #tpu.memory_space<vmem>>, vector<16xf32>,
      %parallel_loop3A_357 = arith.mulf %parallel_loop3A_356, %get3A_38 : vector<16xf32>
      %parallel_loop3A_358 = arith.addf %parallel_loop3A_338, %parallel_loop3A_357 : vector<16xf32>
      %parallel_loop3A_359 = arith.index_cast %parallel_loop3A_298 : i32 to index
      %parallel_loop3A_360 = arith.constant 64 : index
      %parallel_loop3A_361 = tpu.vector_load %arg8[%parallel_loop3A_359, %parallel_loop3A_360] {strides = array<i32>} : memref<128x128xf32, #tpu.memory_space<vmem>>, vector<16xf32>,
      %parallel_loop3A_362 = arith.mulf %parallel_loop3A_361, %get3A_40 : vector<16xf32>
      %parallel_loop3A_363 = arith.addf %parallel_loop3A_343, %parallel_loop3A_362 : vector<16xf32>
      %parallel_loop3A_364 = arith.index_cast %parallel_loop3A_298 : i32 to index
      %parallel_loop3A_365 = arith.constant 80 : index
      %parallel_loop3A_366 = tpu.vector_load %arg8[%parallel_loop3A_364, %parallel_loop3A_365] {strides = array<i32>} : memref<128x128xf32, #tpu.memory_space<vmem>>, vector<16xf32>,
      %parallel_loop3A_367 = arith.mulf %parallel_loop3A_366, %get3A_42 : vector<16xf32>
      %parallel_loop3A_368 = arith.addf %parallel_loop3A_348, %parallel_loop3A_367 : vector<16xf32>
      %parallel_loop3A_369 = arith.index_cast %parallel_loop3A_298 : i32 to index
      %parallel_loop3A_370 = arith.constant 96 : index
      %parallel_loop3A_371 = tpu.vector_load %arg8[%parallel_loop3A_369, %parallel_loop3A_370] {strides = array<i32>} : memref<128x128xf32, #tpu.memory_space<vmem>>, vector<16xf32>,
      %parallel_loop3A_372 = arith.mulf %parallel_loop3A_371, %get3A_44 : vector<16xf32>
      %parallel_loop3A_373 = arith.addf %parallel_loop3A_353, %parallel_loop3A_372 : vector<16xf32>
      %parallel_loop3A_374 = arith.index_cast %parallel_loop3A_298 : i32 to index
      %parallel_loop3A_375 = arith.constant 112 : index
      %parallel_loop3A_376 = tpu.vector_load %arg8[%parallel_loop3A_374, %parallel_loop3A_375] {strides = array<i32>} : memref<128x128xf32, #tpu.memory_space<vmem>>, vector<16xf32>,
      %parallel_loop3A_377 = arith.mulf %parallel_loop3A_376, %get3A_46 : vector<16xf32>
      %parallel_loop3A_378 = arith.addf %parallel_loop3A_358, %parallel_loop3A_377 : vector<16xf32>
      %parallel_loop3A_379 = arith.addf %parallel_loop3A_363, %parallel_loop3A_368 : vector<16xf32>
      %parallel_loop3A_380 = arith.addf %parallel_loop3A_373, %parallel_loop3A_378 : vector<16xf32>
      %parallel_loop3A_381 = arith.addf %parallel_loop3A_379, %parallel_loop3A_380 : vector<16xf32>
      %parallel_loop3A_382 = arith.constant true
      %parallel_loop3A_383 = vector.broadcast %parallel_loop3A_382 : i1 to vector<16xi1>
      %parallel_loop3A_384 = tpu.scan <sum>, %parallel_loop3A_381 masked %parallel_loop3A_383 : vector<16xf32>, vector<16xi1> -> vector<16xf32>
      %parallel_loop3A_385 = vector.extract %parallel_loop3A_384[15] : f32 from vector<16xf32>
      %parallel_loop3A_386 = vector.broadcast %parallel_loop3A_385 : f32 to vector<16xf32>
      %parallel_loop3A_387 = arith.constant 0.000000e+00 : f32
      %parallel_loop3A_388 = vector.broadcast %parallel_loop3A_387 : f32 to vector<16xf32>
      %parallel_loop3A_389 = arith.subf %parallel_loop3A_388, %parallel_loop3A_386 : vector<16xf32>
      %parallel_loop3A_390 = math.exp %parallel_loop3A_389 : vector<16xf32>
      %parallel_loop3A_391 = arith.constant 1.000000e+00 : f32
      %parallel_loop3A_392 = vector.broadcast %parallel_loop3A_391 : f32 to vector<16xf32>
      %parallel_loop3A_393 = arith.addf %parallel_loop3A_392, %parallel_loop3A_390 : vector<16xf32>
      %parallel_loop3A_394 = arith.constant 1.000000e+00 : f32
      %parallel_loop3A_395 = vector.broadcast %parallel_loop3A_394 : f32 to vector<16xf32>
      %parallel_loop3A_396 = arith.divf %parallel_loop3A_395, %parallel_loop3A_393 : vector<16xf32>
      %parallel_loop3A_397 = arith.constant 256 : i32
      %parallel_loop3A_398 = arith.addi %parallel_loop3A_294, %parallel_loop3A_397 : i32
      %parallel_loop3A_399 = vector.broadcast %parallel_loop3A_398 : i32 to vector<16xi32>
      tpu.vector_store_idx %arg14[%parallel_loop3A_399], %parallel_loop3A_396 masked %eq3A_12 : memref<512xf32, #tpu.memory_space<vmem>>[vector<16xi32>], vector<16xf32>, vector<16xi1>
    } {sc.loop_unroll_factor = 4 : i64, sc.parallel_access}
    %add3A_184 = arith.constant 256 : i32
    %add3A_185 = arith.addi %mul3A_2, %add3A_184 : i32
    %dma_start3A_186 = arith.constant 256 : i32
    %dma_start3A_187 = tpu.memref_slice %arg14[%dma_start3A_186] : memref<512xf32, #tpu.memory_space<vmem>> -> memref<64xf32, #tpu.memory_space<vmem>>
    %dma_start3A_188 = tpu.memref_slice %arg6[%add3A_185] : memref<16384xf32, #tpu.memory_space<hbm>> -> memref<64xf32, #tpu.memory_space<hbm>>
    %dma_start3A_189 = tpu.memref_slice %arg6[%add3A_185] : memref<16384xf32, #tpu.memory_space<hbm>> -> memref<64xf32, #tpu.memory_space<hbm>>
    %dma_start3A_190 = arith.constant 256 : i32
    %dma_start3A_191 = tpu.memref_slice %arg14[%dma_start3A_190] : memref<512xf32, #tpu.memory_space<vmem>> -> memref<64xf32, #tpu.memory_space<vmem>>
    tpu.enqueue_dma source(%dma_start3A_191 : memref<64xf32, #tpu.memory_space<vmem>>) target(%dma_start3A_189 : memref<64xf32, #tpu.memory_space<hbm>>) target_semaphore(%arg19 : memref<!tpu.dma_semaphore, #tpu.memory_space<semaphore_mem>>)
    %dma_wait3A_192 = arith.constant 5 : i32
    %dma_wait3A_193 = arith.constant 0 : i32
    %dma_wait3A_194 = tpu.memref_slice %arg7[%dma_wait3A_192, %dma_wait3A_193] : memref<8x128xi32, #tpu.memory_space<vmem>> -> memref<1x128xi32, #tpu.memory_space<vmem>>
    %dma_wait3A_195 = tpu.memref_squeeze %dma_wait3A_194 : memref<1x128xi32, #tpu.memory_space<vmem>> -> memref<128xi32, #tpu.memory_space<vmem>>
    %dma_wait3A_196 = arith.constant 0 : i32
    %dma_wait3A_197 = arith.constant 0 : i32
    %dma_wait3A_198 = tpu.memref_slice %arg3[%dma_wait3A_196, %dma_wait3A_197] : memref<1000000x128xf32, #tpu.memory_space<hbm>> -> memref<1000000x128xf32, #tpu.memory_space<hbm>>
    tpu.wait_indirect_dma semaphore(%arg16 : memref<!tpu.dma_semaphore, #tpu.memory_space<semaphore_mem>>) src(%dma_wait3A_198 : memref<1000000x128xf32, #tpu.memory_space<hbm>>) dst(%arg9 : memref<128x128xf32, #tpu.memory_space<vmem>>)
    %parallel_loop3A_199 = arith.constant 0 : i32
    %parallel_loop3A_200 = arith.constant 64 : i32
    %parallel_loop3A_201 = arith.constant 1 : i32
    scf.for %parallel_loop3A_294 = %parallel_loop3A_199 to %parallel_loop3A_200 step %parallel_loop3A_201  : i32 {
      %parallel_loop3A_295 = arith.constant 2 : i32
      %parallel_loop3A_296 = arith.muli %parallel_loop3A_294, %parallel_loop3A_295 : i32
      %parallel_loop3A_297 = arith.constant 1 : i32
      %parallel_loop3A_298 = arith.addi %parallel_loop3A_296, %parallel_loop3A_297 : i32
      %parallel_loop3A_299 = arith.index_cast %parallel_loop3A_296 : i32 to index
      %parallel_loop3A_300 = arith.constant 0 : index
      %parallel_loop3A_301 = tpu.vector_load %arg9[%parallel_loop3A_299, %parallel_loop3A_300] {strides = array<i32>} : memref<128x128xf32, #tpu.memory_space<vmem>>, vector<16xf32>,
      %parallel_loop3A_302 = arith.mulf %parallel_loop3A_301, %get3A_16 : vector<16xf32>
      %parallel_loop3A_303 = arith.addf %get3A_13, %parallel_loop3A_302 : vector<16xf32>
      %parallel_loop3A_304 = arith.index_cast %parallel_loop3A_296 : i32 to index
      %parallel_loop3A_305 = arith.constant 16 : index
      %parallel_loop3A_306 = tpu.vector_load %arg9[%parallel_loop3A_304, %parallel_loop3A_305] {strides = array<i32>} : memref<128x128xf32, #tpu.memory_space<vmem>>, vector<16xf32>,
      %parallel_loop3A_307 = arith.mulf %parallel_loop3A_306, %get3A_18 : vector<16xf32>
      %parallel_loop3A_308 = arith.addf %broadcast_in_dim3A_14, %parallel_loop3A_307 : vector<16xf32>
      %parallel_loop3A_309 = arith.index_cast %parallel_loop3A_296 : i32 to index
      %parallel_loop3A_310 = arith.constant 32 : index
      %parallel_loop3A_311 = tpu.vector_load %arg9[%parallel_loop3A_309, %parallel_loop3A_310] {strides = array<i32>} : memref<128x128xf32, #tpu.memory_space<vmem>>, vector<16xf32>,
      %parallel_loop3A_312 = arith.mulf %parallel_loop3A_311, %get3A_20 : vector<16xf32>
      %parallel_loop3A_313 = arith.addf %broadcast_in_dim3A_14, %parallel_loop3A_312 : vector<16xf32>
      %parallel_loop3A_314 = arith.index_cast %parallel_loop3A_296 : i32 to index
      %parallel_loop3A_315 = arith.constant 48 : index
      %parallel_loop3A_316 = tpu.vector_load %arg9[%parallel_loop3A_314, %parallel_loop3A_315] {strides = array<i32>} : memref<128x128xf32, #tpu.memory_space<vmem>>, vector<16xf32>,
      %parallel_loop3A_317 = arith.mulf %parallel_loop3A_316, %get3A_22 : vector<16xf32>
      %parallel_loop3A_318 = arith.addf %broadcast_in_dim3A_14, %parallel_loop3A_317 : vector<16xf32>
      %parallel_loop3A_319 = arith.index_cast %parallel_loop3A_296 : i32 to index
      %parallel_loop3A_320 = arith.constant 64 : index
      %parallel_loop3A_321 = tpu.vector_load %arg9[%parallel_loop3A_319, %parallel_loop3A_320] {strides = array<i32>} : memref<128x128xf32, #tpu.memory_space<vmem>>, vector<16xf32>,
      %parallel_loop3A_322 = arith.mulf %parallel_loop3A_321, %get3A_24 : vector<16xf32>
      %parallel_loop3A_323 = arith.addf %parallel_loop3A_303, %parallel_loop3A_322 : vector<16xf32>
      %parallel_loop3A_324 = arith.index_cast %parallel_loop3A_296 : i32 to index
      %parallel_loop3A_325 = arith.constant 80 : index
      %parallel_loop3A_326 = tpu.vector_load %arg9[%parallel_loop3A_324, %parallel_loop3A_325] {strides = array<i32>} : memref<128x128xf32, #tpu.memory_space<vmem>>, vector<16xf32>,
      %parallel_loop3A_327 = arith.mulf %parallel_loop3A_326, %get3A_26 : vector<16xf32>
      %parallel_loop3A_328 = arith.addf %parallel_loop3A_308, %parallel_loop3A_327 : vector<16xf32>
      %parallel_loop3A_329 = arith.index_cast %parallel_loop3A_296 : i32 to index
      %parallel_loop3A_330 = arith.constant 96 : index
      %parallel_loop3A_331 = tpu.vector_load %arg9[%parallel_loop3A_329, %parallel_loop3A_330] {strides = array<i32>} : memref<128x128xf32, #tpu.memory_space<vmem>>, vector<16xf32>,
      %parallel_loop3A_332 = arith.mulf %parallel_loop3A_331, %get3A_28 : vector<16xf32>
      %parallel_loop3A_333 = arith.addf %parallel_loop3A_313, %parallel_loop3A_332 : vector<16xf32>
      %parallel_loop3A_334 = arith.index_cast %parallel_loop3A_296 : i32 to index
      %parallel_loop3A_335 = arith.constant 112 : index
      %parallel_loop3A_336 = tpu.vector_load %arg9[%parallel_loop3A_334, %parallel_loop3A_335] {strides = array<i32>} : memref<128x128xf32, #tpu.memory_space<vmem>>, vector<16xf32>,
      %parallel_loop3A_337 = arith.mulf %parallel_loop3A_336, %get3A_30 : vector<16xf32>
      %parallel_loop3A_338 = arith.addf %parallel_loop3A_318, %parallel_loop3A_337 : vector<16xf32>
      %parallel_loop3A_339 = arith.index_cast %parallel_loop3A_298 : i32 to index
      %parallel_loop3A_340 = arith.constant 0 : index
      %parallel_loop3A_341 = tpu.vector_load %arg9[%parallel_loop3A_339, %parallel_loop3A_340] {strides = array<i32>} : memref<128x128xf32, #tpu.memory_space<vmem>>, vector<16xf32>,
      %parallel_loop3A_342 = arith.mulf %parallel_loop3A_341, %get3A_32 : vector<16xf32>
      %parallel_loop3A_343 = arith.addf %parallel_loop3A_323, %parallel_loop3A_342 : vector<16xf32>
      %parallel_loop3A_344 = arith.index_cast %parallel_loop3A_298 : i32 to index
      %parallel_loop3A_345 = arith.constant 16 : index
      %parallel_loop3A_346 = tpu.vector_load %arg9[%parallel_loop3A_344, %parallel_loop3A_345] {strides = array<i32>} : memref<128x128xf32, #tpu.memory_space<vmem>>, vector<16xf32>,
      %parallel_loop3A_347 = arith.mulf %parallel_loop3A_346, %get3A_34 : vector<16xf32>
      %parallel_loop3A_348 = arith.addf %parallel_loop3A_328, %parallel_loop3A_347 : vector<16xf32>
      %parallel_loop3A_349 = arith.index_cast %parallel_loop3A_298 : i32 to index
      %parallel_loop3A_350 = arith.constant 32 : index
      %parallel_loop3A_351 = tpu.vector_load %arg9[%parallel_loop3A_349, %parallel_loop3A_350] {strides = array<i32>} : memref<128x128xf32, #tpu.memory_space<vmem>>, vector<16xf32>,
      %parallel_loop3A_352 = arith.mulf %parallel_loop3A_351, %get3A_36 : vector<16xf32>
      %parallel_loop3A_353 = arith.addf %parallel_loop3A_333, %parallel_loop3A_352 : vector<16xf32>
      %parallel_loop3A_354 = arith.index_cast %parallel_loop3A_298 : i32 to index
      %parallel_loop3A_355 = arith.constant 48 : index
      %parallel_loop3A_356 = tpu.vector_load %arg9[%parallel_loop3A_354, %parallel_loop3A_355] {strides = array<i32>} : memref<128x128xf32, #tpu.memory_space<vmem>>, vector<16xf32>,
      %parallel_loop3A_357 = arith.mulf %parallel_loop3A_356, %get3A_38 : vector<16xf32>
      %parallel_loop3A_358 = arith.addf %parallel_loop3A_338, %parallel_loop3A_357 : vector<16xf32>
      %parallel_loop3A_359 = arith.index_cast %parallel_loop3A_298 : i32 to index
      %parallel_loop3A_360 = arith.constant 64 : index
      %parallel_loop3A_361 = tpu.vector_load %arg9[%parallel_loop3A_359, %parallel_loop3A_360] {strides = array<i32>} : memref<128x128xf32, #tpu.memory_space<vmem>>, vector<16xf32>,
      %parallel_loop3A_362 = arith.mulf %parallel_loop3A_361, %get3A_40 : vector<16xf32>
      %parallel_loop3A_363 = arith.addf %parallel_loop3A_343, %parallel_loop3A_362 : vector<16xf32>
      %parallel_loop3A_364 = arith.index_cast %parallel_loop3A_298 : i32 to index
      %parallel_loop3A_365 = arith.constant 80 : index
      %parallel_loop3A_366 = tpu.vector_load %arg9[%parallel_loop3A_364, %parallel_loop3A_365] {strides = array<i32>} : memref<128x128xf32, #tpu.memory_space<vmem>>, vector<16xf32>,
      %parallel_loop3A_367 = arith.mulf %parallel_loop3A_366, %get3A_42 : vector<16xf32>
      %parallel_loop3A_368 = arith.addf %parallel_loop3A_348, %parallel_loop3A_367 : vector<16xf32>
      %parallel_loop3A_369 = arith.index_cast %parallel_loop3A_298 : i32 to index
      %parallel_loop3A_370 = arith.constant 96 : index
      %parallel_loop3A_371 = tpu.vector_load %arg9[%parallel_loop3A_369, %parallel_loop3A_370] {strides = array<i32>} : memref<128x128xf32, #tpu.memory_space<vmem>>, vector<16xf32>,
      %parallel_loop3A_372 = arith.mulf %parallel_loop3A_371, %get3A_44 : vector<16xf32>
      %parallel_loop3A_373 = arith.addf %parallel_loop3A_353, %parallel_loop3A_372 : vector<16xf32>
      %parallel_loop3A_374 = arith.index_cast %parallel_loop3A_298 : i32 to index
      %parallel_loop3A_375 = arith.constant 112 : index
      %parallel_loop3A_376 = tpu.vector_load %arg9[%parallel_loop3A_374, %parallel_loop3A_375] {strides = array<i32>} : memref<128x128xf32, #tpu.memory_space<vmem>>, vector<16xf32>,
      %parallel_loop3A_377 = arith.mulf %parallel_loop3A_376, %get3A_46 : vector<16xf32>
      %parallel_loop3A_378 = arith.addf %parallel_loop3A_358, %parallel_loop3A_377 : vector<16xf32>
      %parallel_loop3A_379 = arith.addf %parallel_loop3A_363, %parallel_loop3A_368 : vector<16xf32>
      %parallel_loop3A_380 = arith.addf %parallel_loop3A_373, %parallel_loop3A_378 : vector<16xf32>
      %parallel_loop3A_381 = arith.addf %parallel_loop3A_379, %parallel_loop3A_380 : vector<16xf32>
      %parallel_loop3A_382 = arith.constant true
      %parallel_loop3A_383 = vector.broadcast %parallel_loop3A_382 : i1 to vector<16xi1>
      %parallel_loop3A_384 = tpu.scan <sum>, %parallel_loop3A_381 masked %parallel_loop3A_383 : vector<16xf32>, vector<16xi1> -> vector<16xf32>
      %parallel_loop3A_385 = vector.extract %parallel_loop3A_384[15] : f32 from vector<16xf32>
      %parallel_loop3A_386 = vector.broadcast %parallel_loop3A_385 : f32 to vector<16xf32>
      %parallel_loop3A_387 = arith.constant 0.000000e+00 : f32
      %parallel_loop3A_388 = vector.broadcast %parallel_loop3A_387 : f32 to vector<16xf32>
      %parallel_loop3A_389 = arith.subf %parallel_loop3A_388, %parallel_loop3A_386 : vector<16xf32>
      %parallel_loop3A_390 = math.exp %parallel_loop3A_389 : vector<16xf32>
      %parallel_loop3A_391 = arith.constant 1.000000e+00 : f32
      %parallel_loop3A_392 = vector.broadcast %parallel_loop3A_391 : f32 to vector<16xf32>
      %parallel_loop3A_393 = arith.addf %parallel_loop3A_392, %parallel_loop3A_390 : vector<16xf32>
      %parallel_loop3A_394 = arith.constant 1.000000e+00 : f32
      %parallel_loop3A_395 = vector.broadcast %parallel_loop3A_394 : f32 to vector<16xf32>
      %parallel_loop3A_396 = arith.divf %parallel_loop3A_395, %parallel_loop3A_393 : vector<16xf32>
      %parallel_loop3A_397 = arith.constant 320 : i32
      %parallel_loop3A_398 = arith.addi %parallel_loop3A_294, %parallel_loop3A_397 : i32
      %parallel_loop3A_399 = vector.broadcast %parallel_loop3A_398 : i32 to vector<16xi32>
      tpu.vector_store_idx %arg14[%parallel_loop3A_399], %parallel_loop3A_396 masked %eq3A_12 : memref<512xf32, #tpu.memory_space<vmem>>[vector<16xi32>], vector<16xf32>, vector<16xi1>
    } {sc.loop_unroll_factor = 4 : i64, sc.parallel_access}
    %add3A_202 = arith.constant 320 : i32
    %add3A_203 = arith.addi %mul3A_2, %add3A_202 : i32
    %dma_start3A_204 = arith.constant 320 : i32
    %dma_start3A_205 = tpu.memref_slice %arg14[%dma_start3A_204] : memref<512xf32, #tpu.memory_space<vmem>> -> memref<64xf32, #tpu.memory_space<vmem>>
    %dma_start3A_206 = tpu.memref_slice %arg6[%add3A_203] : memref<16384xf32, #tpu.memory_space<hbm>> -> memref<64xf32, #tpu.memory_space<hbm>>
    %dma_start3A_207 = tpu.memref_slice %arg6[%add3A_203] : memref<16384xf32, #tpu.memory_space<hbm>> -> memref<64xf32, #tpu.memory_space<hbm>>
    %dma_start3A_208 = arith.constant 320 : i32
    %dma_start3A_209 = tpu.memref_slice %arg14[%dma_start3A_208] : memref<512xf32, #tpu.memory_space<vmem>> -> memref<64xf32, #tpu.memory_space<vmem>>
    tpu.enqueue_dma source(%dma_start3A_209 : memref<64xf32, #tpu.memory_space<vmem>>) target(%dma_start3A_207 : memref<64xf32, #tpu.memory_space<hbm>>) target_semaphore(%arg19 : memref<!tpu.dma_semaphore, #tpu.memory_space<semaphore_mem>>)
    %dma_wait3A_210 = arith.constant 6 : i32
    %dma_wait3A_211 = arith.constant 0 : i32
    %dma_wait3A_212 = tpu.memref_slice %arg7[%dma_wait3A_210, %dma_wait3A_211] : memref<8x128xi32, #tpu.memory_space<vmem>> -> memref<1x128xi32, #tpu.memory_space<vmem>>
    %dma_wait3A_213 = tpu.memref_squeeze %dma_wait3A_212 : memref<1x128xi32, #tpu.memory_space<vmem>> -> memref<128xi32, #tpu.memory_space<vmem>>
    %dma_wait3A_214 = arith.constant 0 : i32
    %dma_wait3A_215 = arith.constant 0 : i32
    %dma_wait3A_216 = tpu.memref_slice %arg3[%dma_wait3A_214, %dma_wait3A_215] : memref<1000000x128xf32, #tpu.memory_space<hbm>> -> memref<1000000x128xf32, #tpu.memory_space<hbm>>
    tpu.wait_indirect_dma semaphore(%arg17 : memref<!tpu.dma_semaphore, #tpu.memory_space<semaphore_mem>>) src(%dma_wait3A_216 : memref<1000000x128xf32, #tpu.memory_space<hbm>>) dst(%arg10 : memref<128x128xf32, #tpu.memory_space<vmem>>)
    %parallel_loop3A_217 = arith.constant 0 : i32
    %parallel_loop3A_218 = arith.constant 64 : i32
    %parallel_loop3A_219 = arith.constant 1 : i32
    scf.for %parallel_loop3A_294 = %parallel_loop3A_217 to %parallel_loop3A_218 step %parallel_loop3A_219  : i32 {
      %parallel_loop3A_295 = arith.constant 2 : i32
      %parallel_loop3A_296 = arith.muli %parallel_loop3A_294, %parallel_loop3A_295 : i32
      %parallel_loop3A_297 = arith.constant 1 : i32
      %parallel_loop3A_298 = arith.addi %parallel_loop3A_296, %parallel_loop3A_297 : i32
      %parallel_loop3A_299 = arith.index_cast %parallel_loop3A_296 : i32 to index
      %parallel_loop3A_300 = arith.constant 0 : index
      %parallel_loop3A_301 = tpu.vector_load %arg10[%parallel_loop3A_299, %parallel_loop3A_300] {strides = array<i32>} : memref<128x128xf32, #tpu.memory_space<vmem>>, vector<16xf32>,
      %parallel_loop3A_302 = arith.mulf %parallel_loop3A_301, %get3A_16 : vector<16xf32>
      %parallel_loop3A_303 = arith.addf %get3A_13, %parallel_loop3A_302 : vector<16xf32>
      %parallel_loop3A_304 = arith.index_cast %parallel_loop3A_296 : i32 to index
      %parallel_loop3A_305 = arith.constant 16 : index
      %parallel_loop3A_306 = tpu.vector_load %arg10[%parallel_loop3A_304, %parallel_loop3A_305] {strides = array<i32>} : memref<128x128xf32, #tpu.memory_space<vmem>>, vector<16xf32>,
      %parallel_loop3A_307 = arith.mulf %parallel_loop3A_306, %get3A_18 : vector<16xf32>
      %parallel_loop3A_308 = arith.addf %broadcast_in_dim3A_14, %parallel_loop3A_307 : vector<16xf32>
      %parallel_loop3A_309 = arith.index_cast %parallel_loop3A_296 : i32 to index
      %parallel_loop3A_310 = arith.constant 32 : index
      %parallel_loop3A_311 = tpu.vector_load %arg10[%parallel_loop3A_309, %parallel_loop3A_310] {strides = array<i32>} : memref<128x128xf32, #tpu.memory_space<vmem>>, vector<16xf32>,
      %parallel_loop3A_312 = arith.mulf %parallel_loop3A_311, %get3A_20 : vector<16xf32>
      %parallel_loop3A_313 = arith.addf %broadcast_in_dim3A_14, %parallel_loop3A_312 : vector<16xf32>
      %parallel_loop3A_314 = arith.index_cast %parallel_loop3A_296 : i32 to index
      %parallel_loop3A_315 = arith.constant 48 : index
      %parallel_loop3A_316 = tpu.vector_load %arg10[%parallel_loop3A_314, %parallel_loop3A_315] {strides = array<i32>} : memref<128x128xf32, #tpu.memory_space<vmem>>, vector<16xf32>,
      %parallel_loop3A_317 = arith.mulf %parallel_loop3A_316, %get3A_22 : vector<16xf32>
      %parallel_loop3A_318 = arith.addf %broadcast_in_dim3A_14, %parallel_loop3A_317 : vector<16xf32>
      %parallel_loop3A_319 = arith.index_cast %parallel_loop3A_296 : i32 to index
      %parallel_loop3A_320 = arith.constant 64 : index
      %parallel_loop3A_321 = tpu.vector_load %arg10[%parallel_loop3A_319, %parallel_loop3A_320] {strides = array<i32>} : memref<128x128xf32, #tpu.memory_space<vmem>>, vector<16xf32>,
      %parallel_loop3A_322 = arith.mulf %parallel_loop3A_321, %get3A_24 : vector<16xf32>
      %parallel_loop3A_323 = arith.addf %parallel_loop3A_303, %parallel_loop3A_322 : vector<16xf32>
      %parallel_loop3A_324 = arith.index_cast %parallel_loop3A_296 : i32 to index
      %parallel_loop3A_325 = arith.constant 80 : index
      %parallel_loop3A_326 = tpu.vector_load %arg10[%parallel_loop3A_324, %parallel_loop3A_325] {strides = array<i32>} : memref<128x128xf32, #tpu.memory_space<vmem>>, vector<16xf32>,
      %parallel_loop3A_327 = arith.mulf %parallel_loop3A_326, %get3A_26 : vector<16xf32>
      %parallel_loop3A_328 = arith.addf %parallel_loop3A_308, %parallel_loop3A_327 : vector<16xf32>
      %parallel_loop3A_329 = arith.index_cast %parallel_loop3A_296 : i32 to index
      %parallel_loop3A_330 = arith.constant 96 : index
      %parallel_loop3A_331 = tpu.vector_load %arg10[%parallel_loop3A_329, %parallel_loop3A_330] {strides = array<i32>} : memref<128x128xf32, #tpu.memory_space<vmem>>, vector<16xf32>,
      %parallel_loop3A_332 = arith.mulf %parallel_loop3A_331, %get3A_28 : vector<16xf32>
      %parallel_loop3A_333 = arith.addf %parallel_loop3A_313, %parallel_loop3A_332 : vector<16xf32>
      %parallel_loop3A_334 = arith.index_cast %parallel_loop3A_296 : i32 to index
      %parallel_loop3A_335 = arith.constant 112 : index
      %parallel_loop3A_336 = tpu.vector_load %arg10[%parallel_loop3A_334, %parallel_loop3A_335] {strides = array<i32>} : memref<128x128xf32, #tpu.memory_space<vmem>>, vector<16xf32>,
      %parallel_loop3A_337 = arith.mulf %parallel_loop3A_336, %get3A_30 : vector<16xf32>
      %parallel_loop3A_338 = arith.addf %parallel_loop3A_318, %parallel_loop3A_337 : vector<16xf32>
      %parallel_loop3A_339 = arith.index_cast %parallel_loop3A_298 : i32 to index
      %parallel_loop3A_340 = arith.constant 0 : index
      %parallel_loop3A_341 = tpu.vector_load %arg10[%parallel_loop3A_339, %parallel_loop3A_340] {strides = array<i32>} : memref<128x128xf32, #tpu.memory_space<vmem>>, vector<16xf32>,
      %parallel_loop3A_342 = arith.mulf %parallel_loop3A_341, %get3A_32 : vector<16xf32>
      %parallel_loop3A_343 = arith.addf %parallel_loop3A_323, %parallel_loop3A_342 : vector<16xf32>
      %parallel_loop3A_344 = arith.index_cast %parallel_loop3A_298 : i32 to index
      %parallel_loop3A_345 = arith.constant 16 : index
      %parallel_loop3A_346 = tpu.vector_load %arg10[%parallel_loop3A_344, %parallel_loop3A_345] {strides = array<i32>} : memref<128x128xf32, #tpu.memory_space<vmem>>, vector<16xf32>,
      %parallel_loop3A_347 = arith.mulf %parallel_loop3A_346, %get3A_34 : vector<16xf32>
      %parallel_loop3A_348 = arith.addf %parallel_loop3A_328, %parallel_loop3A_347 : vector<16xf32>
      %parallel_loop3A_349 = arith.index_cast %parallel_loop3A_298 : i32 to index
      %parallel_loop3A_350 = arith.constant 32 : index
      %parallel_loop3A_351 = tpu.vector_load %arg10[%parallel_loop3A_349, %parallel_loop3A_350] {strides = array<i32>} : memref<128x128xf32, #tpu.memory_space<vmem>>, vector<16xf32>,
      %parallel_loop3A_352 = arith.mulf %parallel_loop3A_351, %get3A_36 : vector<16xf32>
      %parallel_loop3A_353 = arith.addf %parallel_loop3A_333, %parallel_loop3A_352 : vector<16xf32>
      %parallel_loop3A_354 = arith.index_cast %parallel_loop3A_298 : i32 to index
      %parallel_loop3A_355 = arith.constant 48 : index
      %parallel_loop3A_356 = tpu.vector_load %arg10[%parallel_loop3A_354, %parallel_loop3A_355] {strides = array<i32>} : memref<128x128xf32, #tpu.memory_space<vmem>>, vector<16xf32>,
      %parallel_loop3A_357 = arith.mulf %parallel_loop3A_356, %get3A_38 : vector<16xf32>
      %parallel_loop3A_358 = arith.addf %parallel_loop3A_338, %parallel_loop3A_357 : vector<16xf32>
      %parallel_loop3A_359 = arith.index_cast %parallel_loop3A_298 : i32 to index
      %parallel_loop3A_360 = arith.constant 64 : index
      %parallel_loop3A_361 = tpu.vector_load %arg10[%parallel_loop3A_359, %parallel_loop3A_360] {strides = array<i32>} : memref<128x128xf32, #tpu.memory_space<vmem>>, vector<16xf32>,
      %parallel_loop3A_362 = arith.mulf %parallel_loop3A_361, %get3A_40 : vector<16xf32>
      %parallel_loop3A_363 = arith.addf %parallel_loop3A_343, %parallel_loop3A_362 : vector<16xf32>
      %parallel_loop3A_364 = arith.index_cast %parallel_loop3A_298 : i32 to index
      %parallel_loop3A_365 = arith.constant 80 : index
      %parallel_loop3A_366 = tpu.vector_load %arg10[%parallel_loop3A_364, %parallel_loop3A_365] {strides = array<i32>} : memref<128x128xf32, #tpu.memory_space<vmem>>, vector<16xf32>,
      %parallel_loop3A_367 = arith.mulf %parallel_loop3A_366, %get3A_42 : vector<16xf32>
      %parallel_loop3A_368 = arith.addf %parallel_loop3A_348, %parallel_loop3A_367 : vector<16xf32>
      %parallel_loop3A_369 = arith.index_cast %parallel_loop3A_298 : i32 to index
      %parallel_loop3A_370 = arith.constant 96 : index
      %parallel_loop3A_371 = tpu.vector_load %arg10[%parallel_loop3A_369, %parallel_loop3A_370] {strides = array<i32>} : memref<128x128xf32, #tpu.memory_space<vmem>>, vector<16xf32>,
      %parallel_loop3A_372 = arith.mulf %parallel_loop3A_371, %get3A_44 : vector<16xf32>
      %parallel_loop3A_373 = arith.addf %parallel_loop3A_353, %parallel_loop3A_372 : vector<16xf32>
      %parallel_loop3A_374 = arith.index_cast %parallel_loop3A_298 : i32 to index
      %parallel_loop3A_375 = arith.constant 112 : index
      %parallel_loop3A_376 = tpu.vector_load %arg10[%parallel_loop3A_374, %parallel_loop3A_375] {strides = array<i32>} : memref<128x128xf32, #tpu.memory_space<vmem>>, vector<16xf32>,
      %parallel_loop3A_377 = arith.mulf %parallel_loop3A_376, %get3A_46 : vector<16xf32>
      %parallel_loop3A_378 = arith.addf %parallel_loop3A_358, %parallel_loop3A_377 : vector<16xf32>
      %parallel_loop3A_379 = arith.addf %parallel_loop3A_363, %parallel_loop3A_368 : vector<16xf32>
      %parallel_loop3A_380 = arith.addf %parallel_loop3A_373, %parallel_loop3A_378 : vector<16xf32>
      %parallel_loop3A_381 = arith.addf %parallel_loop3A_379, %parallel_loop3A_380 : vector<16xf32>
      %parallel_loop3A_382 = arith.constant true
      %parallel_loop3A_383 = vector.broadcast %parallel_loop3A_382 : i1 to vector<16xi1>
      %parallel_loop3A_384 = tpu.scan <sum>, %parallel_loop3A_381 masked %parallel_loop3A_383 : vector<16xf32>, vector<16xi1> -> vector<16xf32>
      %parallel_loop3A_385 = vector.extract %parallel_loop3A_384[15] : f32 from vector<16xf32>
      %parallel_loop3A_386 = vector.broadcast %parallel_loop3A_385 : f32 to vector<16xf32>
      %parallel_loop3A_387 = arith.constant 0.000000e+00 : f32
      %parallel_loop3A_388 = vector.broadcast %parallel_loop3A_387 : f32 to vector<16xf32>
      %parallel_loop3A_389 = arith.subf %parallel_loop3A_388, %parallel_loop3A_386 : vector<16xf32>
      %parallel_loop3A_390 = math.exp %parallel_loop3A_389 : vector<16xf32>
      %parallel_loop3A_391 = arith.constant 1.000000e+00 : f32
      %parallel_loop3A_392 = vector.broadcast %parallel_loop3A_391 : f32 to vector<16xf32>
      %parallel_loop3A_393 = arith.addf %parallel_loop3A_392, %parallel_loop3A_390 : vector<16xf32>
      %parallel_loop3A_394 = arith.constant 1.000000e+00 : f32
      %parallel_loop3A_395 = vector.broadcast %parallel_loop3A_394 : f32 to vector<16xf32>
      %parallel_loop3A_396 = arith.divf %parallel_loop3A_395, %parallel_loop3A_393 : vector<16xf32>
      %parallel_loop3A_397 = arith.constant 384 : i32
      %parallel_loop3A_398 = arith.addi %parallel_loop3A_294, %parallel_loop3A_397 : i32
      %parallel_loop3A_399 = vector.broadcast %parallel_loop3A_398 : i32 to vector<16xi32>
      tpu.vector_store_idx %arg14[%parallel_loop3A_399], %parallel_loop3A_396 masked %eq3A_12 : memref<512xf32, #tpu.memory_space<vmem>>[vector<16xi32>], vector<16xf32>, vector<16xi1>
    } {sc.loop_unroll_factor = 4 : i64, sc.parallel_access}
    %add3A_220 = arith.constant 384 : i32
    %add3A_221 = arith.addi %mul3A_2, %add3A_220 : i32
    %dma_start3A_222 = arith.constant 384 : i32
    %dma_start3A_223 = tpu.memref_slice %arg14[%dma_start3A_222] : memref<512xf32, #tpu.memory_space<vmem>> -> memref<64xf32, #tpu.memory_space<vmem>>
    %dma_start3A_224 = tpu.memref_slice %arg6[%add3A_221] : memref<16384xf32, #tpu.memory_space<hbm>> -> memref<64xf32, #tpu.memory_space<hbm>>
    %dma_start3A_225 = tpu.memref_slice %arg6[%add3A_221] : memref<16384xf32, #tpu.memory_space<hbm>> -> memref<64xf32, #tpu.memory_space<hbm>>
    %dma_start3A_226 = arith.constant 384 : i32
    %dma_start3A_227 = tpu.memref_slice %arg14[%dma_start3A_226] : memref<512xf32, #tpu.memory_space<vmem>> -> memref<64xf32, #tpu.memory_space<vmem>>
    tpu.enqueue_dma source(%dma_start3A_227 : memref<64xf32, #tpu.memory_space<vmem>>) target(%dma_start3A_225 : memref<64xf32, #tpu.memory_space<hbm>>) target_semaphore(%arg19 : memref<!tpu.dma_semaphore, #tpu.memory_space<semaphore_mem>>)
    %dma_wait3A_228 = arith.constant 7 : i32
    %dma_wait3A_229 = arith.constant 0 : i32
    %dma_wait3A_230 = tpu.memref_slice %arg7[%dma_wait3A_228, %dma_wait3A_229] : memref<8x128xi32, #tpu.memory_space<vmem>> -> memref<1x128xi32, #tpu.memory_space<vmem>>
    %dma_wait3A_231 = tpu.memref_squeeze %dma_wait3A_230 : memref<1x128xi32, #tpu.memory_space<vmem>> -> memref<128xi32, #tpu.memory_space<vmem>>
    %dma_wait3A_232 = arith.constant 0 : i32
    %dma_wait3A_233 = arith.constant 0 : i32
    %dma_wait3A_234 = tpu.memref_slice %arg3[%dma_wait3A_232, %dma_wait3A_233] : memref<1000000x128xf32, #tpu.memory_space<hbm>> -> memref<1000000x128xf32, #tpu.memory_space<hbm>>
    tpu.wait_indirect_dma semaphore(%arg18 : memref<!tpu.dma_semaphore, #tpu.memory_space<semaphore_mem>>) src(%dma_wait3A_234 : memref<1000000x128xf32, #tpu.memory_space<hbm>>) dst(%arg11 : memref<128x128xf32, #tpu.memory_space<vmem>>)
    %parallel_loop3A_235 = arith.constant 0 : i32
    %parallel_loop3A_236 = arith.constant 64 : i32
    %parallel_loop3A_237 = arith.constant 1 : i32
    scf.for %parallel_loop3A_294 = %parallel_loop3A_235 to %parallel_loop3A_236 step %parallel_loop3A_237  : i32 {
      %parallel_loop3A_295 = arith.constant 2 : i32
      %parallel_loop3A_296 = arith.muli %parallel_loop3A_294, %parallel_loop3A_295 : i32
      %parallel_loop3A_297 = arith.constant 1 : i32
      %parallel_loop3A_298 = arith.addi %parallel_loop3A_296, %parallel_loop3A_297 : i32
      %parallel_loop3A_299 = arith.index_cast %parallel_loop3A_296 : i32 to index
      %parallel_loop3A_300 = arith.constant 0 : index
      %parallel_loop3A_301 = tpu.vector_load %arg11[%parallel_loop3A_299, %parallel_loop3A_300] {strides = array<i32>} : memref<128x128xf32, #tpu.memory_space<vmem>>, vector<16xf32>,
      %parallel_loop3A_302 = arith.mulf %parallel_loop3A_301, %get3A_16 : vector<16xf32>
      %parallel_loop3A_303 = arith.addf %get3A_13, %parallel_loop3A_302 : vector<16xf32>
      %parallel_loop3A_304 = arith.index_cast %parallel_loop3A_296 : i32 to index
      %parallel_loop3A_305 = arith.constant 16 : index
      %parallel_loop3A_306 = tpu.vector_load %arg11[%parallel_loop3A_304, %parallel_loop3A_305] {strides = array<i32>} : memref<128x128xf32, #tpu.memory_space<vmem>>, vector<16xf32>,
      %parallel_loop3A_307 = arith.mulf %parallel_loop3A_306, %get3A_18 : vector<16xf32>
      %parallel_loop3A_308 = arith.addf %broadcast_in_dim3A_14, %parallel_loop3A_307 : vector<16xf32>
      %parallel_loop3A_309 = arith.index_cast %parallel_loop3A_296 : i32 to index
      %parallel_loop3A_310 = arith.constant 32 : index
      %parallel_loop3A_311 = tpu.vector_load %arg11[%parallel_loop3A_309, %parallel_loop3A_310] {strides = array<i32>} : memref<128x128xf32, #tpu.memory_space<vmem>>, vector<16xf32>,
      %parallel_loop3A_312 = arith.mulf %parallel_loop3A_311, %get3A_20 : vector<16xf32>
      %parallel_loop3A_313 = arith.addf %broadcast_in_dim3A_14, %parallel_loop3A_312 : vector<16xf32>
      %parallel_loop3A_314 = arith.index_cast %parallel_loop3A_296 : i32 to index
      %parallel_loop3A_315 = arith.constant 48 : index
      %parallel_loop3A_316 = tpu.vector_load %arg11[%parallel_loop3A_314, %parallel_loop3A_315] {strides = array<i32>} : memref<128x128xf32, #tpu.memory_space<vmem>>, vector<16xf32>,
      %parallel_loop3A_317 = arith.mulf %parallel_loop3A_316, %get3A_22 : vector<16xf32>
      %parallel_loop3A_318 = arith.addf %broadcast_in_dim3A_14, %parallel_loop3A_317 : vector<16xf32>
      %parallel_loop3A_319 = arith.index_cast %parallel_loop3A_296 : i32 to index
      %parallel_loop3A_320 = arith.constant 64 : index
      %parallel_loop3A_321 = tpu.vector_load %arg11[%parallel_loop3A_319, %parallel_loop3A_320] {strides = array<i32>} : memref<128x128xf32, #tpu.memory_space<vmem>>, vector<16xf32>,
      %parallel_loop3A_322 = arith.mulf %parallel_loop3A_321, %get3A_24 : vector<16xf32>
      %parallel_loop3A_323 = arith.addf %parallel_loop3A_303, %parallel_loop3A_322 : vector<16xf32>
      %parallel_loop3A_324 = arith.index_cast %parallel_loop3A_296 : i32 to index
      %parallel_loop3A_325 = arith.constant 80 : index
      %parallel_loop3A_326 = tpu.vector_load %arg11[%parallel_loop3A_324, %parallel_loop3A_325] {strides = array<i32>} : memref<128x128xf32, #tpu.memory_space<vmem>>, vector<16xf32>,
      %parallel_loop3A_327 = arith.mulf %parallel_loop3A_326, %get3A_26 : vector<16xf32>
      %parallel_loop3A_328 = arith.addf %parallel_loop3A_308, %parallel_loop3A_327 : vector<16xf32>
      %parallel_loop3A_329 = arith.index_cast %parallel_loop3A_296 : i32 to index
      %parallel_loop3A_330 = arith.constant 96 : index
      %parallel_loop3A_331 = tpu.vector_load %arg11[%parallel_loop3A_329, %parallel_loop3A_330] {strides = array<i32>} : memref<128x128xf32, #tpu.memory_space<vmem>>, vector<16xf32>,
      %parallel_loop3A_332 = arith.mulf %parallel_loop3A_331, %get3A_28 : vector<16xf32>
      %parallel_loop3A_333 = arith.addf %parallel_loop3A_313, %parallel_loop3A_332 : vector<16xf32>
      %parallel_loop3A_334 = arith.index_cast %parallel_loop3A_296 : i32 to index
      %parallel_loop3A_335 = arith.constant 112 : index
      %parallel_loop3A_336 = tpu.vector_load %arg11[%parallel_loop3A_334, %parallel_loop3A_335] {strides = array<i32>} : memref<128x128xf32, #tpu.memory_space<vmem>>, vector<16xf32>,
      %parallel_loop3A_337 = arith.mulf %parallel_loop3A_336, %get3A_30 : vector<16xf32>
      %parallel_loop3A_338 = arith.addf %parallel_loop3A_318, %parallel_loop3A_337 : vector<16xf32>
      %parallel_loop3A_339 = arith.index_cast %parallel_loop3A_298 : i32 to index
      %parallel_loop3A_340 = arith.constant 0 : index
      %parallel_loop3A_341 = tpu.vector_load %arg11[%parallel_loop3A_339, %parallel_loop3A_340] {strides = array<i32>} : memref<128x128xf32, #tpu.memory_space<vmem>>, vector<16xf32>,
      %parallel_loop3A_342 = arith.mulf %parallel_loop3A_341, %get3A_32 : vector<16xf32>
      %parallel_loop3A_343 = arith.addf %parallel_loop3A_323, %parallel_loop3A_342 : vector<16xf32>
      %parallel_loop3A_344 = arith.index_cast %parallel_loop3A_298 : i32 to index
      %parallel_loop3A_345 = arith.constant 16 : index
      %parallel_loop3A_346 = tpu.vector_load %arg11[%parallel_loop3A_344, %parallel_loop3A_345] {strides = array<i32>} : memref<128x128xf32, #tpu.memory_space<vmem>>, vector<16xf32>,
      %parallel_loop3A_347 = arith.mulf %parallel_loop3A_346, %get3A_34 : vector<16xf32>
      %parallel_loop3A_348 = arith.addf %parallel_loop3A_328, %parallel_loop3A_347 : vector<16xf32>
      %parallel_loop3A_349 = arith.index_cast %parallel_loop3A_298 : i32 to index
      %parallel_loop3A_350 = arith.constant 32 : index
      %parallel_loop3A_351 = tpu.vector_load %arg11[%parallel_loop3A_349, %parallel_loop3A_350] {strides = array<i32>} : memref<128x128xf32, #tpu.memory_space<vmem>>, vector<16xf32>,
      %parallel_loop3A_352 = arith.mulf %parallel_loop3A_351, %get3A_36 : vector<16xf32>
      %parallel_loop3A_353 = arith.addf %parallel_loop3A_333, %parallel_loop3A_352 : vector<16xf32>
      %parallel_loop3A_354 = arith.index_cast %parallel_loop3A_298 : i32 to index
      %parallel_loop3A_355 = arith.constant 48 : index
      %parallel_loop3A_356 = tpu.vector_load %arg11[%parallel_loop3A_354, %parallel_loop3A_355] {strides = array<i32>} : memref<128x128xf32, #tpu.memory_space<vmem>>, vector<16xf32>,
      %parallel_loop3A_357 = arith.mulf %parallel_loop3A_356, %get3A_38 : vector<16xf32>
      %parallel_loop3A_358 = arith.addf %parallel_loop3A_338, %parallel_loop3A_357 : vector<16xf32>
      %parallel_loop3A_359 = arith.index_cast %parallel_loop3A_298 : i32 to index
      %parallel_loop3A_360 = arith.constant 64 : index
      %parallel_loop3A_361 = tpu.vector_load %arg11[%parallel_loop3A_359, %parallel_loop3A_360] {strides = array<i32>} : memref<128x128xf32, #tpu.memory_space<vmem>>, vector<16xf32>,
      %parallel_loop3A_362 = arith.mulf %parallel_loop3A_361, %get3A_40 : vector<16xf32>
      %parallel_loop3A_363 = arith.addf %parallel_loop3A_343, %parallel_loop3A_362 : vector<16xf32>
      %parallel_loop3A_364 = arith.index_cast %parallel_loop3A_298 : i32 to index
      %parallel_loop3A_365 = arith.constant 80 : index
      %parallel_loop3A_366 = tpu.vector_load %arg11[%parallel_loop3A_364, %parallel_loop3A_365] {strides = array<i32>} : memref<128x128xf32, #tpu.memory_space<vmem>>, vector<16xf32>,
      %parallel_loop3A_367 = arith.mulf %parallel_loop3A_366, %get3A_42 : vector<16xf32>
      %parallel_loop3A_368 = arith.addf %parallel_loop3A_348, %parallel_loop3A_367 : vector<16xf32>
      %parallel_loop3A_369 = arith.index_cast %parallel_loop3A_298 : i32 to index
      %parallel_loop3A_370 = arith.constant 96 : index
      %parallel_loop3A_371 = tpu.vector_load %arg11[%parallel_loop3A_369, %parallel_loop3A_370] {strides = array<i32>} : memref<128x128xf32, #tpu.memory_space<vmem>>, vector<16xf32>,
      %parallel_loop3A_372 = arith.mulf %parallel_loop3A_371, %get3A_44 : vector<16xf32>
      %parallel_loop3A_373 = arith.addf %parallel_loop3A_353, %parallel_loop3A_372 : vector<16xf32>
      %parallel_loop3A_374 = arith.index_cast %parallel_loop3A_298 : i32 to index
      %parallel_loop3A_375 = arith.constant 112 : index
      %parallel_loop3A_376 = tpu.vector_load %arg11[%parallel_loop3A_374, %parallel_loop3A_375] {strides = array<i32>} : memref<128x128xf32, #tpu.memory_space<vmem>>, vector<16xf32>,
      %parallel_loop3A_377 = arith.mulf %parallel_loop3A_376, %get3A_46 : vector<16xf32>
      %parallel_loop3A_378 = arith.addf %parallel_loop3A_358, %parallel_loop3A_377 : vector<16xf32>
      %parallel_loop3A_379 = arith.addf %parallel_loop3A_363, %parallel_loop3A_368 : vector<16xf32>
      %parallel_loop3A_380 = arith.addf %parallel_loop3A_373, %parallel_loop3A_378 : vector<16xf32>
      %parallel_loop3A_381 = arith.addf %parallel_loop3A_379, %parallel_loop3A_380 : vector<16xf32>
      %parallel_loop3A_382 = arith.constant true
      %parallel_loop3A_383 = vector.broadcast %parallel_loop3A_382 : i1 to vector<16xi1>
      %parallel_loop3A_384 = tpu.scan <sum>, %parallel_loop3A_381 masked %parallel_loop3A_383 : vector<16xf32>, vector<16xi1> -> vector<16xf32>
      %parallel_loop3A_385 = vector.extract %parallel_loop3A_384[15] : f32 from vector<16xf32>
      %parallel_loop3A_386 = vector.broadcast %parallel_loop3A_385 : f32 to vector<16xf32>
      %parallel_loop3A_387 = arith.constant 0.000000e+00 : f32
      %parallel_loop3A_388 = vector.broadcast %parallel_loop3A_387 : f32 to vector<16xf32>
      %parallel_loop3A_389 = arith.subf %parallel_loop3A_388, %parallel_loop3A_386 : vector<16xf32>
      %parallel_loop3A_390 = math.exp %parallel_loop3A_389 : vector<16xf32>
      %parallel_loop3A_391 = arith.constant 1.000000e+00 : f32
      %parallel_loop3A_392 = vector.broadcast %parallel_loop3A_391 : f32 to vector<16xf32>
      %parallel_loop3A_393 = arith.addf %parallel_loop3A_392, %parallel_loop3A_390 : vector<16xf32>
      %parallel_loop3A_394 = arith.constant 1.000000e+00 : f32
      %parallel_loop3A_395 = vector.broadcast %parallel_loop3A_394 : f32 to vector<16xf32>
      %parallel_loop3A_396 = arith.divf %parallel_loop3A_395, %parallel_loop3A_393 : vector<16xf32>
      %parallel_loop3A_397 = arith.constant 448 : i32
      %parallel_loop3A_398 = arith.addi %parallel_loop3A_294, %parallel_loop3A_397 : i32
      %parallel_loop3A_399 = vector.broadcast %parallel_loop3A_398 : i32 to vector<16xi32>
      tpu.vector_store_idx %arg14[%parallel_loop3A_399], %parallel_loop3A_396 masked %eq3A_12 : memref<512xf32, #tpu.memory_space<vmem>>[vector<16xi32>], vector<16xf32>, vector<16xi1>
    } {sc.loop_unroll_factor = 4 : i64, sc.parallel_access}
    %add3A_238 = arith.constant 448 : i32
    %add3A_239 = arith.addi %mul3A_2, %add3A_238 : i32
    %dma_start3A_240 = arith.constant 448 : i32
    %dma_start3A_241 = tpu.memref_slice %arg14[%dma_start3A_240] : memref<512xf32, #tpu.memory_space<vmem>> -> memref<64xf32, #tpu.memory_space<vmem>>
    %dma_start3A_242 = tpu.memref_slice %arg6[%add3A_239] : memref<16384xf32, #tpu.memory_space<hbm>> -> memref<64xf32, #tpu.memory_space<hbm>>
    %dma_start3A_243 = tpu.memref_slice %arg6[%add3A_239] : memref<16384xf32, #tpu.memory_space<hbm>> -> memref<64xf32, #tpu.memory_space<hbm>>
    %dma_start3A_244 = arith.constant 448 : i32
    %dma_start3A_245 = tpu.memref_slice %arg14[%dma_start3A_244] : memref<512xf32, #tpu.memory_space<vmem>> -> memref<64xf32, #tpu.memory_space<vmem>>
    tpu.enqueue_dma source(%dma_start3A_245 : memref<64xf32, #tpu.memory_space<vmem>>) target(%dma_start3A_243 : memref<64xf32, #tpu.memory_space<hbm>>) target_semaphore(%arg19 : memref<!tpu.dma_semaphore, #tpu.memory_space<semaphore_mem>>)
    %dma_wait3A_246 = arith.constant 0 : i32
    %dma_wait3A_247 = tpu.memref_slice %arg14[%dma_wait3A_246] : memref<512xf32, #tpu.memory_space<vmem>> -> memref<64xf32, #tpu.memory_space<vmem>>
    %dma_wait3A_248 = tpu.memref_slice %arg6[%add3A_85] : memref<16384xf32, #tpu.memory_space<hbm>> -> memref<64xf32, #tpu.memory_space<hbm>>
    %dma_wait3A_249 = tpu.memref_slice %arg6[%add3A_85] : memref<16384xf32, #tpu.memory_space<hbm>> -> memref<64xf32, #tpu.memory_space<hbm>>
    %dma_wait3A_250 = arith.constant 0 : i32
    %dma_wait3A_251 = tpu.memref_slice %arg14[%dma_wait3A_250] : memref<512xf32, #tpu.memory_space<vmem>> -> memref<64xf32, #tpu.memory_space<vmem>>
    tpu.wait_dma2 semaphore(%arg19 : memref<!tpu.dma_semaphore, #tpu.memory_space<semaphore_mem>>) src(%dma_wait3A_251 : memref<64xf32, #tpu.memory_space<vmem>>) dst(%dma_wait3A_249 : memref<64xf32, #tpu.memory_space<hbm>>)
    %dma_wait3A_252 = arith.constant 64 : i32
    %dma_wait3A_253 = tpu.memref_slice %arg14[%dma_wait3A_252] : memref<512xf32, #tpu.memory_space<vmem>> -> memref<64xf32, #tpu.memory_space<vmem>>
    %dma_wait3A_254 = tpu.memref_slice %arg6[%add3A_110] : memref<16384xf32, #tpu.memory_space<hbm>> -> memref<64xf32, #tpu.memory_space<hbm>>
    %dma_wait3A_255 = tpu.memref_slice %arg6[%add3A_110] : memref<16384xf32, #tpu.memory_space<hbm>> -> memref<64xf32, #tpu.memory_space<hbm>>
    %dma_wait3A_256 = arith.constant 64 : i32
    %dma_wait3A_257 = tpu.memref_slice %arg14[%dma_wait3A_256] : memref<512xf32, #tpu.memory_space<vmem>> -> memref<64xf32, #tpu.memory_space<vmem>>
    tpu.wait_dma2 semaphore(%arg19 : memref<!tpu.dma_semaphore, #tpu.memory_space<semaphore_mem>>) src(%dma_wait3A_257 : memref<64xf32, #tpu.memory_space<vmem>>) dst(%dma_wait3A_255 : memref<64xf32, #tpu.memory_space<hbm>>)
    %dma_wait3A_258 = arith.constant 128 : i32
    %dma_wait3A_259 = tpu.memref_slice %arg14[%dma_wait3A_258] : memref<512xf32, #tpu.memory_space<vmem>> -> memref<64xf32, #tpu.memory_space<vmem>>
    %dma_wait3A_260 = tpu.memref_slice %arg6[%add3A_135] : memref<16384xf32, #tpu.memory_space<hbm>> -> memref<64xf32, #tpu.memory_space<hbm>>
    %dma_wait3A_261 = tpu.memref_slice %arg6[%add3A_135] : memref<16384xf32, #tpu.memory_space<hbm>> -> memref<64xf32, #tpu.memory_space<hbm>>
    %dma_wait3A_262 = arith.constant 128 : i32
    %dma_wait3A_263 = tpu.memref_slice %arg14[%dma_wait3A_262] : memref<512xf32, #tpu.memory_space<vmem>> -> memref<64xf32, #tpu.memory_space<vmem>>
    tpu.wait_dma2 semaphore(%arg19 : memref<!tpu.dma_semaphore, #tpu.memory_space<semaphore_mem>>) src(%dma_wait3A_263 : memref<64xf32, #tpu.memory_space<vmem>>) dst(%dma_wait3A_261 : memref<64xf32, #tpu.memory_space<hbm>>)
    %dma_wait3A_264 = arith.constant 192 : i32
    %dma_wait3A_265 = tpu.memref_slice %arg14[%dma_wait3A_264] : memref<512xf32, #tpu.memory_space<vmem>> -> memref<64xf32, #tpu.memory_space<vmem>>
    %dma_wait3A_266 = tpu.memref_slice %arg6[%add3A_160] : memref<16384xf32, #tpu.memory_space<hbm>> -> memref<64xf32, #tpu.memory_space<hbm>>
    %dma_wait3A_267 = tpu.memref_slice %arg6[%add3A_160] : memref<16384xf32, #tpu.memory_space<hbm>> -> memref<64xf32, #tpu.memory_space<hbm>>
    %dma_wait3A_268 = arith.constant 192 : i32
    %dma_wait3A_269 = tpu.memref_slice %arg14[%dma_wait3A_268] : memref<512xf32, #tpu.memory_space<vmem>> -> memref<64xf32, #tpu.memory_space<vmem>>
    tpu.wait_dma2 semaphore(%arg19 : memref<!tpu.dma_semaphore, #tpu.memory_space<semaphore_mem>>) src(%dma_wait3A_269 : memref<64xf32, #tpu.memory_space<vmem>>) dst(%dma_wait3A_267 : memref<64xf32, #tpu.memory_space<hbm>>)
    %dma_wait3A_270 = arith.constant 256 : i32
    %dma_wait3A_271 = tpu.memref_slice %arg14[%dma_wait3A_270] : memref<512xf32, #tpu.memory_space<vmem>> -> memref<64xf32, #tpu.memory_space<vmem>>
    %dma_wait3A_272 = tpu.memref_slice %arg6[%add3A_185] : memref<16384xf32, #tpu.memory_space<hbm>> -> memref<64xf32, #tpu.memory_space<hbm>>
    %dma_wait3A_273 = tpu.memref_slice %arg6[%add3A_185] : memref<16384xf32, #tpu.memory_space<hbm>> -> memref<64xf32, #tpu.memory_space<hbm>>
    %dma_wait3A_274 = arith.constant 256 : i32
    %dma_wait3A_275 = tpu.memref_slice %arg14[%dma_wait3A_274] : memref<512xf32, #tpu.memory_space<vmem>> -> memref<64xf32, #tpu.memory_space<vmem>>
    tpu.wait_dma2 semaphore(%arg19 : memref<!tpu.dma_semaphore, #tpu.memory_space<semaphore_mem>>) src(%dma_wait3A_275 : memref<64xf32, #tpu.memory_space<vmem>>) dst(%dma_wait3A_273 : memref<64xf32, #tpu.memory_space<hbm>>)
    %dma_wait3A_276 = arith.constant 320 : i32
    %dma_wait3A_277 = tpu.memref_slice %arg14[%dma_wait3A_276] : memref<512xf32, #tpu.memory_space<vmem>> -> memref<64xf32, #tpu.memory_space<vmem>>
    %dma_wait3A_278 = tpu.memref_slice %arg6[%add3A_203] : memref<16384xf32, #tpu.memory_space<hbm>> -> memref<64xf32, #tpu.memory_space<hbm>>
    %dma_wait3A_279 = tpu.memref_slice %arg6[%add3A_203] : memref<16384xf32, #tpu.memory_space<hbm>> -> memref<64xf32, #tpu.memory_space<hbm>>
    %dma_wait3A_280 = arith.constant 320 : i32
    %dma_wait3A_281 = tpu.memref_slice %arg14[%dma_wait3A_280] : memref<512xf32, #tpu.memory_space<vmem>> -> memref<64xf32, #tpu.memory_space<vmem>>
    tpu.wait_dma2 semaphore(%arg19 : memref<!tpu.dma_semaphore, #tpu.memory_space<semaphore_mem>>) src(%dma_wait3A_281 : memref<64xf32, #tpu.memory_space<vmem>>) dst(%dma_wait3A_279 : memref<64xf32, #tpu.memory_space<hbm>>)
    %dma_wait3A_282 = arith.constant 384 : i32
    %dma_wait3A_283 = tpu.memref_slice %arg14[%dma_wait3A_282] : memref<512xf32, #tpu.memory_space<vmem>> -> memref<64xf32, #tpu.memory_space<vmem>>
    %dma_wait3A_284 = tpu.memref_slice %arg6[%add3A_221] : memref<16384xf32, #tpu.memory_space<hbm>> -> memref<64xf32, #tpu.memory_space<hbm>>
    %dma_wait3A_285 = tpu.memref_slice %arg6[%add3A_221] : memref<16384xf32, #tpu.memory_space<hbm>> -> memref<64xf32, #tpu.memory_space<hbm>>
    %dma_wait3A_286 = arith.constant 384 : i32
    %dma_wait3A_287 = tpu.memref_slice %arg14[%dma_wait3A_286] : memref<512xf32, #tpu.memory_space<vmem>> -> memref<64xf32, #tpu.memory_space<vmem>>
    tpu.wait_dma2 semaphore(%arg19 : memref<!tpu.dma_semaphore, #tpu.memory_space<semaphore_mem>>) src(%dma_wait3A_287 : memref<64xf32, #tpu.memory_space<vmem>>) dst(%dma_wait3A_285 : memref<64xf32, #tpu.memory_space<hbm>>)
    %dma_wait3A_288 = arith.constant 448 : i32
    %dma_wait3A_289 = tpu.memref_slice %arg14[%dma_wait3A_288] : memref<512xf32, #tpu.memory_space<vmem>> -> memref<64xf32, #tpu.memory_space<vmem>>
    %dma_wait3A_290 = tpu.memref_slice %arg6[%add3A_239] : memref<16384xf32, #tpu.memory_space<hbm>> -> memref<64xf32, #tpu.memory_space<hbm>>
    %dma_wait3A_291 = tpu.memref_slice %arg6[%add3A_239] : memref<16384xf32, #tpu.memory_space<hbm>> -> memref<64xf32, #tpu.memory_space<hbm>>
    %dma_wait3A_292 = arith.constant 448 : i32
    %dma_wait3A_293 = tpu.memref_slice %arg14[%dma_wait3A_292] : memref<512xf32, #tpu.memory_space<vmem>> -> memref<64xf32, #tpu.memory_space<vmem>>
    tpu.wait_dma2 semaphore(%arg19 : memref<!tpu.dma_semaphore, #tpu.memory_space<semaphore_mem>>) src(%dma_wait3A_293 : memref<64xf32, #tpu.memory_space<vmem>>) dst(%dma_wait3A_291 : memref<64xf32, #tpu.memory_space<hbm>>)
    return
  }
}

</mosaic_0001>

<sc_bundles>
// kernel: kernel.3.cloned.1.call-start
scs
__scs_entry_jumppad:
0x0: {  	(pc) =	sbr.rel $0x88, $3  }
0x1: {  	(tag) =	ssettag $0x0;
	lr =	simm.s32 $0x1  }
0x2: {  	[smem:$0x3F9D] =	sst lr;
	_ =	strace $0xD0000000  }
0x3: {  	_ = 	snop  }
0x4: {  	_ = 	snop  }
0x5: {  	_ = 	snop  }
0x6: {  	_ = 	snop  }
0x7: {  	_ = 	snop  }
__scs_overlays_trampoline_lowered:
0x8: {  	[smem:$0x3FAC] =	sst s0  }
0x9: {  	[smem:$0x3FAD] =	sst s1  }
0xa: {  	[smem:$0x3FAE] =	sst s2  }
0xb: {  	[smem:$0x3FAF] =	sst s3  }
0xc: {  	[smem:$0x3FB0] =	sst s4  }
0xd: {  	[smem:$0x3FB1] =	sst s5  }
0xe: {  	[smem:$0x3FB2] =	sst s6  }
0xf: {  	[smem:$0x3FB3] =	sst s7  }
0x10: {  	[smem:$0x3FB4] =	sst s8  }
0x11: {  	[smem:$0x3FB5] =	sst s9;
	s0 =	simm.s32 @!p0 $0x0  }
0x12: {  	s1 =	sld [smem:$0x3F9B];
	s0 =	simm.s32 @p0 $0x1  }
0x13: {  	[smem:$0x3FB6] =	sst s0;
	s0 =	simm.s32 @!p1 $0x0  }
0x14: {  	s2 =	sld [smem:$0x3F9A];
	s0 =	simm.s32 @p1 $0x1  }
0x15: {  	[smem:$0x3FB7] =	sst s0;
	s0 =	simm.s32 @!p2 $0x0  }
0x16: {  	s3 =	sld [smem:$0x3FDB];
	s0 =	simm.s32 @p2 $0x1  }
0x17: {  	s4 =	simm.s32 $0x1BF5;
	[smem:$0x3FB9] =	sst s0  }
0x18: {  	s0 =	sld [smem:$0x3F9C];
	_ =	swait.ge [sflag:s4], $0x0  }
0x19: {  	s7 =	sld [smem:$0x3F9D]  }
0x1a: {  	s8 =	sadd.s32 $0xFFFFE003, lr  }
0x1b: {  	s9 =	sadd.s32 $0xFFFFFEF7, lr;
	s5 =	simm.s32 $0xFFFFFFFF;
	p2 =	slt.u32 s8, $0xFFFFF086  }
0x1c: {  	p1 =	slt.u32 s9, $0xF7A;
	s5 =	simm.s32 @!p2 $0x0  }
0x1d: {  	s5 =	simm.s32 @p1 $0x1;
	p0 =	seq.s32 s7, s2  }
0x1e: {  	s7 =	smul.u32 @!p0 $0xF7A, s2;
	p2 =	seq.s32 @!p0 s5, $0x0  }
0x1f: {  	s9 =	smul.u32 $0xF7A, s1;
	s8 =	simm.s32 @!p0 $0x1BF5;
	p2 =	por !p2, p0  }
0x20: {  	[sflag:s8] =	ssyncset.s32 @!p0 $0xFFFFF086;
	s6 =	sadd.s32 @!p0 s3, s7;
	s7 =	simm.s32 @!p0 $0x108  }
0x21: {  	s3 =	sadd.s32 s3, s9;
	s6 =	sadd.s32 @!p0 $0x88, s6;
	s7 =	simm.s32 @p2 $0x1082  }
0x22: {  	[simem:s7], [sflag:s8] =	dma.local @!p0 [hbm:s6], $0xF7A  }
0x23: {  	s9 =	sor.u32 $0xD0000000, s2;
	s6 =	simm.s32 $0x108;
	_ =	swait.ge @!p0 [sflag:s8], $0x0  }
0x24: {  	s3 =	sadd.s32 $0x88, s3;
	s6 =	simm.s32 @!p1 $0x1082;
	[sflag:s4] =	ssyncset.s32 $0xFFFFF086  }
0x25: {  	[simem:s6], [sflag:s4] =	dma.local [hbm:s3], $0xF7A  }
0x26: {  	[smem:$0x3F9D] =	sst s1;
	(tag) =	ssettag s2;
	_ =	strace s9  }
0x27: {  	s1 =	sld [smem:$0x3FAD]  }
0x28: {  	s2 =	sld [smem:$0x3FAE]  }
0x29: {  	s4 =	sld [smem:$0x3FB0]  }
0x2a: {  	p0 =	seq.s32 s5, $0x0;
	s5 =	sld [smem:$0x3FB1]  }
0x2b: {  	s6 =	sld [smem:$0x3FB2]  }
0x2c: {  	s7 =	sld [smem:$0x3FB3]  }
0x2d: {  	s3 =	simm.s32 $0x108;
	s8 =	sld [smem:$0x3FB4]  }
0x2e: {  	s3 =	simm.s32 @!p0 $0x1082;
	s9 =	sld [smem:$0x3FB5]  }
0x2f: {  	lr =	sadd.s32 s0, s3;
	s0 =	sld [smem:$0x3FAC]  }
0x30: {  	s3 =	sld [smem:$0x3FAF]  }
0x31: {  	[smem:$0x3FB8] =	sst s10  }
0x32: {  	s10 =	sld [smem:$0x3FB6];
	_ =	sdelay $0x3  }
0x33: {  	p0 =	seq.s32 s10, $0x1;
	s10 =	sld [smem:$0x3FB8];
	_ =	sdelay $0x3  }
0x34: {  	[smem:$0x3FB8] =	sst s10  }
0x35: {  	s10 =	sld [smem:$0x3FB7];
	_ =	sdelay $0x3  }
0x36: {  	p1 =	seq.s32 s10, $0x1;
	s10 =	sld [smem:$0x3FB8];
	_ =	sdelay $0x3  }
0x37: {  	[smem:$0x3FB8] =	sst s10  }
0x38: {  	s10 =	sld [smem:$0x3FB9]  }
0x39: {  	_ = 	snop;
	(pc) =	sbr.ind lr, $3  }
0x3a: {  	_ = 	snop  }
0x3b: {  	_ = 	snop  }
0x3c: {  	p2 =	seq.s32 s10, $0x1;
	s10 =	sld [smem:$0x3FB8]  }
0x3d: {  	_ =	shalt  }
0x3e: {  	_ =	shalt  }
0x3f: {  	_ =	shalt  }
0x40: {  	_ =	shalt  }
0x41: {  	_ =	shalt  }
0x42: {  	_ =	shalt  }
0x43: {  	_ =	shalt  }
0x44: {  	_ =	shalt  }
0x45: {  	_ =	shalt  }
0x46: {  	_ =	shalt  }
0x47: {  	_ =	shalt  }
0x48: {  	_ =	shalt  }
0x49: {  	_ =	shalt  }
0x4a: {  	_ =	shalt  }
0x4b: {  	_ =	shalt  }
0x4c: {  	_ =	shalt  }
0x4d: {  	_ =	shalt  }
0x4e: {  	_ =	shalt  }
0x4f: {  	_ =	shalt  }
0x50: {  	_ =	shalt  }
0x51: {  	_ =	shalt  }
0x52: {  	_ =	shalt  }
0x53: {  	_ =	shalt  }
0x54: {  	_ =	shalt  }
0x55: {  	_ =	shalt  }
0x56: {  	_ =	shalt  }
0x57: {  	_ =	shalt  }
0x58: {  	_ =	shalt  }
0x59: {  	_ =	shalt  }
0x5a: {  	_ =	shalt  }
0x5b: {  	_ =	shalt  }
0x5c: {  	_ =	shalt  }
0x5d: {  	_ =	shalt  }
0x5e: {  	_ =	shalt  }
0x5f: {  	_ =	shalt  }
0x60: {  	_ =	shalt  }
0x61: {  	_ =	shalt  }
0x62: {  	_ =	shalt  }
0x63: {  	_ =	shalt  }
0x64: {  	_ =	shalt  }
0x65: {  	_ =	shalt  }
0x66: {  	_ =	shalt  }
0x67: {  	_ =	shalt  }
0x68: {  	_ =	shalt  }
0x69: {  	_ =	shalt  }
0x6a: {  	_ =	shalt  }
0x6b: {  	_ =	shalt  }
0x6c: {  	_ =	shalt  }
0x6d: {  	_ =	shalt  }
0x6e: {  	_ =	shalt  }
0x6f: {  	_ =	shalt  }
0x70: {  	_ =	shalt  }
0x71: {  	_ =	shalt  }
0x72: {  	_ =	shalt  }
0x73: {  	_ =	shalt  }
0x74: {  	_ =	shalt  }
0x75: {  	_ =	shalt  }
0x76: {  	_ =	shalt  }
0x77: {  	_ =	shalt  }
0x78: {  	_ =	shalt  }
0x79: {  	_ =	shalt  }
0x7a: {  	_ =	shalt  }
0x7b: {  	_ =	shalt  }
0x7c: {  	_ =	shalt  }
0x7d: {  	_ =	shalt  }
0x7e: {  	_ =	shalt  }
0x7f: {  	_ =	shalt  }
0x80: {  	_ =	shalt  }
0x81: {  	_ =	shalt  }
0x82: {  	_ =	shalt  }
0x83: {  	_ =	shalt  }
0x84: {  	_ =	shalt  }
0x85: {  	_ =	shalt  }
0x86: {  	_ =	shalt  }
0x87: {  	_ =	shalt  }
.Lfunc_end0:
.L_simem_size_0:
called_computation_lowered:
.L_overlay_start_0:
0x88: {  	s2 =	sld [smem:$0x3FD9]  }
0x89: {  	s3 =	sld [smem:$0x3FFE];
	_ =	sdelay $0x1  }
0x8a: {  	s1 =	srdreg.scid  }
0x8b: {  	s0 =	sand.u32 $0x1, s1  }
0x8c: {  	s17 =	sshll.u32 s0, $0xA;
	s2 =	sadd.s32 s3, s2  }
0x8d: {  	s2 =	sadd.s32 s2, s17  }
0x8e: {  	[smem:$0x3FC4] =	sst s2  }
0x8f: {  	_ = 	snop  }
0x90: {  	s2 =	sld [smem:$0x3FC8]  }
0x91: {  	s18 =	sld [smem:$0x3FC7]  }
0x92: {  	s4 =	sld [smem:$0x3FD0];
	(tm) =	ssettm $0x1  }
0x93: {  	s5 =	sld [smem:$0x3FFB];
	_ =	sdelay $0x3  }
0x94: {  	_ =	strace s5  }
0x95: {  	s5 =	sld [smem:$0x3FFC];
	_ =	sdelay $0x3  }
0x96: {  	_ =	strace s5  }
0x97: {  	s5 =	sld [smem:$0x3FFD];
	_ =	sdelay $0x3  }
0x98: {  	_ =	strace s5  }
0x99: {  	_ =	strace $0x8FFFFFFF  }
0x9a: {  	s19 =	sld [smem:$0x3FDB];
	_ =	sdelay $0x1  }
0x9b: {  	s6 =	simm.s32 $_scs_section_size  }
0x9c: {  	s7 =	simm.s32 $_size__tile_overlayer_lowered;
	s8 =	simm.s32 $_tile_overlayer_lowered  }
0x9d: {  	s22 =	simm.s32 $0x1BFF;
	s21 =	sshll.u32 s8, $0x1;
	s5 =	sadd.s32 s6, s19  }
0x9e: {  	s9 =	simm.s32 $0x0;
	s20 =	sshll.u32 s7, $0x1;
	s7 =	sadd.s32 s21, s5  }
0x9f: {  	[timem:s9], [sflag:s22] =	dma.local [hbm:s7], s20  }
0xa0: {  	_ =	swait.ge [sflag:s22], s20  }
0xa1: {  	s6 =	ssub.s32 $0x0, s20;
	[sflag:s22] =	ssyncset.done $0x0  }
0xa2: {  	[sflag:s22] =	ssyncadd.s32 s6;
	_ =	sdelay $0x1  }
0xa3: {  	s23 =	simm.s32 $0x1B8B  }
0xa4: {  	_ =	swait.ge [sflag:s23], $0x1  }
0xa5: {  	[sflag:s23] =	ssyncset.done $0x0  }
0xa6: {  	s25 =	simm.s32 $0x1B8E;
	s24 =	sld [smem:$0x3FFE];
	[sflag:s23] =	ssyncadd.s32 $0xFFFFFFFF  }
0xa7: {  	s26 =	simm.s32 $execute0_lowered;
	[smem:$0x3FD2] =	sst s25  }
0xa8: {  	s7 =	sshll.u32 s26, $0x1;
	_ =	strace $0x80000046;
	[dreg:$0x1] =	wrdreg $0xFFFFFFFF  }
0xa9: {  	s28 =	simm.s32 $_size_execute0_lowered;
	s5 =	sadd.s32 s5, s7;
	[dreg:$0x0] =	wrdreg $0x0  }
0xaa: {  	s7 =	sshll.u32 s28, $0x1;
	[dreg:$0x2] =	wrdreg s5  }
0xab: {  	[dreg:$0x3] =	wrdreg s7  }
0xac: {  	[dreg:$0x4] =	wrdreg $0xC0  }
0xad: {  	_ =	task [dreg:s9], $0x5FFFF  }
0xae: {  	[dreg:$0x1] =	wrdreg $0xFFFFFFFF  }
0xaf: {  	[dreg:$0x0] =	wrdreg $0x60  }
0xb0: {  	[dreg:$0x2] =	wrdreg s24  }
0xb1: {  	[dreg:$0x3] =	wrdreg s2  }
0xb2: {  	[dreg:$0x4] =	wrdreg s18  }
0xb3: {  	[dreg:$0x5] =	wrdreg s4  }
0xb4: {  	[dreg:$0x6] =	wrdreg $0x9  }
0xb5: {  	_ =	task.clear_ibuf [dreg:s9], $0x7FFFF;
	_ =	strace $0x90000046  }
0xb6: {  	s29 =	simm.s32 $0x9;
	_ =	strace $0x80000048  }
0xb7: {  	_ =	swait.ge [sflag:s29], $0x1  }
0xb8: {  	[sflag:s29] =	ssyncadd.s32 $0xFFFFFFFF  }
0xb9: {  	_ =	strace $0x90000048  }
0xba: {  	_ =	sfence  }
0xbb: {  	s30 =	sld [smem:$0x0];
	_ =	sdelay $0x2  }
0xbc: {  	s31 =	sshll.u32 s1, $0xD;
	s1 =	sshrl.u32 s1, $0x2  }
0xbd: {  	s3 =	sand.u32 $0x4000, s31;
	s1 =	sadd.s32 s1, s30  }
0xbe: {  	s0 =	sor.u32 s3, s0;
	s1 =	sshll.u32 s1, $0x11  }
0xbf: {  	s0 =	sor.u32 s1, s0  }
0xc0: {  	s0 =	sadd.s32 $0x8F2B, s0  }
0xc1: {  	[sflag:s0] =	ssyncadd.remote.s32 $0x1  }
0xc2: {  	_ =	sfence.sel $0xFFFF  }
0xc3: {  	[dreg:$0x0] =	wrdreg $0xFFFFFFFF;
	(pc) =	sbr.abs _section_cstart, $3  }
0xc4: {  	[dreg:$0x1] =	wrdreg $0xFFFFFFFF  }
0xc5: {  	_ =	task.clear_ibuf [dreg:s9], $0x2FFFF;
	_ =	strace $0x9FFFFFFF  }
0xc6: {  	(tm) =	ssettm $0x7FFFFFFF  }
0xc7: {  	_ =	shalt  }
tec
execute0_lowered:
.L_overlay_start_1:
0x0: {  	(tag) =	ssettag $0x1  }
0x1: {  	s0 =	rddreg [dreg:$0x0]  }
0x2: {  	s1 =	rddreg [dreg:$0x1]  }
0x3: {  	s2 =	rddreg [dreg:$0x3]  }
0x4: {  	s3 =	srdreg.scid;
	s5 =	stileid.u32  }
0x5: {  	s4 =	simm.s32 $0x0;
	s18 =	simm.s32 $0x1;
	s19 =	simm.s32 $0x2  }
0x6: {  	s20 =	simm.s32 $0x3;
	s21 =	simm.s32 $0x80;
	s22 =	simm.s32 $0x400  }
0x7: {  	s23 =	simm.s32 $0x4400;
	s25 =	simm.s32 $0x8400;
	s28 =	simm.s32 $0xC400  }
0x8: {  	s29 =	simm.s32 $0x10580;
	s3 =	sand.u32 $0x1, s3;
	s5 =	sshll.u32 s5, $0x1  }
0x9: {  	s16 =	simm.s32 $0x4;
	[smem:$0x7FF] =	sst s4;
	s5 =	sor.u32 s3, s5  }
0xa: {  	_ =	strace $0x80000047;
	s3 =	ssub.s32 $0x2, s3;
	s6 =	sshll.u32 s5, $0x7  }
0xb: {  	s30 =	sshrl.u32 s3, $0x1;
	s8 =	sshll.u32 s5, $0x6;
	s5 =	sadd.s32 $0x1400, s0  }
0xc: {  	s7 =	sadd.s32 s6, s0;
	s31 =	ssub.s32 s3, s30;
	s6 =	sadd.s32 s2, s8  }
0xd: {  	s0 =	simm.s32 $0x10740;
	s2 =	simm.s32 $0x5;
	s3 =	simm.s32 $0x0  }
0xe: {  	s7 =	sadd.s32 $0x400, s7;
	s8 =	sadd.s32 $0x8, s6;
	s9 =	sadd.s32 $0x10, s6  }
0xf: {  	s10 =	sadd.s32 $0x18, s6;
	s11 =	sadd.s32 $0x20, s6;
	s12 =	sadd.s32 $0x28, s6  }
0x10: {  	s13 =	sadd.s32 $0x30, s6;
	s14 =	sadd.s32 $0x38, s6;
	s15 =	smax.u32 s31, $0x1  }
.LBB2_1:
0x11: {  	[tilespmem:s4], [sflag:$0x1] =	stream.linear.gather [hbm4b:s7+s4], $0x400, $0x38;
	[tilespmem:$0x10780] =	vst v63  }
0x12: {  	s17 =	rddreg [dreg:$0x2];
	s24 =	simm.s32 $0x10400  }
0x13: {  	[tilespmem:s24], [sflag:$0x2] =	stream.linear.gather [hbm4b:s17+s4], $0x100, $0x38;
	[tilespmem:$0x10780] =	vst v63  }
0x14: {  	s26 =	simm.s32 $0x10500  }
0x15: {  	[tilespmem:s26], [sflag:$0x3] =	stream.linear.gather [hbm4b:s5+s4], $0x80, $0x38;
	[tilespmem:$0x10780] =	vst v63  }
0x16: {  	_ =	swait.ge [sflag:s18], $0x400  }
0x17: {  	[sflag:s18] =	ssyncset.done $0x0  }
0x18: {  	[sflag:s18] =	ssyncadd.s32 $0xFFFFFC00  }
0x19: {  	_ =	swait.ge [sflag:s19], $0x100  }
0x1a: {  	[sflag:s19] =	ssyncset.done $0x0  }
0x1b: {  	[sflag:s19] =	ssyncadd.s32 $0xFFFFFF00  }
0x1c: {  	_ =	swait.ge [sflag:s20], $0x80  }
0x1d: {  	[sflag:s20] =	ssyncset.done $0x0  }
0x1e: {  	[sflag:s20] =	ssyncadd.s32 $0xFFFFFF80  }
0x1f: {  	v0 =	vld [tilespmem:$0x10500]  }
0x20: {  	v1 =	vld [tilespmem:$0x10400]  }
0x21: {  	v2 =	vld [tilespmem:$0x10410]  }
0x22: {  	v3 =	vld [tilespmem:$0x10420]  }
0x23: {  	v4 =	vld [tilespmem:$0x10430]  }
0x24: {  	v5 =	vld [tilespmem:$0x10440]  }
0x25: {  	v8 =	vld [tilespmem:$0x10450]  }
0x26: {  	v10 =	vld [tilespmem:$0x10460]  }
0x27: {  	v12 =	vld [tilespmem:$0x10470]  }
0x28: {  	v13 =	vld [tilespmem:$0x10480]  }
0x29: {  	v14 =	vld [tilespmem:$0x10490]  }
0x2a: {  	v15 =	vld [tilespmem:$0x104A0]  }
0x2b: {  	v16 =	vld [tilespmem:$0x104B0]  }
0x2c: {  	v11 =	vld [tilespmem:$0x104C0]  }
0x2d: {  	v9 =	vld [tilespmem:$0x104D0]  }
0x2e: {  	v6 =	vld [tilespmem:$0x104E0]  }
0x2f: {  	v7 =	vld [tilespmem:$0x104F0];
	[tilespmem:s22], [sflag:$0x1] =	stream.indirect.gather [hbm4b:s1+s21], $0x80, s4, s21, $0xb8  }
0x30: {  	_ = 	snop  }
0x31: {  	[tilespmem:s23], [sflag:$0x2] =	stream.indirect.gather [hbm4b:s1+s21], $0x80, s21, s21, $0xb8;
	[tilespmem:$0x10780] =	vst v63  }
0x32: {  	s31 =	simm.s32 $0x100  }
0x33: {  	[tilespmem:s25], [sflag:$0x3] =	stream.indirect.gather [hbm4b:s1+s21], $0x80, s31, s21, $0xb8;
	[tilespmem:$0x10780] =	vst v63  }
0x34: {  	s24 =	simm.s32 $0x180  }
0x35: {  	[tilespmem:s28], [sflag:$0x4] =	stream.indirect.gather [hbm4b:s1+s21], $0x80, s24, s21, $0xb8;
	[tilespmem:$0x10780] =	vst v63  }
0x36: {  	_ =	swait.ge [sflag:s18], $0x4000  }
0x37: {  	[sflag:s18] =	ssyncset.done $0x0  }
0x38: {  	s26 =	simm.s32 $0x600;
	[sflag:s18] =	ssyncadd.s32 $0xFFFFC000  }
0x39: {  	v17 =	vld [tilespmem:s26+$0x1C0]  }
0x3a: {  	v18 =	vld [tilespmem:s26+$0x1D0]  }
0x3b: {  	v19 =	vld [tilespmem:s26+$0x180]  }
0x3c: {  	v20 =	vld [tilespmem:s26+$0x190]  }
0x3d: {  	v21 =	vld [tilespmem:s26+$0x140]  }
0x3e: {  	v22 =	vld [tilespmem:s26+$0x150]  }
0x3f: {  	v23 =	vld [tilespmem:s26+$0x100]  }
0x40: {  	v24 =	vld [tilespmem:s26+$0x110]  }
0x41: {  	v25 =	vld [tilespmem:s26+$0x120]  }
0x42: {  	v26 =	vld [tilespmem:s26+$0x130]  }
0x43: {  	v27 =	vld [tilespmem:s26+$0x160]  }
0x44: {  	v28 =	vld [tilespmem:s26+$0x170]  }
0x45: {  	v29 =	vld [tilespmem:s26+$0x1A0]  }
0x46: {  	v30 =	vld [tilespmem:s26+$0x1B0]  }
0x47: {  	v31 =	vld [tilespmem:s26+$0x1E0]  }
0x48: {  	v32 =	vld [tilespmem:s26+$0x1F0]  }
0x49: {  	v33 =	vld [tilespmem:s26+$0xFFFFFE10];
	v17 =	vmul.f32 v17, v11;
	v18 =	vmul.f32 v18, v9  }
0x4a: {  	v34 =	vld [tilespmem:s26+$0xFFFFFE20];
	v19 =	vmul.f32 v19, v13;
	v20 =	vmul.f32 v20, v14  }
0x4b: {  	v35 =	vld [tilespmem:s26+$0xFFFFFE30];
	v21 =	vmul.f32 v21, v5;
	v22 =	vmul.f32 v22, v8  }
0x4c: {  	v36 =	vld [tilespmem:s26+$0xFFFFFF00];
	v23 =	vmul.f32 v23, v1;
	v24 =	vmul.f32 v24, v2  }
0x4d: {  	v37 =	vld [tilespmem:s26+$0xFFFFFF10];
	v25 =	vmul.f32 v25, v3;
	v26 =	vmul.f32 v26, v4  }
0x4e: {  	v50 =	vld [tilespmem:s26+$0xFFFFFF70];
	v27 =	vmul.f32 v27, v10;
	v23 =	vadd.f32 v23, v0;
	v24 =	vadd.f32 $0.0e+00, v24  }
0x4f: {  	v53 =	vld [tilespmem:s26+$0x40];
	v28 =	vmul.f32 v28, v12;
	v25 =	vadd.f32 $0.0e+00, v25;
	v26 =	vadd.f32 $0.0e+00, v26  }
0x50: {  	v38 =	vld [tilespmem:s26+$0x50];
	v21 =	vadd.f32 v21, v23;
	v22 =	vadd.f32 v22, v24;
	v23 =	vmul.f32 v29, v15  }
0x51: {  	v39 =	vld [tilespmem:s26+$0x60];
	v25 =	vadd.f32 v27, v25;
	v26 =	vadd.f32 v28, v26;
	v27 =	vmul.f32 v30, v16  }
0x52: {  	v40 =	vld [tilespmem:s26+$0x70];
	v19 =	vadd.f32 v19, v21;
	v20 =	vadd.f32 v20, v22;
	v21 =	vmul.f32 v31, v6  }
0x53: {  	v41 =	vld [tilespmem:s26+$0xFFFFFE80];
	v23 =	vadd.f32 v23, v25;
	v25 =	vadd.f32 v27, v26;
	v26 =	vmul.f32 v32, v7  }
0x54: {  	v42 =	vld [tilespmem:s26+$0xFFFFFE90];
	v17 =	vadd.f32 v17, v19;
	v18 =	vadd.f32 v18, v20  }
0x55: {  	v54 =	vld [tilespmem:s26+$0xFFFFFEB0];
	v20 =	vadd.f32 v21, v23;
	v21 =	vadd.f32 v26, v25  }
0x56: {  	v55 =	vld [tilespmem:s26+$0xFFFFFF80]  }
0x57: {  	v24 =	vld [tilespmem:s26+$0xFFFFFF20];
	v17 =	vadd.f32 v18, v17;
	v18 =	vadd.f32 v21, v20  }
0x58: {  	v28 =	vld [tilespmem:s26+$0xFFFFFF30]  }
0x59: {  	v29 =	vld [tilespmem:s26+$0xFFFFFF50];
	v17 =	vadd.f32 v18, v17  }
0x5a: {  	v48 =	vmul.f32 v34, v3;
	v22 =	vld [tilespmem:s26+$0x0]  }
0x5b: {  	v49 =	vmul.f32 v35, v4;
	v51 =	vmul.f32 v36, v1;
	v27 =	vld [tilespmem:s26+$0x10];
	(xrf2) =	vadd.scan.msk.f32 $0xffff, v17  }
0x5c: {  	v52 =	vmul.f32 v37, v2;
	v34 =	vmul.f32 v50, v12;
	v25 =	vld [tilespmem:s26+$0xFFFFFE00]  }
0x5d: {  	v37 =	vmul.f32 v53, v5;
	v38 =	vmul.f32 v38, v8;
	v31 =	vld [tilespmem:s26+$0xFFFFFF60]  }
0x5e: {  	v59 =	vmul.f32 v39, v10;
	v35 =	vadd.f32 v51, v0;
	v30 =	vmul.f32 v33, v2;
	v20 =	vld [tilespmem:s26+$0xFFFFFE40]  }
0x5f: {  	v61 =	vmul.f32 v40, v12;
	v36 =	vadd.f32 $0.0e+00, v52;
	v33 =	vadd.f32 $0.0e+00, v49;
	v26 =	vld [tilespmem:s26+$0xFFFFFE70]  }
0x60: {  	v30 =	vadd.f32 $0.0e+00, v30;
	v24 =	vmul.f32 v24, v3;
	v28 =	vmul.f32 v28, v4;
	v21 =	vld [tilespmem:s26+$0xFFFFFE50]  }
0x61: {  	v56 =	vld [tilespmem:s26+$0xFFFFFF90];
	v32 =	vadd.f32 $0.0e+00, v48;
	v29 =	vmul.f32 v29, v8;
	v25 =	vmul.f32 v25, v1  }
0x62: {  	v19 =	vld [tilespmem:s26+$0x20];
	v24 =	vadd.f32 $0.0e+00, v24;
	v22 =	vmul.f32 v22, v1;
	v28 =	vadd.f32 $0.0e+00, v28  }
0x63: {  	v23 =	vld [tilespmem:s26+$0x30];
	v27 =	vmul.f32 v27, v2;
	v20 =	vmul.f32 v20, v5;
	v25 =	vadd.f32 v25, v0  }
0x64: {  	v57 =	vld [tilespmem:s26+$0xFFFFFFA0];
	v31 =	vmul.f32 v31, v10;
	v29 =	vadd.f32 v29, v36;
	v22 =	vadd.f32 v22, v0  }
0x65: {  	v18 =	vld [tilespmem:s26+$0xFFFFFE60];
	v21 =	vmul.f32 v21, v8;
	v20 =	vadd.f32 v20, v25;
	v25 =	vmul.f32 v26, v12;
	v26, _, _ =	vpop (xrf2)  }
0x66: {  	v49 =	vmul.f32 v56, v14;
	v27 =	vadd.f32 $0.0e+00, v27;
	v17 =	vld [tilespmem:s26+$0xFFFFFF40];
	v26 =	vsub.f32 $0.0e+00, v26  }
0x67: {  	v19 =	vmul.f32 v19, v3;
	v24 =	vadd.f32 v31, v24;
	v21 =	vadd.f32 v21, v30;
	v30 =	vld [tilespmem:s26+$0xFFFFFEA0]  }
0x68: {  	v58 =	vld [tilespmem:s26+$0x80];
	v23 =	vmul.f32 v23, v4;
	v28 =	vadd.f32 v34, v28;
	v26 =	vmul.f32 $1.442695020e+00, v26  }
0x69: {  	v60 =	vld [tilespmem:s26+$0xA0];
	v62 =	vmul.f32 v41, v13;
	v29 =	vadd.f32 v49, v29;
	v19 =	vadd.f32 $0.0e+00, v19  }
0x6a: {  	v47 =	vld [tilespmem:s26+$0xFFFFFED0];
	v23 =	vadd.f32 $0.0e+00, v23;
	v18 =	vmul.f32 v18, v10;
	v26 =	vbroadcast v26, $0xF  }
0x6b: {  	v31 =	vld [tilespmem:s26+$0xFFFFFFB0];
	v22 =	vadd.f32 v37, v22;
	v27 =	vadd.f32 v38, v27;
	v17 =	vmul.f32 v17, v5  }
0x6c: {  	v18 =	vadd.f32 v18, v32;
	v30 =	vmul.f32 v30, v15;
	(erf) = vpow2.f32 v26;
	v26 =	vld [tilespmem:s26+$0x90]  }
0x6d: {  	v63 =	vld [tilespmem:s26+$0xB0];
	v45 =	vmul.f32 v42, v14;
	v19 =	vadd.f32 v59, v19;
	v23 =	vadd.f32 v61, v23  }
0x6e: {  	v46 =	vld [tilespmem:s26+$0xFFFFFEC0];
	v17 =	vadd.f32 v17, v35;
	v18 =	vadd.f32 v30, v18;
	v30 =	vmul.f32 v55, v13  }
0x6f: {  	v48 =	vld [tilespmem:s26+$0xFFFFFEE0];
	v38 =	vmul.f32 v47, v9;
	v25 =	vadd.f32 v25, v33;
	v20 =	vadd.f32 v62, v20  }
0x70: {  	v51 =	vld [tilespmem:s26+$0xFFFFFEF0];
	v32 =	vmul.f32 v54, v16;
	v17 =	vadd.f32 v30, v17;
	v30 =	vmul.f32 v31, v16  }
0x71: {  	v53 =	vld [tilespmem:s26+$0xFFFFFFD0];
	v21 =	vadd.f32 v45, v21;
	v31 =	vmul.f32 v58, v13;
	v26 =	vmul.f32 v26, v14  }
0x72: {  	v52 =	vld [tilespmem:s26+$0xFFFFFFC0];
	v54 =	vmul.f32 v60, v15;
	v25 =	vadd.f32 v32, v25;
	v55 =	vmul.f32 v63, v16  }
0x73: {  	v22 =	vadd.f32 v31, v22;
	v31 =	vld [tilespmem:s26+$0xFFFFFFE0];
	v26 =	vadd.f32 v26, v27;
	v27 =	vmul.f32 v46, v11  }
0x74: {  	v56 =	vld [tilespmem:s26+$0xFFFFFFF0];
	v35 =	vadd.f32 v54, v19;
	v19 =	vmul.f32 v48, v6;
	v21 =	vadd.f32 v38, v21  }
0x75: {  	v59 =	vadd.f32 v55, v23;
	v20 =	vadd.f32 v27, v20;
	v27 =	vmul.f32 v51, v7  }
0x76: {  	v50 =	vmul.f32 v57, v15;
	v57 =	vld [tilespmem:s26+$0xC0];
	v19 =	vadd.f32 v19, v18;
	v28 =	vadd.f32 v30, v28;
	v30 =	vpop (erf)  }
0x77: {  	v58 =	vld [tilespmem:s26+$0xE0];
	v18 =	vmul.f32 v52, v11;
	v30 =	vadd.f32 $1.000000000e+00, v30;
	v25 =	vadd.f32 v27, v25  }
0x78: {  	v23 =	vld [tilespmem:s26+$0xF0];
	v27 =	vmul.f32 v53, v9;
	v60 =	vadd.f32 v21, v20;
	v21 =	vmul.f32 v31, v6  }
0x79: {  	v24 =	vadd.f32 v50, v24;
	v31 =	vmul.f32 v56, v7;
	(erf) = vrcp.f32 v30;
	v30 =	vld [tilespmem:s26+$0xD0];
	s26 =	simm.s32 $0xA00  }
0x7a: {  	v17 =	vadd.f32 v18, v17;
	v20 =	vld [tilespmem:s26+$0x1C0];
	v27 =	vadd.f32 v27, v29  }
0x7b: {  	s31 =	simm.s32 $0x3;
	v18 =	vld [tilespmem:s26+$0x1D0];
	v24 =	vadd.f32 v21, v24;
	v28 =	vadd.f32 v31, v28  }
0x7c: {  	v61 =	vmov s31;
	v25 =	vadd.f32 v25, v19;
	v29 =	vmul.f32 v57, v11;
	v19 =	vld [tilespmem:s26+$0x180]  }
0x7d: {  	v21 =	vld [tilespmem:s26+$0x190];
	v17 =	vadd.f32 v27, v17;
	v31 =	vadd.f32 v28, v24;
	v28 =	vmul.f32 v23, v7  }
0x7e: {  	v29 =	vadd.f32 v29, v22;
	v22 =	vld [tilespmem:s26+$0x140];
	v27 =	vmul.f32 v30, v9;
	v30 =	vmul.f32 v58, v6  }
0x7f: {  	v23 =	vld [tilespmem:s26+$0x150];
	v32 =	vadd.f32 v25, v60;
	v62 =	vadd.f32 v28, v59  }
0x80: {  	v24 =	vld [tilespmem:s26+$0x100];
	v27 =	vadd.f32 v27, v26;
	v30 =	vadd.f32 v30, v35  }
0x81: {  	v25 =	vld [tilespmem:s26+$0x120];
	v17 =	vadd.f32 v31, v17;
	(xrf2) =	vadd.scan.msk.f32 $0xffff, v32  }
0x82: {  	v26 =	vld [tilespmem:s26+$0x110];
	v63 =	vpop (erf);
	v28 =	vadd.f32 v27, v29;
	v29 =	vadd.f32 v62, v30  }
0x83: {  	s30 =	simm.s32 $0x8;
	s17 =	simm.s32 $0x4;
	s24 =	simm.s32 $0x0;
	v27 =	vld [tilespmem:s26+$0x130];
	[tilespmem:v61+s29+$0x0] =	vst.idx.msk $0x1, v63  }
.LBB2_2:
0x84: {  	p0 =	slt.u32 s30, $0x3C;
	v30 =	vld [tilespmem:s26+$0x160];
	v20 =	vmul.f32 v20, v11;
	v18 =	vmul.f32 v18, v9;
	v28 =	vadd.f32 v29, v28;
	(xrf2) =	vadd.scan.msk.f32 $0xffff, v17  }
0x85: {  	v19 =	vmul.f32 v19, v13;
	v21 =	vmul.f32 v21, v14;
	v29 =	vld [tilespmem:s26+$0x170]  }
0x86: {  	v22 =	vmul.f32 v22, v5;
	v23 =	vmul.f32 v23, v8;
	v31 =	vld [tilespmem:s26+$0x1A0]  }
0x87: {  	v17 =	vmov s24;
	v24 =	vmul.f32 v24, v1;
	v26 =	vmul.f32 v26, v2;
	v32 =	vld [tilespmem:s26+$0x1B0];
	(xrf2) =	vadd.scan.msk.f32 $0xffff, v28  }
0x88: {  	v17 =	vand.u32 $0xFFFFFFFC, v17;
	v25 =	vmul.f32 v25, v3;
	v27 =	vmul.f32 v27, v4;
	v28 =	vld [tilespmem:s26+$0x1E0]  }
0x89: {  	v24 =	vadd.f32 v24, v0;
	v36 =	vadd.f32 $0.0e+00, v26;
	v30 =	vmul.f32 v30, v10;
	v33 =	vld [tilespmem:s26+$0x1F0]  }
0x8a: {  	v25 =	vadd.f32 $0.0e+00, v25;
	v34 =	vld [tilespmem:s26+$0xFFFFFE10];
	v27 =	vadd.f32 $0.0e+00, v27;
	v29 =	vmul.f32 v29, v12  }
0x8b: {  	v22 =	vadd.f32 v22, v24;
	v23 =	vadd.f32 v23, v36;
	v35 =	vld [tilespmem:s26+$0xFFFFFE20];
	v24 =	vmul.f32 v31, v15;
	v26, _, _ =	vpop (xrf2)  }
0x8c: {  	v25 =	vadd.f32 v30, v25;
	v31 =	vld [tilespmem:s26+$0xFFFFFE30];
	v27 =	vadd.f32 v29, v27;
	v29 =	vmul.f32 v32, v16  }
0x8d: {  	v19 =	vadd.f32 v19, v22;
	v21 =	vadd.f32 v21, v23;
	v30 =	vld [tilespmem:s26+$0xFFFFFF00];
	v22 =	vmul.f32 v28, v6  }
0x8e: {  	v24 =	vadd.f32 v24, v25;
	v23 =	vld [tilespmem:s26+$0xFFFFFF10];
	v25 =	vadd.f32 v29, v27;
	v27 =	vmul.f32 v33, v7;
	v28, _, _ =	vpop (xrf2)  }
0x8f: {  	v19 =	vadd.f32 v20, v19;
	v18 =	vadd.f32 v18, v21;
	v29 =	vmul.f32 v34, v2;
	v32 =	vld [tilespmem:s26+$0xFFFFFF20]  }
0x90: {  	v22 =	vadd.f32 v22, v24;
	v20 =	vmul.f32 v35, v3;
	v21 =	vld [tilespmem:s26+$0xFFFFFF30];
	v24 =	vadd.f32 v27, v25  }
0x91: {  	v26 =	vsub.f32 $0.0e+00, v26;
	v25 =	vadd.f32 $0.0e+00, v29;
	v27 =	vmul.f32 v31, v4;
	v29 =	vld [tilespmem:s26+$0x0];
	v31, _, _ =	vpop (xrf2)  }
0x92: {  	v18 =	vadd.f32 v18, v19;
	v30 =	vmul.f32 v30, v1;
	v33 =	vld [tilespmem:s26+$0x10];
	v19 =	vadd.f32 v24, v22  }
0x93: {  	v20 =	vadd.f32 $0.0e+00, v20;
	v22 =	vadd.f32 $0.0e+00, v27;
	v23 =	vmul.f32 v23, v2;
	v24 =	vld [tilespmem:s26+$0x20]  }
0x94: {  	v27 =	vadd.f32 v30, v0;
	v30 =	vmul.f32 v32, v3;
	v32 =	vld [tilespmem:s26+$0x30];
	v18 =	vadd.f32 v19, v18  }
0x95: {  	v28 =	vsub.f32 $0.0e+00, v28;
	v19 =	vld [tilespmem:s26+$0xFFFFFE00];
	v23 =	vadd.f32 $0.0e+00, v23;
	v21 =	vmul.f32 v21, v4  }
0x96: {  	v34 =	vld [tilespmem:s26+$0xFFFFFE40];
	v30 =	vadd.f32 $0.0e+00, v30;
	v29 =	vmul.f32 v29, v1;
	(xrf2) =	vadd.scan.msk.f32 $0xffff, v18;
	v18 =	vsub.f32 $0.0e+00, v31  }
0x97: {  	v26 =	vmul.f32 $1.442695020e+00, v26;
	v31 =	vld [tilespmem:s26+$0xFFFFFE50];
	v21 =	vadd.f32 $0.0e+00, v21;
	v33 =	vmul.f32 v33, v2  }
0x98: {  	v28 =	vmul.f32 $1.442695020e+00, v28;
	v35 =	vld [tilespmem:s26+$0xFFFFFE60];
	v29 =	vadd.f32 v29, v0;
	v24 =	vmul.f32 v24, v3  }
0x99: {  	v18 =	vmul.f32 $1.442695020e+00, v18;
	v36 =	vld [tilespmem:s26+$0xFFFFFE70];
	v33 =	vadd.f32 $0.0e+00, v33;
	v32 =	vmul.f32 v32, v4  }
0x9a: {  	v26 =	vbroadcast v26, $0xF;
	v19 =	vmul.f32 v19, v1;
	v37 =	vld [tilespmem:s26+$0xFFFFFF40];
	v24 =	vadd.f32 $0.0e+00, v24  }
0x9b: {  	v28 =	vbroadcast v28, $0xF;
	v34 =	vmul.f32 v34, v5;
	v38 =	vld [tilespmem:s26+$0xFFFFFF50];
	v32 =	vadd.f32 $0.0e+00, v32  }
0x9c: {  	s31 =	sadd.s32 $0x1, s24;
	v18 =	vbroadcast v18, $0xF;
	v19 =	vadd.f32 v19, v0;
	v31 =	vmul.f32 v31, v8;
	v39 =	vld [tilespmem:s26+$0xFFFFFF60]  }
0x9d: {  	v41 =	vmov s31;
	v35 =	vmul.f32 v35, v10;
	v40 =	vld [tilespmem:s26+$0xFFFFFF70];
	(erf) = vpow2.f32 v26  }
0x9e: {  	v19 =	vadd.f32 v34, v19;
	v25 =	vadd.f32 v31, v25;
	v26 =	vmul.f32 v36, v12;
	v31 =	vld [tilespmem:s26+$0x40]  }
0x9f: {  	v20 =	vadd.f32 v35, v20;
	v34 =	vmul.f32 v37, v5;
	v35 =	vld [tilespmem:s26+$0x50];
	(erf) = vpow2.f32 v28  }
0xa0: {  	v22 =	vadd.f32 v26, v22;
	v26 =	vmul.f32 v38, v8;
	v28 =	vld [tilespmem:s26+$0x60];
	v36, _, _ =	vpop (xrf2);
	(erf) = vpow2.f32 v18  }
0xa1: {  	s31 =	sadd.s32 $0x2, s24;
	s24 =	smov.u32 s17;
	s17 =	smov.u32 s30;
	v18 =	vadd.f32 v34, v27;
	v27 =	vmul.f32 v39, v10;
	v34 =	vld [tilespmem:s26+$0x70];
	v36 =	vsub.f32 $0.0e+00, v36  }
0xa2: {  	v38 =	vmov s31;
	v37 =	vld [tilespmem:s26+$0xFFFFFE80];
	v23 =	vadd.f32 v26, v23;
	v26 =	vmul.f32 v40, v12  }
0xa3: {  	v39 =	vld [tilespmem:s26+$0xFFFFFE90];
	v27 =	vadd.f32 v27, v30;
	v30 =	vmul.f32 v31, v5;
	v31 =	vmul.f32 $1.442695020e+00, v36  }
0xa4: {  	v17 =	vbroadcast v17, $0x0;
	v36 =	vld [tilespmem:s26+$0xFFFFFEA0];
	v21 =	vadd.f32 v26, v21;
	v26 =	vmul.f32 v35, v8  }
0xa5: {  	v35 =	vld [tilespmem:s26+$0xFFFFFEB0];
	v29 =	vadd.f32 v30, v29;
	v28 =	vmul.f32 v28, v10;
	v30 =	vbroadcast v31, $0xF  }
0xa6: {  	v31 =	vld [tilespmem:s26+$0xFFFFFF80];
	v26 =	vadd.f32 v26, v33;
	v33 =	vmul.f32 v34, v12;
	v34 =	vand.u32 $0xFFFFFFFD, v41;
	v40 =	vpop (erf)  }
0xa7: {  	v37 =	vmul.f32 v37, v13;
	v41 =	vld [tilespmem:s26+$0xFFFFFF90];
	v24 =	vadd.f32 v28, v24;
	(erf) = vpow2.f32 v30  }
0xa8: {  	v28 =	vmul.f32 v39, v14;
	v30 =	vld [tilespmem:s26+$0xFFFFFFA0];
	v32 =	vadd.f32 v33, v32;
	v33 =	vadd.f32 $1.000000000e+00, v40;
	v39 =	vpop (erf)  }
0xa9: {  	v19 =	vadd.f32 v37, v19;
	v36 =	vmul.f32 v36, v15;
	v37 =	vld [tilespmem:s26+$0xFFFFFFB0];
	v39 =	vadd.f32 $1.000000000e+00, v39;
	v40 =	vpop (erf)  }
0xaa: {  	v25 =	vadd.f32 v28, v25;
	v28 =	vmul.f32 v35, v16;
	v35 =	vld [tilespmem:s26+$0x80];
	v40 =	vadd.f32 $1.000000000e+00, v40  }
0xab: {  	v20 =	vadd.f32 v36, v20;
	v31 =	vmul.f32 v31, v13;
	v36 =	vld [tilespmem:s26+$0x90];
	(erf) = vrcp.f32 v33  }
0xac: {  	v22 =	vadd.f32 v28, v22;
	v28 =	vmul.f32 v41, v14;
	v33 =	vld [tilespmem:s26+$0xA0];
	(erf) = vrcp.f32 v39  }
0xad: {  	v18 =	vadd.f32 v31, v18;
	v30 =	vmul.f32 v30, v15;
	v31 =	vld [tilespmem:s26+$0xB0];
	(erf) = vrcp.f32 v40  }
0xae: {  	v39 =	vld [tilespmem:s26+$0xFFFFFEC0];
	v23 =	vadd.f32 v28, v23;
	v28 =	vmul.f32 v37, v16;
	v37 =	vand.u32 $0xFFFFFFFE, v38  }
0xaf: {  	v34 =	vbroadcast v34, $0x0;
	v38 =	vld [tilespmem:s26+$0xFFFFFED0];
	v27 =	vadd.f32 v30, v27;
	v30 =	vmul.f32 v35, v13  }
0xb0: {  	v37 =	vbroadcast v37, $0x0;
	v35 =	vld [tilespmem:s26+$0xFFFFFEE0];
	v21 =	vadd.f32 v28, v21;
	v28 =	vmul.f32 v36, v14;
	v36 =	vpop (erf)  }
0xb1: {  	v40 =	vld [tilespmem:s26+$0xFFFFFEF0];
	v29 =	vadd.f32 v30, v29;
	v30 =	vmul.f32 v33, v15;
	v33 =	vadd.f32 $1.000000000e+00, v36  }
0xb2: {  	v36 =	vld [tilespmem:s26+$0xFFFFFFC0];
	v26 =	vadd.f32 v28, v26;
	v28 =	vmul.f32 v31, v16  }
0xb3: {  	v31 =	vmul.f32 v39, v11;
	v39 =	vld [tilespmem:s26+$0xFFFFFFD0];
	v24 =	vadd.f32 v30, v24;
	(erf) = vrcp.f32 v33  }
0xb4: {  	v30 =	vmul.f32 v38, v9;
	v33 =	vld [tilespmem:s26+$0xFFFFFFE0];
	v28 =	vadd.f32 v28, v32;
	v32 =	vpop (erf)  }
0xb5: {  	v19 =	vadd.f32 v31, v19;
	v31 =	vmul.f32 v35, v6;
	v35 =	vld [tilespmem:s26+$0xFFFFFFF0];
	[tilespmem:v17+s29+$0x0] =	vst.idx.msk $0x1, v32;
	v17 =	vpop (erf)  }
0xb6: {  	v25 =	vadd.f32 v30, v25;
	v30 =	vmul.f32 v40, v7;
	v32 =	vld [tilespmem:s26+$0xC0];
	[tilespmem:v34+s29+$0x0] =	vst.idx.msk $0x1, v17;
	v17 =	vpop (erf)  }
0xb7: {  	s31 =	sadd.s32 $0x3, s24;
	v31 =	vadd.f32 v31, v20;
	v20 =	vmul.f32 v36, v11;
	v34 =	vld [tilespmem:s26+$0xD0];
	[tilespmem:v37+s29+$0x0] =	vst.idx.msk $0x1, v17  }
0xb8: {  	v36 =	vmov s31;
	v17 =	vadd.f32 v30, v22;
	v22 =	vmul.f32 v39, v9;
	v30 =	vld [tilespmem:s26+$0xE0]  }
0xb9: {  	v25 =	vadd.f32 v25, v19;
	v37 =	vadd.f32 v20, v18;
	v19 =	vmul.f32 v33, v6;
	v33 =	vld [tilespmem:s26+$0xF0];
	s26 =	sadd.s32 $0x400, s26  }
0xba: {  	v20 =	vld [tilespmem:s26+$0x1C0];
	v17 =	vadd.f32 v17, v31;
	v38 =	vadd.f32 v22, v23;
	v23 =	vmul.f32 v35, v7  }
0xbb: {  	v18 =	vld [tilespmem:s26+$0x1D0];
	v27 =	vadd.f32 v19, v27;
	v31 =	vmul.f32 v32, v11  }
0xbc: {  	v19 =	vld [tilespmem:s26+$0x180];
	v23 =	vadd.f32 v23, v21;
	v32 =	vadd.f32 v38, v37;
	v34 =	vmul.f32 v34, v9;
	v22 =	vpop (erf)  }
0xbd: {  	v21 =	vld [tilespmem:s26+$0x190];
	v29 =	vadd.f32 v31, v29;
	v30 =	vmul.f32 v30, v6;
	[tilespmem:v36+s29+$0x0] =	vst.idx.msk $0x1, v22  }
0xbe: {  	v22 =	vld [tilespmem:s26+$0x140];
	v27 =	vadd.f32 v23, v27;
	v26 =	vadd.f32 v34, v26;
	v31 =	vmul.f32 v33, v7  }
.Ltmp0:
0xbf: {  	v25 =	vadd.f32 v17, v25;
	v23 =	vld [tilespmem:s26+$0x150];
	v30 =	vadd.f32 v30, v24;
	(pc) =	sbr.rel @p0 .LBB2_2-.Ltmp0, $4  }
0xc0: {  	v24 =	vld [tilespmem:s26+$0x100];
	v31 =	vadd.f32 v31, v28;
	v28 =	vadd.f32 v26, v29  }
0xc1: {  	v17 =	vadd.f32 v27, v32;
	v26 =	vld [tilespmem:s26+$0x110];
	(xrf2) =	vadd.scan.msk.f32 $0xffff, v25  }
0xc2: {  	v25 =	vld [tilespmem:s26+$0x120];
	v29 =	vadd.f32 v31, v30  }
0xc3: {  	s30 =	sadd.s32 $0x4, s30;
	v27 =	vld [tilespmem:s26+$0x130]  }
0xc4: {  	v30 =	vld [tilespmem:s26+$0x160]  }
0xc5: {  	v31 =	vld [tilespmem:s26+$0x170]  }
0xc6: {  	v32 =	vld [tilespmem:s26+$0x1A0]  }
0xc7: {  	v33 =	vld [tilespmem:s26+$0x1B0]  }
0xc8: {  	v34 =	vld [tilespmem:s26+$0x1E0]  }
0xc9: {  	v35 =	vld [tilespmem:s26+$0x1F0]  }
0xca: {  	v36 =	vld [tilespmem:s26+$0xFFFFFE10]  }
0xcb: {  	v37 =	vld [tilespmem:s26+$0xFFFFFE20]  }
0xcc: {  	v38 =	vld [tilespmem:s26+$0xFFFFFE30]  }
0xcd: {  	v39 =	vld [tilespmem:s26+$0xFFFFFF00]  }
0xce: {  	v40 =	vld [tilespmem:s26+$0xFFFFFF10]  }
0xcf: {  	v41 =	vld [tilespmem:s26+$0xFFFFFF20];
	v20 =	vmul.f32 v20, v11;
	v22 =	vmul.f32 v22, v5  }
0xd0: {  	v42 =	vld [tilespmem:s26+$0xFFFFFF30];
	v23 =	vmul.f32 v23, v8;
	v19 =	vmul.f32 v19, v13  }
0xd1: {  	v28 =	vadd.f32 v29, v28;
	v29 =	vld [tilespmem:s26+$0x0];
	v21 =	vmul.f32 v21, v14;
	v18 =	vmul.f32 v18, v9  }
0xd2: {  	v43 =	vld [tilespmem:s26+$0x10];
	v24 =	vmul.f32 v24, v1;
	v26 =	vmul.f32 v26, v2  }
0xd3: {  	v44 =	vld [tilespmem:s26+$0x20];
	v25 =	vmul.f32 v25, v3;
	v27 =	vmul.f32 v27, v4  }
0xd4: {  	v63 =	vld [tilespmem:s26+$0xFFFFFE50];
	v30 =	vmul.f32 v30, v10;
	v31 =	vmul.f32 v31, v12  }
0xd5: {  	v52 =	vld [tilespmem:s26+$0x50];
	v32 =	vmul.f32 v32, v15;
	v45 =	vmul.f32 v35, v7  }
0xd6: {  	v55 =	vld [tilespmem:s26+$0x70];
	v24 =	vadd.f32 v24, v0;
	v46 =	vmul.f32 v36, v2;
	v49 =	vmul.f32 v38, v4  }
0xd7: {  	v56 =	vld [tilespmem:s26+$0xFFFFFE80];
	v26 =	vadd.f32 $0.0e+00, v26;
	v50 =	vmul.f32 v39, v1;
	v53 =	vmul.f32 v41, v3  }
0xd8: {  	v60 =	vld [tilespmem:s26+$0xFFFFFFB0];
	v25 =	vadd.f32 $0.0e+00, v25;
	v54 =	vmul.f32 v42, v4;
	v29 =	vmul.f32 v29, v1  }
0xd9: {  	v61 =	vld [tilespmem:s26+$0x80];
	v22 =	vadd.f32 v22, v24;
	v43 =	vmul.f32 v43, v2;
	v44 =	vmul.f32 v44, v3  }
0xda: {  	v59 =	vld [tilespmem:s26+$0xFFFFFF90];
	v38 =	vmul.f32 v52, v8;
	v27 =	vadd.f32 $0.0e+00, v27;
	v23 =	vadd.f32 v23, v26  }
0xdb: {  	v48 =	vld [tilespmem:s26+$0xFFFFFF60];
	v62 =	vmul.f32 v55, v12;
	v25 =	vadd.f32 v30, v25;
	v19 =	vadd.f32 v19, v22  }
0xdc: {  	v51 =	vld [tilespmem:s26+$0x40];
	v42 =	vmul.f32 v56, v13;
	v47 =	vadd.f32 $0.0e+00, v46;
	v35 =	vadd.f32 $0.0e+00, v49  }
0xdd: {  	v57 =	vld [tilespmem:s26+$0xFFFFFEA0];
	v52 =	vmul.f32 v60, v16;
	v36 =	vadd.f32 v50, v0;
	v39 =	vadd.f32 $0.0e+00, v53  }
0xde: {  	v58 =	vld [tilespmem:s26+$0xFFFFFF80];
	(xrf2) =	vadd.scan.msk.f32 $0xffff, v17;
	v55 =	vmul.f32 v61, v13;
	v29 =	vadd.f32 v29, v0;
	v17 =	vadd.f32 $0.0e+00, v43  }
0xdf: {  	(xrf2) =	vadd.scan.msk.f32 $0xffff, v28;
	v24 =	vld [tilespmem:s26+$0x30];
	v28 =	vadd.f32 $0.0e+00, v44;
	v49 =	vmul.f32 v59, v14;
	v27 =	vadd.f32 v31, v27  }
0xe0: {  	v26 =	vld [tilespmem:s26+$0xFFFFFE00];
	v31 =	vmul.f32 v33, v16;
	v21 =	vadd.f32 v21, v23;
	v23 =	vmul.f32 v34, v6  }
0xe1: {  	v30 =	vld [tilespmem:s26+$0xFFFFFE40];
	v33 =	vmul.f32 v63, v8;
	v25 =	vadd.f32 v32, v25;
	v19 =	vadd.f32 v20, v19  }
0xe2: {  	v22 =	vld [tilespmem:s26+$0xFFFFFE60];
	v34 =	vmul.f32 v48, v10;
	v17 =	vadd.f32 v38, v17;
	v27 =	vadd.f32 v31, v27  }
0xe3: {  	v46 =	vld [tilespmem:s26+$0xB0];
	v48 =	vmul.f32 v58, v13;
	v18 =	vadd.f32 v18, v21;
	v32 =	vadd.f32 v33, v47  }
0xe4: {  	v50 =	vld [tilespmem:s26+$0xFFFFFED0];
	v24 =	vmul.f32 v24, v4;
	v34 =	vadd.f32 v34, v39;
	v33 =	vmul.f32 v57, v15  }
0xe5: {  	v53 =	vld [tilespmem:s26+$0xFFFFFEF0];
	v21 =	vadd.f32 v23, v25;
	v25 =	vmul.f32 v37, v3;
	v27 =	vadd.f32 v45, v27  }
0xe6: {  	v63 =	vld [tilespmem:s26+$0x90];
	v26 =	vmul.f32 v26, v1;
	v37 =	vmul.f32 v51, v5;
	v18 =	vadd.f32 v18, v19  }
0xe7: {  	v20 =	vld [tilespmem:s26+$0xFFFFFF40];
	v24 =	vadd.f32 $0.0e+00, v24;
	v21 =	vadd.f32 v27, v21;
	v27 =	vmul.f32 v40, v2  }
0xe8: {  	v31 =	vld [tilespmem:s26+$0xFFFFFE70];
	v22 =	vmul.f32 v22, v10;
	v25 =	vadd.f32 $0.0e+00, v25;
	v26 =	vadd.f32 v26, v0  }
0xe9: {  	v30 =	vmul.f32 v30, v5;
	v45, _, _ =	vpop (xrf2);
	v18 =	vadd.f32 v21, v18;
	v21 =	vadd.f32 $0.0e+00, v27;
	v27 =	vld [tilespmem:s26+$0x60]  }
0xea: {  	v59 =	vmul.f32 v46, v16;
	v29 =	vadd.f32 v37, v29;
	v51, _, _ =	vpop (xrf2);
	v22 =	vadd.f32 v22, v25;
	v25 =	vld [tilespmem:s26+$0xFFFFFEB0]  }
0xeb: {  	v23 =	vld [tilespmem:s26+$0xFFFFFF50];
	v57 =	vmul.f32 v63, v14;
	v40 =	vadd.f32 $0.0e+00, v54;
	v24 =	vadd.f32 v62, v24;
	v54, _, _ =	vpop (xrf2)  }
0xec: {  	v19 =	vld [tilespmem:s26+$0xFFFFFF70];
	v20 =	vmul.f32 v20, v5;
	v26 =	vadd.f32 v30, v26;
	v39 =	vsub.f32 $0.0e+00, v54  }
0xed: {  	v47 =	vld [tilespmem:s26+$0xFFFFFEC0];
	v31 =	vmul.f32 v31, v12;
	v29 =	vadd.f32 v55, v29;
	v17 =	vadd.f32 v57, v17  }
0xee: {  	v58 =	vld [tilespmem:s26+$0xFFFFFFD0];
	v20 =	vadd.f32 v20, v36;
	v24 =	vadd.f32 v59, v24;
	v27 =	vmul.f32 v27, v10  }
0xef: {  	v30 =	vld [tilespmem:s26+$0xFFFFFE90];
	v31 =	vadd.f32 v31, v35;
	v26 =	vadd.f32 v42, v26;
	v25 =	vmul.f32 v25, v16  }
0xf0: {  	v23 =	vmul.f32 v23, v8;
	v22 =	vadd.f32 v33, v22;
	(xrf2) =	vadd.scan.msk.f32 $0xffff, v18;
	v27 =	vadd.f32 v27, v28;
	v28 =	vld [tilespmem:s26+$0xA0]  }
0xf1: {  	v19 =	vmul.f32 v19, v12;
	v33 =	vsub.f32 $0.0e+00, v51;
	v25 =	vadd.f32 v25, v31;
	v31 =	vld [tilespmem:s26+$0xFFFFFEE0]  }
0xf2: {  	v61 =	vmul.f32 v47, v11;
	v21 =	vadd.f32 v23, v21;
	v23 =	vld [tilespmem:s26+$0xFFFFFFA0];
	v18 =	vsub.f32 $0.0e+00, v45  }
0xf3: {  	v56 =	vld [tilespmem:s26+$0xFFFFFFC0];
	v20 =	vadd.f32 v48, v20;
	v45 =	vmul.f32 v53, v7;
	v19 =	vadd.f32 v19, v40  }
0xf4: {  	v60 =	vld [tilespmem:s26+$0xFFFFFFE0];
	v48 =	vmul.f32 v58, v9;
	v30 =	vmul.f32 v30, v14;
	v21 =	vadd.f32 v49, v21  }
0xf5: {  	v62 =	vld [tilespmem:s26+$0xFFFFFFF0];
	v26 =	vadd.f32 v61, v26;
	v19 =	vadd.f32 v52, v19;
	v28 =	vmul.f32 v28, v15  }
0xf6: {  	v46 =	vld [tilespmem:s26+$0xD0];
	v30 =	vadd.f32 v30, v32;
	v21 =	vadd.f32 v48, v21;
	v31 =	vmul.f32 v31, v6  }
0xf7: {  	v63 =	vld [tilespmem:s26+$0xC0];
	v23 =	vmul.f32 v23, v15;
	v27 =	vadd.f32 v28, v27;
	v28 =	vmul.f32 v50, v9  }
0xf8: {  	v47 =	vld [tilespmem:s26+$0xF0];
	v25 =	vadd.f32 v45, v25;
	v22 =	vadd.f32 v31, v22  }
0xf9: {  	v33 =	vmul.f32 $1.442695020e+00, v33;
	v23 =	vadd.f32 v23, v34;
	v28 =	vadd.f32 v28, v30;
	v30 =	vld [tilespmem:s26+$0xE0]  }
0xfa: {  	v44, _, _ =	vpop (xrf2);
	v31 =	vmul.f32 v56, v11;
	v22 =	vadd.f32 v25, v22;
	v25 =	vmul.f32 v62, v7  }
0xfb: {  	v36 =	vsub.f32 $0.0e+00, v44;
	v26 =	vadd.f32 v28, v26;
	v28 =	vmul.f32 v60, v6  }
0xfc: {  	v18 =	vmul.f32 $1.442695020e+00, v18;
	v20 =	vadd.f32 v31, v20;
	v19 =	vadd.f32 v25, v19  }
0xfd: {  	v25 =	vmul.f32 v46, v9;
	v23 =	vadd.f32 v28, v23;
	v28 =	vmul.f32 v63, v11  }
0xfe: {  	v20 =	vadd.f32 v21, v20;
	v21 =	vmul.f32 v30, v6;
	v30 =	vmul.f32 v47, v7  }
0xff: {  	v18 =	vbroadcast v18, $0xF;
	v17 =	vadd.f32 v25, v17;
	v28 =	vadd.f32 v28, v29  }
0x100: {  	v31 =	vmul.f32 $1.442695020e+00, v39;
	v21 =	vadd.f32 v21, v27;
	v24 =	vadd.f32 v30, v24  }
0x101: {  	v25 =	vbroadcast v33, $0xF;
	v22 =	vadd.f32 v22, v26;
	v19 =	vadd.f32 v19, v23  }
0x102: {  	(erf) = vpow2.f32 v18;
	v17 =	vadd.f32 v17, v28;
	v18 =	vadd.f32 v24, v21  }
0x103: {  	(erf) = vpow2.f32 v25;
	(xrf2) =	vadd.scan.msk.f32 $0xffff, v22;
	v27 =	vbroadcast v31, $0xF;
	v19 =	vadd.f32 v19, v20  }
0x104: {  	v20 =	vmul.f32 $1.442695020e+00, v36;
	v17 =	vadd.f32 v18, v17  }
0x105: {  	(erf) = vpow2.f32 v27;
	(xrf2) =	vadd.scan.msk.f32 $0xffff, v19  }
0x106: {  	v18 =	vbroadcast v20, $0xF;
	(xrf2) =	vadd.scan.msk.f32 $0xffff, v17;
	_ =	sdelay $0x1  }
0x107: {  	(erf) = vpow2.f32 v18;
	_ =	sdelay $0x2  }
0x108: {  	v17 =	vpop (erf)  }
0x109: {  	v18 =	vpop (erf);
	v17 =	vadd.f32 $1.000000000e+00, v17  }
0x10a: {  	v20, _, _ =	vpop (xrf2);
	v18 =	vadd.f32 $1.000000000e+00, v18  }
0x10b: {  	v19 =	vpop (erf)  }
0x10c: {  	v20 =	vsub.f32 $0.0e+00, v20;
	v21, _, _ =	vpop (xrf2)  }
0x10d: {  	(erf) = vrcp.f32 v17;
	v19 =	vadd.f32 $1.000000000e+00, v19;
	v21 =	vsub.f32 $0.0e+00, v21;
	v17, _, _ =	vpop (xrf2)  }
0x10e: {  	(erf) = vrcp.f32 v18;
	v20 =	vmul.f32 $1.442695020e+00, v20;
	v18 =	vpop (erf);
	v17 =	vsub.f32 $0.0e+00, v17  }
0x10f: {  	(erf) = vrcp.f32 v19;
	v18 =	vadd.f32 $1.000000000e+00, v18;
	v19 =	vmul.f32 $1.442695020e+00, v21  }
0x110: {  	v20 =	vbroadcast v20, $0xF;
	v17 =	vmul.f32 $1.442695020e+00, v17  }
0x111: {  	(erf) = vrcp.f32 v18;
	v18 =	vbroadcast v19, $0xF  }
0x112: {  	(erf) = vpow2.f32 v20;
	v17 =	vbroadcast v17, $0xF  }
0x113: {  	(erf) = vpow2.f32 v18  }
0x114: {  	(erf) = vpow2.f32 v17;
	_ =	sdelay $0x2  }
0x115: {  	v17 =	vpop (erf)  }
0x116: {  	v18 =	vpop (erf)  }
0x117: {  	v19 =	vpop (erf)  }
0x118: {  	s26 =	sadd.s32 $0x2, s24;
	v20 =	vpop (erf)  }
0x119: {  	s31 =	sadd.s32 $0x1, s24;
	v25 =	vmov s26;
	v22 =	vpop (erf)  }
0x11a: {  	v23 =	vmov s31;
	v21 =	vmov s24;
	v22 =	vadd.f32 $1.000000000e+00, v22;
	v24 =	vpop (erf)  }
0x11b: {  	v23 =	vand.u32 $0xFFFFFFFD, v23;
	v21 =	vand.u32 $0xFFFFFFFC, v21;
	v24 =	vadd.f32 $1.000000000e+00, v24;
	v26 =	vpop (erf)  }
0x11c: {  	v21 =	vbroadcast v21, $0x0;
	(erf) = vrcp.f32 v22;
	v26 =	vadd.f32 $1.000000000e+00, v26  }
0x11d: {  	s30 =	sadd.s32 $0x3, s17;
	v23 =	vbroadcast v23, $0x0;
	v22 =	vand.u32 $0xFFFFFFFE, v25;
	(erf) = vrcp.f32 v24  }
0x11e: {  	s31 =	sadd.s32 $0x1, s17;
	v25 =	vmov s30;
	v24 =	vmov s17;
	(erf) = vrcp.f32 v26  }
0x11f: {  	s24 =	sadd.s32 $0x2, s17;
	v22 =	vbroadcast v22, $0x0;
	v24 =	vand.u32 $0xFFFFFFFC, v24;
	v26 =	vmov s31  }
0x120: {  	v27 =	vmov s24;
	v24 =	vbroadcast v24, $0x0;
	v26 =	vand.u32 $0xFFFFFFFD, v26  }
0x121: {  	v27 =	vand.u32 $0xFFFFFFFE, v27;
	v26 =	vbroadcast v26, $0x0  }
0x122: {  	[tilespmem:v21+s29+$0x0] =	vst.idx.msk $0x1, v17;
	v17 =	vbroadcast v27, $0x0  }
0x123: {  	[tilespmem:v23+s29+$0x0] =	vst.idx.msk $0x1, v18  }
0x124: {  	[tilespmem:v25+s29+$0x0] =	vst.idx.msk $0x1, v20  }
0x125: {  	[tilespmem:v22+s29+$0x0] =	vst.idx.msk $0x1, v19;
	v18 =	vpop (erf)  }
0x126: {  	[tilespmem:v24+s29+$0x0] =	vst.idx.msk $0x1, v18;
	v18 =	vpop (erf)  }
0x127: {  	[tilespmem:v26+s29+$0x0] =	vst.idx.msk $0x1, v18;
	v18 =	vpop (erf)  }
0x128: {  	[tilespmem:v17+s29+$0x0] =	vst.idx.msk $0x1, v18  }
0x129: {  	[hbm4b:s6+s4] =	stream.linear.scatter [tilespmem:s29], [sflag:$0x5], $0x40, $0x38;
	[tilespmem:$0x10780] =	vst v63  }
0x12a: {  	s26 =	simm.s32 $0x200  }
0x12b: {  	[tilespmem:s22], [sflag:$0x1] =	stream.indirect.gather [hbm4b:s1+s21], $0x80, s26, s21, $0xb8;
	[tilespmem:$0x10780] =	vst v63  }
0x12c: {  	_ =	swait.ge [sflag:s19], $0x4000  }
0x12d: {  	[sflag:s19] =	ssyncset.done $0x0  }
0x12e: {  	s30 =	simm.s32 $0x4600;
	[sflag:s19] =	ssyncadd.s32 $0xFFFFC000  }
0x12f: {  	v17 =	vld [tilespmem:s30+$0x1C0]  }
0x130: {  	v18 =	vld [tilespmem:s30+$0x1D0]  }
0x131: {  	v19 =	vld [tilespmem:s30+$0x180]  }
0x132: {  	v20 =	vld [tilespmem:s30+$0x190]  }
0x133: {  	v21 =	vld [tilespmem:s30+$0x140]  }
0x134: {  	v22 =	vld [tilespmem:s30+$0x150]  }
0x135: {  	v23 =	vld [tilespmem:s30+$0x100]  }
0x136: {  	v24 =	vld [tilespmem:s30+$0x110]  }
0x137: {  	v25 =	vld [tilespmem:s30+$0x120]  }
0x138: {  	v26 =	vld [tilespmem:s30+$0x130]  }
0x139: {  	v27 =	vld [tilespmem:s30+$0x160]  }
0x13a: {  	v28 =	vld [tilespmem:s30+$0x170];
	v17 =	vmul.f32 v17, v11;
	v18 =	vmul.f32 v18, v9  }
0x13b: {  	v29 =	vld [tilespmem:s30+$0x1A0];
	v19 =	vmul.f32 v19, v13;
	v20 =	vmul.f32 v20, v14  }
0x13c: {  	v30 =	vld [tilespmem:s30+$0x1B0];
	v21 =	vmul.f32 v21, v5;
	v22 =	vmul.f32 v22, v8  }
0x13d: {  	v31 =	vld [tilespmem:s30+$0x1E0];
	v23 =	vmul.f32 v23, v1;
	v24 =	vmul.f32 v24, v2  }
0x13e: {  	v49 =	vld [tilespmem:s30+$0x1F0];
	v25 =	vmul.f32 v25, v3;
	v26 =	vmul.f32 v26, v4  }
0x13f: {  	v50 =	vld [tilespmem:s30+$0xFFFFFE10];
	v27 =	vmul.f32 v27, v10;
	v23 =	vadd.f32 v23, v0;
	v24 =	vadd.f32 $0.0e+00, v24  }
0x140: {  	v51 =	vld [tilespmem:s30+$0xFFFFFE20];
	v28 =	vmul.f32 v28, v12;
	v25 =	vadd.f32 $0.0e+00, v25;
	v26 =	vadd.f32 $0.0e+00, v26  }
0x141: {  	v52 =	vld [tilespmem:s30+$0xFFFFFF40];
	v21 =	vadd.f32 v21, v23;
	v22 =	vadd.f32 v22, v24;
	v23 =	vmul.f32 v29, v15  }
0x142: {  	v54 =	vld [tilespmem:s30+$0xFFFFFF50];
	v25 =	vadd.f32 v27, v25;
	v26 =	vadd.f32 v28, v26;
	v27 =	vmul.f32 v30, v16  }
0x143: {  	v55 =	vld [tilespmem:s30+$0xFFFFFF60];
	v19 =	vadd.f32 v19, v21;
	v20 =	vadd.f32 v20, v22;
	v21 =	vmul.f32 v31, v6  }
0x144: {  	v56 =	vld [tilespmem:s30+$0xFFFFFF70];
	v23 =	vadd.f32 v23, v25;
	v25 =	vadd.f32 v27, v26;
	v26 =	vmul.f32 v49, v7  }
0x145: {  	v57 =	vld [tilespmem:s30+$0x40];
	v17 =	vadd.f32 v17, v19;
	v18 =	vadd.f32 v18, v20  }
0x146: {  	v58 =	vld [tilespmem:s30+$0x50];
	v20 =	vadd.f32 v21, v23;
	v21 =	vadd.f32 v26, v25  }
0x147: {  	v59 =	vld [tilespmem:s30+$0x60]  }
0x148: {  	v61 =	vld [tilespmem:s30+$0x70];
	v17 =	vadd.f32 v18, v17;
	v18 =	vadd.f32 v21, v20  }
0x149: {  	v62 =	vld [tilespmem:s30+$0xFFFFFE80]  }
0x14a: {  	v63 =	vld [tilespmem:s30+$0xFFFFFEA0];
	v17 =	vadd.f32 v18, v17  }
0x14b: {  	v24 =	vld [tilespmem:s30+$0xFFFFFE30]  }
0x14c: {  	v28 =	vld [tilespmem:s30+$0xFFFFFF00];
	(xrf2) =	vadd.scan.msk.f32 $0xffff, v17  }
0x14d: {  	v29 =	vld [tilespmem:s30+$0xFFFFFE60]  }
0x14e: {  	v18 =	vld [tilespmem:s30+$0xFFFFFE00]  }
0x14f: {  	v30 =	vld [tilespmem:s30+$0xFFFFFE70]  }
0x150: {  	v53 =	vmul.f32 v51, v3;
	v32 =	vmul.f32 v52, v5;
	v26 =	vld [tilespmem:s30+$0xFFFFFE40]  }
0x151: {  	v35 =	vmul.f32 v55, v10;
	v36 =	vmul.f32 v56, v12;
	v22 =	vld [tilespmem:s30+$0xFFFFFF10]  }
0x152: {  	v46 =	vmul.f32 v57, v5;
	v27 =	vld [tilespmem:s30+$0xFFFFFF20];
	v31 =	vmul.f32 v50, v2  }
0x153: {  	v51 =	vmul.f32 v61, v12;
	v19 =	vld [tilespmem:s30+$0xFFFFFF30];
	v18 =	vmul.f32 v18, v1  }
0x154: {  	v33 =	vadd.f32 $0.0e+00, v53;
	v23 =	vld [tilespmem:s30+$0x0];
	v31 =	vadd.f32 $0.0e+00, v31;
	v24 =	vmul.f32 v24, v4  }
0x155: {  	v28 =	vmul.f32 v28, v1;
	v26 =	vmul.f32 v26, v5;
	v17 =	vld [tilespmem:s30+$0xFFFFFE50];
	v18 =	vadd.f32 v18, v0  }
0x156: {  	v44 =	vld [tilespmem:s30+$0xFFFFFEB0];
	v29 =	vmul.f32 v29, v10;
	v30 =	vmul.f32 v30, v12;
	v24 =	vadd.f32 $0.0e+00, v24;
	v60, _, _ =	vpop (xrf2)  }
0x157: {  	v20 =	vld [tilespmem:s30+$0x20];
	v22 =	vmul.f32 v22, v2;
	v18 =	vadd.f32 v26, v18;
	v26 =	vsub.f32 $0.0e+00, v60  }
0x158: {  	v21 =	vld [tilespmem:s30+$0x30];
	v27 =	vmul.f32 v27, v3;
	v28 =	vadd.f32 v28, v0;
	v29 =	vadd.f32 v29, v33  }
0x159: {  	v25 =	vld [tilespmem:s30+$0x10];
	v22 =	vadd.f32 $0.0e+00, v22;
	v19 =	vmul.f32 v19, v4;
	v26 =	vmul.f32 $1.442695020e+00, v26  }
0x15a: {  	v45 =	vld [tilespmem:s30+$0xFFFFFF80];
	v27 =	vadd.f32 $0.0e+00, v27;
	v23 =	vmul.f32 v23, v1;
	v17 =	vmul.f32 v17, v8  }
0x15b: {  	v47 =	vld [tilespmem:s30+$0xFFFFFFB0];
	v24 =	vadd.f32 v30, v24;
	v30 =	vmul.f32 v54, v8;
	v26 =	vbroadcast v26, $0xF  }
0x15c: {  	v28 =	vadd.f32 v32, v28;
	v20 =	vmul.f32 v20, v3;
	v17 =	vadd.f32 v17, v31;
	v31 =	vld [tilespmem:s30+$0xFFFFFE90]  }
0x15d: {  	v19 =	vadd.f32 $0.0e+00, v19;
	v21 =	vmul.f32 v21, v4;
	(erf) = vpow2.f32 v26;
	v26 =	vld [tilespmem:s30+$0xFFFFFFA0]  }
0x15e: {  	v52 =	vld [tilespmem:s30+$0x90];
	v25 =	vmul.f32 v25, v2;
	v23 =	vadd.f32 v23, v0;
	v22 =	vadd.f32 v30, v22  }
0x15f: {  	v49 =	vmul.f32 v59, v10;
	v30 =	vld [tilespmem:s30+$0xFFFFFF90];
	v20 =	vadd.f32 $0.0e+00, v20;
	v21 =	vadd.f32 $0.0e+00, v21  }
0x160: {  	v40 =	vmul.f32 v62, v13;
	v56 =	vld [tilespmem:s30+$0xFFFFFEC0];
	v25 =	vadd.f32 $0.0e+00, v25;
	v27 =	vadd.f32 v35, v27  }
0x161: {  	v50 =	vld [tilespmem:s30+$0x80];
	v53 =	vadd.f32 v49, v20;
	v35 =	vadd.f32 v51, v21;
	v20 =	vmul.f32 v31, v14  }
0x162: {  	v59 =	vld [tilespmem:s30+$0xFFFFFFC0];
	v54 =	vadd.f32 v40, v18;
	v18 =	vmul.f32 v63, v15;
	v26 =	vmul.f32 v26, v15  }
0x163: {  	v21 =	vld [tilespmem:s30+$0xB0];
	v55 =	vadd.f32 v20, v17;
	v17 =	vmul.f32 v44, v16;
	v20 =	vmul.f32 v45, v13  }
0x164: {  	v19 =	vadd.f32 v36, v19;
	v29 =	vadd.f32 v18, v29;
	v18 =	vmul.f32 v30, v14;
	v30 =	vld [tilespmem:s30+$0xFFFFFED0]  }
0x165: {  	v48 =	vmul.f32 v58, v8;
	v31 =	vld [tilespmem:s30+$0xA0];
	v24 =	vadd.f32 v17, v24;
	v57 =	vadd.f32 v20, v28  }
0x166: {  	v58 =	vmul.f32 v52, v14;
	v28 =	vld [tilespmem:s30+$0xFFFFFEE0];
	v17 =	vadd.f32 v18, v22;
	v18 =	vadd.f32 v26, v27;
	v26 =	vpop (erf)  }
0x167: {  	v23 =	vadd.f32 v46, v23;
	v20 =	vmul.f32 v47, v16;
	v27 =	vld [tilespmem:s30+$0xFFFFFEF0];
	v26 =	vadd.f32 $1.000000000e+00, v26  }
0x168: {  	v25 =	vadd.f32 v48, v25;
	v63 =	vmul.f32 v59, v11;
	v60 =	vld [tilespmem:s30+$0xFFFFFFD0];
	v22 =	vmul.f32 v50, v13  }
0x169: {  	v30 =	vmul.f32 v30, v9;
	v20 =	vadd.f32 v20, v19;
	(erf) = vrcp.f32 v26  }
0x16a: {  	v61 =	vld [tilespmem:s30+$0xFFFFFFE0];
	v19 =	vadd.f32 v22, v23;
	v22 =	vmul.f32 v31, v15;
	v23 =	vmul.f32 v21, v16  }
0x16b: {  	v21 =	vadd.f32 v58, v25;
	v25 =	vmul.f32 v56, v11;
	v28 =	vmul.f32 v28, v6;
	v26 =	vld [tilespmem:s30+$0xFFFFFFF0]  }
0x16c: {  	v30 =	vadd.f32 v30, v55;
	v32 =	vadd.f32 v63, v57;
	v62 =	vmul.f32 v27, v7;
	v27 =	vld [tilespmem:s30+$0xC0]  }
0x16d: {  	s31 =	simm.s32 $0x43;
	v33 =	vmul.f32 v60, v9;
	v25 =	vadd.f32 v25, v54;
	v31 =	vadd.f32 v28, v29;
	v28 =	vld [tilespmem:s30+$0xD0]  }
0x16e: {  	v22 =	vadd.f32 v22, v53;
	v29 =	vld [tilespmem:s30+$0xE0];
	v34 =	vadd.f32 v62, v24;
	v24 =	vmov s31  }
0x16f: {  	s24 =	simm.s32 $0x0;
	s17 =	simm.s32 $0xFFFFFFFC;
	s26 =	simm.s32 $0x4A00;
	v23 =	vadd.f32 v23, v35;
	v35 =	vmul.f32 v61, v6;
	v25 =	vadd.f32 v30, v25;
	v30 =	vld [tilespmem:s30+$0xF0]  }
.LBB2_4:
0x170: {  	v36 =	vld [tilespmem:s26+$0x1C0];
	v31 =	vadd.f32 v34, v31;
	v17 =	vadd.f32 v33, v17;
	v26 =	vmul.f32 v26, v7;
	s30 =	smov.u32 s24  }
0x171: {  	v33 =	vld [tilespmem:s26+$0x1D0];
	v18 =	vadd.f32 v35, v18;
	v27 =	vmul.f32 v27, v11  }
0x172: {  	v34 =	vld [tilespmem:s26+$0x180];
	v20 =	vadd.f32 v26, v20;
	v17 =	vadd.f32 v17, v32;
	v26 =	vmul.f32 v28, v9;
	v28 =	vpop (erf)  }
0x173: {  	v32 =	vld [tilespmem:s26+$0x190];
	v19 =	vadd.f32 v27, v19;
	v27 =	vmul.f32 v29, v6;
	[tilespmem:v24+s29+$0x0] =	vst.idx.msk $0x1, v28  }
0x174: {  	v24 =	vld [tilespmem:s26+$0x140];
	v18 =	vadd.f32 v20, v18;
	v20 =	vadd.f32 v26, v21;
	v21 =	vmul.f32 v30, v7  }
0x175: {  	v25 =	vadd.f32 v31, v25;
	v26 =	vld [tilespmem:s26+$0x150];
	v22 =	vadd.f32 v27, v22  }
0x176: {  	v27 =	vld [tilespmem:s26+$0x100];
	v21 =	vadd.f32 v21, v23;
	v19 =	vadd.f32 v20, v19  }
0x177: {  	v17 =	vadd.f32 v18, v17;
	v20 =	vld [tilespmem:s26+$0x110];
	(xrf2) =	vadd.scan.msk.f32 $0xffff, v25  }
0x178: {  	v23 =	vld [tilespmem:s26+$0x120];
	v18 =	vadd.f32 v21, v22  }
0x179: {  	s24 =	sadd.s32 $0x4, s24;
	v21 =	vld [tilespmem:s26+$0x130]  }
0x17a: {  	p0 =	slt.u32 s24, $0x3C;
	v28 =	vmul.f32 v33, v9;
	v25 =	vmul.f32 v36, v11;
	v22 =	vld [tilespmem:s26+$0x160];
	v19 =	vadd.f32 v18, v19;
	(xrf2) =	vadd.scan.msk.f32 $0xffff, v17  }
0x17b: {  	v30 =	vmul.f32 v34, v13;
	v31 =	vmul.f32 v32, v14;
	v29 =	vld [tilespmem:s26+$0x170]  }
0x17c: {  	s31 =	sadd.s32 $0x44, s17;
	v24 =	vmul.f32 v24, v5;
	v26 =	vmul.f32 v26, v8;
	v32 =	vld [tilespmem:s26+$0x1A0]  }
0x17d: {  	v18 =	vmov s31;
	s31 =	sadd.s32 $0x45, s17;
	v27 =	vmul.f32 v27, v1;
	v20 =	vmul.f32 v20, v2;
	v33 =	vld [tilespmem:s26+$0x1B0];
	(xrf2) =	vadd.scan.msk.f32 $0xffff, v19  }
0x17e: {  	v17 =	vmov s31;
	v19 =	vmul.f32 v23, v3;
	v21 =	vmul.f32 v21, v4;
	v23 =	vld [tilespmem:s26+$0x1E0]  }
0x17f: {  	v37 =	vadd.f32 v27, v0;
	v20 =	vadd.f32 $0.0e+00, v20;
	v22 =	vmul.f32 v22, v10;
	v34 =	vld [tilespmem:s26+$0x1F0]  }
0x180: {  	v19 =	vadd.f32 $0.0e+00, v19;
	v35 =	vld [tilespmem:s26+$0xFFFFFE10];
	v21 =	vadd.f32 $0.0e+00, v21;
	v29 =	vmul.f32 v29, v12  }
0x181: {  	v24 =	vadd.f32 v24, v37;
	v20 =	vadd.f32 v26, v20;
	v36 =	vld [tilespmem:s26+$0xFFFFFE20];
	v37 =	vmul.f32 v32, v15;
	v27, _, _ =	vpop (xrf2)  }
0x182: {  	v19 =	vadd.f32 v22, v19;
	v32 =	vld [tilespmem:s26+$0xFFFFFE30];
	v21 =	vadd.f32 v29, v21;
	v22 =	vmul.f32 v33, v16  }
0x183: {  	v24 =	vadd.f32 v30, v24;
	v20 =	vadd.f32 v31, v20;
	v29 =	vld [tilespmem:s26+$0xFFFFFF00];
	v23 =	vmul.f32 v23, v6  }
0x184: {  	v19 =	vadd.f32 v37, v19;
	v30 =	vld [tilespmem:s26+$0xFFFFFF10];
	v21 =	vadd.f32 v22, v21;
	v22 =	vmul.f32 v34, v7;
	v26, _, _ =	vpop (xrf2)  }
0x185: {  	v24 =	vadd.f32 v25, v24;
	v20 =	vadd.f32 v28, v20;
	v31 =	vmul.f32 v35, v2;
	v33 =	vld [tilespmem:s26+$0xFFFFFF20]  }
0x186: {  	v19 =	vadd.f32 v23, v19;
	v25 =	vmul.f32 v36, v3;
	v28 =	vld [tilespmem:s26+$0xFFFFFF30];
	v21 =	vadd.f32 v22, v21  }
0x187: {  	v27 =	vsub.f32 $0.0e+00, v27;
	v22 =	vadd.f32 $0.0e+00, v31;
	v23 =	vmul.f32 v32, v4;
	v31 =	vld [tilespmem:s26+$0x0];
	v32, _, _ =	vpop (xrf2)  }
0x188: {  	v20 =	vadd.f32 v20, v24;
	v29 =	vmul.f32 v29, v1;
	v34 =	vld [tilespmem:s26+$0x10];
	v19 =	vadd.f32 v21, v19  }
0x189: {  	v21 =	vadd.f32 $0.0e+00, v25;
	v23 =	vadd.f32 $0.0e+00, v23;
	v24 =	vmul.f32 v30, v2;
	v25 =	vld [tilespmem:s26+$0x20]  }
0x18a: {  	v29 =	vadd.f32 v29, v0;
	v30 =	vmul.f32 v33, v3;
	v33 =	vld [tilespmem:s26+$0x30];
	v19 =	vadd.f32 v19, v20  }
0x18b: {  	v26 =	vsub.f32 $0.0e+00, v26;
	v20 =	vld [tilespmem:s26+$0xFFFFFE00];
	v24 =	vadd.f32 $0.0e+00, v24;
	v28 =	vmul.f32 v28, v4  }
0x18c: {  	v35 =	vld [tilespmem:s26+$0xFFFFFE40];
	v30 =	vadd.f32 $0.0e+00, v30;
	v31 =	vmul.f32 v31, v1;
	(xrf2) =	vadd.scan.msk.f32 $0xffff, v19;
	v19 =	vsub.f32 $0.0e+00, v32  }
0x18d: {  	v27 =	vmul.f32 $1.442695020e+00, v27;
	v32 =	vld [tilespmem:s26+$0xFFFFFE50];
	v28 =	vadd.f32 $0.0e+00, v28;
	v34 =	vmul.f32 v34, v2  }
0x18e: {  	v26 =	vmul.f32 $1.442695020e+00, v26;
	v36 =	vld [tilespmem:s26+$0xFFFFFE60];
	v31 =	vadd.f32 v31, v0;
	v25 =	vmul.f32 v25, v3  }
0x18f: {  	v19 =	vmul.f32 $1.442695020e+00, v19;
	v37 =	vld [tilespmem:s26+$0xFFFFFE70];
	v34 =	vadd.f32 $0.0e+00, v34;
	v33 =	vmul.f32 v33, v4  }
0x190: {  	v27 =	vbroadcast v27, $0xF;
	v20 =	vmul.f32 v20, v1;
	v38 =	vld [tilespmem:s26+$0xFFFFFF40];
	v25 =	vadd.f32 $0.0e+00, v25  }
0x191: {  	v26 =	vbroadcast v26, $0xF;
	v35 =	vmul.f32 v35, v5;
	v39 =	vld [tilespmem:s26+$0xFFFFFF50];
	v33 =	vadd.f32 $0.0e+00, v33  }
0x192: {  	s31 =	sadd.s32 $0x46, s17;
	s17 =	smov.u32 s30;
	v19 =	vbroadcast v19, $0xF;
	v20 =	vadd.f32 v20, v0;
	v32 =	vmul.f32 v32, v8;
	v40 =	vld [tilespmem:s26+$0xFFFFFF60]  }
0x193: {  	v42 =	vmov s31;
	v36 =	vmul.f32 v36, v10;
	v41 =	vld [tilespmem:s26+$0xFFFFFF70];
	(erf) = vpow2.f32 v27  }
0x194: {  	v20 =	vadd.f32 v35, v20;
	v22 =	vadd.f32 v32, v22;
	v27 =	vmul.f32 v37, v12;
	v32 =	vld [tilespmem:s26+$0x40]  }
0x195: {  	v21 =	vadd.f32 v36, v21;
	v35 =	vmul.f32 v38, v5;
	v36 =	vld [tilespmem:s26+$0x50];
	(erf) = vpow2.f32 v26  }
0x196: {  	v23 =	vadd.f32 v27, v23;
	v26 =	vmul.f32 v39, v8;
	v27 =	vld [tilespmem:s26+$0x60];
	v37, _, _ =	vpop (xrf2);
	(erf) = vpow2.f32 v19  }
0x197: {  	v19 =	vadd.f32 v35, v29;
	v29 =	vmul.f32 v40, v10;
	v35 =	vld [tilespmem:s26+$0x70];
	v37 =	vsub.f32 $0.0e+00, v37  }
0x198: {  	v18 =	vand.u32 $0xFFFFFFFC, v18;
	v38 =	vld [tilespmem:s26+$0xFFFFFE80];
	v24 =	vadd.f32 v26, v24;
	v26 =	vmul.f32 v41, v12  }
0x199: {  	v39 =	vld [tilespmem:s26+$0xFFFFFE90];
	v29 =	vadd.f32 v29, v30;
	v30 =	vmul.f32 v32, v5;
	v32 =	vmul.f32 $1.442695020e+00, v37  }
0x19a: {  	v37 =	vld [tilespmem:s26+$0xFFFFFEA0];
	v26 =	vadd.f32 v26, v28;
	v28 =	vmul.f32 v36, v8;
	v36 =	vand.u32 $0xFFFFFFFD, v17  }
0x19b: {  	v17 =	vld [tilespmem:s26+$0xFFFFFEB0];
	v30 =	vadd.f32 v30, v31;
	v27 =	vmul.f32 v27, v10;
	v31 =	vbroadcast v32, $0xF  }
0x19c: {  	v32 =	vld [tilespmem:s26+$0xFFFFFF80];
	v28 =	vadd.f32 v28, v34;
	v34 =	vmul.f32 v35, v12;
	v35 =	vand.u32 $0xFFFFFFFE, v42;
	v40 =	vpop (erf)  }
0x19d: {  	v38 =	vmul.f32 v38, v13;
	v41 =	vld [tilespmem:s26+$0xFFFFFF90];
	v25 =	vadd.f32 v27, v25;
	(erf) = vpow2.f32 v31  }
0x19e: {  	v27 =	vmul.f32 v39, v14;
	v31 =	vld [tilespmem:s26+$0xFFFFFFA0];
	v33 =	vadd.f32 v34, v33;
	v34 =	vadd.f32 $1.000000000e+00, v40;
	v39 =	vpop (erf)  }
0x19f: {  	v38 =	vadd.f32 v38, v20;
	v20 =	vmul.f32 v37, v15;
	v37 =	vld [tilespmem:s26+$0xFFFFFFB0];
	v39 =	vadd.f32 $1.000000000e+00, v39;
	v40 =	vpop (erf)  }
0x1a0: {  	v27 =	vadd.f32 v27, v22;
	v17 =	vmul.f32 v17, v16;
	v22 =	vld [tilespmem:s26+$0x80];
	v40 =	vadd.f32 $1.000000000e+00, v40  }
0x1a1: {  	v42 =	vadd.f32 v20, v21;
	v20 =	vmul.f32 v32, v13;
	v21 =	vld [tilespmem:s26+$0x90];
	(erf) = vrcp.f32 v34  }
0x1a2: {  	v32 =	vadd.f32 v17, v23;
	v17 =	vmul.f32 v41, v14;
	v23 =	vld [tilespmem:s26+$0xA0];
	(erf) = vrcp.f32 v39  }
0x1a3: {  	v39 =	vadd.f32 v20, v19;
	v19 =	vmul.f32 v31, v15;
	v31 =	vld [tilespmem:s26+$0xB0];
	(erf) = vrcp.f32 v40  }
0x1a4: {  	v34 =	vld [tilespmem:s26+$0xFFFFFEC0];
	v17 =	vadd.f32 v17, v24;
	v20 =	vmul.f32 v37, v16;
	v24 =	vbroadcast v18, $0x0  }
0x1a5: {  	v37 =	vld [tilespmem:s26+$0xFFFFFED0];
	v18 =	vadd.f32 v19, v29;
	v19 =	vmul.f32 v22, v13;
	v29 =	vbroadcast v36, $0x0  }
0x1a6: {  	v35 =	vbroadcast v35, $0x0;
	v36 =	vld [tilespmem:s26+$0xFFFFFEE0];
	v20 =	vadd.f32 v20, v26;
	v21 =	vmul.f32 v21, v14;
	v22 =	vpop (erf)  }
0x1a7: {  	v40 =	vld [tilespmem:s26+$0xFFFFFEF0];
	v19 =	vadd.f32 v19, v30;
	v23 =	vmul.f32 v23, v15;
	v26 =	vadd.f32 $1.000000000e+00, v22  }
0x1a8: {  	v30 =	vld [tilespmem:s26+$0xFFFFFFC0];
	v21 =	vadd.f32 v21, v28;
	v43 =	vmul.f32 v31, v16  }
0x1a9: {  	v31 =	vmul.f32 v34, v11;
	v41 =	vld [tilespmem:s26+$0xFFFFFFD0];
	v22 =	vadd.f32 v23, v25;
	(erf) = vrcp.f32 v26  }
0x1aa: {  	v25 =	vmul.f32 v37, v9;
	v37 =	vld [tilespmem:s26+$0xFFFFFFE0];
	v23 =	vadd.f32 v43, v33;
	v28 =	vpop (erf)  }
.Ltmp1:
0x1ab: {  	v38 =	vadd.f32 v31, v38;
	v31 =	vmul.f32 v36, v6;
	v26 =	vld [tilespmem:s26+$0xFFFFFFF0];
	[tilespmem:v24+s29+$0x0] =	vst.idx.msk $0x1, v28;
	v24 =	vpop (erf);
	(pc) =	sbr.rel @p0 .LBB2_4-.Ltmp1, $4  }
0x1ac: {  	v25 =	vadd.f32 v25, v27;
	v33 =	vmul.f32 v40, v7;
	v27 =	vld [tilespmem:s26+$0xC0];
	[tilespmem:v29+s29+$0x0] =	vst.idx.msk $0x1, v24;
	v24 =	vpop (erf)  }
0x1ad: {  	s30 =	sadd.s32 $0x47, s17;
	v31 =	vadd.f32 v31, v42;
	v30 =	vmul.f32 v30, v11;
	v28 =	vld [tilespmem:s26+$0xD0];
	[tilespmem:v35+s29+$0x0] =	vst.idx.msk $0x1, v24  }
0x1ae: {  	v24 =	vmov s30;
	v34 =	vadd.f32 v33, v32;
	v33 =	vmul.f32 v41, v9;
	v29 =	vld [tilespmem:s26+$0xE0]  }
0x1af: {  	v25 =	vadd.f32 v25, v38;
	v32 =	vadd.f32 v30, v39;
	v35 =	vmul.f32 v37, v6;
	v30 =	vld [tilespmem:s26+$0xF0];
	s26 =	sadd.s32 $0x400, s26  }
0x1b0: {  	_ = 	snop  }
0x1b1: {  	v31 =	vadd.f32 v34, v31;
	v26 =	vmul.f32 v26, v7  }
0x1b2: {  	v17 =	vadd.f32 v33, v17;
	v18 =	vadd.f32 v35, v18  }
0x1b3: {  	v27 =	vmul.f32 v27, v11;
	v20 =	vadd.f32 v26, v20;
	v26 =	vmul.f32 v28, v9  }
0x1b4: {  	v17 =	vadd.f32 v17, v32;
	v28 =	vmul.f32 v29, v6;
	v29 =	vmul.f32 v30, v7  }
0x1b5: {  	v19 =	vadd.f32 v27, v19;
	v21 =	vadd.f32 v26, v21  }
0x1b6: {  	v22 =	vadd.f32 v28, v22;
	v23 =	vadd.f32 v29, v23  }
0x1b7: {  	v18 =	vadd.f32 v20, v18;
	v20 =	vadd.f32 v31, v25  }
0x1b8: {  	v19 =	vadd.f32 v21, v19;
	v21 =	vadd.f32 v23, v22  }
0x1b9: {  	v17 =	vadd.f32 v18, v17  }
0x1ba: {  	(xrf2) =	vadd.scan.msk.f32 $0xffff, v20;
	v18 =	vadd.f32 v21, v19  }
0x1bb: {  	(xrf2) =	vadd.scan.msk.f32 $0xffff, v17  }
0x1bc: {  	(xrf2) =	vadd.scan.msk.f32 $0xffff, v18;
	_ =	sdelay $0x7  }
0x1bd: {  	v17, _, _ =	vpop (xrf2)  }
0x1be: {  	v17 =	vsub.f32 $0.0e+00, v17;
	v18, _, _ =	vpop (xrf2)  }
0x1bf: {  	v18 =	vsub.f32 $0.0e+00, v18;
	v19, _, _ =	vpop (xrf2)  }
0x1c0: {  	v17 =	vmul.f32 $1.442695020e+00, v17;
	v19 =	vsub.f32 $0.0e+00, v19  }
0x1c1: {  	v18 =	vmul.f32 $1.442695020e+00, v18  }
0x1c2: {  	v17 =	vbroadcast v17, $0xF;
	v19 =	vmul.f32 $1.442695020e+00, v19  }
0x1c3: {  	v18 =	vbroadcast v18, $0xF  }
0x1c4: {  	(erf) = vpow2.f32 v17;
	v19 =	vbroadcast v19, $0xF  }
0x1c5: {  	(erf) = vpow2.f32 v18  }
0x1c6: {  	(erf) = vpow2.f32 v19;
	_ =	sdelay $0x5  }
0x1c7: {  	v17 =	vpop (erf)  }
0x1c8: {  	v18 =	vpop (erf)  }
0x1c9: {  	v18 =	vadd.f32 $1.000000000e+00, v18;
	v19 =	vpop (erf)  }
0x1ca: {  	v19 =	vadd.f32 $1.000000000e+00, v19;
	v20 =	vpop (erf)  }
0x1cb: {  	(erf) = vrcp.f32 v18;
	v20 =	vadd.f32 $1.000000000e+00, v20  }
0x1cc: {  	s24 =	sadd.s32 $0x44, s17;
	(erf) = vrcp.f32 v19  }
0x1cd: {  	s31 =	sadd.s32 $0x45, s17;
	v18 =	vmov s24;
	(erf) = vrcp.f32 v20  }
0x1ce: {  	s24 =	sadd.s32 $0x46, s17;
	v18 =	vand.u32 $0xFFFFFFFC, v18;
	v19 =	vmov s31  }
0x1cf: {  	v18 =	vbroadcast v18, $0x0;
	v19 =	vand.u32 $0xFFFFFFFD, v19;
	v20 =	vmov s24  }
0x1d0: {  	v19 =	vbroadcast v19, $0x0;
	v20 =	vand.u32 $0xFFFFFFFE, v20  }
0x1d1: {  	v20 =	vbroadcast v20, $0x0;
	_ =	sdelay $0x2  }
0x1d2: {  	[tilespmem:v24+s29+$0x0] =	vst.idx.msk $0x1, v17;
	v17 =	vpop (erf)  }
0x1d3: {  	[tilespmem:v18+s29+$0x0] =	vst.idx.msk $0x1, v17;
	v17 =	vpop (erf)  }
0x1d4: {  	[tilespmem:v19+s29+$0x0] =	vst.idx.msk $0x1, v17;
	v17 =	vpop (erf)  }
0x1d5: {  	s26 =	simm.s32 $0x105C0;
	[tilespmem:v20+s29+$0x0] =	vst.idx.msk $0x1, v17  }
0x1d6: {  	[hbm4b:s8+s4] =	stream.linear.scatter [tilespmem:s26], [sflag:$0x5], $0x40, $0x38;
	[tilespmem:$0x10780] =	vst v63  }
0x1d7: {  	s30 =	simm.s32 $0x280  }
0x1d8: {  	[tilespmem:s23], [sflag:$0x2] =	stream.indirect.gather [hbm4b:s1+s21], $0x80, s30, s21, $0xb8;
	[tilespmem:$0x10780] =	vst v63  }
0x1d9: {  	_ =	swait.ge [sflag:s20], $0x4000  }
0x1da: {  	[sflag:s20] =	ssyncset.done $0x0  }
0x1db: {  	s26 =	simm.s32 $0x8600;
	[sflag:s20] =	ssyncadd.s32 $0xFFFFC000  }
0x1dc: {  	v17 =	vld [tilespmem:s26+$0x1C0]  }
0x1dd: {  	v18 =	vld [tilespmem:s26+$0x1D0]  }
0x1de: {  	v19 =	vld [tilespmem:s26+$0x180]  }
0x1df: {  	v20 =	vld [tilespmem:s26+$0x190]  }
0x1e0: {  	v21 =	vld [tilespmem:s26+$0x140]  }
0x1e1: {  	v22 =	vld [tilespmem:s26+$0x150]  }
0x1e2: {  	v23 =	vld [tilespmem:s26+$0x100]  }
0x1e3: {  	v24 =	vld [tilespmem:s26+$0x110]  }
0x1e4: {  	v25 =	vld [tilespmem:s26+$0x120]  }
0x1e5: {  	v26 =	vld [tilespmem:s26+$0x130]  }
0x1e6: {  	v27 =	vld [tilespmem:s26+$0x160]  }
0x1e7: {  	v28 =	vld [tilespmem:s26+$0x170];
	v17 =	vmul.f32 v17, v11;
	v18 =	vmul.f32 v18, v9  }
0x1e8: {  	v29 =	vld [tilespmem:s26+$0x1A0];
	v19 =	vmul.f32 v19, v13;
	v20 =	vmul.f32 v20, v14  }
0x1e9: {  	v30 =	vld [tilespmem:s26+$0x1B0];
	v21 =	vmul.f32 v21, v5;
	v22 =	vmul.f32 v22, v8  }
0x1ea: {  	v31 =	vld [tilespmem:s26+$0x1E0];
	v23 =	vmul.f32 v23, v1;
	v24 =	vmul.f32 v24, v2  }
0x1eb: {  	v55 =	vld [tilespmem:s26+$0x1F0];
	v25 =	vmul.f32 v25, v3;
	v26 =	vmul.f32 v26, v4  }
0x1ec: {  	v56 =	vld [tilespmem:s26+$0xFFFFFE10];
	v27 =	vmul.f32 v27, v10;
	v23 =	vadd.f32 v23, v0;
	v24 =	vadd.f32 $0.0e+00, v24  }
0x1ed: {  	v57 =	vld [tilespmem:s26+$0xFFFFFE20];
	v28 =	vmul.f32 v28, v12;
	v25 =	vadd.f32 $0.0e+00, v25;
	v26 =	vadd.f32 $0.0e+00, v26  }
0x1ee: {  	v58 =	vld [tilespmem:s26+$0xFFFFFF40];
	v21 =	vadd.f32 v21, v23;
	v22 =	vadd.f32 v22, v24;
	v23 =	vmul.f32 v29, v15  }
0x1ef: {  	v60 =	vld [tilespmem:s26+$0xFFFFFF50];
	v25 =	vadd.f32 v27, v25;
	v26 =	vadd.f32 v28, v26;
	v27 =	vmul.f32 v30, v16  }
0x1f0: {  	v61 =	vld [tilespmem:s26+$0xFFFFFF60];
	v19 =	vadd.f32 v19, v21;
	v20 =	vadd.f32 v20, v22;
	v21 =	vmul.f32 v31, v6  }
0x1f1: {  	v36 =	vld [tilespmem:s26+$0xFFFFFF70];
	v23 =	vadd.f32 v23, v25;
	v25 =	vadd.f32 v27, v26;
	v26 =	vmul.f32 v55, v7  }
0x1f2: {  	v37 =	vld [tilespmem:s26+$0x40];
	v17 =	vadd.f32 v17, v19;
	v18 =	vadd.f32 v18, v20  }
0x1f3: {  	v38 =	vld [tilespmem:s26+$0x50];
	v20 =	vadd.f32 v21, v23;
	v21 =	vadd.f32 v26, v25  }
0x1f4: {  	v39 =	vld [tilespmem:s26+$0x60]  }
0x1f5: {  	v41 =	vld [tilespmem:s26+$0x70];
	v17 =	vadd.f32 v18, v17;
	v18 =	vadd.f32 v21, v20  }
0x1f6: {  	v62 =	vld [tilespmem:s26+$0xFFFFFE80]  }
0x1f7: {  	v24 =	vld [tilespmem:s26+$0xFFFFFE30];
	v17 =	vadd.f32 v18, v17  }
0x1f8: {  	v28 =	vld [tilespmem:s26+$0xFFFFFF00]  }
0x1f9: {  	v29 =	vld [tilespmem:s26+$0xFFFFFE60];
	(xrf2) =	vadd.scan.msk.f32 $0xffff, v17  }
0x1fa: {  	v30 =	vld [tilespmem:s26+$0xFFFFFE70]  }
0x1fb: {  	v18 =	vld [tilespmem:s26+$0xFFFFFE00]  }
0x1fc: {  	v22 =	vld [tilespmem:s26+$0xFFFFFF10]  }
0x1fd: {  	v59 =	vmul.f32 v57, v3;
	v32 =	vmul.f32 v58, v5;
	v26 =	vld [tilespmem:s26+$0xFFFFFE40]  }
0x1fe: {  	v35 =	vmul.f32 v61, v10;
	v36 =	vmul.f32 v36, v12;
	v27 =	vld [tilespmem:s26+$0xFFFFFF20]  }
0x1ff: {  	v46 =	vmul.f32 v37, v5;
	v31 =	vmul.f32 v56, v2;
	v19 =	vld [tilespmem:s26+$0xFFFFFF30]  }
0x200: {  	v33 =	vadd.f32 $0.0e+00, v59;
	v23 =	vld [tilespmem:s26+$0x0];
	v24 =	vmul.f32 v24, v4;
	v18 =	vmul.f32 v18, v1  }
0x201: {  	v25 =	vld [tilespmem:s26+$0x10];
	v31 =	vadd.f32 $0.0e+00, v31;
	v28 =	vmul.f32 v28, v1;
	v29 =	vmul.f32 v29, v10  }
0x202: {  	v30 =	vmul.f32 v30, v12;
	v26 =	vmul.f32 v26, v5;
	v17 =	vld [tilespmem:s26+$0xFFFFFE50];
	v18 =	vadd.f32 v18, v0  }
0x203: {  	v63 =	vld [tilespmem:s26+$0xFFFFFEA0];
	v22 =	vmul.f32 v22, v2;
	v24 =	vadd.f32 $0.0e+00, v24;
	v28 =	vadd.f32 v28, v0;
	v40, _, _ =	vpop (xrf2)  }
0x204: {  	v20 =	vld [tilespmem:s26+$0x20];
	v27 =	vmul.f32 v27, v3;
	v18 =	vadd.f32 v26, v18;
	v26 =	vsub.f32 $0.0e+00, v40  }
0x205: {  	v21 =	vld [tilespmem:s26+$0x30];
	v29 =	vadd.f32 v29, v33;
	v22 =	vadd.f32 $0.0e+00, v22;
	v19 =	vmul.f32 v19, v4  }
0x206: {  	v44 =	vld [tilespmem:s26+$0xFFFFFEB0];
	v27 =	vadd.f32 $0.0e+00, v27;
	v23 =	vmul.f32 v23, v1;
	v26 =	vmul.f32 $1.442695020e+00, v26  }
0x207: {  	v45 =	vld [tilespmem:s26+$0xFFFFFF80];
	v25 =	vmul.f32 v25, v2;
	v24 =	vadd.f32 v30, v24;
	v17 =	vmul.f32 v17, v8  }
0x208: {  	v47 =	vld [tilespmem:s26+$0xFFFFFFB0];
	v30 =	vmul.f32 v60, v8;
	v28 =	vadd.f32 v32, v28;
	v26 =	vbroadcast v26, $0xF  }
0x209: {  	v19 =	vadd.f32 $0.0e+00, v19;
	v20 =	vmul.f32 v20, v3;
	v17 =	vadd.f32 v17, v31;
	v31 =	vld [tilespmem:s26+$0xFFFFFE90]  }
0x20a: {  	v23 =	vadd.f32 v23, v0;
	v21 =	vmul.f32 v21, v4;
	(erf) = vpow2.f32 v26;
	v26 =	vld [tilespmem:s26+$0xFFFFFFA0]  }
0x20b: {  	v50 =	vld [tilespmem:s26+$0x80];
	v49 =	vmul.f32 v39, v10;
	v25 =	vadd.f32 $0.0e+00, v25;
	v22 =	vadd.f32 v30, v22  }
0x20c: {  	v51 =	vmul.f32 v41, v12;
	v30 =	vld [tilespmem:s26+$0xFFFFFF90];
	v20 =	vadd.f32 $0.0e+00, v20;
	v21 =	vadd.f32 $0.0e+00, v21  }
0x20d: {  	v52 =	vld [tilespmem:s26+$0x90];
	v27 =	vadd.f32 v35, v27;
	v19 =	vadd.f32 v36, v19;
	v40 =	vmul.f32 v62, v13  }
0x20e: {  	v59 =	vld [tilespmem:s26+$0xFFFFFFC0];
	v53 =	vadd.f32 v49, v20;
	v35 =	vadd.f32 v51, v21;
	v20 =	vmul.f32 v31, v14  }
0x20f: {  	v56 =	vld [tilespmem:s26+$0xFFFFFEC0];
	v54 =	vadd.f32 v40, v18;
	v18 =	vmul.f32 v63, v15;
	v26 =	vmul.f32 v26, v15  }
0x210: {  	v21 =	vld [tilespmem:s26+$0xB0];
	v55 =	vadd.f32 v20, v17;
	v17 =	vmul.f32 v44, v16;
	v20 =	vmul.f32 v45, v13  }
0x211: {  	v23 =	vadd.f32 v46, v23;
	v31 =	vld [tilespmem:s26+$0xA0];
	v29 =	vadd.f32 v18, v29;
	v18 =	vmul.f32 v30, v14  }
0x212: {  	v30 =	vld [tilespmem:s26+$0xFFFFFED0];
	v24 =	vadd.f32 v17, v24;
	v57 =	vadd.f32 v20, v28  }
0x213: {  	v48 =	vmul.f32 v38, v8;
	v28 =	vld [tilespmem:s26+$0xFFFFFEE0];
	v17 =	vadd.f32 v18, v22;
	v18 =	vadd.f32 v26, v27;
	v26 =	vpop (erf)  }
0x214: {  	v20 =	vmul.f32 v47, v16;
	v22 =	vmul.f32 v50, v13;
	v27 =	vld [tilespmem:s26+$0xFFFFFEF0];
	v26 =	vadd.f32 $1.000000000e+00, v26  }
0x215: {  	v58 =	vmul.f32 v52, v14;
	v60 =	vld [tilespmem:s26+$0xFFFFFFD0];
	v25 =	vadd.f32 v48, v25;
	v63 =	vmul.f32 v59, v11  }
0x216: {  	v20 =	vadd.f32 v20, v19;
	v19 =	vadd.f32 v22, v23;
	(erf) = vrcp.f32 v26  }
0x217: {  	v61 =	vld [tilespmem:s26+$0xFFFFFFE0];
	v23 =	vmul.f32 v21, v16;
	v21 =	vadd.f32 v58, v25;
	v25 =	vmul.f32 v56, v11  }
0x218: {  	v32 =	vadd.f32 v63, v57;
	v30 =	vmul.f32 v30, v9;
	v28 =	vmul.f32 v28, v6;
	v26 =	vld [tilespmem:s26+$0xFFFFFFF0]  }
0x219: {  	v22 =	vmul.f32 v31, v15;
	v25 =	vadd.f32 v25, v54;
	v62 =	vmul.f32 v27, v7;
	v27 =	vld [tilespmem:s26+$0xC0]  }
0x21a: {  	s31 =	simm.s32 $0x83;
	v33 =	vmul.f32 v60, v9;
	v30 =	vadd.f32 v30, v55;
	v31 =	vadd.f32 v28, v29;
	v28 =	vld [tilespmem:s26+$0xD0]  }
0x21b: {  	v22 =	vadd.f32 v22, v53;
	v29 =	vld [tilespmem:s26+$0xE0];
	v34 =	vadd.f32 v62, v24;
	v24 =	vmov s31  }
0x21c: {  	s17 =	simm.s32 $0xFFFFFFFC;
	s24 =	simm.s32 $0x0;
	v23 =	vadd.f32 v23, v35;
	v35 =	vmul.f32 v61, v6;
	v25 =	vadd.f32 v30, v25;
	v30 =	vld [tilespmem:s26+$0xF0];
	s26 =	simm.s32 $0x8A00  }
.LBB2_6:
0x21d: {  	v36 =	vld [tilespmem:s26+$0x1C0];
	v31 =	vadd.f32 v34, v31;
	v17 =	vadd.f32 v33, v17;
	v26 =	vmul.f32 v26, v7;
	s30 =	smov.u32 s24  }
0x21e: {  	v33 =	vld [tilespmem:s26+$0x1D0];
	v18 =	vadd.f32 v35, v18;
	v27 =	vmul.f32 v27, v11  }
0x21f: {  	v34 =	vld [tilespmem:s26+$0x180];
	v20 =	vadd.f32 v26, v20;
	v17 =	vadd.f32 v17, v32;
	v26 =	vmul.f32 v28, v9;
	v28 =	vpop (erf)  }
0x220: {  	v32 =	vld [tilespmem:s26+$0x190];
	v19 =	vadd.f32 v27, v19;
	v27 =	vmul.f32 v29, v6;
	[tilespmem:v24+s29+$0x0] =	vst.idx.msk $0x1, v28  }
0x221: {  	v24 =	vld [tilespmem:s26+$0x140];
	v18 =	vadd.f32 v20, v18;
	v20 =	vadd.f32 v26, v21;
	v21 =	vmul.f32 v30, v7  }
0x222: {  	v25 =	vadd.f32 v31, v25;
	v26 =	vld [tilespmem:s26+$0x150];
	v22 =	vadd.f32 v27, v22  }
0x223: {  	v27 =	vld [tilespmem:s26+$0x100];
	v21 =	vadd.f32 v21, v23;
	v19 =	vadd.f32 v20, v19  }
0x224: {  	v17 =	vadd.f32 v18, v17;
	v20 =	vld [tilespmem:s26+$0x110];
	(xrf2) =	vadd.scan.msk.f32 $0xffff, v25  }
0x225: {  	v23 =	vld [tilespmem:s26+$0x120];
	v18 =	vadd.f32 v21, v22  }
0x226: {  	s24 =	sadd.s32 $0x4, s24;
	v21 =	vld [tilespmem:s26+$0x130]  }
0x227: {  	p0 =	slt.u32 s24, $0x3C;
	v28 =	vmul.f32 v33, v9;
	v25 =	vmul.f32 v36, v11;
	v22 =	vld [tilespmem:s26+$0x160];
	v19 =	vadd.f32 v18, v19;
	(xrf2) =	vadd.scan.msk.f32 $0xffff, v17  }
0x228: {  	v30 =	vmul.f32 v34, v13;
	v31 =	vmul.f32 v32, v14;
	v29 =	vld [tilespmem:s26+$0x170]  }
0x229: {  	s31 =	sadd.s32 $0x84, s17;
	v24 =	vmul.f32 v24, v5;
	v26 =	vmul.f32 v26, v8;
	v32 =	vld [tilespmem:s26+$0x1A0]  }
0x22a: {  	v18 =	vmov s31;
	s31 =	sadd.s32 $0x85, s17;
	v27 =	vmul.f32 v27, v1;
	v20 =	vmul.f32 v20, v2;
	v33 =	vld [tilespmem:s26+$0x1B0];
	(xrf2) =	vadd.scan.msk.f32 $0xffff, v19  }
0x22b: {  	v17 =	vmov s31;
	v19 =	vmul.f32 v23, v3;
	v21 =	vmul.f32 v21, v4;
	v23 =	vld [tilespmem:s26+$0x1E0]  }
0x22c: {  	v37 =	vadd.f32 v27, v0;
	v20 =	vadd.f32 $0.0e+00, v20;
	v22 =	vmul.f32 v22, v10;
	v34 =	vld [tilespmem:s26+$0x1F0]  }
0x22d: {  	v19 =	vadd.f32 $0.0e+00, v19;
	v35 =	vld [tilespmem:s26+$0xFFFFFE10];
	v21 =	vadd.f32 $0.0e+00, v21;
	v29 =	vmul.f32 v29, v12  }
0x22e: {  	v24 =	vadd.f32 v24, v37;
	v20 =	vadd.f32 v26, v20;
	v36 =	vld [tilespmem:s26+$0xFFFFFE20];
	v37 =	vmul.f32 v32, v15;
	v27, _, _ =	vpop (xrf2)  }
0x22f: {  	v19 =	vadd.f32 v22, v19;
	v32 =	vld [tilespmem:s26+$0xFFFFFE30];
	v21 =	vadd.f32 v29, v21;
	v22 =	vmul.f32 v33, v16  }
0x230: {  	v24 =	vadd.f32 v30, v24;
	v20 =	vadd.f32 v31, v20;
	v29 =	vld [tilespmem:s26+$0xFFFFFF00];
	v23 =	vmul.f32 v23, v6  }
0x231: {  	v19 =	vadd.f32 v37, v19;
	v30 =	vld [tilespmem:s26+$0xFFFFFF10];
	v21 =	vadd.f32 v22, v21;
	v22 =	vmul.f32 v34, v7;
	v26, _, _ =	vpop (xrf2)  }
0x232: {  	v24 =	vadd.f32 v25, v24;
	v20 =	vadd.f32 v28, v20;
	v31 =	vmul.f32 v35, v2;
	v33 =	vld [tilespmem:s26+$0xFFFFFF20]  }
0x233: {  	v19 =	vadd.f32 v23, v19;
	v25 =	vmul.f32 v36, v3;
	v28 =	vld [tilespmem:s26+$0xFFFFFF30];
	v21 =	vadd.f32 v22, v21  }
0x234: {  	v27 =	vsub.f32 $0.0e+00, v27;
	v22 =	vadd.f32 $0.0e+00, v31;
	v23 =	vmul.f32 v32, v4;
	v31 =	vld [tilespmem:s26+$0x0];
	v32, _, _ =	vpop (xrf2)  }
0x235: {  	v20 =	vadd.f32 v20, v24;
	v29 =	vmul.f32 v29, v1;
	v34 =	vld [tilespmem:s26+$0x10];
	v19 =	vadd.f32 v21, v19  }
0x236: {  	v21 =	vadd.f32 $0.0e+00, v25;
	v23 =	vadd.f32 $0.0e+00, v23;
	v24 =	vmul.f32 v30, v2;
	v25 =	vld [tilespmem:s26+$0x20]  }
0x237: {  	v29 =	vadd.f32 v29, v0;
	v30 =	vmul.f32 v33, v3;
	v33 =	vld [tilespmem:s26+$0x30];
	v19 =	vadd.f32 v19, v20  }
0x238: {  	v26 =	vsub.f32 $0.0e+00, v26;
	v20 =	vld [tilespmem:s26+$0xFFFFFE00];
	v24 =	vadd.f32 $0.0e+00, v24;
	v28 =	vmul.f32 v28, v4  }
0x239: {  	v35 =	vld [tilespmem:s26+$0xFFFFFE40];
	v30 =	vadd.f32 $0.0e+00, v30;
	v31 =	vmul.f32 v31, v1;
	(xrf2) =	vadd.scan.msk.f32 $0xffff, v19;
	v19 =	vsub.f32 $0.0e+00, v32  }
0x23a: {  	v27 =	vmul.f32 $1.442695020e+00, v27;
	v32 =	vld [tilespmem:s26+$0xFFFFFE50];
	v28 =	vadd.f32 $0.0e+00, v28;
	v34 =	vmul.f32 v34, v2  }
0x23b: {  	v26 =	vmul.f32 $1.442695020e+00, v26;
	v36 =	vld [tilespmem:s26+$0xFFFFFE60];
	v31 =	vadd.f32 v31, v0;
	v25 =	vmul.f32 v25, v3  }
0x23c: {  	v19 =	vmul.f32 $1.442695020e+00, v19;
	v37 =	vld [tilespmem:s26+$0xFFFFFE70];
	v34 =	vadd.f32 $0.0e+00, v34;
	v33 =	vmul.f32 v33, v4  }
0x23d: {  	v27 =	vbroadcast v27, $0xF;
	v20 =	vmul.f32 v20, v1;
	v38 =	vld [tilespmem:s26+$0xFFFFFF40];
	v25 =	vadd.f32 $0.0e+00, v25  }
0x23e: {  	v26 =	vbroadcast v26, $0xF;
	v35 =	vmul.f32 v35, v5;
	v39 =	vld [tilespmem:s26+$0xFFFFFF50];
	v33 =	vadd.f32 $0.0e+00, v33  }
0x23f: {  	s31 =	sadd.s32 $0x86, s17;
	s17 =	smov.u32 s30;
	v19 =	vbroadcast v19, $0xF;
	v20 =	vadd.f32 v20, v0;
	v32 =	vmul.f32 v32, v8;
	v40 =	vld [tilespmem:s26+$0xFFFFFF60]  }
0x240: {  	v42 =	vmov s31;
	v36 =	vmul.f32 v36, v10;
	v41 =	vld [tilespmem:s26+$0xFFFFFF70];
	(erf) = vpow2.f32 v27  }
0x241: {  	v20 =	vadd.f32 v35, v20;
	v22 =	vadd.f32 v32, v22;
	v27 =	vmul.f32 v37, v12;
	v32 =	vld [tilespmem:s26+$0x40]  }
0x242: {  	v21 =	vadd.f32 v36, v21;
	v35 =	vmul.f32 v38, v5;
	v36 =	vld [tilespmem:s26+$0x50];
	(erf) = vpow2.f32 v26  }
0x243: {  	v23 =	vadd.f32 v27, v23;
	v26 =	vmul.f32 v39, v8;
	v27 =	vld [tilespmem:s26+$0x60];
	v37, _, _ =	vpop (xrf2);
	(erf) = vpow2.f32 v19  }
0x244: {  	v19 =	vadd.f32 v35, v29;
	v29 =	vmul.f32 v40, v10;
	v35 =	vld [tilespmem:s26+$0x70];
	v37 =	vsub.f32 $0.0e+00, v37  }
0x245: {  	v18 =	vand.u32 $0xFFFFFFFC, v18;
	v38 =	vld [tilespmem:s26+$0xFFFFFE80];
	v24 =	vadd.f32 v26, v24;
	v26 =	vmul.f32 v41, v12  }
0x246: {  	v39 =	vld [tilespmem:s26+$0xFFFFFE90];
	v29 =	vadd.f32 v29, v30;
	v30 =	vmul.f32 v32, v5;
	v32 =	vmul.f32 $1.442695020e+00, v37  }
0x247: {  	v37 =	vld [tilespmem:s26+$0xFFFFFEA0];
	v26 =	vadd.f32 v26, v28;
	v28 =	vmul.f32 v36, v8;
	v36 =	vand.u32 $0xFFFFFFFD, v17  }
0x248: {  	v17 =	vld [tilespmem:s26+$0xFFFFFEB0];
	v30 =	vadd.f32 v30, v31;
	v27 =	vmul.f32 v27, v10;
	v31 =	vbroadcast v32, $0xF  }
0x249: {  	v32 =	vld [tilespmem:s26+$0xFFFFFF80];
	v28 =	vadd.f32 v28, v34;
	v34 =	vmul.f32 v35, v12;
	v35 =	vand.u32 $0xFFFFFFFE, v42;
	v40 =	vpop (erf)  }
0x24a: {  	v38 =	vmul.f32 v38, v13;
	v41 =	vld [tilespmem:s26+$0xFFFFFF90];
	v25 =	vadd.f32 v27, v25;
	(erf) = vpow2.f32 v31  }
0x24b: {  	v27 =	vmul.f32 v39, v14;
	v31 =	vld [tilespmem:s26+$0xFFFFFFA0];
	v33 =	vadd.f32 v34, v33;
	v34 =	vadd.f32 $1.000000000e+00, v40;
	v39 =	vpop (erf)  }
0x24c: {  	v38 =	vadd.f32 v38, v20;
	v20 =	vmul.f32 v37, v15;
	v37 =	vld [tilespmem:s26+$0xFFFFFFB0];
	v39 =	vadd.f32 $1.000000000e+00, v39;
	v40 =	vpop (erf)  }
0x24d: {  	v27 =	vadd.f32 v27, v22;
	v17 =	vmul.f32 v17, v16;
	v22 =	vld [tilespmem:s26+$0x80];
	v40 =	vadd.f32 $1.000000000e+00, v40  }
0x24e: {  	v42 =	vadd.f32 v20, v21;
	v20 =	vmul.f32 v32, v13;
	v21 =	vld [tilespmem:s26+$0x90];
	(erf) = vrcp.f32 v34  }
0x24f: {  	v32 =	vadd.f32 v17, v23;
	v17 =	vmul.f32 v41, v14;
	v23 =	vld [tilespmem:s26+$0xA0];
	(erf) = vrcp.f32 v39  }
0x250: {  	v39 =	vadd.f32 v20, v19;
	v19 =	vmul.f32 v31, v15;
	v31 =	vld [tilespmem:s26+$0xB0];
	(erf) = vrcp.f32 v40  }
0x251: {  	v34 =	vld [tilespmem:s26+$0xFFFFFEC0];
	v17 =	vadd.f32 v17, v24;
	v20 =	vmul.f32 v37, v16;
	v24 =	vbroadcast v18, $0x0  }
0x252: {  	v37 =	vld [tilespmem:s26+$0xFFFFFED0];
	v18 =	vadd.f32 v19, v29;
	v19 =	vmul.f32 v22, v13;
	v29 =	vbroadcast v36, $0x0  }
0x253: {  	v35 =	vbroadcast v35, $0x0;
	v36 =	vld [tilespmem:s26+$0xFFFFFEE0];
	v20 =	vadd.f32 v20, v26;
	v21 =	vmul.f32 v21, v14;
	v22 =	vpop (erf)  }
0x254: {  	v40 =	vld [tilespmem:s26+$0xFFFFFEF0];
	v19 =	vadd.f32 v19, v30;
	v23 =	vmul.f32 v23, v15;
	v26 =	vadd.f32 $1.000000000e+00, v22  }
0x255: {  	v30 =	vld [tilespmem:s26+$0xFFFFFFC0];
	v21 =	vadd.f32 v21, v28;
	v43 =	vmul.f32 v31, v16  }
0x256: {  	v31 =	vmul.f32 v34, v11;
	v41 =	vld [tilespmem:s26+$0xFFFFFFD0];
	v22 =	vadd.f32 v23, v25;
	(erf) = vrcp.f32 v26  }
0x257: {  	v25 =	vmul.f32 v37, v9;
	v37 =	vld [tilespmem:s26+$0xFFFFFFE0];
	v23 =	vadd.f32 v43, v33;
	v28 =	vpop (erf)  }
.Ltmp2:
0x258: {  	v38 =	vadd.f32 v31, v38;
	v31 =	vmul.f32 v36, v6;
	v26 =	vld [tilespmem:s26+$0xFFFFFFF0];
	[tilespmem:v24+s29+$0x0] =	vst.idx.msk $0x1, v28;
	v24 =	vpop (erf);
	(pc) =	sbr.rel @p0 .LBB2_6-.Ltmp2, $4  }
0x259: {  	v25 =	vadd.f32 v25, v27;
	v33 =	vmul.f32 v40, v7;
	v27 =	vld [tilespmem:s26+$0xC0];
	[tilespmem:v29+s29+$0x0] =	vst.idx.msk $0x1, v24;
	v24 =	vpop (erf)  }
0x25a: {  	s30 =	sadd.s32 $0x87, s17;
	v31 =	vadd.f32 v31, v42;
	v30 =	vmul.f32 v30, v11;
	v28 =	vld [tilespmem:s26+$0xD0];
	[tilespmem:v35+s29+$0x0] =	vst.idx.msk $0x1, v24  }
0x25b: {  	v24 =	vmov s30;
	v34 =	vadd.f32 v33, v32;
	v33 =	vmul.f32 v41, v9;
	v29 =	vld [tilespmem:s26+$0xE0]  }
0x25c: {  	v25 =	vadd.f32 v25, v38;
	v32 =	vadd.f32 v30, v39;
	v35 =	vmul.f32 v37, v6;
	v30 =	vld [tilespmem:s26+$0xF0];
	s26 =	sadd.s32 $0x400, s26  }
0x25d: {  	_ = 	snop  }
0x25e: {  	v31 =	vadd.f32 v34, v31;
	v26 =	vmul.f32 v26, v7  }
0x25f: {  	v17 =	vadd.f32 v33, v17;
	v18 =	vadd.f32 v35, v18  }
0x260: {  	v27 =	vmul.f32 v27, v11;
	v20 =	vadd.f32 v26, v20;
	v26 =	vmul.f32 v28, v9  }
0x261: {  	v17 =	vadd.f32 v17, v32;
	v28 =	vmul.f32 v29, v6;
	v29 =	vmul.f32 v30, v7  }
0x262: {  	v19 =	vadd.f32 v27, v19;
	v21 =	vadd.f32 v26, v21  }
0x263: {  	v22 =	vadd.f32 v28, v22;
	v23 =	vadd.f32 v29, v23  }
0x264: {  	v18 =	vadd.f32 v20, v18;
	v20 =	vadd.f32 v31, v25  }
0x265: {  	v19 =	vadd.f32 v21, v19;
	v21 =	vadd.f32 v23, v22  }
0x266: {  	v17 =	vadd.f32 v18, v17  }
0x267: {  	(xrf2) =	vadd.scan.msk.f32 $0xffff, v20;
	v18 =	vadd.f32 v21, v19  }
0x268: {  	(xrf2) =	vadd.scan.msk.f32 $0xffff, v17  }
0x269: {  	(xrf2) =	vadd.scan.msk.f32 $0xffff, v18;
	_ =	sdelay $0x7  }
0x26a: {  	v17, _, _ =	vpop (xrf2)  }
0x26b: {  	v17 =	vsub.f32 $0.0e+00, v17;
	v18, _, _ =	vpop (xrf2)  }
0x26c: {  	v18 =	vsub.f32 $0.0e+00, v18;
	v19, _, _ =	vpop (xrf2)  }
0x26d: {  	v17 =	vmul.f32 $1.442695020e+00, v17;
	v19 =	vsub.f32 $0.0e+00, v19  }
0x26e: {  	v18 =	vmul.f32 $1.442695020e+00, v18  }
0x26f: {  	v17 =	vbroadcast v17, $0xF;
	v19 =	vmul.f32 $1.442695020e+00, v19  }
0x270: {  	v18 =	vbroadcast v18, $0xF  }
0x271: {  	(erf) = vpow2.f32 v17;
	v19 =	vbroadcast v19, $0xF  }
0x272: {  	(erf) = vpow2.f32 v18  }
0x273: {  	(erf) = vpow2.f32 v19;
	_ =	sdelay $0x5  }
0x274: {  	v17 =	vpop (erf)  }
0x275: {  	v18 =	vpop (erf)  }
0x276: {  	v18 =	vadd.f32 $1.000000000e+00, v18;
	v19 =	vpop (erf)  }
0x277: {  	v19 =	vadd.f32 $1.000000000e+00, v19;
	v20 =	vpop (erf)  }
0x278: {  	(erf) = vrcp.f32 v18;
	v20 =	vadd.f32 $1.000000000e+00, v20  }
0x279: {  	s24 =	sadd.s32 $0x84, s17;
	(erf) = vrcp.f32 v19  }
0x27a: {  	s31 =	sadd.s32 $0x85, s17;
	v18 =	vmov s24;
	(erf) = vrcp.f32 v20  }
0x27b: {  	s24 =	sadd.s32 $0x86, s17;
	v18 =	vand.u32 $0xFFFFFFFC, v18;
	v19 =	vmov s31  }
0x27c: {  	v18 =	vbroadcast v18, $0x0;
	v19 =	vand.u32 $0xFFFFFFFD, v19;
	v20 =	vmov s24  }
0x27d: {  	v19 =	vbroadcast v19, $0x0;
	v20 =	vand.u32 $0xFFFFFFFE, v20  }
0x27e: {  	v20 =	vbroadcast v20, $0x0;
	_ =	sdelay $0x2  }
0x27f: {  	[tilespmem:v24+s29+$0x0] =	vst.idx.msk $0x1, v17;
	v17 =	vpop (erf)  }
0x280: {  	[tilespmem:v18+s29+$0x0] =	vst.idx.msk $0x1, v17;
	v17 =	vpop (erf)  }
0x281: {  	[tilespmem:v19+s29+$0x0] =	vst.idx.msk $0x1, v17;
	v17 =	vpop (erf)  }
0x282: {  	s26 =	simm.s32 $0x10600;
	[tilespmem:v20+s29+$0x0] =	vst.idx.msk $0x1, v17  }
0x283: {  	[hbm4b:s9+s4] =	stream.linear.scatter [tilespmem:s26], [sflag:$0x5], $0x40, $0x38;
	[tilespmem:$0x10780] =	vst v63  }
0x284: {  	s30 =	simm.s32 $0x300  }
0x285: {  	[tilespmem:s25], [sflag:$0x3] =	stream.indirect.gather [hbm4b:s1+s21], $0x80, s30, s21, $0xb8;
	[tilespmem:$0x10780] =	vst v63  }
0x286: {  	_ =	swait.ge [sflag:s16], $0x4000  }
0x287: {  	[sflag:s16] =	ssyncset.done $0x0  }
0x288: {  	s26 =	simm.s32 $0xC600;
	[sflag:s16] =	ssyncadd.s32 $0xFFFFC000  }
0x289: {  	v17 =	vld [tilespmem:s26+$0x1C0]  }
0x28a: {  	v18 =	vld [tilespmem:s26+$0x1D0]  }
0x28b: {  	v19 =	vld [tilespmem:s26+$0x180]  }
0x28c: {  	v20 =	vld [tilespmem:s26+$0x190]  }
0x28d: {  	v21 =	vld [tilespmem:s26+$0x140]  }
0x28e: {  	v22 =	vld [tilespmem:s26+$0x150]  }
0x28f: {  	v23 =	vld [tilespmem:s26+$0x100]  }
0x290: {  	v24 =	vld [tilespmem:s26+$0x110]  }
0x291: {  	v25 =	vld [tilespmem:s26+$0x120]  }
0x292: {  	v26 =	vld [tilespmem:s26+$0x130]  }
0x293: {  	v27 =	vld [tilespmem:s26+$0x160]  }
0x294: {  	v28 =	vld [tilespmem:s26+$0x170];
	v17 =	vmul.f32 v17, v11;
	v18 =	vmul.f32 v18, v9  }
0x295: {  	v29 =	vld [tilespmem:s26+$0x1A0];
	v19 =	vmul.f32 v19, v13;
	v20 =	vmul.f32 v20, v14  }
0x296: {  	v30 =	vld [tilespmem:s26+$0x1B0];
	v21 =	vmul.f32 v21, v5;
	v22 =	vmul.f32 v22, v8  }
0x297: {  	v31 =	vld [tilespmem:s26+$0x1E0];
	v23 =	vmul.f32 v23, v1;
	v24 =	vmul.f32 v24, v2  }
0x298: {  	v55 =	vld [tilespmem:s26+$0x1F0];
	v25 =	vmul.f32 v25, v3;
	v26 =	vmul.f32 v26, v4  }
0x299: {  	v56 =	vld [tilespmem:s26+$0xFFFFFE10];
	v27 =	vmul.f32 v27, v10;
	v23 =	vadd.f32 v23, v0;
	v24 =	vadd.f32 $0.0e+00, v24  }
0x29a: {  	v57 =	vld [tilespmem:s26+$0xFFFFFE20];
	v28 =	vmul.f32 v28, v12;
	v25 =	vadd.f32 $0.0e+00, v25;
	v26 =	vadd.f32 $0.0e+00, v26  }
0x29b: {  	v58 =	vld [tilespmem:s26+$0xFFFFFF40];
	v21 =	vadd.f32 v21, v23;
	v22 =	vadd.f32 v22, v24;
	v23 =	vmul.f32 v29, v15  }
0x29c: {  	v60 =	vld [tilespmem:s26+$0xFFFFFF50];
	v25 =	vadd.f32 v27, v25;
	v26 =	vadd.f32 v28, v26;
	v27 =	vmul.f32 v30, v16  }
0x29d: {  	v61 =	vld [tilespmem:s26+$0xFFFFFF60];
	v19 =	vadd.f32 v19, v21;
	v20 =	vadd.f32 v20, v22;
	v21 =	vmul.f32 v31, v6  }
0x29e: {  	v36 =	vld [tilespmem:s26+$0xFFFFFF70];
	v23 =	vadd.f32 v23, v25;
	v25 =	vadd.f32 v27, v26;
	v26 =	vmul.f32 v55, v7  }
0x29f: {  	v37 =	vld [tilespmem:s26+$0x40];
	v17 =	vadd.f32 v17, v19;
	v18 =	vadd.f32 v18, v20  }
0x2a0: {  	v38 =	vld [tilespmem:s26+$0x50];
	v20 =	vadd.f32 v21, v23;
	v21 =	vadd.f32 v26, v25  }
0x2a1: {  	v39 =	vld [tilespmem:s26+$0x60]  }
0x2a2: {  	v41 =	vld [tilespmem:s26+$0x70];
	v17 =	vadd.f32 v18, v17;
	v18 =	vadd.f32 v21, v20  }
0x2a3: {  	v62 =	vld [tilespmem:s26+$0xFFFFFE80]  }
0x2a4: {  	v24 =	vld [tilespmem:s26+$0xFFFFFE30];
	v17 =	vadd.f32 v18, v17  }
0x2a5: {  	v28 =	vld [tilespmem:s26+$0xFFFFFF00]  }
0x2a6: {  	v29 =	vld [tilespmem:s26+$0xFFFFFE60];
	(xrf2) =	vadd.scan.msk.f32 $0xffff, v17  }
0x2a7: {  	v30 =	vld [tilespmem:s26+$0xFFFFFE70]  }
0x2a8: {  	v18 =	vld [tilespmem:s26+$0xFFFFFE00]  }
0x2a9: {  	v22 =	vld [tilespmem:s26+$0xFFFFFF10]  }
0x2aa: {  	v59 =	vmul.f32 v57, v3;
	v32 =	vmul.f32 v58, v5;
	v26 =	vld [tilespmem:s26+$0xFFFFFE40]  }
0x2ab: {  	v35 =	vmul.f32 v61, v10;
	v36 =	vmul.f32 v36, v12;
	v27 =	vld [tilespmem:s26+$0xFFFFFF20]  }
0x2ac: {  	v46 =	vmul.f32 v37, v5;
	v31 =	vmul.f32 v56, v2;
	v19 =	vld [tilespmem:s26+$0xFFFFFF30]  }
0x2ad: {  	v33 =	vadd.f32 $0.0e+00, v59;
	v23 =	vld [tilespmem:s26+$0x0];
	v24 =	vmul.f32 v24, v4;
	v18 =	vmul.f32 v18, v1  }
0x2ae: {  	v25 =	vld [tilespmem:s26+$0x10];
	v31 =	vadd.f32 $0.0e+00, v31;
	v28 =	vmul.f32 v28, v1;
	v29 =	vmul.f32 v29, v10  }
0x2af: {  	v30 =	vmul.f32 v30, v12;
	v26 =	vmul.f32 v26, v5;
	v17 =	vld [tilespmem:s26+$0xFFFFFE50];
	v18 =	vadd.f32 v18, v0  }
0x2b0: {  	v63 =	vld [tilespmem:s26+$0xFFFFFEA0];
	v22 =	vmul.f32 v22, v2;
	v24 =	vadd.f32 $0.0e+00, v24;
	v28 =	vadd.f32 v28, v0;
	v40, _, _ =	vpop (xrf2)  }
0x2b1: {  	v20 =	vld [tilespmem:s26+$0x20];
	v27 =	vmul.f32 v27, v3;
	v18 =	vadd.f32 v26, v18;
	v26 =	vsub.f32 $0.0e+00, v40  }
0x2b2: {  	v21 =	vld [tilespmem:s26+$0x30];
	v29 =	vadd.f32 v29, v33;
	v22 =	vadd.f32 $0.0e+00, v22;
	v19 =	vmul.f32 v19, v4  }
0x2b3: {  	v44 =	vld [tilespmem:s26+$0xFFFFFEB0];
	v27 =	vadd.f32 $0.0e+00, v27;
	v23 =	vmul.f32 v23, v1;
	v26 =	vmul.f32 $1.442695020e+00, v26  }
0x2b4: {  	v45 =	vld [tilespmem:s26+$0xFFFFFF80];
	v25 =	vmul.f32 v25, v2;
	v24 =	vadd.f32 v30, v24;
	v17 =	vmul.f32 v17, v8  }
0x2b5: {  	v47 =	vld [tilespmem:s26+$0xFFFFFFB0];
	v30 =	vmul.f32 v60, v8;
	v28 =	vadd.f32 v32, v28;
	v26 =	vbroadcast v26, $0xF  }
0x2b6: {  	v19 =	vadd.f32 $0.0e+00, v19;
	v20 =	vmul.f32 v20, v3;
	v17 =	vadd.f32 v17, v31;
	v31 =	vld [tilespmem:s26+$0xFFFFFE90]  }
0x2b7: {  	v23 =	vadd.f32 v23, v0;
	v21 =	vmul.f32 v21, v4;
	(erf) = vpow2.f32 v26;
	v26 =	vld [tilespmem:s26+$0xFFFFFFA0]  }
0x2b8: {  	v50 =	vld [tilespmem:s26+$0x80];
	v49 =	vmul.f32 v39, v10;
	v25 =	vadd.f32 $0.0e+00, v25;
	v22 =	vadd.f32 v30, v22  }
0x2b9: {  	v51 =	vmul.f32 v41, v12;
	v30 =	vld [tilespmem:s26+$0xFFFFFF90];
	v20 =	vadd.f32 $0.0e+00, v20;
	v21 =	vadd.f32 $0.0e+00, v21  }
0x2ba: {  	v52 =	vld [tilespmem:s26+$0x90];
	v27 =	vadd.f32 v35, v27;
	v19 =	vadd.f32 v36, v19;
	v40 =	vmul.f32 v62, v13  }
0x2bb: {  	v59 =	vld [tilespmem:s26+$0xFFFFFFC0];
	v53 =	vadd.f32 v49, v20;
	v35 =	vadd.f32 v51, v21;
	v20 =	vmul.f32 v31, v14  }
0x2bc: {  	v56 =	vld [tilespmem:s26+$0xFFFFFEC0];
	v54 =	vadd.f32 v40, v18;
	v18 =	vmul.f32 v63, v15;
	v26 =	vmul.f32 v26, v15  }
0x2bd: {  	v21 =	vld [tilespmem:s26+$0xB0];
	v55 =	vadd.f32 v20, v17;
	v17 =	vmul.f32 v44, v16;
	v20 =	vmul.f32 v45, v13  }
0x2be: {  	v23 =	vadd.f32 v46, v23;
	v31 =	vld [tilespmem:s26+$0xA0];
	v29 =	vadd.f32 v18, v29;
	v18 =	vmul.f32 v30, v14  }
0x2bf: {  	v30 =	vld [tilespmem:s26+$0xFFFFFED0];
	v24 =	vadd.f32 v17, v24;
	v57 =	vadd.f32 v20, v28  }
0x2c0: {  	v48 =	vmul.f32 v38, v8;
	v28 =	vld [tilespmem:s26+$0xFFFFFEE0];
	v17 =	vadd.f32 v18, v22;
	v18 =	vadd.f32 v26, v27;
	v26 =	vpop (erf)  }
0x2c1: {  	v20 =	vmul.f32 v47, v16;
	v22 =	vmul.f32 v50, v13;
	v27 =	vld [tilespmem:s26+$0xFFFFFEF0];
	v26 =	vadd.f32 $1.000000000e+00, v26  }
0x2c2: {  	v58 =	vmul.f32 v52, v14;
	v60 =	vld [tilespmem:s26+$0xFFFFFFD0];
	v25 =	vadd.f32 v48, v25;
	v63 =	vmul.f32 v59, v11  }
0x2c3: {  	v20 =	vadd.f32 v20, v19;
	v19 =	vadd.f32 v22, v23;
	(erf) = vrcp.f32 v26  }
0x2c4: {  	v61 =	vld [tilespmem:s26+$0xFFFFFFE0];
	v23 =	vmul.f32 v21, v16;
	v21 =	vadd.f32 v58, v25;
	v25 =	vmul.f32 v56, v11  }
0x2c5: {  	v32 =	vadd.f32 v63, v57;
	v30 =	vmul.f32 v30, v9;
	v28 =	vmul.f32 v28, v6;
	v26 =	vld [tilespmem:s26+$0xFFFFFFF0]  }
0x2c6: {  	v22 =	vmul.f32 v31, v15;
	v25 =	vadd.f32 v25, v54;
	v62 =	vmul.f32 v27, v7;
	v27 =	vld [tilespmem:s26+$0xC0]  }
0x2c7: {  	s31 =	simm.s32 $0xC3;
	v33 =	vmul.f32 v60, v9;
	v30 =	vadd.f32 v30, v55;
	v31 =	vadd.f32 v28, v29;
	v28 =	vld [tilespmem:s26+$0xD0]  }
0x2c8: {  	v22 =	vadd.f32 v22, v53;
	v29 =	vld [tilespmem:s26+$0xE0];
	v34 =	vadd.f32 v62, v24;
	v24 =	vmov s31  }
0x2c9: {  	s17 =	simm.s32 $0xFFFFFFFC;
	s24 =	simm.s32 $0x0;
	v23 =	vadd.f32 v23, v35;
	v35 =	vmul.f32 v61, v6;
	v25 =	vadd.f32 v30, v25;
	v30 =	vld [tilespmem:s26+$0xF0];
	s26 =	simm.s32 $0xCA00  }
.LBB2_8:
0x2ca: {  	v36 =	vld [tilespmem:s26+$0x1C0];
	v31 =	vadd.f32 v34, v31;
	v17 =	vadd.f32 v33, v17;
	v26 =	vmul.f32 v26, v7;
	s30 =	smov.u32 s24  }
0x2cb: {  	v33 =	vld [tilespmem:s26+$0x1D0];
	v18 =	vadd.f32 v35, v18;
	v27 =	vmul.f32 v27, v11  }
0x2cc: {  	v34 =	vld [tilespmem:s26+$0x180];
	v20 =	vadd.f32 v26, v20;
	v17 =	vadd.f32 v17, v32;
	v26 =	vmul.f32 v28, v9;
	v28 =	vpop (erf)  }
0x2cd: {  	v32 =	vld [tilespmem:s26+$0x190];
	v19 =	vadd.f32 v27, v19;
	v27 =	vmul.f32 v29, v6;
	[tilespmem:v24+s29+$0x0] =	vst.idx.msk $0x1, v28  }
0x2ce: {  	v24 =	vld [tilespmem:s26+$0x140];
	v18 =	vadd.f32 v20, v18;
	v20 =	vadd.f32 v26, v21;
	v21 =	vmul.f32 v30, v7  }
0x2cf: {  	v25 =	vadd.f32 v31, v25;
	v26 =	vld [tilespmem:s26+$0x150];
	v22 =	vadd.f32 v27, v22  }
0x2d0: {  	v27 =	vld [tilespmem:s26+$0x100];
	v21 =	vadd.f32 v21, v23;
	v19 =	vadd.f32 v20, v19  }
0x2d1: {  	v17 =	vadd.f32 v18, v17;
	v20 =	vld [tilespmem:s26+$0x110];
	(xrf2) =	vadd.scan.msk.f32 $0xffff, v25  }
0x2d2: {  	v23 =	vld [tilespmem:s26+$0x120];
	v18 =	vadd.f32 v21, v22  }
0x2d3: {  	s24 =	sadd.s32 $0x4, s24;
	v21 =	vld [tilespmem:s26+$0x130]  }
0x2d4: {  	p0 =	slt.u32 s24, $0x3C;
	v28 =	vmul.f32 v33, v9;
	v25 =	vmul.f32 v36, v11;
	v22 =	vld [tilespmem:s26+$0x160];
	v19 =	vadd.f32 v18, v19;
	(xrf2) =	vadd.scan.msk.f32 $0xffff, v17  }
0x2d5: {  	v30 =	vmul.f32 v34, v13;
	v31 =	vmul.f32 v32, v14;
	v29 =	vld [tilespmem:s26+$0x170]  }
0x2d6: {  	s31 =	sadd.s32 $0xC4, s17;
	v24 =	vmul.f32 v24, v5;
	v26 =	vmul.f32 v26, v8;
	v32 =	vld [tilespmem:s26+$0x1A0]  }
0x2d7: {  	v18 =	vmov s31;
	s31 =	sadd.s32 $0xC5, s17;
	v27 =	vmul.f32 v27, v1;
	v20 =	vmul.f32 v20, v2;
	v33 =	vld [tilespmem:s26+$0x1B0];
	(xrf2) =	vadd.scan.msk.f32 $0xffff, v19  }
0x2d8: {  	v17 =	vmov s31;
	v19 =	vmul.f32 v23, v3;
	v21 =	vmul.f32 v21, v4;
	v23 =	vld [tilespmem:s26+$0x1E0]  }
0x2d9: {  	v37 =	vadd.f32 v27, v0;
	v20 =	vadd.f32 $0.0e+00, v20;
	v22 =	vmul.f32 v22, v10;
	v34 =	vld [tilespmem:s26+$0x1F0]  }
0x2da: {  	v19 =	vadd.f32 $0.0e+00, v19;
	v35 =	vld [tilespmem:s26+$0xFFFFFE10];
	v21 =	vadd.f32 $0.0e+00, v21;
	v29 =	vmul.f32 v29, v12  }
0x2db: {  	v24 =	vadd.f32 v24, v37;
	v20 =	vadd.f32 v26, v20;
	v36 =	vld [tilespmem:s26+$0xFFFFFE20];
	v37 =	vmul.f32 v32, v15;
	v27, _, _ =	vpop (xrf2)  }
0x2dc: {  	v19 =	vadd.f32 v22, v19;
	v32 =	vld [tilespmem:s26+$0xFFFFFE30];
	v21 =	vadd.f32 v29, v21;
	v22 =	vmul.f32 v33, v16  }
0x2dd: {  	v24 =	vadd.f32 v30, v24;
	v20 =	vadd.f32 v31, v20;
	v29 =	vld [tilespmem:s26+$0xFFFFFF00];
	v23 =	vmul.f32 v23, v6  }
0x2de: {  	v19 =	vadd.f32 v37, v19;
	v30 =	vld [tilespmem:s26+$0xFFFFFF10];
	v21 =	vadd.f32 v22, v21;
	v22 =	vmul.f32 v34, v7;
	v26, _, _ =	vpop (xrf2)  }
0x2df: {  	v24 =	vadd.f32 v25, v24;
	v20 =	vadd.f32 v28, v20;
	v31 =	vmul.f32 v35, v2;
	v33 =	vld [tilespmem:s26+$0xFFFFFF20]  }
0x2e0: {  	v19 =	vadd.f32 v23, v19;
	v25 =	vmul.f32 v36, v3;
	v28 =	vld [tilespmem:s26+$0xFFFFFF30];
	v21 =	vadd.f32 v22, v21  }
0x2e1: {  	v27 =	vsub.f32 $0.0e+00, v27;
	v22 =	vadd.f32 $0.0e+00, v31;
	v23 =	vmul.f32 v32, v4;
	v31 =	vld [tilespmem:s26+$0x0];
	v32, _, _ =	vpop (xrf2)  }
0x2e2: {  	v20 =	vadd.f32 v20, v24;
	v29 =	vmul.f32 v29, v1;
	v34 =	vld [tilespmem:s26+$0x10];
	v19 =	vadd.f32 v21, v19  }
0x2e3: {  	v21 =	vadd.f32 $0.0e+00, v25;
	v23 =	vadd.f32 $0.0e+00, v23;
	v24 =	vmul.f32 v30, v2;
	v25 =	vld [tilespmem:s26+$0x20]  }
0x2e4: {  	v29 =	vadd.f32 v29, v0;
	v30 =	vmul.f32 v33, v3;
	v33 =	vld [tilespmem:s26+$0x30];
	v19 =	vadd.f32 v19, v20  }
0x2e5: {  	v26 =	vsub.f32 $0.0e+00, v26;
	v20 =	vld [tilespmem:s26+$0xFFFFFE00];
	v24 =	vadd.f32 $0.0e+00, v24;
	v28 =	vmul.f32 v28, v4  }
0x2e6: {  	v35 =	vld [tilespmem:s26+$0xFFFFFE40];
	v30 =	vadd.f32 $0.0e+00, v30;
	v31 =	vmul.f32 v31, v1;
	(xrf2) =	vadd.scan.msk.f32 $0xffff, v19;
	v19 =	vsub.f32 $0.0e+00, v32  }
0x2e7: {  	v27 =	vmul.f32 $1.442695020e+00, v27;
	v32 =	vld [tilespmem:s26+$0xFFFFFE50];
	v28 =	vadd.f32 $0.0e+00, v28;
	v34 =	vmul.f32 v34, v2  }
0x2e8: {  	v26 =	vmul.f32 $1.442695020e+00, v26;
	v36 =	vld [tilespmem:s26+$0xFFFFFE60];
	v31 =	vadd.f32 v31, v0;
	v25 =	vmul.f32 v25, v3  }
0x2e9: {  	v19 =	vmul.f32 $1.442695020e+00, v19;
	v37 =	vld [tilespmem:s26+$0xFFFFFE70];
	v34 =	vadd.f32 $0.0e+00, v34;
	v33 =	vmul.f32 v33, v4  }
0x2ea: {  	v27 =	vbroadcast v27, $0xF;
	v20 =	vmul.f32 v20, v1;
	v38 =	vld [tilespmem:s26+$0xFFFFFF40];
	v25 =	vadd.f32 $0.0e+00, v25  }
0x2eb: {  	v26 =	vbroadcast v26, $0xF;
	v35 =	vmul.f32 v35, v5;
	v39 =	vld [tilespmem:s26+$0xFFFFFF50];
	v33 =	vadd.f32 $0.0e+00, v33  }
0x2ec: {  	s31 =	sadd.s32 $0xC6, s17;
	s17 =	smov.u32 s30;
	v19 =	vbroadcast v19, $0xF;
	v20 =	vadd.f32 v20, v0;
	v32 =	vmul.f32 v32, v8;
	v40 =	vld [tilespmem:s26+$0xFFFFFF60]  }
0x2ed: {  	v42 =	vmov s31;
	v36 =	vmul.f32 v36, v10;
	v41 =	vld [tilespmem:s26+$0xFFFFFF70];
	(erf) = vpow2.f32 v27  }
0x2ee: {  	v20 =	vadd.f32 v35, v20;
	v22 =	vadd.f32 v32, v22;
	v27 =	vmul.f32 v37, v12;
	v32 =	vld [tilespmem:s26+$0x40]  }
0x2ef: {  	v21 =	vadd.f32 v36, v21;
	v35 =	vmul.f32 v38, v5;
	v36 =	vld [tilespmem:s26+$0x50];
	(erf) = vpow2.f32 v26  }
0x2f0: {  	v23 =	vadd.f32 v27, v23;
	v26 =	vmul.f32 v39, v8;
	v27 =	vld [tilespmem:s26+$0x60];
	v37, _, _ =	vpop (xrf2);
	(erf) = vpow2.f32 v19  }
0x2f1: {  	v19 =	vadd.f32 v35, v29;
	v29 =	vmul.f32 v40, v10;
	v35 =	vld [tilespmem:s26+$0x70];
	v37 =	vsub.f32 $0.0e+00, v37  }
0x2f2: {  	v18 =	vand.u32 $0xFFFFFFFC, v18;
	v38 =	vld [tilespmem:s26+$0xFFFFFE80];
	v24 =	vadd.f32 v26, v24;
	v26 =	vmul.f32 v41, v12  }
0x2f3: {  	v39 =	vld [tilespmem:s26+$0xFFFFFE90];
	v29 =	vadd.f32 v29, v30;
	v30 =	vmul.f32 v32, v5;
	v32 =	vmul.f32 $1.442695020e+00, v37  }
0x2f4: {  	v37 =	vld [tilespmem:s26+$0xFFFFFEA0];
	v26 =	vadd.f32 v26, v28;
	v28 =	vmul.f32 v36, v8;
	v36 =	vand.u32 $0xFFFFFFFD, v17  }
0x2f5: {  	v17 =	vld [tilespmem:s26+$0xFFFFFEB0];
	v30 =	vadd.f32 v30, v31;
	v27 =	vmul.f32 v27, v10;
	v31 =	vbroadcast v32, $0xF  }
0x2f6: {  	v32 =	vld [tilespmem:s26+$0xFFFFFF80];
	v28 =	vadd.f32 v28, v34;
	v34 =	vmul.f32 v35, v12;
	v35 =	vand.u32 $0xFFFFFFFE, v42;
	v40 =	vpop (erf)  }
0x2f7: {  	v38 =	vmul.f32 v38, v13;
	v41 =	vld [tilespmem:s26+$0xFFFFFF90];
	v25 =	vadd.f32 v27, v25;
	(erf) = vpow2.f32 v31  }
0x2f8: {  	v27 =	vmul.f32 v39, v14;
	v31 =	vld [tilespmem:s26+$0xFFFFFFA0];
	v33 =	vadd.f32 v34, v33;
	v34 =	vadd.f32 $1.000000000e+00, v40;
	v39 =	vpop (erf)  }
0x2f9: {  	v38 =	vadd.f32 v38, v20;
	v20 =	vmul.f32 v37, v15;
	v37 =	vld [tilespmem:s26+$0xFFFFFFB0];
	v39 =	vadd.f32 $1.000000000e+00, v39;
	v40 =	vpop (erf)  }
0x2fa: {  	v27 =	vadd.f32 v27, v22;
	v17 =	vmul.f32 v17, v16;
	v22 =	vld [tilespmem:s26+$0x80];
	v40 =	vadd.f32 $1.000000000e+00, v40  }
0x2fb: {  	v42 =	vadd.f32 v20, v21;
	v20 =	vmul.f32 v32, v13;
	v21 =	vld [tilespmem:s26+$0x90];
	(erf) = vrcp.f32 v34  }
0x2fc: {  	v32 =	vadd.f32 v17, v23;
	v17 =	vmul.f32 v41, v14;
	v23 =	vld [tilespmem:s26+$0xA0];
	(erf) = vrcp.f32 v39  }
0x2fd: {  	v39 =	vadd.f32 v20, v19;
	v19 =	vmul.f32 v31, v15;
	v31 =	vld [tilespmem:s26+$0xB0];
	(erf) = vrcp.f32 v40  }
0x2fe: {  	v34 =	vld [tilespmem:s26+$0xFFFFFEC0];
	v17 =	vadd.f32 v17, v24;
	v20 =	vmul.f32 v37, v16;
	v24 =	vbroadcast v18, $0x0  }
0x2ff: {  	v37 =	vld [tilespmem:s26+$0xFFFFFED0];
	v18 =	vadd.f32 v19, v29;
	v19 =	vmul.f32 v22, v13;
	v29 =	vbroadcast v36, $0x0  }
0x300: {  	v35 =	vbroadcast v35, $0x0;
	v36 =	vld [tilespmem:s26+$0xFFFFFEE0];
	v20 =	vadd.f32 v20, v26;
	v21 =	vmul.f32 v21, v14;
	v22 =	vpop (erf)  }
0x301: {  	v40 =	vld [tilespmem:s26+$0xFFFFFEF0];
	v19 =	vadd.f32 v19, v30;
	v23 =	vmul.f32 v23, v15;
	v26 =	vadd.f32 $1.000000000e+00, v22  }
0x302: {  	v30 =	vld [tilespmem:s26+$0xFFFFFFC0];
	v21 =	vadd.f32 v21, v28;
	v43 =	vmul.f32 v31, v16  }
0x303: {  	v31 =	vmul.f32 v34, v11;
	v41 =	vld [tilespmem:s26+$0xFFFFFFD0];
	v22 =	vadd.f32 v23, v25;
	(erf) = vrcp.f32 v26  }
0x304: {  	v25 =	vmul.f32 v37, v9;
	v37 =	vld [tilespmem:s26+$0xFFFFFFE0];
	v23 =	vadd.f32 v43, v33;
	v28 =	vpop (erf)  }
.Ltmp3:
0x305: {  	v38 =	vadd.f32 v31, v38;
	v31 =	vmul.f32 v36, v6;
	v26 =	vld [tilespmem:s26+$0xFFFFFFF0];
	[tilespmem:v24+s29+$0x0] =	vst.idx.msk $0x1, v28;
	v24 =	vpop (erf);
	(pc) =	sbr.rel @p0 .LBB2_8-.Ltmp3, $4  }
0x306: {  	v25 =	vadd.f32 v25, v27;
	v33 =	vmul.f32 v40, v7;
	v27 =	vld [tilespmem:s26+$0xC0];
	[tilespmem:v29+s29+$0x0] =	vst.idx.msk $0x1, v24;
	v24 =	vpop (erf)  }
0x307: {  	s30 =	sadd.s32 $0xC7, s17;
	v31 =	vadd.f32 v31, v42;
	v30 =	vmul.f32 v30, v11;
	v28 =	vld [tilespmem:s26+$0xD0];
	[tilespmem:v35+s29+$0x0] =	vst.idx.msk $0x1, v24  }
0x308: {  	v24 =	vmov s30;
	v34 =	vadd.f32 v33, v32;
	v33 =	vmul.f32 v41, v9;
	v29 =	vld [tilespmem:s26+$0xE0]  }
0x309: {  	v25 =	vadd.f32 v25, v38;
	v32 =	vadd.f32 v30, v39;
	v35 =	vmul.f32 v37, v6;
	v30 =	vld [tilespmem:s26+$0xF0];
	s26 =	sadd.s32 $0x400, s26  }
0x30a: {  	_ = 	snop  }
0x30b: {  	v31 =	vadd.f32 v34, v31;
	v26 =	vmul.f32 v26, v7  }
0x30c: {  	v17 =	vadd.f32 v33, v17;
	v18 =	vadd.f32 v35, v18  }
0x30d: {  	v27 =	vmul.f32 v27, v11;
	v20 =	vadd.f32 v26, v20;
	v26 =	vmul.f32 v28, v9  }
0x30e: {  	v17 =	vadd.f32 v17, v32;
	v28 =	vmul.f32 v29, v6;
	v29 =	vmul.f32 v30, v7  }
0x30f: {  	v19 =	vadd.f32 v27, v19;
	v21 =	vadd.f32 v26, v21  }
0x310: {  	v22 =	vadd.f32 v28, v22;
	v23 =	vadd.f32 v29, v23  }
0x311: {  	v18 =	vadd.f32 v20, v18;
	v20 =	vadd.f32 v31, v25  }
0x312: {  	v19 =	vadd.f32 v21, v19;
	v21 =	vadd.f32 v23, v22  }
0x313: {  	v17 =	vadd.f32 v18, v17  }
0x314: {  	(xrf2) =	vadd.scan.msk.f32 $0xffff, v20;
	v18 =	vadd.f32 v21, v19  }
0x315: {  	(xrf2) =	vadd.scan.msk.f32 $0xffff, v17  }
0x316: {  	(xrf2) =	vadd.scan.msk.f32 $0xffff, v18;
	_ =	sdelay $0x7  }
0x317: {  	v17, _, _ =	vpop (xrf2)  }
0x318: {  	v17 =	vsub.f32 $0.0e+00, v17;
	v18, _, _ =	vpop (xrf2)  }
0x319: {  	v18 =	vsub.f32 $0.0e+00, v18;
	v19, _, _ =	vpop (xrf2)  }
0x31a: {  	v17 =	vmul.f32 $1.442695020e+00, v17;
	v19 =	vsub.f32 $0.0e+00, v19  }
0x31b: {  	v18 =	vmul.f32 $1.442695020e+00, v18  }
0x31c: {  	v17 =	vbroadcast v17, $0xF;
	v19 =	vmul.f32 $1.442695020e+00, v19  }
0x31d: {  	v18 =	vbroadcast v18, $0xF  }
0x31e: {  	(erf) = vpow2.f32 v17;
	v19 =	vbroadcast v19, $0xF  }
0x31f: {  	(erf) = vpow2.f32 v18  }
0x320: {  	(erf) = vpow2.f32 v19;
	_ =	sdelay $0x5  }
0x321: {  	v17 =	vpop (erf)  }
0x322: {  	v18 =	vpop (erf)  }
0x323: {  	v18 =	vadd.f32 $1.000000000e+00, v18;
	v19 =	vpop (erf)  }
0x324: {  	v19 =	vadd.f32 $1.000000000e+00, v19;
	v20 =	vpop (erf)  }
0x325: {  	(erf) = vrcp.f32 v18;
	v20 =	vadd.f32 $1.000000000e+00, v20  }
0x326: {  	s24 =	sadd.s32 $0xC4, s17;
	(erf) = vrcp.f32 v19  }
0x327: {  	s31 =	sadd.s32 $0xC5, s17;
	v18 =	vmov s24;
	(erf) = vrcp.f32 v20  }
0x328: {  	s24 =	sadd.s32 $0xC6, s17;
	v18 =	vand.u32 $0xFFFFFFFC, v18;
	v19 =	vmov s31  }
0x329: {  	v18 =	vbroadcast v18, $0x0;
	v19 =	vand.u32 $0xFFFFFFFD, v19;
	v20 =	vmov s24  }
0x32a: {  	v19 =	vbroadcast v19, $0x0;
	v20 =	vand.u32 $0xFFFFFFFE, v20  }
0x32b: {  	v20 =	vbroadcast v20, $0x0;
	_ =	sdelay $0x2  }
0x32c: {  	[tilespmem:v24+s29+$0x0] =	vst.idx.msk $0x1, v17;
	v17 =	vpop (erf)  }
0x32d: {  	[tilespmem:v18+s29+$0x0] =	vst.idx.msk $0x1, v17;
	v17 =	vpop (erf)  }
0x32e: {  	[tilespmem:v19+s29+$0x0] =	vst.idx.msk $0x1, v17;
	v17 =	vpop (erf)  }
0x32f: {  	s26 =	simm.s32 $0x10640;
	[tilespmem:v20+s29+$0x0] =	vst.idx.msk $0x1, v17  }
0x330: {  	[hbm4b:s10+s4] =	stream.linear.scatter [tilespmem:s26], [sflag:$0x5], $0x40, $0x38;
	[tilespmem:$0x10780] =	vst v63  }
0x331: {  	s30 =	simm.s32 $0x380  }
0x332: {  	[tilespmem:s28], [sflag:$0x4] =	stream.indirect.gather [hbm4b:s1+s21], $0x80, s30, s21, $0xb8;
	[tilespmem:$0x10780] =	vst v63  }
0x333: {  	_ =	swait.ge [sflag:s18], $0x4000  }
0x334: {  	[sflag:s18] =	ssyncset.done $0x0  }
0x335: {  	s26 =	simm.s32 $0x600;
	[sflag:s18] =	ssyncadd.s32 $0xFFFFC000  }
0x336: {  	v17 =	vld [tilespmem:s26+$0x1C0]  }
0x337: {  	v18 =	vld [tilespmem:s26+$0x1D0]  }
0x338: {  	v19 =	vld [tilespmem:s26+$0x180]  }
0x339: {  	v20 =	vld [tilespmem:s26+$0x190]  }
0x33a: {  	v21 =	vld [tilespmem:s26+$0x140]  }
0x33b: {  	v22 =	vld [tilespmem:s26+$0x150]  }
0x33c: {  	v23 =	vld [tilespmem:s26+$0x100]  }
0x33d: {  	v24 =	vld [tilespmem:s26+$0x110]  }
0x33e: {  	v25 =	vld [tilespmem:s26+$0x120]  }
0x33f: {  	v26 =	vld [tilespmem:s26+$0x130]  }
0x340: {  	v27 =	vld [tilespmem:s26+$0x160]  }
0x341: {  	v28 =	vld [tilespmem:s26+$0x170];
	v17 =	vmul.f32 v17, v11;
	v18 =	vmul.f32 v18, v9  }
0x342: {  	v29 =	vld [tilespmem:s26+$0x1A0];
	v19 =	vmul.f32 v19, v13;
	v20 =	vmul.f32 v20, v14  }
0x343: {  	v30 =	vld [tilespmem:s26+$0x1B0];
	v21 =	vmul.f32 v21, v5;
	v22 =	vmul.f32 v22, v8  }
0x344: {  	v31 =	vld [tilespmem:s26+$0x1E0];
	v23 =	vmul.f32 v23, v1;
	v24 =	vmul.f32 v24, v2  }
0x345: {  	v55 =	vld [tilespmem:s26+$0x1F0];
	v25 =	vmul.f32 v25, v3;
	v26 =	vmul.f32 v26, v4  }
0x346: {  	v56 =	vld [tilespmem:s26+$0xFFFFFE10];
	v27 =	vmul.f32 v27, v10;
	v23 =	vadd.f32 v23, v0;
	v24 =	vadd.f32 $0.0e+00, v24  }
0x347: {  	v57 =	vld [tilespmem:s26+$0xFFFFFE20];
	v28 =	vmul.f32 v28, v12;
	v25 =	vadd.f32 $0.0e+00, v25;
	v26 =	vadd.f32 $0.0e+00, v26  }
0x348: {  	v58 =	vld [tilespmem:s26+$0xFFFFFF40];
	v21 =	vadd.f32 v21, v23;
	v22 =	vadd.f32 v22, v24;
	v23 =	vmul.f32 v29, v15  }
0x349: {  	v60 =	vld [tilespmem:s26+$0xFFFFFF50];
	v25 =	vadd.f32 v27, v25;
	v26 =	vadd.f32 v28, v26;
	v27 =	vmul.f32 v30, v16  }
0x34a: {  	v61 =	vld [tilespmem:s26+$0xFFFFFF60];
	v19 =	vadd.f32 v19, v21;
	v20 =	vadd.f32 v20, v22;
	v21 =	vmul.f32 v31, v6  }
0x34b: {  	v36 =	vld [tilespmem:s26+$0xFFFFFF70];
	v23 =	vadd.f32 v23, v25;
	v25 =	vadd.f32 v27, v26;
	v26 =	vmul.f32 v55, v7  }
0x34c: {  	v37 =	vld [tilespmem:s26+$0x40];
	v17 =	vadd.f32 v17, v19;
	v18 =	vadd.f32 v18, v20  }
0x34d: {  	v38 =	vld [tilespmem:s26+$0x50];
	v20 =	vadd.f32 v21, v23;
	v21 =	vadd.f32 v26, v25  }
0x34e: {  	v39 =	vld [tilespmem:s26+$0x60]  }
0x34f: {  	v41 =	vld [tilespmem:s26+$0x70];
	v17 =	vadd.f32 v18, v17;
	v18 =	vadd.f32 v21, v20  }
0x350: {  	v62 =	vld [tilespmem:s26+$0xFFFFFE80]  }
0x351: {  	v24 =	vld [tilespmem:s26+$0xFFFFFE30];
	v17 =	vadd.f32 v18, v17  }
0x352: {  	v28 =	vld [tilespmem:s26+$0xFFFFFF00]  }
0x353: {  	v29 =	vld [tilespmem:s26+$0xFFFFFE60];
	(xrf2) =	vadd.scan.msk.f32 $0xffff, v17  }
0x354: {  	v30 =	vld [tilespmem:s26+$0xFFFFFE70]  }
0x355: {  	v18 =	vld [tilespmem:s26+$0xFFFFFE00]  }
0x356: {  	v22 =	vld [tilespmem:s26+$0xFFFFFF10]  }
0x357: {  	v59 =	vmul.f32 v57, v3;
	v32 =	vmul.f32 v58, v5;
	v26 =	vld [tilespmem:s26+$0xFFFFFE40]  }
0x358: {  	v35 =	vmul.f32 v61, v10;
	v36 =	vmul.f32 v36, v12;
	v27 =	vld [tilespmem:s26+$0xFFFFFF20]  }
0x359: {  	v46 =	vmul.f32 v37, v5;
	v31 =	vmul.f32 v56, v2;
	v19 =	vld [tilespmem:s26+$0xFFFFFF30]  }
0x35a: {  	v33 =	vadd.f32 $0.0e+00, v59;
	v23 =	vld [tilespmem:s26+$0x0];
	v24 =	vmul.f32 v24, v4;
	v18 =	vmul.f32 v18, v1  }
0x35b: {  	v25 =	vld [tilespmem:s26+$0x10];
	v31 =	vadd.f32 $0.0e+00, v31;
	v28 =	vmul.f32 v28, v1;
	v29 =	vmul.f32 v29, v10  }
0x35c: {  	v30 =	vmul.f32 v30, v12;
	v26 =	vmul.f32 v26, v5;
	v17 =	vld [tilespmem:s26+$0xFFFFFE50];
	v18 =	vadd.f32 v18, v0  }
0x35d: {  	v63 =	vld [tilespmem:s26+$0xFFFFFEA0];
	v22 =	vmul.f32 v22, v2;
	v24 =	vadd.f32 $0.0e+00, v24;
	v28 =	vadd.f32 v28, v0;
	v40, _, _ =	vpop (xrf2)  }
0x35e: {  	v20 =	vld [tilespmem:s26+$0x20];
	v27 =	vmul.f32 v27, v3;
	v18 =	vadd.f32 v26, v18;
	v26 =	vsub.f32 $0.0e+00, v40  }
0x35f: {  	v21 =	vld [tilespmem:s26+$0x30];
	v29 =	vadd.f32 v29, v33;
	v22 =	vadd.f32 $0.0e+00, v22;
	v19 =	vmul.f32 v19, v4  }
0x360: {  	v44 =	vld [tilespmem:s26+$0xFFFFFEB0];
	v27 =	vadd.f32 $0.0e+00, v27;
	v23 =	vmul.f32 v23, v1;
	v26 =	vmul.f32 $1.442695020e+00, v26  }
0x361: {  	v45 =	vld [tilespmem:s26+$0xFFFFFF80];
	v25 =	vmul.f32 v25, v2;
	v24 =	vadd.f32 v30, v24;
	v17 =	vmul.f32 v17, v8  }
0x362: {  	v47 =	vld [tilespmem:s26+$0xFFFFFFB0];
	v30 =	vmul.f32 v60, v8;
	v28 =	vadd.f32 v32, v28;
	v26 =	vbroadcast v26, $0xF  }
0x363: {  	v19 =	vadd.f32 $0.0e+00, v19;
	v20 =	vmul.f32 v20, v3;
	v17 =	vadd.f32 v17, v31;
	v31 =	vld [tilespmem:s26+$0xFFFFFE90]  }
0x364: {  	v23 =	vadd.f32 v23, v0;
	v21 =	vmul.f32 v21, v4;
	(erf) = vpow2.f32 v26;
	v26 =	vld [tilespmem:s26+$0xFFFFFFA0]  }
0x365: {  	v50 =	vld [tilespmem:s26+$0x80];
	v49 =	vmul.f32 v39, v10;
	v25 =	vadd.f32 $0.0e+00, v25;
	v22 =	vadd.f32 v30, v22  }
0x366: {  	v51 =	vmul.f32 v41, v12;
	v30 =	vld [tilespmem:s26+$0xFFFFFF90];
	v20 =	vadd.f32 $0.0e+00, v20;
	v21 =	vadd.f32 $0.0e+00, v21  }
0x367: {  	v52 =	vld [tilespmem:s26+$0x90];
	v27 =	vadd.f32 v35, v27;
	v19 =	vadd.f32 v36, v19;
	v40 =	vmul.f32 v62, v13  }
0x368: {  	v59 =	vld [tilespmem:s26+$0xFFFFFFC0];
	v53 =	vadd.f32 v49, v20;
	v35 =	vadd.f32 v51, v21;
	v20 =	vmul.f32 v31, v14  }
0x369: {  	v56 =	vld [tilespmem:s26+$0xFFFFFEC0];
	v54 =	vadd.f32 v40, v18;
	v18 =	vmul.f32 v63, v15;
	v26 =	vmul.f32 v26, v15  }
0x36a: {  	v21 =	vld [tilespmem:s26+$0xB0];
	v55 =	vadd.f32 v20, v17;
	v17 =	vmul.f32 v44, v16;
	v20 =	vmul.f32 v45, v13  }
0x36b: {  	v23 =	vadd.f32 v46, v23;
	v31 =	vld [tilespmem:s26+$0xA0];
	v29 =	vadd.f32 v18, v29;
	v18 =	vmul.f32 v30, v14  }
0x36c: {  	v30 =	vld [tilespmem:s26+$0xFFFFFED0];
	v24 =	vadd.f32 v17, v24;
	v57 =	vadd.f32 v20, v28  }
0x36d: {  	v48 =	vmul.f32 v38, v8;
	v28 =	vld [tilespmem:s26+$0xFFFFFEE0];
	v17 =	vadd.f32 v18, v22;
	v18 =	vadd.f32 v26, v27;
	v26 =	vpop (erf)  }
0x36e: {  	v20 =	vmul.f32 v47, v16;
	v22 =	vmul.f32 v50, v13;
	v27 =	vld [tilespmem:s26+$0xFFFFFEF0];
	v26 =	vadd.f32 $1.000000000e+00, v26  }
0x36f: {  	v58 =	vmul.f32 v52, v14;
	v60 =	vld [tilespmem:s26+$0xFFFFFFD0];
	v25 =	vadd.f32 v48, v25;
	v63 =	vmul.f32 v59, v11  }
0x370: {  	v20 =	vadd.f32 v20, v19;
	v19 =	vadd.f32 v22, v23;
	(erf) = vrcp.f32 v26  }
0x371: {  	v61 =	vld [tilespmem:s26+$0xFFFFFFE0];
	v23 =	vmul.f32 v21, v16;
	v21 =	vadd.f32 v58, v25;
	v25 =	vmul.f32 v56, v11  }
0x372: {  	v32 =	vadd.f32 v63, v57;
	v30 =	vmul.f32 v30, v9;
	v28 =	vmul.f32 v28, v6;
	v26 =	vld [tilespmem:s26+$0xFFFFFFF0]  }
0x373: {  	v22 =	vmul.f32 v31, v15;
	v25 =	vadd.f32 v25, v54;
	v62 =	vmul.f32 v27, v7;
	v27 =	vld [tilespmem:s26+$0xC0]  }
0x374: {  	s31 =	simm.s32 $0x103;
	v33 =	vmul.f32 v60, v9;
	v30 =	vadd.f32 v30, v55;
	v31 =	vadd.f32 v28, v29;
	v28 =	vld [tilespmem:s26+$0xD0]  }
0x375: {  	v22 =	vadd.f32 v22, v53;
	v29 =	vld [tilespmem:s26+$0xE0];
	v34 =	vadd.f32 v62, v24;
	v24 =	vmov s31  }
0x376: {  	s17 =	simm.s32 $0xFFFFFFFC;
	s24 =	simm.s32 $0x0;
	v23 =	vadd.f32 v23, v35;
	v35 =	vmul.f32 v61, v6;
	v25 =	vadd.f32 v30, v25;
	v30 =	vld [tilespmem:s26+$0xF0];
	s26 =	simm.s32 $0xA00  }
.LBB2_10:
0x377: {  	v36 =	vld [tilespmem:s26+$0x1C0];
	v31 =	vadd.f32 v34, v31;
	v17 =	vadd.f32 v33, v17;
	v26 =	vmul.f32 v26, v7;
	s30 =	smov.u32 s24  }
0x378: {  	v33 =	vld [tilespmem:s26+$0x1D0];
	v18 =	vadd.f32 v35, v18;
	v27 =	vmul.f32 v27, v11  }
0x379: {  	v34 =	vld [tilespmem:s26+$0x180];
	v20 =	vadd.f32 v26, v20;
	v17 =	vadd.f32 v17, v32;
	v26 =	vmul.f32 v28, v9;
	v28 =	vpop (erf)  }
0x37a: {  	v32 =	vld [tilespmem:s26+$0x190];
	v19 =	vadd.f32 v27, v19;
	v27 =	vmul.f32 v29, v6;
	[tilespmem:v24+s29+$0x0] =	vst.idx.msk $0x1, v28  }
0x37b: {  	v24 =	vld [tilespmem:s26+$0x140];
	v18 =	vadd.f32 v20, v18;
	v20 =	vadd.f32 v26, v21;
	v21 =	vmul.f32 v30, v7  }
0x37c: {  	v25 =	vadd.f32 v31, v25;
	v26 =	vld [tilespmem:s26+$0x150];
	v22 =	vadd.f32 v27, v22  }
0x37d: {  	v27 =	vld [tilespmem:s26+$0x100];
	v21 =	vadd.f32 v21, v23;
	v19 =	vadd.f32 v20, v19  }
0x37e: {  	v17 =	vadd.f32 v18, v17;
	v20 =	vld [tilespmem:s26+$0x110];
	(xrf2) =	vadd.scan.msk.f32 $0xffff, v25  }
0x37f: {  	v23 =	vld [tilespmem:s26+$0x120];
	v18 =	vadd.f32 v21, v22  }
0x380: {  	s24 =	sadd.s32 $0x4, s24;
	v21 =	vld [tilespmem:s26+$0x130]  }
0x381: {  	p0 =	slt.u32 s24, $0x3C;
	v28 =	vmul.f32 v33, v9;
	v25 =	vmul.f32 v36, v11;
	v22 =	vld [tilespmem:s26+$0x160];
	v19 =	vadd.f32 v18, v19;
	(xrf2) =	vadd.scan.msk.f32 $0xffff, v17  }
0x382: {  	v30 =	vmul.f32 v34, v13;
	v31 =	vmul.f32 v32, v14;
	v29 =	vld [tilespmem:s26+$0x170]  }
0x383: {  	s31 =	sadd.s32 $0x104, s17;
	v24 =	vmul.f32 v24, v5;
	v26 =	vmul.f32 v26, v8;
	v32 =	vld [tilespmem:s26+$0x1A0]  }
0x384: {  	v18 =	vmov s31;
	s31 =	sadd.s32 $0x105, s17;
	v27 =	vmul.f32 v27, v1;
	v20 =	vmul.f32 v20, v2;
	v33 =	vld [tilespmem:s26+$0x1B0];
	(xrf2) =	vadd.scan.msk.f32 $0xffff, v19  }
0x385: {  	v17 =	vmov s31;
	v19 =	vmul.f32 v23, v3;
	v21 =	vmul.f32 v21, v4;
	v23 =	vld [tilespmem:s26+$0x1E0]  }
0x386: {  	v37 =	vadd.f32 v27, v0;
	v20 =	vadd.f32 $0.0e+00, v20;
	v22 =	vmul.f32 v22, v10;
	v34 =	vld [tilespmem:s26+$0x1F0]  }
0x387: {  	v19 =	vadd.f32 $0.0e+00, v19;
	v35 =	vld [tilespmem:s26+$0xFFFFFE10];
	v21 =	vadd.f32 $0.0e+00, v21;
	v29 =	vmul.f32 v29, v12  }
0x388: {  	v24 =	vadd.f32 v24, v37;
	v20 =	vadd.f32 v26, v20;
	v36 =	vld [tilespmem:s26+$0xFFFFFE20];
	v37 =	vmul.f32 v32, v15;
	v27, _, _ =	vpop (xrf2)  }
0x389: {  	v19 =	vadd.f32 v22, v19;
	v32 =	vld [tilespmem:s26+$0xFFFFFE30];
	v21 =	vadd.f32 v29, v21;
	v22 =	vmul.f32 v33, v16  }
0x38a: {  	v24 =	vadd.f32 v30, v24;
	v20 =	vadd.f32 v31, v20;
	v29 =	vld [tilespmem:s26+$0xFFFFFF00];
	v23 =	vmul.f32 v23, v6  }
0x38b: {  	v19 =	vadd.f32 v37, v19;
	v30 =	vld [tilespmem:s26+$0xFFFFFF10];
	v21 =	vadd.f32 v22, v21;
	v22 =	vmul.f32 v34, v7;
	v26, _, _ =	vpop (xrf2)  }
0x38c: {  	v24 =	vadd.f32 v25, v24;
	v20 =	vadd.f32 v28, v20;
	v31 =	vmul.f32 v35, v2;
	v33 =	vld [tilespmem:s26+$0xFFFFFF20]  }
0x38d: {  	v19 =	vadd.f32 v23, v19;
	v25 =	vmul.f32 v36, v3;
	v28 =	vld [tilespmem:s26+$0xFFFFFF30];
	v21 =	vadd.f32 v22, v21  }
0x38e: {  	v27 =	vsub.f32 $0.0e+00, v27;
	v22 =	vadd.f32 $0.0e+00, v31;
	v23 =	vmul.f32 v32, v4;
	v31 =	vld [tilespmem:s26+$0x0];
	v32, _, _ =	vpop (xrf2)  }
0x38f: {  	v20 =	vadd.f32 v20, v24;
	v29 =	vmul.f32 v29, v1;
	v34 =	vld [tilespmem:s26+$0x10];
	v19 =	vadd.f32 v21, v19  }
0x390: {  	v21 =	vadd.f32 $0.0e+00, v25;
	v23 =	vadd.f32 $0.0e+00, v23;
	v24 =	vmul.f32 v30, v2;
	v25 =	vld [tilespmem:s26+$0x20]  }
0x391: {  	v29 =	vadd.f32 v29, v0;
	v30 =	vmul.f32 v33, v3;
	v33 =	vld [tilespmem:s26+$0x30];
	v19 =	vadd.f32 v19, v20  }
0x392: {  	v26 =	vsub.f32 $0.0e+00, v26;
	v20 =	vld [tilespmem:s26+$0xFFFFFE00];
	v24 =	vadd.f32 $0.0e+00, v24;
	v28 =	vmul.f32 v28, v4  }
0x393: {  	v35 =	vld [tilespmem:s26+$0xFFFFFE40];
	v30 =	vadd.f32 $0.0e+00, v30;
	v31 =	vmul.f32 v31, v1;
	(xrf2) =	vadd.scan.msk.f32 $0xffff, v19;
	v19 =	vsub.f32 $0.0e+00, v32  }
0x394: {  	v27 =	vmul.f32 $1.442695020e+00, v27;
	v32 =	vld [tilespmem:s26+$0xFFFFFE50];
	v28 =	vadd.f32 $0.0e+00, v28;
	v34 =	vmul.f32 v34, v2  }
0x395: {  	v26 =	vmul.f32 $1.442695020e+00, v26;
	v36 =	vld [tilespmem:s26+$0xFFFFFE60];
	v31 =	vadd.f32 v31, v0;
	v25 =	vmul.f32 v25, v3  }
0x396: {  	v19 =	vmul.f32 $1.442695020e+00, v19;
	v37 =	vld [tilespmem:s26+$0xFFFFFE70];
	v34 =	vadd.f32 $0.0e+00, v34;
	v33 =	vmul.f32 v33, v4  }
0x397: {  	v27 =	vbroadcast v27, $0xF;
	v20 =	vmul.f32 v20, v1;
	v38 =	vld [tilespmem:s26+$0xFFFFFF40];
	v25 =	vadd.f32 $0.0e+00, v25  }
0x398: {  	v26 =	vbroadcast v26, $0xF;
	v35 =	vmul.f32 v35, v5;
	v39 =	vld [tilespmem:s26+$0xFFFFFF50];
	v33 =	vadd.f32 $0.0e+00, v33  }
0x399: {  	s31 =	sadd.s32 $0x106, s17;
	s17 =	smov.u32 s30;
	v19 =	vbroadcast v19, $0xF;
	v20 =	vadd.f32 v20, v0;
	v32 =	vmul.f32 v32, v8;
	v40 =	vld [tilespmem:s26+$0xFFFFFF60]  }
0x39a: {  	v42 =	vmov s31;
	v36 =	vmul.f32 v36, v10;
	v41 =	vld [tilespmem:s26+$0xFFFFFF70];
	(erf) = vpow2.f32 v27  }
0x39b: {  	v20 =	vadd.f32 v35, v20;
	v22 =	vadd.f32 v32, v22;
	v27 =	vmul.f32 v37, v12;
	v32 =	vld [tilespmem:s26+$0x40]  }
0x39c: {  	v21 =	vadd.f32 v36, v21;
	v35 =	vmul.f32 v38, v5;
	v36 =	vld [tilespmem:s26+$0x50];
	(erf) = vpow2.f32 v26  }
0x39d: {  	v23 =	vadd.f32 v27, v23;
	v26 =	vmul.f32 v39, v8;
	v27 =	vld [tilespmem:s26+$0x60];
	v37, _, _ =	vpop (xrf2);
	(erf) = vpow2.f32 v19  }
0x39e: {  	v19 =	vadd.f32 v35, v29;
	v29 =	vmul.f32 v40, v10;
	v35 =	vld [tilespmem:s26+$0x70];
	v37 =	vsub.f32 $0.0e+00, v37  }
0x39f: {  	v18 =	vand.u32 $0xFFFFFFFC, v18;
	v38 =	vld [tilespmem:s26+$0xFFFFFE80];
	v24 =	vadd.f32 v26, v24;
	v26 =	vmul.f32 v41, v12  }
0x3a0: {  	v39 =	vld [tilespmem:s26+$0xFFFFFE90];
	v29 =	vadd.f32 v29, v30;
	v30 =	vmul.f32 v32, v5;
	v32 =	vmul.f32 $1.442695020e+00, v37  }
0x3a1: {  	v37 =	vld [tilespmem:s26+$0xFFFFFEA0];
	v26 =	vadd.f32 v26, v28;
	v28 =	vmul.f32 v36, v8;
	v36 =	vand.u32 $0xFFFFFFFD, v17  }
0x3a2: {  	v17 =	vld [tilespmem:s26+$0xFFFFFEB0];
	v30 =	vadd.f32 v30, v31;
	v27 =	vmul.f32 v27, v10;
	v31 =	vbroadcast v32, $0xF  }
0x3a3: {  	v32 =	vld [tilespmem:s26+$0xFFFFFF80];
	v28 =	vadd.f32 v28, v34;
	v34 =	vmul.f32 v35, v12;
	v35 =	vand.u32 $0xFFFFFFFE, v42;
	v40 =	vpop (erf)  }
0x3a4: {  	v38 =	vmul.f32 v38, v13;
	v41 =	vld [tilespmem:s26+$0xFFFFFF90];
	v25 =	vadd.f32 v27, v25;
	(erf) = vpow2.f32 v31  }
0x3a5: {  	v27 =	vmul.f32 v39, v14;
	v31 =	vld [tilespmem:s26+$0xFFFFFFA0];
	v33 =	vadd.f32 v34, v33;
	v34 =	vadd.f32 $1.000000000e+00, v40;
	v39 =	vpop (erf)  }
0x3a6: {  	v38 =	vadd.f32 v38, v20;
	v20 =	vmul.f32 v37, v15;
	v37 =	vld [tilespmem:s26+$0xFFFFFFB0];
	v39 =	vadd.f32 $1.000000000e+00, v39;
	v40 =	vpop (erf)  }
0x3a7: {  	v27 =	vadd.f32 v27, v22;
	v17 =	vmul.f32 v17, v16;
	v22 =	vld [tilespmem:s26+$0x80];
	v40 =	vadd.f32 $1.000000000e+00, v40  }
0x3a8: {  	v42 =	vadd.f32 v20, v21;
	v20 =	vmul.f32 v32, v13;
	v21 =	vld [tilespmem:s26+$0x90];
	(erf) = vrcp.f32 v34  }
0x3a9: {  	v32 =	vadd.f32 v17, v23;
	v17 =	vmul.f32 v41, v14;
	v23 =	vld [tilespmem:s26+$0xA0];
	(erf) = vrcp.f32 v39  }
0x3aa: {  	v39 =	vadd.f32 v20, v19;
	v19 =	vmul.f32 v31, v15;
	v31 =	vld [tilespmem:s26+$0xB0];
	(erf) = vrcp.f32 v40  }
0x3ab: {  	v34 =	vld [tilespmem:s26+$0xFFFFFEC0];
	v17 =	vadd.f32 v17, v24;
	v20 =	vmul.f32 v37, v16;
	v24 =	vbroadcast v18, $0x0  }
0x3ac: {  	v37 =	vld [tilespmem:s26+$0xFFFFFED0];
	v18 =	vadd.f32 v19, v29;
	v19 =	vmul.f32 v22, v13;
	v29 =	vbroadcast v36, $0x0  }
0x3ad: {  	v35 =	vbroadcast v35, $0x0;
	v36 =	vld [tilespmem:s26+$0xFFFFFEE0];
	v20 =	vadd.f32 v20, v26;
	v21 =	vmul.f32 v21, v14;
	v22 =	vpop (erf)  }
0x3ae: {  	v40 =	vld [tilespmem:s26+$0xFFFFFEF0];
	v19 =	vadd.f32 v19, v30;
	v23 =	vmul.f32 v23, v15;
	v26 =	vadd.f32 $1.000000000e+00, v22  }
0x3af: {  	v30 =	vld [tilespmem:s26+$0xFFFFFFC0];
	v21 =	vadd.f32 v21, v28;
	v43 =	vmul.f32 v31, v16  }
0x3b0: {  	v31 =	vmul.f32 v34, v11;
	v41 =	vld [tilespmem:s26+$0xFFFFFFD0];
	v22 =	vadd.f32 v23, v25;
	(erf) = vrcp.f32 v26  }
0x3b1: {  	v25 =	vmul.f32 v37, v9;
	v37 =	vld [tilespmem:s26+$0xFFFFFFE0];
	v23 =	vadd.f32 v43, v33;
	v28 =	vpop (erf)  }
.Ltmp4:
0x3b2: {  	v38 =	vadd.f32 v31, v38;
	v31 =	vmul.f32 v36, v6;
	v26 =	vld [tilespmem:s26+$0xFFFFFFF0];
	[tilespmem:v24+s29+$0x0] =	vst.idx.msk $0x1, v28;
	v24 =	vpop (erf);
	(pc) =	sbr.rel @p0 .LBB2_10-.Ltmp4, $4  }
0x3b3: {  	v25 =	vadd.f32 v25, v27;
	v33 =	vmul.f32 v40, v7;
	v27 =	vld [tilespmem:s26+$0xC0];
	[tilespmem:v29+s29+$0x0] =	vst.idx.msk $0x1, v24;
	v24 =	vpop (erf)  }
0x3b4: {  	s30 =	sadd.s32 $0x107, s17;
	v31 =	vadd.f32 v31, v42;
	v30 =	vmul.f32 v30, v11;
	v28 =	vld [tilespmem:s26+$0xD0];
	[tilespmem:v35+s29+$0x0] =	vst.idx.msk $0x1, v24  }
0x3b5: {  	v24 =	vmov s30;
	v34 =	vadd.f32 v33, v32;
	v33 =	vmul.f32 v41, v9;
	v29 =	vld [tilespmem:s26+$0xE0]  }
0x3b6: {  	v25 =	vadd.f32 v25, v38;
	v32 =	vadd.f32 v30, v39;
	v35 =	vmul.f32 v37, v6;
	v30 =	vld [tilespmem:s26+$0xF0];
	s26 =	sadd.s32 $0x400, s26  }
0x3b7: {  	_ = 	snop  }
0x3b8: {  	v31 =	vadd.f32 v34, v31;
	v26 =	vmul.f32 v26, v7  }
0x3b9: {  	v17 =	vadd.f32 v33, v17;
	v18 =	vadd.f32 v35, v18  }
0x3ba: {  	v27 =	vmul.f32 v27, v11;
	v20 =	vadd.f32 v26, v20;
	v26 =	vmul.f32 v28, v9  }
0x3bb: {  	v17 =	vadd.f32 v17, v32;
	v28 =	vmul.f32 v29, v6;
	v29 =	vmul.f32 v30, v7  }
0x3bc: {  	v19 =	vadd.f32 v27, v19;
	v21 =	vadd.f32 v26, v21  }
0x3bd: {  	v22 =	vadd.f32 v28, v22;
	v23 =	vadd.f32 v29, v23  }
0x3be: {  	v18 =	vadd.f32 v20, v18;
	v20 =	vadd.f32 v31, v25  }
0x3bf: {  	v19 =	vadd.f32 v21, v19;
	v21 =	vadd.f32 v23, v22  }
0x3c0: {  	v17 =	vadd.f32 v18, v17  }
0x3c1: {  	(xrf2) =	vadd.scan.msk.f32 $0xffff, v20;
	v18 =	vadd.f32 v21, v19  }
0x3c2: {  	(xrf2) =	vadd.scan.msk.f32 $0xffff, v17  }
0x3c3: {  	(xrf2) =	vadd.scan.msk.f32 $0xffff, v18;
	_ =	sdelay $0x7  }
0x3c4: {  	v17, _, _ =	vpop (xrf2)  }
0x3c5: {  	v17 =	vsub.f32 $0.0e+00, v17;
	v18, _, _ =	vpop (xrf2)  }
0x3c6: {  	v18 =	vsub.f32 $0.0e+00, v18;
	v19, _, _ =	vpop (xrf2)  }
0x3c7: {  	v17 =	vmul.f32 $1.442695020e+00, v17;
	v19 =	vsub.f32 $0.0e+00, v19  }
0x3c8: {  	v18 =	vmul.f32 $1.442695020e+00, v18  }
0x3c9: {  	v17 =	vbroadcast v17, $0xF;
	v19 =	vmul.f32 $1.442695020e+00, v19  }
0x3ca: {  	v18 =	vbroadcast v18, $0xF  }
0x3cb: {  	(erf) = vpow2.f32 v17;
	v19 =	vbroadcast v19, $0xF  }
0x3cc: {  	(erf) = vpow2.f32 v18  }
0x3cd: {  	(erf) = vpow2.f32 v19;
	_ =	sdelay $0x5  }
0x3ce: {  	v17 =	vpop (erf)  }
0x3cf: {  	v18 =	vpop (erf)  }
0x3d0: {  	v18 =	vadd.f32 $1.000000000e+00, v18;
	v19 =	vpop (erf)  }
0x3d1: {  	v19 =	vadd.f32 $1.000000000e+00, v19;
	v20 =	vpop (erf)  }
0x3d2: {  	(erf) = vrcp.f32 v18;
	v20 =	vadd.f32 $1.000000000e+00, v20  }
0x3d3: {  	s24 =	sadd.s32 $0x104, s17;
	(erf) = vrcp.f32 v19  }
0x3d4: {  	s31 =	sadd.s32 $0x105, s17;
	v18 =	vmov s24;
	(erf) = vrcp.f32 v20  }
0x3d5: {  	s26 =	sadd.s32 $0x106, s17;
	v18 =	vand.u32 $0xFFFFFFFC, v18;
	v19 =	vmov s31  }
0x3d6: {  	v18 =	vbroadcast v18, $0x0;
	v19 =	vand.u32 $0xFFFFFFFD, v19;
	v20 =	vmov s26  }
0x3d7: {  	v19 =	vbroadcast v19, $0x0;
	v20 =	vand.u32 $0xFFFFFFFE, v20  }
0x3d8: {  	v20 =	vbroadcast v20, $0x0;
	_ =	sdelay $0x2  }
0x3d9: {  	[tilespmem:v24+s29+$0x0] =	vst.idx.msk $0x1, v17;
	v17 =	vpop (erf)  }
0x3da: {  	[tilespmem:v18+s29+$0x0] =	vst.idx.msk $0x1, v17;
	v17 =	vpop (erf)  }
0x3db: {  	[tilespmem:v19+s29+$0x0] =	vst.idx.msk $0x1, v17;
	v17 =	vpop (erf)  }
0x3dc: {  	s30 =	simm.s32 $0x10680;
	[tilespmem:v20+s29+$0x0] =	vst.idx.msk $0x1, v17  }
0x3dd: {  	[hbm4b:s11+s4] =	stream.linear.scatter [tilespmem:s30], [sflag:$0x5], $0x40, $0x38;
	[tilespmem:$0x10780] =	vst v63  }
0x3de: {  	_ =	swait.ge [sflag:s19], $0x4000  }
0x3df: {  	[sflag:s19] =	ssyncset.done $0x0  }
0x3e0: {  	s26 =	simm.s32 $0x4600;
	[sflag:s19] =	ssyncadd.s32 $0xFFFFC000  }
0x3e1: {  	v17 =	vld [tilespmem:s26+$0x1C0]  }
0x3e2: {  	v18 =	vld [tilespmem:s26+$0x1D0]  }
0x3e3: {  	v19 =	vld [tilespmem:s26+$0x180]  }
0x3e4: {  	v20 =	vld [tilespmem:s26+$0x190]  }
0x3e5: {  	v21 =	vld [tilespmem:s26+$0x140]  }
0x3e6: {  	v22 =	vld [tilespmem:s26+$0x150]  }
0x3e7: {  	v23 =	vld [tilespmem:s26+$0x100]  }
0x3e8: {  	v24 =	vld [tilespmem:s26+$0x110]  }
0x3e9: {  	v25 =	vld [tilespmem:s26+$0x120]  }
0x3ea: {  	v26 =	vld [tilespmem:s26+$0x130]  }
0x3eb: {  	v27 =	vld [tilespmem:s26+$0x160]  }
0x3ec: {  	v28 =	vld [tilespmem:s26+$0x170];
	v17 =	vmul.f32 v17, v11;
	v18 =	vmul.f32 v18, v9  }
0x3ed: {  	v29 =	vld [tilespmem:s26+$0x1A0];
	v19 =	vmul.f32 v19, v13;
	v20 =	vmul.f32 v20, v14  }
0x3ee: {  	v30 =	vld [tilespmem:s26+$0x1B0];
	v21 =	vmul.f32 v21, v5;
	v22 =	vmul.f32 v22, v8  }
0x3ef: {  	v31 =	vld [tilespmem:s26+$0x1E0];
	v23 =	vmul.f32 v23, v1;
	v24 =	vmul.f32 v24, v2  }
0x3f0: {  	v55 =	vld [tilespmem:s26+$0x1F0];
	v25 =	vmul.f32 v25, v3;
	v26 =	vmul.f32 v26, v4  }
0x3f1: {  	v56 =	vld [tilespmem:s26+$0xFFFFFE10];
	v27 =	vmul.f32 v27, v10;
	v23 =	vadd.f32 v23, v0;
	v24 =	vadd.f32 $0.0e+00, v24  }
0x3f2: {  	v57 =	vld [tilespmem:s26+$0xFFFFFE20];
	v28 =	vmul.f32 v28, v12;
	v25 =	vadd.f32 $0.0e+00, v25;
	v26 =	vadd.f32 $0.0e+00, v26  }
0x3f3: {  	v58 =	vld [tilespmem:s26+$0xFFFFFF40];
	v21 =	vadd.f32 v21, v23;
	v22 =	vadd.f32 v22, v24;
	v23 =	vmul.f32 v29, v15  }
0x3f4: {  	v60 =	vld [tilespmem:s26+$0xFFFFFF50];
	v25 =	vadd.f32 v27, v25;
	v26 =	vadd.f32 v28, v26;
	v27 =	vmul.f32 v30, v16  }
0x3f5: {  	v61 =	vld [tilespmem:s26+$0xFFFFFF60];
	v19 =	vadd.f32 v19, v21;
	v20 =	vadd.f32 v20, v22;
	v21 =	vmul.f32 v31, v6  }
0x3f6: {  	v36 =	vld [tilespmem:s26+$0xFFFFFF70];
	v23 =	vadd.f32 v23, v25;
	v25 =	vadd.f32 v27, v26;
	v26 =	vmul.f32 v55, v7  }
0x3f7: {  	v37 =	vld [tilespmem:s26+$0x40];
	v17 =	vadd.f32 v17, v19;
	v18 =	vadd.f32 v18, v20  }
0x3f8: {  	v38 =	vld [tilespmem:s26+$0x50];
	v20 =	vadd.f32 v21, v23;
	v21 =	vadd.f32 v26, v25  }
0x3f9: {  	v39 =	vld [tilespmem:s26+$0x60]  }
0x3fa: {  	v41 =	vld [tilespmem:s26+$0x70];
	v17 =	vadd.f32 v18, v17;
	v18 =	vadd.f32 v21, v20  }
0x3fb: {  	v62 =	vld [tilespmem:s26+$0xFFFFFE80]  }
0x3fc: {  	v24 =	vld [tilespmem:s26+$0xFFFFFE30];
	v17 =	vadd.f32 v18, v17  }
0x3fd: {  	v28 =	vld [tilespmem:s26+$0xFFFFFF00]  }
0x3fe: {  	v29 =	vld [tilespmem:s26+$0xFFFFFE60];
	(xrf2) =	vadd.scan.msk.f32 $0xffff, v17  }
0x3ff: {  	v30 =	vld [tilespmem:s26+$0xFFFFFE70]  }
0x400: {  	v18 =	vld [tilespmem:s26+$0xFFFFFE00]  }
0x401: {  	v22 =	vld [tilespmem:s26+$0xFFFFFF10]  }
0x402: {  	v59 =	vmul.f32 v57, v3;
	v32 =	vmul.f32 v58, v5;
	v26 =	vld [tilespmem:s26+$0xFFFFFE40]  }
0x403: {  	v35 =	vmul.f32 v61, v10;
	v36 =	vmul.f32 v36, v12;
	v27 =	vld [tilespmem:s26+$0xFFFFFF20]  }
0x404: {  	v46 =	vmul.f32 v37, v5;
	v31 =	vmul.f32 v56, v2;
	v19 =	vld [tilespmem:s26+$0xFFFFFF30]  }
0x405: {  	v33 =	vadd.f32 $0.0e+00, v59;
	v23 =	vld [tilespmem:s26+$0x0];
	v24 =	vmul.f32 v24, v4;
	v18 =	vmul.f32 v18, v1  }
0x406: {  	v25 =	vld [tilespmem:s26+$0x10];
	v31 =	vadd.f32 $0.0e+00, v31;
	v28 =	vmul.f32 v28, v1;
	v29 =	vmul.f32 v29, v10  }
0x407: {  	v30 =	vmul.f32 v30, v12;
	v26 =	vmul.f32 v26, v5;
	v17 =	vld [tilespmem:s26+$0xFFFFFE50];
	v18 =	vadd.f32 v18, v0  }
0x408: {  	v63 =	vld [tilespmem:s26+$0xFFFFFEA0];
	v22 =	vmul.f32 v22, v2;
	v24 =	vadd.f32 $0.0e+00, v24;
	v28 =	vadd.f32 v28, v0;
	v40, _, _ =	vpop (xrf2)  }
0x409: {  	v20 =	vld [tilespmem:s26+$0x20];
	v27 =	vmul.f32 v27, v3;
	v18 =	vadd.f32 v26, v18;
	v26 =	vsub.f32 $0.0e+00, v40  }
0x40a: {  	v21 =	vld [tilespmem:s26+$0x30];
	v29 =	vadd.f32 v29, v33;
	v22 =	vadd.f32 $0.0e+00, v22;
	v19 =	vmul.f32 v19, v4  }
0x40b: {  	v44 =	vld [tilespmem:s26+$0xFFFFFEB0];
	v27 =	vadd.f32 $0.0e+00, v27;
	v23 =	vmul.f32 v23, v1;
	v26 =	vmul.f32 $1.442695020e+00, v26  }
0x40c: {  	v45 =	vld [tilespmem:s26+$0xFFFFFF80];
	v25 =	vmul.f32 v25, v2;
	v24 =	vadd.f32 v30, v24;
	v17 =	vmul.f32 v17, v8  }
0x40d: {  	v47 =	vld [tilespmem:s26+$0xFFFFFFB0];
	v30 =	vmul.f32 v60, v8;
	v28 =	vadd.f32 v32, v28;
	v26 =	vbroadcast v26, $0xF  }
0x40e: {  	v19 =	vadd.f32 $0.0e+00, v19;
	v20 =	vmul.f32 v20, v3;
	v17 =	vadd.f32 v17, v31;
	v31 =	vld [tilespmem:s26+$0xFFFFFE90]  }
0x40f: {  	v23 =	vadd.f32 v23, v0;
	v21 =	vmul.f32 v21, v4;
	(erf) = vpow2.f32 v26;
	v26 =	vld [tilespmem:s26+$0xFFFFFFA0]  }
0x410: {  	v50 =	vld [tilespmem:s26+$0x80];
	v49 =	vmul.f32 v39, v10;
	v25 =	vadd.f32 $0.0e+00, v25;
	v22 =	vadd.f32 v30, v22  }
0x411: {  	v51 =	vmul.f32 v41, v12;
	v30 =	vld [tilespmem:s26+$0xFFFFFF90];
	v20 =	vadd.f32 $0.0e+00, v20;
	v21 =	vadd.f32 $0.0e+00, v21  }
0x412: {  	v52 =	vld [tilespmem:s26+$0x90];
	v27 =	vadd.f32 v35, v27;
	v19 =	vadd.f32 v36, v19;
	v40 =	vmul.f32 v62, v13  }
0x413: {  	v59 =	vld [tilespmem:s26+$0xFFFFFFC0];
	v53 =	vadd.f32 v49, v20;
	v35 =	vadd.f32 v51, v21;
	v20 =	vmul.f32 v31, v14  }
0x414: {  	v56 =	vld [tilespmem:s26+$0xFFFFFEC0];
	v54 =	vadd.f32 v40, v18;
	v18 =	vmul.f32 v63, v15;
	v26 =	vmul.f32 v26, v15  }
0x415: {  	v21 =	vld [tilespmem:s26+$0xB0];
	v55 =	vadd.f32 v20, v17;
	v17 =	vmul.f32 v44, v16;
	v20 =	vmul.f32 v45, v13  }
0x416: {  	v23 =	vadd.f32 v46, v23;
	v31 =	vld [tilespmem:s26+$0xA0];
	v29 =	vadd.f32 v18, v29;
	v18 =	vmul.f32 v30, v14  }
0x417: {  	v30 =	vld [tilespmem:s26+$0xFFFFFED0];
	v24 =	vadd.f32 v17, v24;
	v57 =	vadd.f32 v20, v28  }
0x418: {  	v48 =	vmul.f32 v38, v8;
	v28 =	vld [tilespmem:s26+$0xFFFFFEE0];
	v17 =	vadd.f32 v18, v22;
	v18 =	vadd.f32 v26, v27;
	v26 =	vpop (erf)  }
0x419: {  	v20 =	vmul.f32 v47, v16;
	v22 =	vmul.f32 v50, v13;
	v27 =	vld [tilespmem:s26+$0xFFFFFEF0];
	v26 =	vadd.f32 $1.000000000e+00, v26  }
0x41a: {  	v58 =	vmul.f32 v52, v14;
	v60 =	vld [tilespmem:s26+$0xFFFFFFD0];
	v25 =	vadd.f32 v48, v25;
	v63 =	vmul.f32 v59, v11  }
0x41b: {  	v20 =	vadd.f32 v20, v19;
	v19 =	vadd.f32 v22, v23;
	(erf) = vrcp.f32 v26  }
0x41c: {  	v61 =	vld [tilespmem:s26+$0xFFFFFFE0];
	v23 =	vmul.f32 v21, v16;
	v21 =	vadd.f32 v58, v25;
	v25 =	vmul.f32 v56, v11  }
0x41d: {  	v32 =	vadd.f32 v63, v57;
	v30 =	vmul.f32 v30, v9;
	v28 =	vmul.f32 v28, v6;
	v26 =	vld [tilespmem:s26+$0xFFFFFFF0]  }
0x41e: {  	v22 =	vmul.f32 v31, v15;
	v25 =	vadd.f32 v25, v54;
	v62 =	vmul.f32 v27, v7;
	v27 =	vld [tilespmem:s26+$0xC0]  }
0x41f: {  	s31 =	simm.s32 $0x143;
	v33 =	vmul.f32 v60, v9;
	v30 =	vadd.f32 v30, v55;
	v31 =	vadd.f32 v28, v29;
	v28 =	vld [tilespmem:s26+$0xD0]  }
0x420: {  	v22 =	vadd.f32 v22, v53;
	v29 =	vld [tilespmem:s26+$0xE0];
	v34 =	vadd.f32 v62, v24;
	v24 =	vmov s31  }
0x421: {  	s17 =	simm.s32 $0xFFFFFFFC;
	s24 =	simm.s32 $0x0;
	v23 =	vadd.f32 v23, v35;
	v35 =	vmul.f32 v61, v6;
	v25 =	vadd.f32 v30, v25;
	v30 =	vld [tilespmem:s26+$0xF0];
	s26 =	simm.s32 $0x4A00  }
.LBB2_12:
0x422: {  	v36 =	vld [tilespmem:s26+$0x1C0];
	v31 =	vadd.f32 v34, v31;
	v17 =	vadd.f32 v33, v17;
	v26 =	vmul.f32 v26, v7;
	s30 =	smov.u32 s24  }
0x423: {  	v33 =	vld [tilespmem:s26+$0x1D0];
	v18 =	vadd.f32 v35, v18;
	v27 =	vmul.f32 v27, v11  }
0x424: {  	v34 =	vld [tilespmem:s26+$0x180];
	v20 =	vadd.f32 v26, v20;
	v17 =	vadd.f32 v17, v32;
	v26 =	vmul.f32 v28, v9;
	v28 =	vpop (erf)  }
0x425: {  	v32 =	vld [tilespmem:s26+$0x190];
	v19 =	vadd.f32 v27, v19;
	v27 =	vmul.f32 v29, v6;
	[tilespmem:v24+s29+$0x0] =	vst.idx.msk $0x1, v28  }
0x426: {  	v24 =	vld [tilespmem:s26+$0x140];
	v18 =	vadd.f32 v20, v18;
	v20 =	vadd.f32 v26, v21;
	v21 =	vmul.f32 v30, v7  }
0x427: {  	v25 =	vadd.f32 v31, v25;
	v26 =	vld [tilespmem:s26+$0x150];
	v22 =	vadd.f32 v27, v22  }
0x428: {  	v27 =	vld [tilespmem:s26+$0x100];
	v21 =	vadd.f32 v21, v23;
	v19 =	vadd.f32 v20, v19  }
0x429: {  	v17 =	vadd.f32 v18, v17;
	v20 =	vld [tilespmem:s26+$0x110];
	(xrf2) =	vadd.scan.msk.f32 $0xffff, v25  }
0x42a: {  	v23 =	vld [tilespmem:s26+$0x120];
	v18 =	vadd.f32 v21, v22  }
0x42b: {  	s24 =	sadd.s32 $0x4, s24;
	v21 =	vld [tilespmem:s26+$0x130]  }
0x42c: {  	p0 =	slt.u32 s24, $0x3C;
	v28 =	vmul.f32 v33, v9;
	v25 =	vmul.f32 v36, v11;
	v22 =	vld [tilespmem:s26+$0x160];
	v19 =	vadd.f32 v18, v19;
	(xrf2) =	vadd.scan.msk.f32 $0xffff, v17  }
0x42d: {  	v30 =	vmul.f32 v34, v13;
	v31 =	vmul.f32 v32, v14;
	v29 =	vld [tilespmem:s26+$0x170]  }
0x42e: {  	s31 =	sadd.s32 $0x144, s17;
	v24 =	vmul.f32 v24, v5;
	v26 =	vmul.f32 v26, v8;
	v32 =	vld [tilespmem:s26+$0x1A0]  }
0x42f: {  	v18 =	vmov s31;
	s31 =	sadd.s32 $0x145, s17;
	v27 =	vmul.f32 v27, v1;
	v20 =	vmul.f32 v20, v2;
	v33 =	vld [tilespmem:s26+$0x1B0];
	(xrf2) =	vadd.scan.msk.f32 $0xffff, v19  }
0x430: {  	v17 =	vmov s31;
	v19 =	vmul.f32 v23, v3;
	v21 =	vmul.f32 v21, v4;
	v23 =	vld [tilespmem:s26+$0x1E0]  }
0x431: {  	v37 =	vadd.f32 v27, v0;
	v20 =	vadd.f32 $0.0e+00, v20;
	v22 =	vmul.f32 v22, v10;
	v34 =	vld [tilespmem:s26+$0x1F0]  }
0x432: {  	v19 =	vadd.f32 $0.0e+00, v19;
	v35 =	vld [tilespmem:s26+$0xFFFFFE10];
	v21 =	vadd.f32 $0.0e+00, v21;
	v29 =	vmul.f32 v29, v12  }
0x433: {  	v24 =	vadd.f32 v24, v37;
	v20 =	vadd.f32 v26, v20;
	v36 =	vld [tilespmem:s26+$0xFFFFFE20];
	v37 =	vmul.f32 v32, v15;
	v27, _, _ =	vpop (xrf2)  }
0x434: {  	v19 =	vadd.f32 v22, v19;
	v32 =	vld [tilespmem:s26+$0xFFFFFE30];
	v21 =	vadd.f32 v29, v21;
	v22 =	vmul.f32 v33, v16  }
0x435: {  	v24 =	vadd.f32 v30, v24;
	v20 =	vadd.f32 v31, v20;
	v29 =	vld [tilespmem:s26+$0xFFFFFF00];
	v23 =	vmul.f32 v23, v6  }
0x436: {  	v19 =	vadd.f32 v37, v19;
	v30 =	vld [tilespmem:s26+$0xFFFFFF10];
	v21 =	vadd.f32 v22, v21;
	v22 =	vmul.f32 v34, v7;
	v26, _, _ =	vpop (xrf2)  }
0x437: {  	v24 =	vadd.f32 v25, v24;
	v20 =	vadd.f32 v28, v20;
	v31 =	vmul.f32 v35, v2;
	v33 =	vld [tilespmem:s26+$0xFFFFFF20]  }
0x438: {  	v19 =	vadd.f32 v23, v19;
	v25 =	vmul.f32 v36, v3;
	v28 =	vld [tilespmem:s26+$0xFFFFFF30];
	v21 =	vadd.f32 v22, v21  }
0x439: {  	v27 =	vsub.f32 $0.0e+00, v27;
	v22 =	vadd.f32 $0.0e+00, v31;
	v23 =	vmul.f32 v32, v4;
	v31 =	vld [tilespmem:s26+$0x0];
	v32, _, _ =	vpop (xrf2)  }
0x43a: {  	v20 =	vadd.f32 v20, v24;
	v29 =	vmul.f32 v29, v1;
	v34 =	vld [tilespmem:s26+$0x10];
	v19 =	vadd.f32 v21, v19  }
0x43b: {  	v21 =	vadd.f32 $0.0e+00, v25;
	v23 =	vadd.f32 $0.0e+00, v23;
	v24 =	vmul.f32 v30, v2;
	v25 =	vld [tilespmem:s26+$0x20]  }
0x43c: {  	v29 =	vadd.f32 v29, v0;
	v30 =	vmul.f32 v33, v3;
	v33 =	vld [tilespmem:s26+$0x30];
	v19 =	vadd.f32 v19, v20  }
0x43d: {  	v26 =	vsub.f32 $0.0e+00, v26;
	v20 =	vld [tilespmem:s26+$0xFFFFFE00];
	v24 =	vadd.f32 $0.0e+00, v24;
	v28 =	vmul.f32 v28, v4  }
0x43e: {  	v35 =	vld [tilespmem:s26+$0xFFFFFE40];
	v30 =	vadd.f32 $0.0e+00, v30;
	v31 =	vmul.f32 v31, v1;
	(xrf2) =	vadd.scan.msk.f32 $0xffff, v19;
	v19 =	vsub.f32 $0.0e+00, v32  }
0x43f: {  	v27 =	vmul.f32 $1.442695020e+00, v27;
	v32 =	vld [tilespmem:s26+$0xFFFFFE50];
	v28 =	vadd.f32 $0.0e+00, v28;
	v34 =	vmul.f32 v34, v2  }
0x440: {  	v26 =	vmul.f32 $1.442695020e+00, v26;
	v36 =	vld [tilespmem:s26+$0xFFFFFE60];
	v31 =	vadd.f32 v31, v0;
	v25 =	vmul.f32 v25, v3  }
0x441: {  	v19 =	vmul.f32 $1.442695020e+00, v19;
	v37 =	vld [tilespmem:s26+$0xFFFFFE70];
	v34 =	vadd.f32 $0.0e+00, v34;
	v33 =	vmul.f32 v33, v4  }
0x442: {  	v27 =	vbroadcast v27, $0xF;
	v20 =	vmul.f32 v20, v1;
	v38 =	vld [tilespmem:s26+$0xFFFFFF40];
	v25 =	vadd.f32 $0.0e+00, v25  }
0x443: {  	v26 =	vbroadcast v26, $0xF;
	v35 =	vmul.f32 v35, v5;
	v39 =	vld [tilespmem:s26+$0xFFFFFF50];
	v33 =	vadd.f32 $0.0e+00, v33  }
0x444: {  	s31 =	sadd.s32 $0x146, s17;
	s17 =	smov.u32 s30;
	v19 =	vbroadcast v19, $0xF;
	v20 =	vadd.f32 v20, v0;
	v32 =	vmul.f32 v32, v8;
	v40 =	vld [tilespmem:s26+$0xFFFFFF60]  }
0x445: {  	v42 =	vmov s31;
	v36 =	vmul.f32 v36, v10;
	v41 =	vld [tilespmem:s26+$0xFFFFFF70];
	(erf) = vpow2.f32 v27  }
0x446: {  	v20 =	vadd.f32 v35, v20;
	v22 =	vadd.f32 v32, v22;
	v27 =	vmul.f32 v37, v12;
	v32 =	vld [tilespmem:s26+$0x40]  }
0x447: {  	v21 =	vadd.f32 v36, v21;
	v35 =	vmul.f32 v38, v5;
	v36 =	vld [tilespmem:s26+$0x50];
	(erf) = vpow2.f32 v26  }
0x448: {  	v23 =	vadd.f32 v27, v23;
	v26 =	vmul.f32 v39, v8;
	v27 =	vld [tilespmem:s26+$0x60];
	v37, _, _ =	vpop (xrf2);
	(erf) = vpow2.f32 v19  }
0x449: {  	v19 =	vadd.f32 v35, v29;
	v29 =	vmul.f32 v40, v10;
	v35 =	vld [tilespmem:s26+$0x70];
	v37 =	vsub.f32 $0.0e+00, v37  }
0x44a: {  	v18 =	vand.u32 $0xFFFFFFFC, v18;
	v38 =	vld [tilespmem:s26+$0xFFFFFE80];
	v24 =	vadd.f32 v26, v24;
	v26 =	vmul.f32 v41, v12  }
0x44b: {  	v39 =	vld [tilespmem:s26+$0xFFFFFE90];
	v29 =	vadd.f32 v29, v30;
	v30 =	vmul.f32 v32, v5;
	v32 =	vmul.f32 $1.442695020e+00, v37  }
0x44c: {  	v37 =	vld [tilespmem:s26+$0xFFFFFEA0];
	v26 =	vadd.f32 v26, v28;
	v28 =	vmul.f32 v36, v8;
	v36 =	vand.u32 $0xFFFFFFFD, v17  }
0x44d: {  	v17 =	vld [tilespmem:s26+$0xFFFFFEB0];
	v30 =	vadd.f32 v30, v31;
	v27 =	vmul.f32 v27, v10;
	v31 =	vbroadcast v32, $0xF  }
0x44e: {  	v32 =	vld [tilespmem:s26+$0xFFFFFF80];
	v28 =	vadd.f32 v28, v34;
	v34 =	vmul.f32 v35, v12;
	v35 =	vand.u32 $0xFFFFFFFE, v42;
	v40 =	vpop (erf)  }
0x44f: {  	v38 =	vmul.f32 v38, v13;
	v41 =	vld [tilespmem:s26+$0xFFFFFF90];
	v25 =	vadd.f32 v27, v25;
	(erf) = vpow2.f32 v31  }
0x450: {  	v27 =	vmul.f32 v39, v14;
	v31 =	vld [tilespmem:s26+$0xFFFFFFA0];
	v33 =	vadd.f32 v34, v33;
	v34 =	vadd.f32 $1.000000000e+00, v40;
	v39 =	vpop (erf)  }
0x451: {  	v38 =	vadd.f32 v38, v20;
	v20 =	vmul.f32 v37, v15;
	v37 =	vld [tilespmem:s26+$0xFFFFFFB0];
	v39 =	vadd.f32 $1.000000000e+00, v39;
	v40 =	vpop (erf)  }
0x452: {  	v27 =	vadd.f32 v27, v22;
	v17 =	vmul.f32 v17, v16;
	v22 =	vld [tilespmem:s26+$0x80];
	v40 =	vadd.f32 $1.000000000e+00, v40  }
0x453: {  	v42 =	vadd.f32 v20, v21;
	v20 =	vmul.f32 v32, v13;
	v21 =	vld [tilespmem:s26+$0x90];
	(erf) = vrcp.f32 v34  }
0x454: {  	v32 =	vadd.f32 v17, v23;
	v17 =	vmul.f32 v41, v14;
	v23 =	vld [tilespmem:s26+$0xA0];
	(erf) = vrcp.f32 v39  }
0x455: {  	v39 =	vadd.f32 v20, v19;
	v19 =	vmul.f32 v31, v15;
	v31 =	vld [tilespmem:s26+$0xB0];
	(erf) = vrcp.f32 v40  }
0x456: {  	v34 =	vld [tilespmem:s26+$0xFFFFFEC0];
	v17 =	vadd.f32 v17, v24;
	v20 =	vmul.f32 v37, v16;
	v24 =	vbroadcast v18, $0x0  }
0x457: {  	v37 =	vld [tilespmem:s26+$0xFFFFFED0];
	v18 =	vadd.f32 v19, v29;
	v19 =	vmul.f32 v22, v13;
	v29 =	vbroadcast v36, $0x0  }
0x458: {  	v35 =	vbroadcast v35, $0x0;
	v36 =	vld [tilespmem:s26+$0xFFFFFEE0];
	v20 =	vadd.f32 v20, v26;
	v21 =	vmul.f32 v21, v14;
	v22 =	vpop (erf)  }
0x459: {  	v40 =	vld [tilespmem:s26+$0xFFFFFEF0];
	v19 =	vadd.f32 v19, v30;
	v23 =	vmul.f32 v23, v15;
	v26 =	vadd.f32 $1.000000000e+00, v22  }
0x45a: {  	v30 =	vld [tilespmem:s26+$0xFFFFFFC0];
	v21 =	vadd.f32 v21, v28;
	v43 =	vmul.f32 v31, v16  }
0x45b: {  	v31 =	vmul.f32 v34, v11;
	v41 =	vld [tilespmem:s26+$0xFFFFFFD0];
	v22 =	vadd.f32 v23, v25;
	(erf) = vrcp.f32 v26  }
0x45c: {  	v25 =	vmul.f32 v37, v9;
	v37 =	vld [tilespmem:s26+$0xFFFFFFE0];
	v23 =	vadd.f32 v43, v33;
	v28 =	vpop (erf)  }
.Ltmp5:
0x45d: {  	v38 =	vadd.f32 v31, v38;
	v31 =	vmul.f32 v36, v6;
	v26 =	vld [tilespmem:s26+$0xFFFFFFF0];
	[tilespmem:v24+s29+$0x0] =	vst.idx.msk $0x1, v28;
	v24 =	vpop (erf);
	(pc) =	sbr.rel @p0 .LBB2_12-.Ltmp5, $4  }
0x45e: {  	v25 =	vadd.f32 v25, v27;
	v33 =	vmul.f32 v40, v7;
	v27 =	vld [tilespmem:s26+$0xC0];
	[tilespmem:v29+s29+$0x0] =	vst.idx.msk $0x1, v24;
	v24 =	vpop (erf)  }
0x45f: {  	s30 =	sadd.s32 $0x147, s17;
	v31 =	vadd.f32 v31, v42;
	v30 =	vmul.f32 v30, v11;
	v28 =	vld [tilespmem:s26+$0xD0];
	[tilespmem:v35+s29+$0x0] =	vst.idx.msk $0x1, v24  }
0x460: {  	v24 =	vmov s30;
	v34 =	vadd.f32 v33, v32;
	v33 =	vmul.f32 v41, v9;
	v29 =	vld [tilespmem:s26+$0xE0]  }
0x461: {  	v25 =	vadd.f32 v25, v38;
	v32 =	vadd.f32 v30, v39;
	v35 =	vmul.f32 v37, v6;
	v30 =	vld [tilespmem:s26+$0xF0];
	s26 =	sadd.s32 $0x400, s26  }
0x462: {  	_ = 	snop  }
0x463: {  	v31 =	vadd.f32 v34, v31;
	v26 =	vmul.f32 v26, v7  }
0x464: {  	v17 =	vadd.f32 v33, v17;
	v18 =	vadd.f32 v35, v18  }
0x465: {  	v27 =	vmul.f32 v27, v11;
	v20 =	vadd.f32 v26, v20;
	v26 =	vmul.f32 v28, v9  }
0x466: {  	v17 =	vadd.f32 v17, v32;
	v28 =	vmul.f32 v29, v6;
	v29 =	vmul.f32 v30, v7  }
0x467: {  	v19 =	vadd.f32 v27, v19;
	v21 =	vadd.f32 v26, v21  }
0x468: {  	v22 =	vadd.f32 v28, v22;
	v23 =	vadd.f32 v29, v23  }
0x469: {  	v18 =	vadd.f32 v20, v18;
	v20 =	vadd.f32 v31, v25  }
0x46a: {  	v19 =	vadd.f32 v21, v19;
	v21 =	vadd.f32 v23, v22  }
0x46b: {  	v17 =	vadd.f32 v18, v17  }
0x46c: {  	(xrf2) =	vadd.scan.msk.f32 $0xffff, v20;
	v18 =	vadd.f32 v21, v19  }
0x46d: {  	(xrf2) =	vadd.scan.msk.f32 $0xffff, v17  }
0x46e: {  	(xrf2) =	vadd.scan.msk.f32 $0xffff, v18;
	_ =	sdelay $0x7  }
0x46f: {  	v17, _, _ =	vpop (xrf2)  }
0x470: {  	v17 =	vsub.f32 $0.0e+00, v17;
	v18, _, _ =	vpop (xrf2)  }
0x471: {  	v18 =	vsub.f32 $0.0e+00, v18;
	v19, _, _ =	vpop (xrf2)  }
0x472: {  	v17 =	vmul.f32 $1.442695020e+00, v17;
	v19 =	vsub.f32 $0.0e+00, v19  }
0x473: {  	v18 =	vmul.f32 $1.442695020e+00, v18  }
0x474: {  	v17 =	vbroadcast v17, $0xF;
	v19 =	vmul.f32 $1.442695020e+00, v19  }
0x475: {  	v18 =	vbroadcast v18, $0xF  }
0x476: {  	(erf) = vpow2.f32 v17;
	v19 =	vbroadcast v19, $0xF  }
0x477: {  	(erf) = vpow2.f32 v18  }
0x478: {  	(erf) = vpow2.f32 v19;
	_ =	sdelay $0x5  }
0x479: {  	v17 =	vpop (erf)  }
0x47a: {  	v18 =	vpop (erf)  }
0x47b: {  	v18 =	vadd.f32 $1.000000000e+00, v18;
	v19 =	vpop (erf)  }
0x47c: {  	v19 =	vadd.f32 $1.000000000e+00, v19;
	v20 =	vpop (erf)  }
0x47d: {  	(erf) = vrcp.f32 v18;
	v20 =	vadd.f32 $1.000000000e+00, v20  }
0x47e: {  	s24 =	sadd.s32 $0x144, s17;
	(erf) = vrcp.f32 v19  }
0x47f: {  	s31 =	sadd.s32 $0x145, s17;
	v18 =	vmov s24;
	(erf) = vrcp.f32 v20  }
0x480: {  	s26 =	sadd.s32 $0x146, s17;
	v18 =	vand.u32 $0xFFFFFFFC, v18;
	v19 =	vmov s31  }
0x481: {  	v18 =	vbroadcast v18, $0x0;
	v19 =	vand.u32 $0xFFFFFFFD, v19;
	v20 =	vmov s26  }
0x482: {  	v19 =	vbroadcast v19, $0x0;
	v20 =	vand.u32 $0xFFFFFFFE, v20  }
0x483: {  	v20 =	vbroadcast v20, $0x0;
	_ =	sdelay $0x2  }
0x484: {  	[tilespmem:v24+s29+$0x0] =	vst.idx.msk $0x1, v17;
	v17 =	vpop (erf)  }
0x485: {  	[tilespmem:v18+s29+$0x0] =	vst.idx.msk $0x1, v17;
	v17 =	vpop (erf)  }
0x486: {  	[tilespmem:v19+s29+$0x0] =	vst.idx.msk $0x1, v17;
	v17 =	vpop (erf)  }
0x487: {  	s30 =	simm.s32 $0x106C0;
	[tilespmem:v20+s29+$0x0] =	vst.idx.msk $0x1, v17  }
0x488: {  	[hbm4b:s12+s4] =	stream.linear.scatter [tilespmem:s30], [sflag:$0x5], $0x40, $0x38;
	[tilespmem:$0x10780] =	vst v63  }
0x489: {  	_ =	swait.ge [sflag:s20], $0x4000  }
0x48a: {  	[sflag:s20] =	ssyncset.done $0x0  }
0x48b: {  	s26 =	simm.s32 $0x8600;
	[sflag:s20] =	ssyncadd.s32 $0xFFFFC000  }
0x48c: {  	v17 =	vld [tilespmem:s26+$0x1C0]  }
0x48d: {  	v18 =	vld [tilespmem:s26+$0x1D0]  }
0x48e: {  	v19 =	vld [tilespmem:s26+$0x180]  }
0x48f: {  	v20 =	vld [tilespmem:s26+$0x190]  }
0x490: {  	v21 =	vld [tilespmem:s26+$0x140]  }
0x491: {  	v22 =	vld [tilespmem:s26+$0x150]  }
0x492: {  	v23 =	vld [tilespmem:s26+$0x100]  }
0x493: {  	v24 =	vld [tilespmem:s26+$0x110]  }
0x494: {  	v25 =	vld [tilespmem:s26+$0x120]  }
0x495: {  	v26 =	vld [tilespmem:s26+$0x130]  }
0x496: {  	v27 =	vld [tilespmem:s26+$0x160]  }
0x497: {  	v28 =	vld [tilespmem:s26+$0x170];
	v17 =	vmul.f32 v17, v11;
	v18 =	vmul.f32 v18, v9  }
0x498: {  	v29 =	vld [tilespmem:s26+$0x1A0];
	v19 =	vmul.f32 v19, v13;
	v20 =	vmul.f32 v20, v14  }
0x499: {  	v30 =	vld [tilespmem:s26+$0x1B0];
	v21 =	vmul.f32 v21, v5;
	v22 =	vmul.f32 v22, v8  }
0x49a: {  	v31 =	vld [tilespmem:s26+$0x1E0];
	v23 =	vmul.f32 v23, v1;
	v24 =	vmul.f32 v24, v2  }
0x49b: {  	v55 =	vld [tilespmem:s26+$0x1F0];
	v25 =	vmul.f32 v25, v3;
	v26 =	vmul.f32 v26, v4  }
0x49c: {  	v56 =	vld [tilespmem:s26+$0xFFFFFE10];
	v27 =	vmul.f32 v27, v10;
	v23 =	vadd.f32 v23, v0;
	v24 =	vadd.f32 $0.0e+00, v24  }
0x49d: {  	v57 =	vld [tilespmem:s26+$0xFFFFFE20];
	v28 =	vmul.f32 v28, v12;
	v25 =	vadd.f32 $0.0e+00, v25;
	v26 =	vadd.f32 $0.0e+00, v26  }
0x49e: {  	v58 =	vld [tilespmem:s26+$0xFFFFFF40];
	v21 =	vadd.f32 v21, v23;
	v22 =	vadd.f32 v22, v24;
	v23 =	vmul.f32 v29, v15  }
0x49f: {  	v60 =	vld [tilespmem:s26+$0xFFFFFF50];
	v25 =	vadd.f32 v27, v25;
	v26 =	vadd.f32 v28, v26;
	v27 =	vmul.f32 v30, v16  }
0x4a0: {  	v61 =	vld [tilespmem:s26+$0xFFFFFF60];
	v19 =	vadd.f32 v19, v21;
	v20 =	vadd.f32 v20, v22;
	v21 =	vmul.f32 v31, v6  }
0x4a1: {  	v36 =	vld [tilespmem:s26+$0xFFFFFF70];
	v23 =	vadd.f32 v23, v25;
	v25 =	vadd.f32 v27, v26;
	v26 =	vmul.f32 v55, v7  }
0x4a2: {  	v37 =	vld [tilespmem:s26+$0x40];
	v17 =	vadd.f32 v17, v19;
	v18 =	vadd.f32 v18, v20  }
0x4a3: {  	v38 =	vld [tilespmem:s26+$0x50];
	v20 =	vadd.f32 v21, v23;
	v21 =	vadd.f32 v26, v25  }
0x4a4: {  	v39 =	vld [tilespmem:s26+$0x60]  }
0x4a5: {  	v41 =	vld [tilespmem:s26+$0x70];
	v17 =	vadd.f32 v18, v17;
	v18 =	vadd.f32 v21, v20  }
0x4a6: {  	v62 =	vld [tilespmem:s26+$0xFFFFFE80]  }
0x4a7: {  	v24 =	vld [tilespmem:s26+$0xFFFFFE30];
	v17 =	vadd.f32 v18, v17  }
0x4a8: {  	v28 =	vld [tilespmem:s26+$0xFFFFFF00]  }
0x4a9: {  	v29 =	vld [tilespmem:s26+$0xFFFFFE60];
	(xrf2) =	vadd.scan.msk.f32 $0xffff, v17  }
0x4aa: {  	v30 =	vld [tilespmem:s26+$0xFFFFFE70]  }
0x4ab: {  	v18 =	vld [tilespmem:s26+$0xFFFFFE00]  }
0x4ac: {  	v22 =	vld [tilespmem:s26+$0xFFFFFF10]  }
0x4ad: {  	v59 =	vmul.f32 v57, v3;
	v32 =	vmul.f32 v58, v5;
	v26 =	vld [tilespmem:s26+$0xFFFFFE40]  }
0x4ae: {  	v35 =	vmul.f32 v61, v10;
	v36 =	vmul.f32 v36, v12;
	v27 =	vld [tilespmem:s26+$0xFFFFFF20]  }
0x4af: {  	v46 =	vmul.f32 v37, v5;
	v31 =	vmul.f32 v56, v2;
	v19 =	vld [tilespmem:s26+$0xFFFFFF30]  }
0x4b0: {  	v33 =	vadd.f32 $0.0e+00, v59;
	v23 =	vld [tilespmem:s26+$0x0];
	v24 =	vmul.f32 v24, v4;
	v18 =	vmul.f32 v18, v1  }
0x4b1: {  	v25 =	vld [tilespmem:s26+$0x10];
	v31 =	vadd.f32 $0.0e+00, v31;
	v28 =	vmul.f32 v28, v1;
	v29 =	vmul.f32 v29, v10  }
0x4b2: {  	v30 =	vmul.f32 v30, v12;
	v26 =	vmul.f32 v26, v5;
	v17 =	vld [tilespmem:s26+$0xFFFFFE50];
	v18 =	vadd.f32 v18, v0  }
0x4b3: {  	v63 =	vld [tilespmem:s26+$0xFFFFFEA0];
	v22 =	vmul.f32 v22, v2;
	v24 =	vadd.f32 $0.0e+00, v24;
	v28 =	vadd.f32 v28, v0;
	v40, _, _ =	vpop (xrf2)  }
0x4b4: {  	v20 =	vld [tilespmem:s26+$0x20];
	v27 =	vmul.f32 v27, v3;
	v18 =	vadd.f32 v26, v18;
	v26 =	vsub.f32 $0.0e+00, v40  }
0x4b5: {  	v21 =	vld [tilespmem:s26+$0x30];
	v29 =	vadd.f32 v29, v33;
	v22 =	vadd.f32 $0.0e+00, v22;
	v19 =	vmul.f32 v19, v4  }
0x4b6: {  	v44 =	vld [tilespmem:s26+$0xFFFFFEB0];
	v27 =	vadd.f32 $0.0e+00, v27;
	v23 =	vmul.f32 v23, v1;
	v26 =	vmul.f32 $1.442695020e+00, v26  }
0x4b7: {  	v45 =	vld [tilespmem:s26+$0xFFFFFF80];
	v25 =	vmul.f32 v25, v2;
	v24 =	vadd.f32 v30, v24;
	v17 =	vmul.f32 v17, v8  }
0x4b8: {  	v47 =	vld [tilespmem:s26+$0xFFFFFFB0];
	v30 =	vmul.f32 v60, v8;
	v28 =	vadd.f32 v32, v28;
	v26 =	vbroadcast v26, $0xF  }
0x4b9: {  	v19 =	vadd.f32 $0.0e+00, v19;
	v20 =	vmul.f32 v20, v3;
	v17 =	vadd.f32 v17, v31;
	v31 =	vld [tilespmem:s26+$0xFFFFFE90]  }
0x4ba: {  	v23 =	vadd.f32 v23, v0;
	v21 =	vmul.f32 v21, v4;
	(erf) = vpow2.f32 v26;
	v26 =	vld [tilespmem:s26+$0xFFFFFFA0]  }
0x4bb: {  	v50 =	vld [tilespmem:s26+$0x80];
	v49 =	vmul.f32 v39, v10;
	v25 =	vadd.f32 $0.0e+00, v25;
	v22 =	vadd.f32 v30, v22  }
0x4bc: {  	v51 =	vmul.f32 v41, v12;
	v30 =	vld [tilespmem:s26+$0xFFFFFF90];
	v20 =	vadd.f32 $0.0e+00, v20;
	v21 =	vadd.f32 $0.0e+00, v21  }
0x4bd: {  	v52 =	vld [tilespmem:s26+$0x90];
	v27 =	vadd.f32 v35, v27;
	v19 =	vadd.f32 v36, v19;
	v40 =	vmul.f32 v62, v13  }
0x4be: {  	v59 =	vld [tilespmem:s26+$0xFFFFFFC0];
	v53 =	vadd.f32 v49, v20;
	v35 =	vadd.f32 v51, v21;
	v20 =	vmul.f32 v31, v14  }
0x4bf: {  	v56 =	vld [tilespmem:s26+$0xFFFFFEC0];
	v54 =	vadd.f32 v40, v18;
	v18 =	vmul.f32 v63, v15;
	v26 =	vmul.f32 v26, v15  }
0x4c0: {  	v21 =	vld [tilespmem:s26+$0xB0];
	v55 =	vadd.f32 v20, v17;
	v17 =	vmul.f32 v44, v16;
	v20 =	vmul.f32 v45, v13  }
0x4c1: {  	v23 =	vadd.f32 v46, v23;
	v31 =	vld [tilespmem:s26+$0xA0];
	v29 =	vadd.f32 v18, v29;
	v18 =	vmul.f32 v30, v14  }
0x4c2: {  	v30 =	vld [tilespmem:s26+$0xFFFFFED0];
	v24 =	vadd.f32 v17, v24;
	v57 =	vadd.f32 v20, v28  }
0x4c3: {  	v48 =	vmul.f32 v38, v8;
	v28 =	vld [tilespmem:s26+$0xFFFFFEE0];
	v17 =	vadd.f32 v18, v22;
	v18 =	vadd.f32 v26, v27;
	v26 =	vpop (erf)  }
0x4c4: {  	v20 =	vmul.f32 v47, v16;
	v22 =	vmul.f32 v50, v13;
	v27 =	vld [tilespmem:s26+$0xFFFFFEF0];
	v26 =	vadd.f32 $1.000000000e+00, v26  }
0x4c5: {  	v58 =	vmul.f32 v52, v14;
	v60 =	vld [tilespmem:s26+$0xFFFFFFD0];
	v25 =	vadd.f32 v48, v25;
	v63 =	vmul.f32 v59, v11  }
0x4c6: {  	v20 =	vadd.f32 v20, v19;
	v19 =	vadd.f32 v22, v23;
	(erf) = vrcp.f32 v26  }
0x4c7: {  	v61 =	vld [tilespmem:s26+$0xFFFFFFE0];
	v23 =	vmul.f32 v21, v16;
	v21 =	vadd.f32 v58, v25;
	v25 =	vmul.f32 v56, v11  }
0x4c8: {  	v32 =	vadd.f32 v63, v57;
	v30 =	vmul.f32 v30, v9;
	v28 =	vmul.f32 v28, v6;
	v26 =	vld [tilespmem:s26+$0xFFFFFFF0]  }
0x4c9: {  	v22 =	vmul.f32 v31, v15;
	v25 =	vadd.f32 v25, v54;
	v62 =	vmul.f32 v27, v7;
	v27 =	vld [tilespmem:s26+$0xC0]  }
0x4ca: {  	s31 =	simm.s32 $0x183;
	v33 =	vmul.f32 v60, v9;
	v30 =	vadd.f32 v30, v55;
	v31 =	vadd.f32 v28, v29;
	v28 =	vld [tilespmem:s26+$0xD0]  }
0x4cb: {  	v22 =	vadd.f32 v22, v53;
	v29 =	vld [tilespmem:s26+$0xE0];
	v34 =	vadd.f32 v62, v24;
	v24 =	vmov s31  }
0x4cc: {  	s17 =	simm.s32 $0xFFFFFFFC;
	s24 =	simm.s32 $0x0;
	v23 =	vadd.f32 v23, v35;
	v35 =	vmul.f32 v61, v6;
	v25 =	vadd.f32 v30, v25;
	v30 =	vld [tilespmem:s26+$0xF0];
	s26 =	simm.s32 $0x8A00  }
.LBB2_14:
0x4cd: {  	v36 =	vld [tilespmem:s26+$0x1C0];
	v31 =	vadd.f32 v34, v31;
	v17 =	vadd.f32 v33, v17;
	v26 =	vmul.f32 v26, v7;
	s30 =	smov.u32 s24  }
0x4ce: {  	v33 =	vld [tilespmem:s26+$0x1D0];
	v18 =	vadd.f32 v35, v18;
	v27 =	vmul.f32 v27, v11  }
0x4cf: {  	v34 =	vld [tilespmem:s26+$0x180];
	v20 =	vadd.f32 v26, v20;
	v17 =	vadd.f32 v17, v32;
	v26 =	vmul.f32 v28, v9;
	v28 =	vpop (erf)  }
0x4d0: {  	v32 =	vld [tilespmem:s26+$0x190];
	v19 =	vadd.f32 v27, v19;
	v27 =	vmul.f32 v29, v6;
	[tilespmem:v24+s29+$0x0] =	vst.idx.msk $0x1, v28  }
0x4d1: {  	v24 =	vld [tilespmem:s26+$0x140];
	v18 =	vadd.f32 v20, v18;
	v20 =	vadd.f32 v26, v21;
	v21 =	vmul.f32 v30, v7  }
0x4d2: {  	v25 =	vadd.f32 v31, v25;
	v26 =	vld [tilespmem:s26+$0x150];
	v22 =	vadd.f32 v27, v22  }
0x4d3: {  	v27 =	vld [tilespmem:s26+$0x100];
	v21 =	vadd.f32 v21, v23;
	v19 =	vadd.f32 v20, v19  }
0x4d4: {  	v17 =	vadd.f32 v18, v17;
	v20 =	vld [tilespmem:s26+$0x110];
	(xrf2) =	vadd.scan.msk.f32 $0xffff, v25  }
0x4d5: {  	v23 =	vld [tilespmem:s26+$0x120];
	v18 =	vadd.f32 v21, v22  }
0x4d6: {  	s24 =	sadd.s32 $0x4, s24;
	v21 =	vld [tilespmem:s26+$0x130]  }
0x4d7: {  	p0 =	slt.u32 s24, $0x3C;
	v28 =	vmul.f32 v33, v9;
	v25 =	vmul.f32 v36, v11;
	v22 =	vld [tilespmem:s26+$0x160];
	v19 =	vadd.f32 v18, v19;
	(xrf2) =	vadd.scan.msk.f32 $0xffff, v17  }
0x4d8: {  	v30 =	vmul.f32 v34, v13;
	v31 =	vmul.f32 v32, v14;
	v29 =	vld [tilespmem:s26+$0x170]  }
0x4d9: {  	s31 =	sadd.s32 $0x184, s17;
	v24 =	vmul.f32 v24, v5;
	v26 =	vmul.f32 v26, v8;
	v32 =	vld [tilespmem:s26+$0x1A0]  }
0x4da: {  	v18 =	vmov s31;
	s31 =	sadd.s32 $0x185, s17;
	v27 =	vmul.f32 v27, v1;
	v20 =	vmul.f32 v20, v2;
	v33 =	vld [tilespmem:s26+$0x1B0];
	(xrf2) =	vadd.scan.msk.f32 $0xffff, v19  }
0x4db: {  	v17 =	vmov s31;
	v19 =	vmul.f32 v23, v3;
	v21 =	vmul.f32 v21, v4;
	v23 =	vld [tilespmem:s26+$0x1E0]  }
0x4dc: {  	v37 =	vadd.f32 v27, v0;
	v20 =	vadd.f32 $0.0e+00, v20;
	v22 =	vmul.f32 v22, v10;
	v34 =	vld [tilespmem:s26+$0x1F0]  }
0x4dd: {  	v19 =	vadd.f32 $0.0e+00, v19;
	v35 =	vld [tilespmem:s26+$0xFFFFFE10];
	v21 =	vadd.f32 $0.0e+00, v21;
	v29 =	vmul.f32 v29, v12  }
0x4de: {  	v24 =	vadd.f32 v24, v37;
	v20 =	vadd.f32 v26, v20;
	v36 =	vld [tilespmem:s26+$0xFFFFFE20];
	v37 =	vmul.f32 v32, v15;
	v27, _, _ =	vpop (xrf2)  }
0x4df: {  	v19 =	vadd.f32 v22, v19;
	v32 =	vld [tilespmem:s26+$0xFFFFFE30];
	v21 =	vadd.f32 v29, v21;
	v22 =	vmul.f32 v33, v16  }
0x4e0: {  	v24 =	vadd.f32 v30, v24;
	v20 =	vadd.f32 v31, v20;
	v29 =	vld [tilespmem:s26+$0xFFFFFF00];
	v23 =	vmul.f32 v23, v6  }
0x4e1: {  	v19 =	vadd.f32 v37, v19;
	v30 =	vld [tilespmem:s26+$0xFFFFFF10];
	v21 =	vadd.f32 v22, v21;
	v22 =	vmul.f32 v34, v7;
	v26, _, _ =	vpop (xrf2)  }
0x4e2: {  	v24 =	vadd.f32 v25, v24;
	v20 =	vadd.f32 v28, v20;
	v31 =	vmul.f32 v35, v2;
	v33 =	vld [tilespmem:s26+$0xFFFFFF20]  }
0x4e3: {  	v19 =	vadd.f32 v23, v19;
	v25 =	vmul.f32 v36, v3;
	v28 =	vld [tilespmem:s26+$0xFFFFFF30];
	v21 =	vadd.f32 v22, v21  }
0x4e4: {  	v27 =	vsub.f32 $0.0e+00, v27;
	v22 =	vadd.f32 $0.0e+00, v31;
	v23 =	vmul.f32 v32, v4;
	v31 =	vld [tilespmem:s26+$0x0];
	v32, _, _ =	vpop (xrf2)  }
0x4e5: {  	v20 =	vadd.f32 v20, v24;
	v29 =	vmul.f32 v29, v1;
	v34 =	vld [tilespmem:s26+$0x10];
	v19 =	vadd.f32 v21, v19  }
0x4e6: {  	v21 =	vadd.f32 $0.0e+00, v25;
	v23 =	vadd.f32 $0.0e+00, v23;
	v24 =	vmul.f32 v30, v2;
	v25 =	vld [tilespmem:s26+$0x20]  }
0x4e7: {  	v29 =	vadd.f32 v29, v0;
	v30 =	vmul.f32 v33, v3;
	v33 =	vld [tilespmem:s26+$0x30];
	v19 =	vadd.f32 v19, v20  }
0x4e8: {  	v26 =	vsub.f32 $0.0e+00, v26;
	v20 =	vld [tilespmem:s26+$0xFFFFFE00];
	v24 =	vadd.f32 $0.0e+00, v24;
	v28 =	vmul.f32 v28, v4  }
0x4e9: {  	v35 =	vld [tilespmem:s26+$0xFFFFFE40];
	v30 =	vadd.f32 $0.0e+00, v30;
	v31 =	vmul.f32 v31, v1;
	(xrf2) =	vadd.scan.msk.f32 $0xffff, v19;
	v19 =	vsub.f32 $0.0e+00, v32  }
0x4ea: {  	v27 =	vmul.f32 $1.442695020e+00, v27;
	v32 =	vld [tilespmem:s26+$0xFFFFFE50];
	v28 =	vadd.f32 $0.0e+00, v28;
	v34 =	vmul.f32 v34, v2  }
0x4eb: {  	v26 =	vmul.f32 $1.442695020e+00, v26;
	v36 =	vld [tilespmem:s26+$0xFFFFFE60];
	v31 =	vadd.f32 v31, v0;
	v25 =	vmul.f32 v25, v3  }
0x4ec: {  	v19 =	vmul.f32 $1.442695020e+00, v19;
	v37 =	vld [tilespmem:s26+$0xFFFFFE70];
	v34 =	vadd.f32 $0.0e+00, v34;
	v33 =	vmul.f32 v33, v4  }
0x4ed: {  	v27 =	vbroadcast v27, $0xF;
	v20 =	vmul.f32 v20, v1;
	v38 =	vld [tilespmem:s26+$0xFFFFFF40];
	v25 =	vadd.f32 $0.0e+00, v25  }
0x4ee: {  	v26 =	vbroadcast v26, $0xF;
	v35 =	vmul.f32 v35, v5;
	v39 =	vld [tilespmem:s26+$0xFFFFFF50];
	v33 =	vadd.f32 $0.0e+00, v33  }
0x4ef: {  	s31 =	sadd.s32 $0x186, s17;
	s17 =	smov.u32 s30;
	v19 =	vbroadcast v19, $0xF;
	v20 =	vadd.f32 v20, v0;
	v32 =	vmul.f32 v32, v8;
	v40 =	vld [tilespmem:s26+$0xFFFFFF60]  }
0x4f0: {  	v42 =	vmov s31;
	v36 =	vmul.f32 v36, v10;
	v41 =	vld [tilespmem:s26+$0xFFFFFF70];
	(erf) = vpow2.f32 v27  }
0x4f1: {  	v20 =	vadd.f32 v35, v20;
	v22 =	vadd.f32 v32, v22;
	v27 =	vmul.f32 v37, v12;
	v32 =	vld [tilespmem:s26+$0x40]  }
0x4f2: {  	v21 =	vadd.f32 v36, v21;
	v35 =	vmul.f32 v38, v5;
	v36 =	vld [tilespmem:s26+$0x50];
	(erf) = vpow2.f32 v26  }
0x4f3: {  	v23 =	vadd.f32 v27, v23;
	v26 =	vmul.f32 v39, v8;
	v27 =	vld [tilespmem:s26+$0x60];
	v37, _, _ =	vpop (xrf2);
	(erf) = vpow2.f32 v19  }
0x4f4: {  	v19 =	vadd.f32 v35, v29;
	v29 =	vmul.f32 v40, v10;
	v35 =	vld [tilespmem:s26+$0x70];
	v37 =	vsub.f32 $0.0e+00, v37  }
0x4f5: {  	v18 =	vand.u32 $0xFFFFFFFC, v18;
	v38 =	vld [tilespmem:s26+$0xFFFFFE80];
	v24 =	vadd.f32 v26, v24;
	v26 =	vmul.f32 v41, v12  }
0x4f6: {  	v39 =	vld [tilespmem:s26+$0xFFFFFE90];
	v29 =	vadd.f32 v29, v30;
	v30 =	vmul.f32 v32, v5;
	v32 =	vmul.f32 $1.442695020e+00, v37  }
0x4f7: {  	v37 =	vld [tilespmem:s26+$0xFFFFFEA0];
	v26 =	vadd.f32 v26, v28;
	v28 =	vmul.f32 v36, v8;
	v36 =	vand.u32 $0xFFFFFFFD, v17  }
0x4f8: {  	v17 =	vld [tilespmem:s26+$0xFFFFFEB0];
	v30 =	vadd.f32 v30, v31;
	v27 =	vmul.f32 v27, v10;
	v31 =	vbroadcast v32, $0xF  }
0x4f9: {  	v32 =	vld [tilespmem:s26+$0xFFFFFF80];
	v28 =	vadd.f32 v28, v34;
	v34 =	vmul.f32 v35, v12;
	v35 =	vand.u32 $0xFFFFFFFE, v42;
	v40 =	vpop (erf)  }
0x4fa: {  	v38 =	vmul.f32 v38, v13;
	v41 =	vld [tilespmem:s26+$0xFFFFFF90];
	v25 =	vadd.f32 v27, v25;
	(erf) = vpow2.f32 v31  }
0x4fb: {  	v27 =	vmul.f32 v39, v14;
	v31 =	vld [tilespmem:s26+$0xFFFFFFA0];
	v33 =	vadd.f32 v34, v33;
	v34 =	vadd.f32 $1.000000000e+00, v40;
	v39 =	vpop (erf)  }
0x4fc: {  	v38 =	vadd.f32 v38, v20;
	v20 =	vmul.f32 v37, v15;
	v37 =	vld [tilespmem:s26+$0xFFFFFFB0];
	v39 =	vadd.f32 $1.000000000e+00, v39;
	v40 =	vpop (erf)  }
0x4fd: {  	v27 =	vadd.f32 v27, v22;
	v17 =	vmul.f32 v17, v16;
	v22 =	vld [tilespmem:s26+$0x80];
	v40 =	vadd.f32 $1.000000000e+00, v40  }
0x4fe: {  	v42 =	vadd.f32 v20, v21;
	v20 =	vmul.f32 v32, v13;
	v21 =	vld [tilespmem:s26+$0x90];
	(erf) = vrcp.f32 v34  }
0x4ff: {  	v32 =	vadd.f32 v17, v23;
	v17 =	vmul.f32 v41, v14;
	v23 =	vld [tilespmem:s26+$0xA0];
	(erf) = vrcp.f32 v39  }
0x500: {  	v39 =	vadd.f32 v20, v19;
	v19 =	vmul.f32 v31, v15;
	v31 =	vld [tilespmem:s26+$0xB0];
	(erf) = vrcp.f32 v40  }
0x501: {  	v34 =	vld [tilespmem:s26+$0xFFFFFEC0];
	v17 =	vadd.f32 v17, v24;
	v20 =	vmul.f32 v37, v16;
	v24 =	vbroadcast v18, $0x0  }
0x502: {  	v37 =	vld [tilespmem:s26+$0xFFFFFED0];
	v18 =	vadd.f32 v19, v29;
	v19 =	vmul.f32 v22, v13;
	v29 =	vbroadcast v36, $0x0  }
0x503: {  	v35 =	vbroadcast v35, $0x0;
	v36 =	vld [tilespmem:s26+$0xFFFFFEE0];
	v20 =	vadd.f32 v20, v26;
	v21 =	vmul.f32 v21, v14;
	v22 =	vpop (erf)  }
0x504: {  	v40 =	vld [tilespmem:s26+$0xFFFFFEF0];
	v19 =	vadd.f32 v19, v30;
	v23 =	vmul.f32 v23, v15;
	v26 =	vadd.f32 $1.000000000e+00, v22  }
0x505: {  	v30 =	vld [tilespmem:s26+$0xFFFFFFC0];
	v21 =	vadd.f32 v21, v28;
	v43 =	vmul.f32 v31, v16  }
0x506: {  	v31 =	vmul.f32 v34, v11;
	v41 =	vld [tilespmem:s26+$0xFFFFFFD0];
	v22 =	vadd.f32 v23, v25;
	(erf) = vrcp.f32 v26  }
0x507: {  	v25 =	vmul.f32 v37, v9;
	v37 =	vld [tilespmem:s26+$0xFFFFFFE0];
	v23 =	vadd.f32 v43, v33;
	v28 =	vpop (erf)  }
.Ltmp6:
0x508: {  	v38 =	vadd.f32 v31, v38;
	v31 =	vmul.f32 v36, v6;
	v26 =	vld [tilespmem:s26+$0xFFFFFFF0];
	[tilespmem:v24+s29+$0x0] =	vst.idx.msk $0x1, v28;
	v24 =	vpop (erf);
	(pc) =	sbr.rel @p0 .LBB2_14-.Ltmp6, $4  }
0x509: {  	v25 =	vadd.f32 v25, v27;
	v33 =	vmul.f32 v40, v7;
	v27 =	vld [tilespmem:s26+$0xC0];
	[tilespmem:v29+s29+$0x0] =	vst.idx.msk $0x1, v24;
	v24 =	vpop (erf)  }
0x50a: {  	s30 =	sadd.s32 $0x187, s17;
	v31 =	vadd.f32 v31, v42;
	v30 =	vmul.f32 v30, v11;
	v28 =	vld [tilespmem:s26+$0xD0];
	[tilespmem:v35+s29+$0x0] =	vst.idx.msk $0x1, v24  }
0x50b: {  	v24 =	vmov s30;
	v34 =	vadd.f32 v33, v32;
	v33 =	vmul.f32 v41, v9;
	v29 =	vld [tilespmem:s26+$0xE0]  }
0x50c: {  	v25 =	vadd.f32 v25, v38;
	v32 =	vadd.f32 v30, v39;
	v35 =	vmul.f32 v37, v6;
	v30 =	vld [tilespmem:s26+$0xF0];
	s26 =	sadd.s32 $0x400, s26  }
0x50d: {  	_ = 	snop  }
0x50e: {  	v31 =	vadd.f32 v34, v31;
	v26 =	vmul.f32 v26, v7  }
0x50f: {  	v17 =	vadd.f32 v33, v17;
	v18 =	vadd.f32 v35, v18  }
0x510: {  	v27 =	vmul.f32 v27, v11;
	v20 =	vadd.f32 v26, v20;
	v26 =	vmul.f32 v28, v9  }
0x511: {  	v17 =	vadd.f32 v17, v32;
	v28 =	vmul.f32 v29, v6;
	v29 =	vmul.f32 v30, v7  }
0x512: {  	v19 =	vadd.f32 v27, v19;
	v21 =	vadd.f32 v26, v21  }
0x513: {  	v22 =	vadd.f32 v28, v22;
	v23 =	vadd.f32 v29, v23  }
0x514: {  	v18 =	vadd.f32 v20, v18;
	v20 =	vadd.f32 v31, v25  }
0x515: {  	v19 =	vadd.f32 v21, v19;
	v21 =	vadd.f32 v23, v22  }
0x516: {  	v17 =	vadd.f32 v18, v17  }
0x517: {  	(xrf2) =	vadd.scan.msk.f32 $0xffff, v20;
	v18 =	vadd.f32 v21, v19  }
0x518: {  	(xrf2) =	vadd.scan.msk.f32 $0xffff, v17  }
0x519: {  	(xrf2) =	vadd.scan.msk.f32 $0xffff, v18;
	_ =	sdelay $0x7  }
0x51a: {  	v17, _, _ =	vpop (xrf2)  }
0x51b: {  	v17 =	vsub.f32 $0.0e+00, v17;
	v18, _, _ =	vpop (xrf2)  }
0x51c: {  	v18 =	vsub.f32 $0.0e+00, v18;
	v19, _, _ =	vpop (xrf2)  }
0x51d: {  	v17 =	vmul.f32 $1.442695020e+00, v17;
	v19 =	vsub.f32 $0.0e+00, v19  }
0x51e: {  	v18 =	vmul.f32 $1.442695020e+00, v18  }
0x51f: {  	v17 =	vbroadcast v17, $0xF;
	v19 =	vmul.f32 $1.442695020e+00, v19  }
0x520: {  	v18 =	vbroadcast v18, $0xF  }
0x521: {  	(erf) = vpow2.f32 v17;
	v19 =	vbroadcast v19, $0xF  }
0x522: {  	(erf) = vpow2.f32 v18  }
0x523: {  	(erf) = vpow2.f32 v19;
	_ =	sdelay $0x5  }
0x524: {  	v17 =	vpop (erf)  }
0x525: {  	v18 =	vpop (erf)  }
0x526: {  	v18 =	vadd.f32 $1.000000000e+00, v18;
	v19 =	vpop (erf)  }
0x527: {  	v19 =	vadd.f32 $1.000000000e+00, v19;
	v20 =	vpop (erf)  }
0x528: {  	(erf) = vrcp.f32 v18;
	v20 =	vadd.f32 $1.000000000e+00, v20  }
0x529: {  	s24 =	sadd.s32 $0x184, s17;
	(erf) = vrcp.f32 v19  }
0x52a: {  	s31 =	sadd.s32 $0x185, s17;
	v18 =	vmov s24;
	(erf) = vrcp.f32 v20  }
0x52b: {  	s26 =	sadd.s32 $0x186, s17;
	v18 =	vand.u32 $0xFFFFFFFC, v18;
	v19 =	vmov s31  }
0x52c: {  	v18 =	vbroadcast v18, $0x0;
	v19 =	vand.u32 $0xFFFFFFFD, v19;
	v20 =	vmov s26  }
0x52d: {  	v19 =	vbroadcast v19, $0x0;
	v20 =	vand.u32 $0xFFFFFFFE, v20  }
0x52e: {  	v20 =	vbroadcast v20, $0x0;
	_ =	sdelay $0x2  }
0x52f: {  	[tilespmem:v24+s29+$0x0] =	vst.idx.msk $0x1, v17;
	v17 =	vpop (erf)  }
0x530: {  	[tilespmem:v18+s29+$0x0] =	vst.idx.msk $0x1, v17;
	v17 =	vpop (erf)  }
0x531: {  	[tilespmem:v19+s29+$0x0] =	vst.idx.msk $0x1, v17;
	v17 =	vpop (erf)  }
0x532: {  	s30 =	simm.s32 $0x10700;
	[tilespmem:v20+s29+$0x0] =	vst.idx.msk $0x1, v17  }
0x533: {  	[hbm4b:s13+s4] =	stream.linear.scatter [tilespmem:s30], [sflag:$0x5], $0x40, $0x38;
	[tilespmem:$0x10780] =	vst v63  }
0x534: {  	_ =	swait.ge [sflag:s16], $0x4000  }
0x535: {  	[sflag:s16] =	ssyncset.done $0x0  }
0x536: {  	s26 =	simm.s32 $0xC600;
	[sflag:s16] =	ssyncadd.s32 $0xFFFFC000  }
0x537: {  	v17 =	vld [tilespmem:s26+$0x1C0]  }
0x538: {  	v18 =	vld [tilespmem:s26+$0x1D0]  }
0x539: {  	v19 =	vld [tilespmem:s26+$0x180]  }
0x53a: {  	v20 =	vld [tilespmem:s26+$0x190]  }
0x53b: {  	v21 =	vld [tilespmem:s26+$0x140]  }
0x53c: {  	v22 =	vld [tilespmem:s26+$0x150]  }
0x53d: {  	v23 =	vld [tilespmem:s26+$0x100]  }
0x53e: {  	v24 =	vld [tilespmem:s26+$0x110]  }
0x53f: {  	v25 =	vld [tilespmem:s26+$0x120]  }
0x540: {  	v26 =	vld [tilespmem:s26+$0x130]  }
0x541: {  	v27 =	vld [tilespmem:s26+$0x160]  }
0x542: {  	v28 =	vld [tilespmem:s26+$0x170];
	v17 =	vmul.f32 v17, v11;
	v18 =	vmul.f32 v18, v9  }
0x543: {  	v29 =	vld [tilespmem:s26+$0x1A0];
	v19 =	vmul.f32 v19, v13;
	v20 =	vmul.f32 v20, v14  }
0x544: {  	v30 =	vld [tilespmem:s26+$0x1B0];
	v21 =	vmul.f32 v21, v5;
	v22 =	vmul.f32 v22, v8  }
0x545: {  	v31 =	vld [tilespmem:s26+$0x1E0];
	v23 =	vmul.f32 v23, v1;
	v24 =	vmul.f32 v24, v2  }
0x546: {  	v55 =	vld [tilespmem:s26+$0x1F0];
	v25 =	vmul.f32 v25, v3;
	v26 =	vmul.f32 v26, v4  }
0x547: {  	v56 =	vld [tilespmem:s26+$0xFFFFFE10];
	v27 =	vmul.f32 v27, v10;
	v23 =	vadd.f32 v23, v0;
	v24 =	vadd.f32 $0.0e+00, v24  }
0x548: {  	v57 =	vld [tilespmem:s26+$0xFFFFFE20];
	v28 =	vmul.f32 v28, v12;
	v25 =	vadd.f32 $0.0e+00, v25;
	v26 =	vadd.f32 $0.0e+00, v26  }
0x549: {  	v58 =	vld [tilespmem:s26+$0xFFFFFF40];
	v21 =	vadd.f32 v21, v23;
	v22 =	vadd.f32 v22, v24;
	v23 =	vmul.f32 v29, v15  }
0x54a: {  	v60 =	vld [tilespmem:s26+$0xFFFFFF50];
	v25 =	vadd.f32 v27, v25;
	v26 =	vadd.f32 v28, v26;
	v27 =	vmul.f32 v30, v16  }
0x54b: {  	v61 =	vld [tilespmem:s26+$0xFFFFFF60];
	v19 =	vadd.f32 v19, v21;
	v20 =	vadd.f32 v20, v22;
	v21 =	vmul.f32 v31, v6  }
0x54c: {  	v36 =	vld [tilespmem:s26+$0xFFFFFF70];
	v23 =	vadd.f32 v23, v25;
	v25 =	vadd.f32 v27, v26;
	v26 =	vmul.f32 v55, v7  }
0x54d: {  	v37 =	vld [tilespmem:s26+$0x40];
	v17 =	vadd.f32 v17, v19;
	v18 =	vadd.f32 v18, v20  }
0x54e: {  	v38 =	vld [tilespmem:s26+$0x50];
	v20 =	vadd.f32 v21, v23;
	v21 =	vadd.f32 v26, v25  }
0x54f: {  	v39 =	vld [tilespmem:s26+$0x60]  }
0x550: {  	v41 =	vld [tilespmem:s26+$0x70];
	v17 =	vadd.f32 v18, v17;
	v18 =	vadd.f32 v21, v20  }
0x551: {  	v62 =	vld [tilespmem:s26+$0xFFFFFE80]  }
0x552: {  	v24 =	vld [tilespmem:s26+$0xFFFFFE30];
	v17 =	vadd.f32 v18, v17  }
0x553: {  	v28 =	vld [tilespmem:s26+$0xFFFFFF00]  }
0x554: {  	v29 =	vld [tilespmem:s26+$0xFFFFFE60];
	(xrf2) =	vadd.scan.msk.f32 $0xffff, v17  }
0x555: {  	v30 =	vld [tilespmem:s26+$0xFFFFFE70]  }
0x556: {  	v18 =	vld [tilespmem:s26+$0xFFFFFE00]  }
0x557: {  	v22 =	vld [tilespmem:s26+$0xFFFFFF10]  }
0x558: {  	v59 =	vmul.f32 v57, v3;
	v32 =	vmul.f32 v58, v5;
	v26 =	vld [tilespmem:s26+$0xFFFFFE40]  }
0x559: {  	v35 =	vmul.f32 v61, v10;
	v36 =	vmul.f32 v36, v12;
	v27 =	vld [tilespmem:s26+$0xFFFFFF20]  }
0x55a: {  	v46 =	vmul.f32 v37, v5;
	v31 =	vmul.f32 v56, v2;
	v19 =	vld [tilespmem:s26+$0xFFFFFF30]  }
0x55b: {  	v33 =	vadd.f32 $0.0e+00, v59;
	v23 =	vld [tilespmem:s26+$0x0];
	v24 =	vmul.f32 v24, v4;
	v18 =	vmul.f32 v18, v1  }
0x55c: {  	v25 =	vld [tilespmem:s26+$0x10];
	v31 =	vadd.f32 $0.0e+00, v31;
	v28 =	vmul.f32 v28, v1;
	v29 =	vmul.f32 v29, v10  }
0x55d: {  	v30 =	vmul.f32 v30, v12;
	v26 =	vmul.f32 v26, v5;
	v17 =	vld [tilespmem:s26+$0xFFFFFE50];
	v18 =	vadd.f32 v18, v0  }
0x55e: {  	v63 =	vld [tilespmem:s26+$0xFFFFFEA0];
	v22 =	vmul.f32 v22, v2;
	v24 =	vadd.f32 $0.0e+00, v24;
	v28 =	vadd.f32 v28, v0;
	v40, _, _ =	vpop (xrf2)  }
0x55f: {  	v20 =	vld [tilespmem:s26+$0x20];
	v27 =	vmul.f32 v27, v3;
	v18 =	vadd.f32 v26, v18;
	v26 =	vsub.f32 $0.0e+00, v40  }
0x560: {  	v21 =	vld [tilespmem:s26+$0x30];
	v29 =	vadd.f32 v29, v33;
	v22 =	vadd.f32 $0.0e+00, v22;
	v19 =	vmul.f32 v19, v4  }
0x561: {  	v44 =	vld [tilespmem:s26+$0xFFFFFEB0];
	v27 =	vadd.f32 $0.0e+00, v27;
	v23 =	vmul.f32 v23, v1;
	v26 =	vmul.f32 $1.442695020e+00, v26  }
0x562: {  	v45 =	vld [tilespmem:s26+$0xFFFFFF80];
	v25 =	vmul.f32 v25, v2;
	v24 =	vadd.f32 v30, v24;
	v17 =	vmul.f32 v17, v8  }
0x563: {  	v47 =	vld [tilespmem:s26+$0xFFFFFFB0];
	v30 =	vmul.f32 v60, v8;
	v28 =	vadd.f32 v32, v28;
	v26 =	vbroadcast v26, $0xF  }
0x564: {  	v19 =	vadd.f32 $0.0e+00, v19;
	v20 =	vmul.f32 v20, v3;
	v17 =	vadd.f32 v17, v31;
	v31 =	vld [tilespmem:s26+$0xFFFFFE90]  }
0x565: {  	v23 =	vadd.f32 v23, v0;
	v21 =	vmul.f32 v21, v4;
	(erf) = vpow2.f32 v26;
	v26 =	vld [tilespmem:s26+$0xFFFFFFA0]  }
0x566: {  	v50 =	vld [tilespmem:s26+$0x80];
	v49 =	vmul.f32 v39, v10;
	v25 =	vadd.f32 $0.0e+00, v25;
	v22 =	vadd.f32 v30, v22  }
0x567: {  	v51 =	vmul.f32 v41, v12;
	v30 =	vld [tilespmem:s26+$0xFFFFFF90];
	v20 =	vadd.f32 $0.0e+00, v20;
	v21 =	vadd.f32 $0.0e+00, v21  }
0x568: {  	v52 =	vld [tilespmem:s26+$0x90];
	v27 =	vadd.f32 v35, v27;
	v19 =	vadd.f32 v36, v19;
	v40 =	vmul.f32 v62, v13  }
0x569: {  	v59 =	vld [tilespmem:s26+$0xFFFFFFC0];
	v53 =	vadd.f32 v49, v20;
	v35 =	vadd.f32 v51, v21;
	v20 =	vmul.f32 v31, v14  }
0x56a: {  	v56 =	vld [tilespmem:s26+$0xFFFFFEC0];
	v54 =	vadd.f32 v40, v18;
	v18 =	vmul.f32 v63, v15;
	v26 =	vmul.f32 v26, v15  }
0x56b: {  	v21 =	vld [tilespmem:s26+$0xB0];
	v55 =	vadd.f32 v20, v17;
	v17 =	vmul.f32 v44, v16;
	v20 =	vmul.f32 v45, v13  }
0x56c: {  	v23 =	vadd.f32 v46, v23;
	v31 =	vld [tilespmem:s26+$0xA0];
	v29 =	vadd.f32 v18, v29;
	v18 =	vmul.f32 v30, v14  }
0x56d: {  	v30 =	vld [tilespmem:s26+$0xFFFFFED0];
	v24 =	vadd.f32 v17, v24;
	v57 =	vadd.f32 v20, v28  }
0x56e: {  	v48 =	vmul.f32 v38, v8;
	v28 =	vld [tilespmem:s26+$0xFFFFFEE0];
	v17 =	vadd.f32 v18, v22;
	v18 =	vadd.f32 v26, v27;
	v26 =	vpop (erf)  }
0x56f: {  	v20 =	vmul.f32 v47, v16;
	v22 =	vmul.f32 v50, v13;
	v27 =	vld [tilespmem:s26+$0xFFFFFEF0];
	v26 =	vadd.f32 $1.000000000e+00, v26  }
0x570: {  	v58 =	vmul.f32 v52, v14;
	v60 =	vld [tilespmem:s26+$0xFFFFFFD0];
	v25 =	vadd.f32 v48, v25;
	v63 =	vmul.f32 v59, v11  }
0x571: {  	v20 =	vadd.f32 v20, v19;
	v19 =	vadd.f32 v22, v23;
	(erf) = vrcp.f32 v26  }
0x572: {  	v61 =	vld [tilespmem:s26+$0xFFFFFFE0];
	v23 =	vmul.f32 v21, v16;
	v21 =	vadd.f32 v58, v25;
	v25 =	vmul.f32 v56, v11  }
0x573: {  	v32 =	vadd.f32 v63, v57;
	v30 =	vmul.f32 v30, v9;
	v28 =	vmul.f32 v28, v6;
	v26 =	vld [tilespmem:s26+$0xFFFFFFF0]  }
0x574: {  	v22 =	vmul.f32 v31, v15;
	v25 =	vadd.f32 v25, v54;
	v62 =	vmul.f32 v27, v7;
	v27 =	vld [tilespmem:s26+$0xC0]  }
0x575: {  	s31 =	simm.s32 $0x1C3;
	v33 =	vmul.f32 v60, v9;
	v30 =	vadd.f32 v30, v55;
	v31 =	vadd.f32 v28, v29;
	v28 =	vld [tilespmem:s26+$0xD0]  }
0x576: {  	v22 =	vadd.f32 v22, v53;
	v29 =	vld [tilespmem:s26+$0xE0];
	v34 =	vadd.f32 v62, v24;
	v24 =	vmov s31  }
0x577: {  	s17 =	simm.s32 $0xFFFFFFFC;
	s24 =	simm.s32 $0x0;
	v23 =	vadd.f32 v23, v35;
	v35 =	vmul.f32 v61, v6;
	v25 =	vadd.f32 v30, v25;
	v30 =	vld [tilespmem:s26+$0xF0];
	s26 =	simm.s32 $0xCA00  }
.LBB2_16:
0x578: {  	v36 =	vld [tilespmem:s26+$0x1C0];
	v31 =	vadd.f32 v34, v31;
	v17 =	vadd.f32 v33, v17;
	v26 =	vmul.f32 v26, v7;
	s30 =	smov.u32 s24  }
0x579: {  	v33 =	vld [tilespmem:s26+$0x1D0];
	v18 =	vadd.f32 v35, v18;
	v27 =	vmul.f32 v27, v11  }
0x57a: {  	v34 =	vld [tilespmem:s26+$0x180];
	v20 =	vadd.f32 v26, v20;
	v17 =	vadd.f32 v17, v32;
	v26 =	vmul.f32 v28, v9;
	v28 =	vpop (erf)  }
0x57b: {  	v32 =	vld [tilespmem:s26+$0x190];
	v19 =	vadd.f32 v27, v19;
	v27 =	vmul.f32 v29, v6;
	[tilespmem:v24+s29+$0x0] =	vst.idx.msk $0x1, v28  }
0x57c: {  	v24 =	vld [tilespmem:s26+$0x140];
	v18 =	vadd.f32 v20, v18;
	v20 =	vadd.f32 v26, v21;
	v21 =	vmul.f32 v30, v7  }
0x57d: {  	v25 =	vadd.f32 v31, v25;
	v26 =	vld [tilespmem:s26+$0x150];
	v22 =	vadd.f32 v27, v22  }
0x57e: {  	v27 =	vld [tilespmem:s26+$0x100];
	v21 =	vadd.f32 v21, v23;
	v19 =	vadd.f32 v20, v19  }
0x57f: {  	v17 =	vadd.f32 v18, v17;
	v20 =	vld [tilespmem:s26+$0x110];
	(xrf2) =	vadd.scan.msk.f32 $0xffff, v25  }
0x580: {  	v23 =	vld [tilespmem:s26+$0x120];
	v18 =	vadd.f32 v21, v22  }
0x581: {  	s24 =	sadd.s32 $0x4, s24;
	v21 =	vld [tilespmem:s26+$0x130]  }
0x582: {  	p0 =	slt.u32 s24, $0x3C;
	v28 =	vmul.f32 v33, v9;
	v25 =	vmul.f32 v36, v11;
	v22 =	vld [tilespmem:s26+$0x160];
	v19 =	vadd.f32 v18, v19;
	(xrf2) =	vadd.scan.msk.f32 $0xffff, v17  }
0x583: {  	v30 =	vmul.f32 v34, v13;
	v31 =	vmul.f32 v32, v14;
	v29 =	vld [tilespmem:s26+$0x170]  }
0x584: {  	s31 =	sadd.s32 $0x1C4, s17;
	v24 =	vmul.f32 v24, v5;
	v26 =	vmul.f32 v26, v8;
	v32 =	vld [tilespmem:s26+$0x1A0]  }
0x585: {  	v18 =	vmov s31;
	s31 =	sadd.s32 $0x1C5, s17;
	v27 =	vmul.f32 v27, v1;
	v20 =	vmul.f32 v20, v2;
	v33 =	vld [tilespmem:s26+$0x1B0];
	(xrf2) =	vadd.scan.msk.f32 $0xffff, v19  }
0x586: {  	v17 =	vmov s31;
	v19 =	vmul.f32 v23, v3;
	v21 =	vmul.f32 v21, v4;
	v23 =	vld [tilespmem:s26+$0x1E0]  }
0x587: {  	v37 =	vadd.f32 v27, v0;
	v20 =	vadd.f32 $0.0e+00, v20;
	v22 =	vmul.f32 v22, v10;
	v34 =	vld [tilespmem:s26+$0x1F0]  }
0x588: {  	v19 =	vadd.f32 $0.0e+00, v19;
	v35 =	vld [tilespmem:s26+$0xFFFFFE10];
	v21 =	vadd.f32 $0.0e+00, v21;
	v29 =	vmul.f32 v29, v12  }
0x589: {  	v24 =	vadd.f32 v24, v37;
	v20 =	vadd.f32 v26, v20;
	v36 =	vld [tilespmem:s26+$0xFFFFFE20];
	v37 =	vmul.f32 v32, v15;
	v27, _, _ =	vpop (xrf2)  }
0x58a: {  	v19 =	vadd.f32 v22, v19;
	v32 =	vld [tilespmem:s26+$0xFFFFFE30];
	v21 =	vadd.f32 v29, v21;
	v22 =	vmul.f32 v33, v16  }
0x58b: {  	v24 =	vadd.f32 v30, v24;
	v20 =	vadd.f32 v31, v20;
	v29 =	vld [tilespmem:s26+$0xFFFFFF00];
	v23 =	vmul.f32 v23, v6  }
0x58c: {  	v19 =	vadd.f32 v37, v19;
	v30 =	vld [tilespmem:s26+$0xFFFFFF10];
	v21 =	vadd.f32 v22, v21;
	v22 =	vmul.f32 v34, v7;
	v26, _, _ =	vpop (xrf2)  }
0x58d: {  	v24 =	vadd.f32 v25, v24;
	v20 =	vadd.f32 v28, v20;
	v31 =	vmul.f32 v35, v2;
	v33 =	vld [tilespmem:s26+$0xFFFFFF20]  }
0x58e: {  	v19 =	vadd.f32 v23, v19;
	v25 =	vmul.f32 v36, v3;
	v28 =	vld [tilespmem:s26+$0xFFFFFF30];
	v21 =	vadd.f32 v22, v21  }
0x58f: {  	v27 =	vsub.f32 $0.0e+00, v27;
	v22 =	vadd.f32 $0.0e+00, v31;
	v23 =	vmul.f32 v32, v4;
	v31 =	vld [tilespmem:s26+$0x0];
	v32, _, _ =	vpop (xrf2)  }
0x590: {  	v20 =	vadd.f32 v20, v24;
	v29 =	vmul.f32 v29, v1;
	v34 =	vld [tilespmem:s26+$0x10];
	v19 =	vadd.f32 v21, v19  }
0x591: {  	v21 =	vadd.f32 $0.0e+00, v25;
	v23 =	vadd.f32 $0.0e+00, v23;
	v24 =	vmul.f32 v30, v2;
	v25 =	vld [tilespmem:s26+$0x20]  }
0x592: {  	v29 =	vadd.f32 v29, v0;
	v30 =	vmul.f32 v33, v3;
	v33 =	vld [tilespmem:s26+$0x30];
	v19 =	vadd.f32 v19, v20  }
0x593: {  	v26 =	vsub.f32 $0.0e+00, v26;
	v20 =	vld [tilespmem:s26+$0xFFFFFE00];
	v24 =	vadd.f32 $0.0e+00, v24;
	v28 =	vmul.f32 v28, v4  }
0x594: {  	v35 =	vld [tilespmem:s26+$0xFFFFFE40];
	v30 =	vadd.f32 $0.0e+00, v30;
	v31 =	vmul.f32 v31, v1;
	(xrf2) =	vadd.scan.msk.f32 $0xffff, v19;
	v19 =	vsub.f32 $0.0e+00, v32  }
0x595: {  	v27 =	vmul.f32 $1.442695020e+00, v27;
	v32 =	vld [tilespmem:s26+$0xFFFFFE50];
	v28 =	vadd.f32 $0.0e+00, v28;
	v34 =	vmul.f32 v34, v2  }
0x596: {  	v26 =	vmul.f32 $1.442695020e+00, v26;
	v36 =	vld [tilespmem:s26+$0xFFFFFE60];
	v31 =	vadd.f32 v31, v0;
	v25 =	vmul.f32 v25, v3  }
0x597: {  	v19 =	vmul.f32 $1.442695020e+00, v19;
	v37 =	vld [tilespmem:s26+$0xFFFFFE70];
	v34 =	vadd.f32 $0.0e+00, v34;
	v33 =	vmul.f32 v33, v4  }
0x598: {  	v27 =	vbroadcast v27, $0xF;
	v20 =	vmul.f32 v20, v1;
	v38 =	vld [tilespmem:s26+$0xFFFFFF40];
	v25 =	vadd.f32 $0.0e+00, v25  }
0x599: {  	v26 =	vbroadcast v26, $0xF;
	v35 =	vmul.f32 v35, v5;
	v39 =	vld [tilespmem:s26+$0xFFFFFF50];
	v33 =	vadd.f32 $0.0e+00, v33  }
0x59a: {  	s31 =	sadd.s32 $0x1C6, s17;
	s17 =	smov.u32 s30;
	v19 =	vbroadcast v19, $0xF;
	v20 =	vadd.f32 v20, v0;
	v32 =	vmul.f32 v32, v8;
	v40 =	vld [tilespmem:s26+$0xFFFFFF60]  }
0x59b: {  	v42 =	vmov s31;
	v36 =	vmul.f32 v36, v10;
	v41 =	vld [tilespmem:s26+$0xFFFFFF70];
	(erf) = vpow2.f32 v27  }
0x59c: {  	v20 =	vadd.f32 v35, v20;
	v22 =	vadd.f32 v32, v22;
	v27 =	vmul.f32 v37, v12;
	v32 =	vld [tilespmem:s26+$0x40]  }
0x59d: {  	v21 =	vadd.f32 v36, v21;
	v35 =	vmul.f32 v38, v5;
	v36 =	vld [tilespmem:s26+$0x50];
	(erf) = vpow2.f32 v26  }
0x59e: {  	v23 =	vadd.f32 v27, v23;
	v26 =	vmul.f32 v39, v8;
	v27 =	vld [tilespmem:s26+$0x60];
	v37, _, _ =	vpop (xrf2);
	(erf) = vpow2.f32 v19  }
0x59f: {  	v19 =	vadd.f32 v35, v29;
	v29 =	vmul.f32 v40, v10;
	v35 =	vld [tilespmem:s26+$0x70];
	v37 =	vsub.f32 $0.0e+00, v37  }
0x5a0: {  	v18 =	vand.u32 $0xFFFFFFFC, v18;
	v38 =	vld [tilespmem:s26+$0xFFFFFE80];
	v24 =	vadd.f32 v26, v24;
	v26 =	vmul.f32 v41, v12  }
0x5a1: {  	v39 =	vld [tilespmem:s26+$0xFFFFFE90];
	v29 =	vadd.f32 v29, v30;
	v30 =	vmul.f32 v32, v5;
	v32 =	vmul.f32 $1.442695020e+00, v37  }
0x5a2: {  	v37 =	vld [tilespmem:s26+$0xFFFFFEA0];
	v26 =	vadd.f32 v26, v28;
	v28 =	vmul.f32 v36, v8;
	v36 =	vand.u32 $0xFFFFFFFD, v17  }
0x5a3: {  	v17 =	vld [tilespmem:s26+$0xFFFFFEB0];
	v30 =	vadd.f32 v30, v31;
	v27 =	vmul.f32 v27, v10;
	v31 =	vbroadcast v32, $0xF  }
0x5a4: {  	v32 =	vld [tilespmem:s26+$0xFFFFFF80];
	v28 =	vadd.f32 v28, v34;
	v34 =	vmul.f32 v35, v12;
	v35 =	vand.u32 $0xFFFFFFFE, v42;
	v40 =	vpop (erf)  }
0x5a5: {  	v38 =	vmul.f32 v38, v13;
	v41 =	vld [tilespmem:s26+$0xFFFFFF90];
	v25 =	vadd.f32 v27, v25;
	(erf) = vpow2.f32 v31  }
0x5a6: {  	v27 =	vmul.f32 v39, v14;
	v31 =	vld [tilespmem:s26+$0xFFFFFFA0];
	v33 =	vadd.f32 v34, v33;
	v34 =	vadd.f32 $1.000000000e+00, v40;
	v39 =	vpop (erf)  }
0x5a7: {  	v38 =	vadd.f32 v38, v20;
	v20 =	vmul.f32 v37, v15;
	v37 =	vld [tilespmem:s26+$0xFFFFFFB0];
	v39 =	vadd.f32 $1.000000000e+00, v39;
	v40 =	vpop (erf)  }
0x5a8: {  	v27 =	vadd.f32 v27, v22;
	v17 =	vmul.f32 v17, v16;
	v22 =	vld [tilespmem:s26+$0x80];
	v40 =	vadd.f32 $1.000000000e+00, v40  }
0x5a9: {  	v42 =	vadd.f32 v20, v21;
	v20 =	vmul.f32 v32, v13;
	v21 =	vld [tilespmem:s26+$0x90];
	(erf) = vrcp.f32 v34  }
0x5aa: {  	v32 =	vadd.f32 v17, v23;
	v17 =	vmul.f32 v41, v14;
	v23 =	vld [tilespmem:s26+$0xA0];
	(erf) = vrcp.f32 v39  }
0x5ab: {  	v39 =	vadd.f32 v20, v19;
	v19 =	vmul.f32 v31, v15;
	v31 =	vld [tilespmem:s26+$0xB0];
	(erf) = vrcp.f32 v40  }
0x5ac: {  	v34 =	vld [tilespmem:s26+$0xFFFFFEC0];
	v17 =	vadd.f32 v17, v24;
	v20 =	vmul.f32 v37, v16;
	v24 =	vbroadcast v18, $0x0  }
0x5ad: {  	v37 =	vld [tilespmem:s26+$0xFFFFFED0];
	v18 =	vadd.f32 v19, v29;
	v19 =	vmul.f32 v22, v13;
	v29 =	vbroadcast v36, $0x0  }
0x5ae: {  	v35 =	vbroadcast v35, $0x0;
	v36 =	vld [tilespmem:s26+$0xFFFFFEE0];
	v20 =	vadd.f32 v20, v26;
	v21 =	vmul.f32 v21, v14;
	v22 =	vpop (erf)  }
0x5af: {  	v40 =	vld [tilespmem:s26+$0xFFFFFEF0];
	v19 =	vadd.f32 v19, v30;
	v23 =	vmul.f32 v23, v15;
	v26 =	vadd.f32 $1.000000000e+00, v22  }
0x5b0: {  	v30 =	vld [tilespmem:s26+$0xFFFFFFC0];
	v21 =	vadd.f32 v21, v28;
	v43 =	vmul.f32 v31, v16  }
0x5b1: {  	v31 =	vmul.f32 v34, v11;
	v41 =	vld [tilespmem:s26+$0xFFFFFFD0];
	v22 =	vadd.f32 v23, v25;
	(erf) = vrcp.f32 v26  }
0x5b2: {  	v25 =	vmul.f32 v37, v9;
	v37 =	vld [tilespmem:s26+$0xFFFFFFE0];
	v23 =	vadd.f32 v43, v33;
	v28 =	vpop (erf)  }
.Ltmp7:
0x5b3: {  	v38 =	vadd.f32 v31, v38;
	v31 =	vmul.f32 v36, v6;
	v26 =	vld [tilespmem:s26+$0xFFFFFFF0];
	[tilespmem:v24+s29+$0x0] =	vst.idx.msk $0x1, v28;
	v24 =	vpop (erf);
	(pc) =	sbr.rel @p0 .LBB2_16-.Ltmp7, $4  }
0x5b4: {  	v25 =	vadd.f32 v25, v27;
	v33 =	vmul.f32 v40, v7;
	v27 =	vld [tilespmem:s26+$0xC0];
	[tilespmem:v29+s29+$0x0] =	vst.idx.msk $0x1, v24;
	v24 =	vpop (erf)  }
0x5b5: {  	s30 =	sadd.s32 $0x1C7, s17;
	v31 =	vadd.f32 v31, v42;
	v30 =	vmul.f32 v30, v11;
	v28 =	vld [tilespmem:s26+$0xD0];
	[tilespmem:v35+s29+$0x0] =	vst.idx.msk $0x1, v24  }
0x5b6: {  	v24 =	vmov s30;
	v34 =	vadd.f32 v33, v32;
	v33 =	vmul.f32 v41, v9;
	v29 =	vld [tilespmem:s26+$0xE0]  }
0x5b7: {  	v25 =	vadd.f32 v25, v38;
	v32 =	vadd.f32 v30, v39;
	v35 =	vmul.f32 v37, v6;
	v30 =	vld [tilespmem:s26+$0xF0];
	s26 =	sadd.s32 $0x400, s26  }
0x5b8: {  	_ = 	snop  }
0x5b9: {  	v0 =	vadd.f32 v34, v31;
	v1 =	vmul.f32 v26, v7  }
0x5ba: {  	v2 =	vadd.f32 v33, v17;
	v3 =	vadd.f32 v35, v18  }
0x5bb: {  	v4 =	vmul.f32 v27, v11;
	v1 =	vadd.f32 v1, v20;
	v5 =	vmul.f32 v28, v9  }
0x5bc: {  	v2 =	vadd.f32 v2, v32;
	v6 =	vmul.f32 v29, v6;
	v48 =	vmul.f32 v30, v7  }
0x5bd: {  	v4 =	vadd.f32 v4, v19;
	v5 =	vadd.f32 v5, v21  }
0x5be: {  	v6 =	vadd.f32 v6, v22;
	v7 =	vadd.f32 v48, v23  }
0x5bf: {  	v0 =	vadd.f32 v0, v25;
	v1 =	vadd.f32 v1, v3  }
0x5c0: {  	v49 =	vadd.f32 v5, v4;
	v50 =	vadd.f32 v7, v6  }
0x5c1: {  	v1 =	vadd.f32 v1, v2  }
0x5c2: {  	(xrf2) =	vadd.scan.msk.f32 $0xffff, v0;
	v51 =	vadd.f32 v50, v49  }
0x5c3: {  	(xrf2) =	vadd.scan.msk.f32 $0xffff, v1  }
0x5c4: {  	(xrf2) =	vadd.scan.msk.f32 $0xffff, v51;
	_ =	sdelay $0x7  }
0x5c5: {  	v52, _, _ =	vpop (xrf2)  }
0x5c6: {  	v0 =	vsub.f32 $0.0e+00, v52;
	v1, _, _ =	vpop (xrf2)  }
0x5c7: {  	v1 =	vsub.f32 $0.0e+00, v1;
	v53, _, _ =	vpop (xrf2)  }
0x5c8: {  	v0 =	vmul.f32 $1.442695020e+00, v0;
	v2 =	vsub.f32 $0.0e+00, v53  }
0x5c9: {  	v1 =	vmul.f32 $1.442695020e+00, v1  }
0x5ca: {  	v0 =	vbroadcast v0, $0xF;
	v2 =	vmul.f32 $1.442695020e+00, v2  }
0x5cb: {  	v1 =	vbroadcast v1, $0xF  }
0x5cc: {  	(erf) = vpow2.f32 v0;
	v2 =	vbroadcast v2, $0xF  }
0x5cd: {  	(erf) = vpow2.f32 v1  }
0x5ce: {  	(erf) = vpow2.f32 v2;
	_ =	sdelay $0x5  }
0x5cf: {  	v54 =	vpop (erf)  }
0x5d0: {  	v55 =	vpop (erf)  }
0x5d1: {  	v1 =	vadd.f32 $1.000000000e+00, v55;
	v56 =	vpop (erf)  }
0x5d2: {  	v2 =	vadd.f32 $1.000000000e+00, v56;
	v57 =	vpop (erf)  }
0x5d3: {  	(erf) = vrcp.f32 v1;
	v3 =	vadd.f32 $1.000000000e+00, v57  }
0x5d4: {  	s24 =	sadd.s32 $0x1C4, s17;
	(erf) = vrcp.f32 v2  }
0x5d5: {  	s30 =	sadd.s32 $0x1C5, s17;
	v58 =	vmov s24;
	(erf) = vrcp.f32 v3  }
0x5d6: {  	s31 =	sadd.s32 $0x1C6, s17;
	v59 =	vmov s30;
	v1 =	vand.u32 $0xFFFFFFFC, v58  }
0x5d7: {  	v60 =	vmov s31;
	v1 =	vbroadcast v1, $0x0;
	v2 =	vand.u32 $0xFFFFFFFD, v59  }
0x5d8: {  	v2 =	vbroadcast v2, $0x0;
	v3 =	vand.u32 $0xFFFFFFFE, v60  }
0x5d9: {  	v3 =	vbroadcast v3, $0x0;
	_ =	sdelay $0x2  }
0x5da: {  	[tilespmem:v24+s29+$0x0] =	vst.idx.msk $0x1, v54;
	v61 =	vpop (erf)  }
0x5db: {  	[tilespmem:v1+s29+$0x0] =	vst.idx.msk $0x1, v61;
	v62 =	vpop (erf)  }
0x5dc: {  	[tilespmem:v2+s29+$0x0] =	vst.idx.msk $0x1, v62;
	v63 =	vpop (erf)  }
0x5dd: {  	[tilespmem:v3+s29+$0x0] =	vst.idx.msk $0x1, v63  }
0x5de: {  	[hbm4b:s14+s4] =	stream.linear.scatter [tilespmem:s0], [sflag:$0x5], $0x40, $0x38;
	[tilespmem:$0x10780] =	vst v63  }
0x5df: {  	_ =	swait.ge [sflag:s2], $0x40  }
0x5e0: {  	[sflag:s2] =	ssyncset.done $0x0  }
0x5e1: {  	[sflag:s2] =	ssyncadd.s32 $0xFFFFFFC0  }
0x5e2: {  	_ =	swait.ge [sflag:s2], $0x40  }
0x5e3: {  	[sflag:s2] =	ssyncset.done $0x0  }
0x5e4: {  	[sflag:s2] =	ssyncadd.s32 $0xFFFFFFC0  }
0x5e5: {  	_ =	swait.ge [sflag:s2], $0x40  }
0x5e6: {  	[sflag:s2] =	ssyncset.done $0x0  }
0x5e7: {  	[sflag:s2] =	ssyncadd.s32 $0xFFFFFFC0  }
0x5e8: {  	_ =	swait.ge [sflag:s2], $0x40  }
0x5e9: {  	[sflag:s2] =	ssyncset.done $0x0  }
0x5ea: {  	[sflag:s2] =	ssyncadd.s32 $0xFFFFFFC0  }
0x5eb: {  	_ =	swait.ge [sflag:s2], $0x40  }
0x5ec: {  	[sflag:s2] =	ssyncset.done $0x0  }
0x5ed: {  	[sflag:s2] =	ssyncadd.s32 $0xFFFFFFC0  }
0x5ee: {  	_ =	swait.ge [sflag:s2], $0x40  }
0x5ef: {  	[sflag:s2] =	ssyncset.done $0x0  }
0x5f0: {  	s3 =	sadd.s32 $0x1, s3;
	[sflag:s2] =	ssyncadd.s32 $0xFFFFFFC0  }
0x5f1: {  	p0 =	sne.s32 s3, s15;
	_ =	swait.ge [sflag:s2], $0x40  }
.Ltmp8:
0x5f2: {  	[sflag:s2] =	ssyncset.done $0x0;
	(pc) =	sbr.rel @p0 .LBB2_1-.Ltmp8, $4  }
0x5f3: {  	[sflag:s2] =	ssyncadd.s32 $0xFFFFFFC0  }
0x5f4: {  	_ =	swait.ge [sflag:s2], $0x40  }
0x5f5: {  	[sflag:s2] =	ssyncset.done $0x0  }
0x5f6: {  	[sflag:s2] =	ssyncadd.s32 $0xFFFFFFC0  }
0x5f7: {  	_ =	sfence.sel $0x180000  }
0x5f8: {  	[bflag:$0x0] =	sbarrier.arrive $0xFFFF  }
0x5f9: {  	_ =	strace $0x90000047  }
0x5fa: {  	s0 =	stileid.u32;
	[bflag:$0x2] =	sbarrier.arrive $0xFFFF  }
0x5fb: {  	p0 =	sne.s32 s0, $0x0;
	s0 =	rddreg [dreg:$0x4]  }
0x5fc: {  	s0 =	sadd.s32 @!p0 $0x100000, s0  }
0x5fd: {  	[sflag:s0] =	ssyncadd.tile.s32 @!p0 $0x1;
	_ =	shalt  }
.Lfunc_end2:
_tile_overlayer_lowered:
.L_overlay_start_2:
0x5fe: {  	(tag) =	ssettag $0x2  }
0x5ff: {  	s0 =	rddreg [dreg:$0x0];
	s2 =	stileid.u32  }
0x600: {  	s1 =	rddreg [dreg:$0x1];
	p0 =	sne.s32 s2, $0x0  }
0x601: {  	s3 =	rddreg [dreg:$0x2];
	[bflag:$0x3] =	sbarrier.arrive $0xFFFF;
	s2 =	simm.s32 @!p0 $0x1C06  }
0x602: {  	[timem:s3], [sflag:s2] =	dma.local @!p0 [hbm:s0], s1  }
0x603: {  	s0 =	simm.s32 @!p0 $0x6  }
0x604: {  	_ =	swait.ge @!p0 [sflag:s0], s1  }
0x605: {  	s1 =	ssub.s32 @!p0 $0x0, s1;
	[sflag:s0] =	ssyncset.done @!p0 $0x0  }
0x606: {  	[sflag:s0] =	ssyncadd.s32 @!p0 s1  }
0x607: {  	[bflag:$0x3] =	sbarrier.arrive $0xFFFF  }
0x608: {  	_ =	shalt  }

</sc_bundles>
